<compile_context>
chip_gen: v7x
topology: tpu7x:2x2x1
jax: 0.10.2.dev20260603
libtpu: 0.0.44.dev20260713+nightly
codegen_flags: <defaults>
</compile_context>

<pallas_src>
import functools

import jax
import jax.numpy as jnp
from jax import lax
from jax.experimental import pallas as pl
from jax.experimental.pallas import tpu as pltpu
from jax.experimental.pallas import tpu_sc as plsc

_EPS = 1e-5
_NC = 2
_NS = 16
_CHUNK = 80



def _h0_body(x_ref, wt_ref, o_ref):
    o_ref[...] = jnp.dot(x_ref[...], wt_ref[...],
                         preferred_element_type=jnp.float32)


def _edge_body(fb_ref, w1_ref, b1_ref, w2_ref, b2_ref, o_ref):
    t = jnp.dot(fb_ref[...], w1_ref[...],
                preferred_element_type=jnp.float32) + b1_ref[...]
    t = jnp.maximum(t, 0.0)
    o_ref[...] = jnp.dot(t, w2_ref[...],
                         preferred_element_type=jnp.float32) + b2_ref[...]


def _node_body(p0_ref, p1_ref, h_ref, w1c_ref, b1e_ref, w2e_ref, b2e_ref,
               w1t_ref, b1m_ref, w2t_ref, b2m_ref, g_ref, bb_ref, o_ref,
               *, relu_out):
    ee_loop = jnp.maximum(w1c_ref[...] + b1e_ref[...], 0.0)
    ee_loop = jnp.dot(ee_loop, w2e_ref[...],
                      preferred_element_type=jnp.float32) + b2e_ref[...]
    aggr = p0_ref[...] + p1_ref[...] + h_ref[...] + ee_loop
    t = jnp.dot(aggr, w1t_ref[...],
                preferred_element_type=jnp.float32) + b1m_ref[...]
    t = jnp.maximum(t, 0.0)
    hh = jnp.dot(t, w2t_ref[...],
                 preferred_element_type=jnp.float32) + b2m_ref[...]
    scale = 1.0 / jnp.sqrt(1.0 + _EPS)
    hh = hh * (g_ref[...] * scale) + bb_ref[...]
    if relu_out:
        hh = jnp.maximum(hh, 0.0)
    o_ref[...] = hh


def _full_spec(shape):
    nd = len(shape)
    return pl.BlockSpec(shape, lambda i: (0,) * nd)


def _h0(f_atoms, w_atom_t, bn=2000):
    n, d = f_atoms.shape
    return pl.pallas_call(
        _h0_body,
        grid=(n // bn,),
        in_specs=[pl.BlockSpec((bn, d), lambda i: (i, 0)),
                  _full_spec(w_atom_t.shape)],
        out_specs=pl.BlockSpec((bn, d), lambda i: (i, 0)),
        out_shape=jax.ShapeDtypeStruct((n, d), jnp.float32),
    )(f_atoms, w_atom_t)


def _edge_mlp(f_bonds, w1e, b1e, w2e, b2e, be=2000):
    e, k = f_bonds.shape
    d = w2e.shape[1]
    return pl.pallas_call(
        _edge_body,
        grid=(e // be,),
        in_specs=[pl.BlockSpec((be, k), lambda i: (i, 0)),
                  _full_spec(w1e.shape), _full_spec(b1e.shape),
                  _full_spec(w2e.shape), _full_spec(b2e.shape)],
        out_specs=pl.BlockSpec((be, d), lambda i: (i, 0)),
        out_shape=jax.ShapeDtypeStruct((e, d), jnp.float32),
    )(f_bonds, w1e, b1e, w2e, b2e)


def _node_update(p0, p1, h, w1c, b1e, w2e, b2e, w1t, b1m, w2t, b2m, g, bb,
                 relu_out, bn=2000):
    n, d = h.shape
    body = functools.partial(_node_body, relu_out=relu_out)
    row = pl.BlockSpec((bn, d), lambda i: (i, 0))
    return pl.pallas_call(
        body,
        grid=(n // bn,),
        in_specs=[row, row, row,
                  _full_spec(w1c.shape), _full_spec(b1e.shape),
                  _full_spec(w2e.shape), _full_spec(b2e.shape),
                  _full_spec(w1t.shape), _full_spec(b1m.shape),
                  _full_spec(w2t.shape), _full_spec(b2m.shape),
                  _full_spec(g.shape), _full_spec(bb.shape)],
        out_specs=row,
        out_shape=jax.ShapeDtypeStruct((n, d), jnp.float32),
    )(p0, p1, h, w1c, b1e, w2e, b2e, w1t, b1m, w2t, b2m, g, bb)



def _make_sc_aggregate(n, e, d, npad):
    c = _CHUNK
    nw = _NC * _NS
    nchunks = e // c
    cpw = nchunks // nw
    assert cpw * nw == nchunks and cpw % 2 == 1
    rps = npad // _NS
    nbuf = 2
    mesh = plsc.VectorSubcoreMesh(core_axis_name="c", subcore_axis_name="s")

    scratch = [
        pltpu.VMEM((nbuf, 2, c), jnp.int32),
        pltpu.VMEM((nbuf, c, d), jnp.float32),
        pltpu.VMEM((nbuf, c, d), jnp.float32),
        pltpu.VMEM_SHARED((npad, d), jnp.float32),
        pltpu.SemaphoreType.DMA((nbuf,)),
        pltpu.SemaphoreType.DMA((nbuf,)),
        pltpu.SemaphoreType.DMA((nbuf,)),
    ]

    @functools.partial(
        pl.kernel,
        mesh=mesh,
        out_type=jax.ShapeDtypeStruct((_NC, npad, d), jnp.float32),
        scratch_types=scratch,
    )
    def sc(h_hbm, ee_hbm, idx2_hbm, z_hbm, out_hbm,
           sd_v, hrows_v, ee_v, acc, sem_g, sem_e, sem_s):
        cid = lax.axis_index("c")
        sid = lax.axis_index("s")
        wid = cid * _NS + sid

        pltpu.sync_copy(z_hbm.at[pl.ds(sid * rps, rps)],
                        acc.at[pl.ds(sid * rps, rps)])
        plsc.subcore_barrier()

        def gather_desc(b):
            return pltpu.make_async_copy(
                h_hbm.at[sd_v.at[b, 0]], hrows_v.at[b], sem_g.at[b])

        def ee_desc(b, ck):
            return pltpu.make_async_copy(
                ee_hbm.at[pl.ds(ck * c, c)], ee_v.at[b], sem_e.at[b])

        def scatter_descs(b):
            return (
                pltpu.make_async_copy(hrows_v.at[b],
                                      acc.at[sd_v.at[b, 1]], sem_s.at[b]),
                pltpu.make_async_copy(ee_v.at[b],
                                      acc.at[sd_v.at[b, 1]], sem_s.at[b]),
            )

        def fill(t, b):
            ck = wid + nw * t
            pltpu.sync_copy(idx2_hbm.at[ck], sd_v.at[b])
            gather_desc(b).start()
            ee_desc(b, ck).start()

        def drain(b):
            gather_desc(b).wait()
            ee_desc(b, 0).wait()
            d0, d1 = scatter_descs(b)
            d0.start(add=True)
            d1.start(add=True)

        def wait_sc(b):
            d0, d1 = scatter_descs(b)
            d0.wait()
            d1.wait()

        fill(0, 0)
        fill(1, 1)
        drain(0)

        def group(tt, carry):
            for b in range(nbuf):
                t = nbuf * tt + b
                wait_sc(b)
                fill(t, b)
                drain(1 - b)
            return carry

        lax.fori_loop(1, (cpw - 1) // nbuf, group, 0)
        wait_sc(0)
        fill(cpw - 1, 0)
        drain(1)
        drain(0)
        wait_sc(1)
        wait_sc(0)

        plsc.subcore_barrier()
        pltpu.sync_copy(acc.at[pl.ds(sid * rps, rps)],
                        out_hbm.at[cid].at[pl.ds(sid * rps, rps)])

    return sc


def _aggregate_partials(h, ee, idx2, zeros_nd):
    n, d = h.shape
    e = idx2.shape[0] * idx2.shape[2]
    npad = zeros_nd.shape[0]
    return _make_sc_aggregate(n, e, d, npad)(h, ee, idx2, zeros_nd)



def _make_sc_to(n_slots, e, maxnb):
    nw = _NC * _NS
    ids_pw = e // nw
    chunk = 4000
    nchunk = n_slots // chunk
    tail = n_slots - nchunk * chunk
    mesh = plsc.VectorSubcoreMesh(core_axis_name="c", subcore_axis_name="s")

    @functools.partial(
        pl.kernel,
        mesh=mesh,
        out_type=jax.ShapeDtypeStruct((e,), jnp.int32),
        scratch_types=[
            pltpu.VMEM((chunk,), jnp.int32),
            pltpu.VMEM((chunk,), jnp.int32),
            pltpu.VMEM((ids_pw,), jnp.int32),
            pltpu.SemaphoreType.DMA((2,)),
        ],
        compiler_params=pltpu.CompilerParams(needs_layout_passes=False),
    )
    def sc(a2b_hbm, zi_hbm, to_hbm, buf0_v, buf1_v, tbl_v, sem):
        bufs = (buf0_v, buf1_v)
        cid = lax.axis_index("c")
        sid = lax.axis_index("s")
        wid = cid * _NS + sid
        lo = wid * ids_pw
        lo1 = jnp.maximum(lo, 1)
        hi = lo + ids_pw
        lane = lax.iota(jnp.int32, 16)
        ltrue = lane >= jnp.minimum(sid, 0)

        pltpu.sync_copy(zi_hbm, tbl_v)

        def load_desc(t, b):
            return pltpu.make_async_copy(
                a2b_hbm.at[pl.ds(t * chunk, chunk)], bufs[b], sem.at[b])

        def scan_block(p0, b):
            def vbody(k, carry):
                off = k * 16 + lane
                v = plsc.load_gather(bufs[b], [off], mask=ltrue)
                mask = (v >= lo1) & (v < hi)
                _, last = plsc.scan_count(v, mask)
                row = lax.div(p0 + off, jnp.int32(maxnb))
                plsc.store_scatter(tbl_v, [v - lo], row, mask=last)
                return carry
            lax.fori_loop(0, chunk // 16, vbody, 0)

        load_desc(0, 0).start()

        def cbody(tt, carry):
            for b in range(2):
                t = 2 * tt + b
                load_desc(t, b).wait()

                @pl.when(t + 1 < nchunk)
                def _():
                    load_desc(t + 1, 1 - b).start()

                scan_block(t * chunk, b)
            return carry
        lax.fori_loop(0, nchunk // 2, cbody, 0)

        pltpu.sync_copy(tbl_v, to_hbm.at[pl.ds(lo, ids_pw)])

    return sc



def kernel(f_atoms, f_bonds, a2b, b2a, b2revb, undirected_b2a, w_atom,
           mlp_W1, mlp_b1, mlp_W2, mlp_b2, wb_W1, wb_b1, wb_W2, wb_b2,
           bn_g, bn_b):
    n, d = f_atoms.shape
    e = b2a.shape[0]
    bf1 = f_bonds.shape[1]
    depth = mlp_W1.shape[0]

    maxnb = a2b.shape[1]
    a2b_flat = a2b.reshape(-1)
    zi = jnp.zeros((e // (_NC * _NS),), jnp.int32)
    dst = _make_sc_to(a2b_flat.shape[0], e, maxnb)(a2b_flat, zi)
    src = b2a
    idx2 = jnp.stack([src.reshape(-1, _CHUNK), dst.reshape(-1, _CHUNK)],
                     axis=1)

    npad = ((n + 8 * _NS - 1) // (8 * _NS)) * (8 * _NS)
    zeros_nd = jnp.zeros((npad, d), jnp.float32)

    h = _h0(f_atoms, w_atom.T)

    for l in range(depth):
        w1e = wb_W1[l][:, :bf1].T
        b1e = wb_b1[l].reshape(1, d)
        w2e = wb_W2[l].T
        b2e = wb_b2[l].reshape(1, d)
        w1c = wb_W1[l][:, bf1].reshape(1, d)

        ee = _edge_mlp(f_bonds, w1e, b1e, w2e, b2e)
        partials = _aggregate_partials(h, ee, idx2, zeros_nd)

        w1t = mlp_W1[l].T
        b1m = mlp_b1[l].reshape(1, -1)
        w2t = mlp_W2[l].T
        b2m = mlp_b2[l].reshape(1, d)
        g = bn_g[l].reshape(1, d)
        bb = bn_b[l].reshape(1, d)

        h = _node_update(partials[0], partials[1], h,
                         w1c, b1e, w2e, b2e,
                         w1t, b1m, w2t, b2m, g, bb,
                         relu_out=(l < depth - 1))

    return h

# --- scband reference (transcript-rebuilt; emitter-appended) ---
"""Pipeline reference for scband-gine-38311108280997 (READ-ONLY COPY).

The authoritative reference and input builder live on the scoring server;
editing this copy changes nothing except your own understanding.
"""

import jax, jax.numpy as jnp
import numpy as np

N = 10000
E = 320000
D = 128
MAXNB = 40
DEPTH = 3
BF = 17


def setup_inputs(seed: int = 0) -> dict:
    key = jax.random.key(seed)
    ks = jax.random.split(key, 16)
    f_atoms = jax.random.normal(ks[0], (N, D), dtype=jnp.float32)
    f_bonds = jax.random.normal(ks[1], (E, BF - 1), dtype=jnp.float32)
    a2b = jax.random.randint(ks[2], (N, MAXNB), 0, E, dtype=jnp.int32)
    b2a = jax.random.randint(ks[3], (E,), 0, N, dtype=jnp.int32)
    b2revb = jax.random.randint(ks[4], (E,), 0, E, dtype=jnp.int32)
    undirected_b2a = jax.random.randint(ks[5], (E // 2,), 0, N, dtype=jnp.int32)
    w_atom = jax.random.normal(ks[6], (D, D), dtype=jnp.float32) * 0.02
    mlp_W1 = jax.random.normal(ks[7], (DEPTH, 2 * D, D), dtype=jnp.float32) * 0.02
    mlp_b1 = jnp.zeros((DEPTH, 2 * D), dtype=jnp.float32)
    mlp_W2 = jax.random.normal(ks[8], (DEPTH, D, 2 * D), dtype=jnp.float32) * 0.02
    mlp_b2 = jnp.zeros((DEPTH, D), dtype=jnp.float32)
    wb_W1 = jax.random.normal(ks[9], (DEPTH, D, BF), dtype=jnp.float32) * 0.02
    wb_b1 = jnp.zeros((DEPTH, D), dtype=jnp.float32)
    wb_W2 = jax.random.normal(ks[10], (DEPTH, D, D), dtype=jnp.float32) * 0.02
    wb_b2 = jnp.zeros((DEPTH, D), dtype=jnp.float32)
    bn_g = jnp.ones((DEPTH, D), dtype=jnp.float32)
    bn_b = jnp.zeros((DEPTH, D), dtype=jnp.float32)
    return {
        'f_atoms': f_atoms, 'f_bonds': f_bonds, 'a2b': a2b, 'b2a': b2a,
        'b2revb': b2revb, 'undirected_b2a': undirected_b2a,
        'w_atom': w_atom,
        'mlp_W1': mlp_W1, 'mlp_b1': mlp_b1, 'mlp_W2': mlp_W2, 'mlp_b2': mlp_b2,
        'wb_W1': wb_W1, 'wb_b1': wb_b1, 'wb_W2': wb_W2, 'wb_b2': wb_b2,
        'bn_g': bn_g, 'bn_b': bn_b,
    }


def reference(f_atoms, f_bonds, a2b, b2a, b2revb, undirected_b2a,
              w_atom, mlp_W1, mlp_b1, mlp_W2, mlp_b2,
              wb_W1, wb_b1, wb_W2, wb_b2, bn_g, bn_b):
    n = f_atoms.shape[0]
    # edge_index construction from a2b / b2a (int graph bookkeeping)
    num_edges = b2a.shape[0]
    mask = a2b > 0
    rows_full = jnp.broadcast_to(
        jnp.arange(a2b.shape[0], dtype=b2a.dtype)[:, None], a2b.shape
    )
    safe_ids = jnp.where(mask, a2b, num_edges)
    to_ext = jnp.zeros((num_edges + 1,), dtype=b2a.dtype)
    to_ext = to_ext.at[safe_ids.ravel()].set(rows_full.ravel())
    to = to_ext[:num_edges]
    edge_index = jnp.stack((b2a, to))
    # add self loops once per layer (same every layer, precompute)
    loops = jnp.arange(n, dtype=b2a.dtype)
    src = jnp.concatenate([edge_index[0], loops])
    dst = jnp.concatenate([edge_index[1], loops])
    # edge attrs with self-loop indicator column
    edge_attr0 = jnp.concatenate([f_bonds, jnp.zeros((f_bonds.shape[0], 1), dtype=f_bonds.dtype)], axis=1)
    self_loop_attr = jnp.zeros((n, edge_attr0.shape[1]), dtype=f_bonds.dtype).at[:, -1].set(1.0)
    edge_attr_full = jnp.concatenate([edge_attr0, self_loop_attr], axis=0)
    eps = 1e-5
    h = f_atoms @ w_atom.T
    for l in range(DEPTH):
        ee = jax.nn.relu(edge_attr_full @ wb_W1[l].T + wb_b1[l]) @ wb_W2[l].T + wb_b2[l]
        msgs = h[src] + ee
        aggr = jax.ops.segment_sum(msgs, dst, num_segments=n)
        hh = jax.nn.relu(aggr @ mlp_W1[l].T + mlp_b1[l]) @ mlp_W2[l].T + mlp_b2[l]
        # BatchNorm1d in eval mode: running_mean=0, running_var=1
        hh = hh / jnp.sqrt(1.0 + eps) * bn_g[l] + bn_b[l]
        if l < DEPTH - 1:
            hh = jax.nn.relu(hh)
        h = hh
    return h

if __name__ == "__main__":
    import jax
    _d = setup_inputs()
    print(jax.jit(kernel)(*tuple(_d.values())))

</pallas_src>

<mosaic_0001>
#map = affine_map<(d0, d1) -> (0, 0)>
#map1 = affine_map<(d0, d1) -> (0, 0, 0)>
module attributes {stable_mosaic.version = 14 : i64} {
  func.func @sc(%arg0: i32, %arg1: i32, %arg2: memref<10000x128xf32, #tpu.memory_space<hbm>>, %arg3: memref<320000x128xf32, #tpu.memory_space<hbm>>, %arg4: memref<4000x2x80xi32, #tpu.memory_space<hbm>>, %arg5: memref<10112x128xf32, #tpu.memory_space<hbm>>, %arg6: memref<2x10112x128xf32, #tpu.memory_space<hbm>>, %arg7: memref<2x2x80xi32, #tpu.memory_space<vmem>>, %arg8: memref<2x80x128xf32, #tpu.memory_space<vmem>>, %arg9: memref<2x80x128xf32, #tpu.memory_space<vmem>>, %arg10: memref<10112x128xf32, #tpu.memory_space<vmem_shared>>, %arg11: memref<2x!tpu.dma_semaphore, #tpu.memory_space<semaphore_mem>>, %arg12: memref<2x!tpu.dma_semaphore, #tpu.memory_space<semaphore_mem>>, %arg13: memref<2x!tpu.dma_semaphore, #tpu.memory_space<semaphore_mem>>) attributes {dimension_semantics = [#tpu.dimension_semantics<core_parallel>, #tpu.dimension_semantics<subcore_parallel>], iteration_bounds = array<i64: 2, 16>, scalar_prefetch = 0 : i64, scratch_operands = 7 : i64, tpu.core_type = #tpu.core_type<sc_vector_subcore>, window_params = [{transform_indices = #map}, {transform_indices = #map}, {transform_indices = #map1}, {transform_indices = #map}, {transform_indices = #map1}]} {
    %mul3A = arith.constant 16 : i32
    %mul3A_0 = arith.muli %arg0, %mul3A : i32
    %add3A = arith.addi %mul3A_0, %arg1 : i32
    %mul3A_1 = arith.constant 632 : i32
    %mul3A_2 = arith.muli %arg1, %mul3A_1 : i32
    %mul3A_3 = arith.constant 632 : i32
    %mul3A_4 = arith.muli %arg1, %mul3A_3 : i32
    "tpu.region"() ({
      %run_scoped3A_417 = tpu.sem_alloc : memref<!tpu.dma_semaphore, #tpu.memory_space<semaphore_mem>>
      %dma_start3A_418 = arith.constant 0 : i32
      %dma_start3A_419 = tpu.memref_slice %arg10[%mul3A_4, %dma_start3A_418] : memref<10112x128xf32, #tpu.memory_space<vmem_shared>> -> memref<632x128xf32, #tpu.memory_space<vmem_shared>>
      %dma_start3A_420 = arith.constant 0 : i32
      %dma_start3A_421 = tpu.memref_slice %arg5[%mul3A_2, %dma_start3A_420] : memref<10112x128xf32, #tpu.memory_space<hbm>> -> memref<632x128xf32, #tpu.memory_space<hbm>>
      tpu.enqueue_dma source(%dma_start3A_421 : memref<632x128xf32, #tpu.memory_space<hbm>>) target(%dma_start3A_419 : memref<632x128xf32, #tpu.memory_space<vmem_shared>>) target_semaphore(%run_scoped3A_417 : memref<!tpu.dma_semaphore, #tpu.memory_space<semaphore_mem>>)
      %dma_wait3A_422 = arith.constant 0 : i32
      %dma_wait3A_423 = tpu.memref_slice %arg10[%mul3A_4, %dma_wait3A_422] : memref<10112x128xf32, #tpu.memory_space<vmem_shared>> -> memref<632x128xf32, #tpu.memory_space<vmem_shared>>
      %dma_wait3A_424 = arith.constant 0 : i32
      %dma_wait3A_425 = tpu.memref_slice %arg5[%mul3A_2, %dma_wait3A_424] : memref<10112x128xf32, #tpu.memory_space<hbm>> -> memref<632x128xf32, #tpu.memory_space<hbm>>
      tpu.wait_dma2 semaphore(%run_scoped3A_417 : memref<!tpu.dma_semaphore, #tpu.memory_space<semaphore_mem>>) src(%dma_wait3A_425 : memref<632x128xf32, #tpu.memory_space<hbm>>) dst(%dma_wait3A_423 : memref<632x128xf32, #tpu.memory_space<vmem_shared>>)
      tpu.yield
    }) : () -> ()
    %barrier3A = arith.constant 0 : index
    tpu.barrier barrier_id(%barrier3A)
    %add3A_5 = arith.constant 0 : i32
    %add3A_6 = arith.addi %add3A, %add3A_5 : i32
    %run_scoped3A = arith.constant 0 : i32
    "tpu.region"() ({
      %run_scoped3A_417 = tpu.sem_alloc : memref<!tpu.dma_semaphore, #tpu.memory_space<semaphore_mem>>
      %dma_start3A_418 = arith.constant 0 : i32
      %dma_start3A_419 = arith.constant 0 : i32
      %dma_start3A_420 = tpu.memref_slice %arg7[%run_scoped3A, %dma_start3A_418, %dma_start3A_419] : memref<2x2x80xi32, #tpu.memory_space<vmem>> -> memref<1x2x80xi32, #tpu.memory_space<vmem>>
      %dma_start3A_421 = tpu.memref_squeeze %dma_start3A_420 : memref<1x2x80xi32, #tpu.memory_space<vmem>> -> memref<2x80xi32, #tpu.memory_space<vmem>>
      %dma_start3A_422 = arith.constant 0 : i32
      %dma_start3A_423 = arith.constant 0 : i32
      %dma_start3A_424 = tpu.memref_slice %arg4[%add3A_6, %dma_start3A_422, %dma_start3A_423] : memref<4000x2x80xi32, #tpu.memory_space<hbm>> -> memref<1x2x80xi32, #tpu.memory_space<hbm>>
      %dma_start3A_425 = tpu.memref_squeeze %dma_start3A_424 : memref<1x2x80xi32, #tpu.memory_space<hbm>> -> memref<2x80xi32, #tpu.memory_space<hbm>>
      %dma_start3A_426 = arith.constant 0 : i32
      %dma_start3A_427 = arith.constant 0 : i32
      %dma_start3A_428 = tpu.memref_slice %arg7[%run_scoped3A, %dma_start3A_426, %dma_start3A_427] : memref<2x2x80xi32, #tpu.memory_space<vmem>> -> memref<1x2x80xi32, #tpu.memory_space<vmem>>
      %dma_start3A_429 = tpu.memref_squeeze %dma_start3A_428 : memref<1x2x80xi32, #tpu.memory_space<vmem>> -> memref<2x80xi32, #tpu.memory_space<vmem>>
      %dma_start3A_430 = arith.constant 0 : i32
      %dma_start3A_431 = arith.constant 0 : i32
      %dma_start3A_432 = tpu.memref_slice %arg4[%add3A_6, %dma_start3A_430, %dma_start3A_431] : memref<4000x2x80xi32, #tpu.memory_space<hbm>> -> memref<1x2x80xi32, #tpu.memory_space<hbm>>
      %dma_start3A_433 = tpu.memref_squeeze %dma_start3A_432 : memref<1x2x80xi32, #tpu.memory_space<hbm>> -> memref<2x80xi32, #tpu.memory_space<hbm>>
      tpu.enqueue_dma source(%dma_start3A_433 : memref<2x80xi32, #tpu.memory_space<hbm>>) target(%dma_start3A_429 : memref<2x80xi32, #tpu.memory_space<vmem>>) target_semaphore(%run_scoped3A_417 : memref<!tpu.dma_semaphore, #tpu.memory_space<semaphore_mem>>)
      %dma_wait3A_434 = arith.constant 0 : i32
      %dma_wait3A_435 = arith.constant 0 : i32
      %dma_wait3A_436 = tpu.memref_slice %arg7[%run_scoped3A, %dma_wait3A_434, %dma_wait3A_435] : memref<2x2x80xi32, #tpu.memory_space<vmem>> -> memref<1x2x80xi32, #tpu.memory_space<vmem>>
      %dma_wait3A_437 = tpu.memref_squeeze %dma_wait3A_436 : memref<1x2x80xi32, #tpu.memory_space<vmem>> -> memref<2x80xi32, #tpu.memory_space<vmem>>
      %dma_wait3A_438 = arith.constant 0 : i32
      %dma_wait3A_439 = arith.constant 0 : i32
      %dma_wait3A_440 = tpu.memref_slice %arg4[%add3A_6, %dma_wait3A_438, %dma_wait3A_439] : memref<4000x2x80xi32, #tpu.memory_space<hbm>> -> memref<1x2x80xi32, #tpu.memory_space<hbm>>
      %dma_wait3A_441 = tpu.memref_squeeze %dma_wait3A_440 : memref<1x2x80xi32, #tpu.memory_space<hbm>> -> memref<2x80xi32, #tpu.memory_space<hbm>>
      %dma_wait3A_442 = arith.constant 0 : i32
      %dma_wait3A_443 = arith.constant 0 : i32
      %dma_wait3A_444 = tpu.memref_slice %arg7[%run_scoped3A, %dma_wait3A_442, %dma_wait3A_443] : memref<2x2x80xi32, #tpu.memory_space<vmem>> -> memref<1x2x80xi32, #tpu.memory_space<vmem>>
      %dma_wait3A_445 = tpu.memref_squeeze %dma_wait3A_444 : memref<1x2x80xi32, #tpu.memory_space<vmem>> -> memref<2x80xi32, #tpu.memory_space<vmem>>
      %dma_wait3A_446 = arith.constant 0 : i32
      %dma_wait3A_447 = arith.constant 0 : i32
      %dma_wait3A_448 = tpu.memref_slice %arg4[%add3A_6, %dma_wait3A_446, %dma_wait3A_447] : memref<4000x2x80xi32, #tpu.memory_space<hbm>> -> memref<1x2x80xi32, #tpu.memory_space<hbm>>
      %dma_wait3A_449 = tpu.memref_squeeze %dma_wait3A_448 : memref<1x2x80xi32, #tpu.memory_space<hbm>> -> memref<2x80xi32, #tpu.memory_space<hbm>>
      tpu.wait_dma2 semaphore(%run_scoped3A_417 : memref<!tpu.dma_semaphore, #tpu.memory_space<semaphore_mem>>) src(%dma_wait3A_449 : memref<2x80xi32, #tpu.memory_space<hbm>>) dst(%dma_wait3A_445 : memref<2x80xi32, #tpu.memory_space<vmem>>)
      tpu.yield
    }) : () -> ()
    %dma_start3A = arith.constant 0 : i32
    %dma_start3A_7 = arith.constant 0 : i32
    %dma_start3A_8 = arith.constant 0 : i32
    %dma_start3A_9 = arith.constant 0 : i32
    %dma_start3A_10 = arith.constant 0 : i32
    %dma_start3A_11 = arith.constant 0 : i32
    %dma_start3A_12 = tpu.memref_slice %arg8[%dma_start3A_8, %dma_start3A_10, %dma_start3A_11] : memref<2x80x128xf32, #tpu.memory_space<vmem>> -> memref<1x80x128xf32, #tpu.memory_space<vmem>>
    %dma_start3A_13 = tpu.memref_squeeze %dma_start3A_12 : memref<1x80x128xf32, #tpu.memory_space<vmem>> -> memref<80x128xf32, #tpu.memory_space<vmem>>
    %dma_start3A_14 = arith.constant 0 : i32
    %dma_start3A_15 = tpu.memref_slice %arg7[%dma_start3A, %dma_start3A_7, %dma_start3A_14] : memref<2x2x80xi32, #tpu.memory_space<vmem>> -> memref<1x1x80xi32, #tpu.memory_space<vmem>>
    %dma_start3A_16 = tpu.memref_squeeze %dma_start3A_15 : memref<1x1x80xi32, #tpu.memory_space<vmem>> -> memref<80xi32, #tpu.memory_space<vmem>>
    %dma_start3A_17 = arith.constant 0 : i32
    %dma_start3A_18 = arith.constant 0 : i32
    %dma_start3A_19 = tpu.memref_slice %arg2[%dma_start3A_17, %dma_start3A_18] : memref<10000x128xf32, #tpu.memory_space<hbm>> -> memref<10000x128xf32, #tpu.memory_space<hbm>>
    %dma_start3A_20 = tpu.memref_slice %arg11[%dma_start3A_9] : memref<2x!tpu.dma_semaphore, #tpu.memory_space<semaphore_mem>> -> memref<1x!tpu.dma_semaphore, #tpu.memory_space<semaphore_mem>>
    %dma_start3A_21 = tpu.memref_squeeze %dma_start3A_20 : memref<1x!tpu.dma_semaphore, #tpu.memory_space<semaphore_mem>> -> memref<!tpu.dma_semaphore, #tpu.memory_space<semaphore_mem>>
    tpu.enqueue_indirect_dma source(%dma_start3A_19 : memref<10000x128xf32, #tpu.memory_space<hbm>>) target(%dma_start3A_13 : memref<80x128xf32, #tpu.memory_space<vmem>>) offsets(%dma_start3A_16 : memref<80xi32, #tpu.memory_space<vmem>>) semaphore(%dma_start3A_21 : memref<!tpu.dma_semaphore, #tpu.memory_space<semaphore_mem>>)
    %mul3A_22 = arith.constant 80 : i32
    %mul3A_23 = arith.muli %add3A_6, %mul3A_22 : i32
    %dma_start3A_24 = arith.constant 0 : i32
    %dma_start3A_25 = arith.constant 0 : i32
    %dma_start3A_26 = arith.constant 0 : i32
    %dma_start3A_27 = arith.constant 0 : i32
    %dma_start3A_28 = tpu.memref_slice %arg9[%dma_start3A_24, %dma_start3A_26, %dma_start3A_27] : memref<2x80x128xf32, #tpu.memory_space<vmem>> -> memref<1x80x128xf32, #tpu.memory_space<vmem>>
    %dma_start3A_29 = tpu.memref_squeeze %dma_start3A_28 : memref<1x80x128xf32, #tpu.memory_space<vmem>> -> memref<80x128xf32, #tpu.memory_space<vmem>>
    %dma_start3A_30 = arith.constant 0 : i32
    %dma_start3A_31 = tpu.memref_slice %arg3[%mul3A_23, %dma_start3A_30] : memref<320000x128xf32, #tpu.memory_space<hbm>> -> memref<80x128xf32, #tpu.memory_space<hbm>>
    %dma_start3A_32 = tpu.memref_slice %arg12[%dma_start3A_25] : memref<2x!tpu.dma_semaphore, #tpu.memory_space<semaphore_mem>> -> memref<1x!tpu.dma_semaphore, #tpu.memory_space<semaphore_mem>>
    %dma_start3A_33 = tpu.memref_squeeze %dma_start3A_32 : memref<1x!tpu.dma_semaphore, #tpu.memory_space<semaphore_mem>> -> memref<!tpu.dma_semaphore, #tpu.memory_space<semaphore_mem>>
    %dma_start3A_34 = arith.constant 0 : i32
    %dma_start3A_35 = arith.constant 0 : i32
    %dma_start3A_36 = tpu.memref_slice %arg9[%dma_start3A_24, %dma_start3A_34, %dma_start3A_35] : memref<2x80x128xf32, #tpu.memory_space<vmem>> -> memref<1x80x128xf32, #tpu.memory_space<vmem>>
    %dma_start3A_37 = tpu.memref_squeeze %dma_start3A_36 : memref<1x80x128xf32, #tpu.memory_space<vmem>> -> memref<80x128xf32, #tpu.memory_space<vmem>>
    %dma_start3A_38 = arith.constant 0 : i32
    %dma_start3A_39 = tpu.memref_slice %arg3[%mul3A_23, %dma_start3A_38] : memref<320000x128xf32, #tpu.memory_space<hbm>> -> memref<80x128xf32, #tpu.memory_space<hbm>>
    tpu.enqueue_dma source(%dma_start3A_39 : memref<80x128xf32, #tpu.memory_space<hbm>>) target(%dma_start3A_37 : memref<80x128xf32, #tpu.memory_space<vmem>>) target_semaphore(%dma_start3A_33 : memref<!tpu.dma_semaphore, #tpu.memory_space<semaphore_mem>>)
    %add3A_40 = arith.constant 32 : i32
    %add3A_41 = arith.addi %add3A, %add3A_40 : i32
    %run_scoped3A_42 = arith.constant 1 : i32
    "tpu.region"() ({
      %run_scoped3A_417 = tpu.sem_alloc : memref<!tpu.dma_semaphore, #tpu.memory_space<semaphore_mem>>
      %dma_start3A_418 = arith.constant 0 : i32
      %dma_start3A_419 = arith.constant 0 : i32
      %dma_start3A_420 = tpu.memref_slice %arg7[%run_scoped3A_42, %dma_start3A_418, %dma_start3A_419] : memref<2x2x80xi32, #tpu.memory_space<vmem>> -> memref<1x2x80xi32, #tpu.memory_space<vmem>>
      %dma_start3A_421 = tpu.memref_squeeze %dma_start3A_420 : memref<1x2x80xi32, #tpu.memory_space<vmem>> -> memref<2x80xi32, #tpu.memory_space<vmem>>
      %dma_start3A_422 = arith.constant 0 : i32
      %dma_start3A_423 = arith.constant 0 : i32
      %dma_start3A_424 = tpu.memref_slice %arg4[%add3A_41, %dma_start3A_422, %dma_start3A_423] : memref<4000x2x80xi32, #tpu.memory_space<hbm>> -> memref<1x2x80xi32, #tpu.memory_space<hbm>>
      %dma_start3A_425 = tpu.memref_squeeze %dma_start3A_424 : memref<1x2x80xi32, #tpu.memory_space<hbm>> -> memref<2x80xi32, #tpu.memory_space<hbm>>
      %dma_start3A_426 = arith.constant 0 : i32
      %dma_start3A_427 = arith.constant 0 : i32
      %dma_start3A_428 = tpu.memref_slice %arg7[%run_scoped3A_42, %dma_start3A_426, %dma_start3A_427] : memref<2x2x80xi32, #tpu.memory_space<vmem>> -> memref<1x2x80xi32, #tpu.memory_space<vmem>>
      %dma_start3A_429 = tpu.memref_squeeze %dma_start3A_428 : memref<1x2x80xi32, #tpu.memory_space<vmem>> -> memref<2x80xi32, #tpu.memory_space<vmem>>
      %dma_start3A_430 = arith.constant 0 : i32
      %dma_start3A_431 = arith.constant 0 : i32
      %dma_start3A_432 = tpu.memref_slice %arg4[%add3A_41, %dma_start3A_430, %dma_start3A_431] : memref<4000x2x80xi32, #tpu.memory_space<hbm>> -> memref<1x2x80xi32, #tpu.memory_space<hbm>>
      %dma_start3A_433 = tpu.memref_squeeze %dma_start3A_432 : memref<1x2x80xi32, #tpu.memory_space<hbm>> -> memref<2x80xi32, #tpu.memory_space<hbm>>
      tpu.enqueue_dma source(%dma_start3A_433 : memref<2x80xi32, #tpu.memory_space<hbm>>) target(%dma_start3A_429 : memref<2x80xi32, #tpu.memory_space<vmem>>) target_semaphore(%run_scoped3A_417 : memref<!tpu.dma_semaphore, #tpu.memory_space<semaphore_mem>>)
      %dma_wait3A_434 = arith.constant 0 : i32
      %dma_wait3A_435 = arith.constant 0 : i32
      %dma_wait3A_436 = tpu.memref_slice %arg7[%run_scoped3A_42, %dma_wait3A_434, %dma_wait3A_435] : memref<2x2x80xi32, #tpu.memory_space<vmem>> -> memref<1x2x80xi32, #tpu.memory_space<vmem>>
      %dma_wait3A_437 = tpu.memref_squeeze %dma_wait3A_436 : memref<1x2x80xi32, #tpu.memory_space<vmem>> -> memref<2x80xi32, #tpu.memory_space<vmem>>
      %dma_wait3A_438 = arith.constant 0 : i32
      %dma_wait3A_439 = arith.constant 0 : i32
      %dma_wait3A_440 = tpu.memref_slice %arg4[%add3A_41, %dma_wait3A_438, %dma_wait3A_439] : memref<4000x2x80xi32, #tpu.memory_space<hbm>> -> memref<1x2x80xi32, #tpu.memory_space<hbm>>
      %dma_wait3A_441 = tpu.memref_squeeze %dma_wait3A_440 : memref<1x2x80xi32, #tpu.memory_space<hbm>> -> memref<2x80xi32, #tpu.memory_space<hbm>>
      %dma_wait3A_442 = arith.constant 0 : i32
      %dma_wait3A_443 = arith.constant 0 : i32
      %dma_wait3A_444 = tpu.memref_slice %arg7[%run_scoped3A_42, %dma_wait3A_442, %dma_wait3A_443] : memref<2x2x80xi32, #tpu.memory_space<vmem>> -> memref<1x2x80xi32, #tpu.memory_space<vmem>>
      %dma_wait3A_445 = tpu.memref_squeeze %dma_wait3A_444 : memref<1x2x80xi32, #tpu.memory_space<vmem>> -> memref<2x80xi32, #tpu.memory_space<vmem>>
      %dma_wait3A_446 = arith.constant 0 : i32
      %dma_wait3A_447 = arith.constant 0 : i32
      %dma_wait3A_448 = tpu.memref_slice %arg4[%add3A_41, %dma_wait3A_446, %dma_wait3A_447] : memref<4000x2x80xi32, #tpu.memory_space<hbm>> -> memref<1x2x80xi32, #tpu.memory_space<hbm>>
      %dma_wait3A_449 = tpu.memref_squeeze %dma_wait3A_448 : memref<1x2x80xi32, #tpu.memory_space<hbm>> -> memref<2x80xi32, #tpu.memory_space<hbm>>
      tpu.wait_dma2 semaphore(%run_scoped3A_417 : memref<!tpu.dma_semaphore, #tpu.memory_space<semaphore_mem>>) src(%dma_wait3A_449 : memref<2x80xi32, #tpu.memory_space<hbm>>) dst(%dma_wait3A_445 : memref<2x80xi32, #tpu.memory_space<vmem>>)
      tpu.yield
    }) : () -> ()
    %dma_start3A_43 = arith.constant 1 : i32
    %dma_start3A_44 = arith.constant 0 : i32
    %dma_start3A_45 = arith.constant 1 : i32
    %dma_start3A_46 = arith.constant 1 : i32
    %dma_start3A_47 = arith.constant 0 : i32
    %dma_start3A_48 = arith.constant 0 : i32
    %dma_start3A_49 = tpu.memref_slice %arg8[%dma_start3A_45, %dma_start3A_47, %dma_start3A_48] : memref<2x80x128xf32, #tpu.memory_space<vmem>> -> memref<1x80x128xf32, #tpu.memory_space<vmem>>
    %dma_start3A_50 = tpu.memref_squeeze %dma_start3A_49 : memref<1x80x128xf32, #tpu.memory_space<vmem>> -> memref<80x128xf32, #tpu.memory_space<vmem>>
    %dma_start3A_51 = arith.constant 0 : i32
    %dma_start3A_52 = tpu.memref_slice %arg7[%dma_start3A_43, %dma_start3A_44, %dma_start3A_51] : memref<2x2x80xi32, #tpu.memory_space<vmem>> -> memref<1x1x80xi32, #tpu.memory_space<vmem>>
    %dma_start3A_53 = tpu.memref_squeeze %dma_start3A_52 : memref<1x1x80xi32, #tpu.memory_space<vmem>> -> memref<80xi32, #tpu.memory_space<vmem>>
    %dma_start3A_54 = arith.constant 0 : i32
    %dma_start3A_55 = arith.constant 0 : i32
    %dma_start3A_56 = tpu.memref_slice %arg2[%dma_start3A_54, %dma_start3A_55] : memref<10000x128xf32, #tpu.memory_space<hbm>> -> memref<10000x128xf32, #tpu.memory_space<hbm>>
    %dma_start3A_57 = tpu.memref_slice %arg11[%dma_start3A_46] : memref<2x!tpu.dma_semaphore, #tpu.memory_space<semaphore_mem>> -> memref<1x!tpu.dma_semaphore, #tpu.memory_space<semaphore_mem>>
    %dma_start3A_58 = tpu.memref_squeeze %dma_start3A_57 : memref<1x!tpu.dma_semaphore, #tpu.memory_space<semaphore_mem>> -> memref<!tpu.dma_semaphore, #tpu.memory_space<semaphore_mem>>
    tpu.enqueue_indirect_dma source(%dma_start3A_56 : memref<10000x128xf32, #tpu.memory_space<hbm>>) target(%dma_start3A_50 : memref<80x128xf32, #tpu.memory_space<vmem>>) offsets(%dma_start3A_53 : memref<80xi32, #tpu.memory_space<vmem>>) semaphore(%dma_start3A_58 : memref<!tpu.dma_semaphore, #tpu.memory_space<semaphore_mem>>)
    %mul3A_59 = arith.constant 80 : i32
    %mul3A_60 = arith.muli %add3A_41, %mul3A_59 : i32
    %dma_start3A_61 = arith.constant 1 : i32
    %dma_start3A_62 = arith.constant 1 : i32
    %dma_start3A_63 = arith.constant 0 : i32
    %dma_start3A_64 = arith.constant 0 : i32
    %dma_start3A_65 = tpu.memref_slice %arg9[%dma_start3A_61, %dma_start3A_63, %dma_start3A_64] : memref<2x80x128xf32, #tpu.memory_space<vmem>> -> memref<1x80x128xf32, #tpu.memory_space<vmem>>
    %dma_start3A_66 = tpu.memref_squeeze %dma_start3A_65 : memref<1x80x128xf32, #tpu.memory_space<vmem>> -> memref<80x128xf32, #tpu.memory_space<vmem>>
    %dma_start3A_67 = arith.constant 0 : i32
    %dma_start3A_68 = tpu.memref_slice %arg3[%mul3A_60, %dma_start3A_67] : memref<320000x128xf32, #tpu.memory_space<hbm>> -> memref<80x128xf32, #tpu.memory_space<hbm>>
    %dma_start3A_69 = tpu.memref_slice %arg12[%dma_start3A_62] : memref<2x!tpu.dma_semaphore, #tpu.memory_space<semaphore_mem>> -> memref<1x!tpu.dma_semaphore, #tpu.memory_space<semaphore_mem>>
    %dma_start3A_70 = tpu.memref_squeeze %dma_start3A_69 : memref<1x!tpu.dma_semaphore, #tpu.memory_space<semaphore_mem>> -> memref<!tpu.dma_semaphore, #tpu.memory_space<semaphore_mem>>
    %dma_start3A_71 = arith.constant 0 : i32
    %dma_start3A_72 = arith.constant 0 : i32
    %dma_start3A_73 = tpu.memref_slice %arg9[%dma_start3A_61, %dma_start3A_71, %dma_start3A_72] : memref<2x80x128xf32, #tpu.memory_space<vmem>> -> memref<1x80x128xf32, #tpu.memory_space<vmem>>
    %dma_start3A_74 = tpu.memref_squeeze %dma_start3A_73 : memref<1x80x128xf32, #tpu.memory_space<vmem>> -> memref<80x128xf32, #tpu.memory_space<vmem>>
    %dma_start3A_75 = arith.constant 0 : i32
    %dma_start3A_76 = tpu.memref_slice %arg3[%mul3A_60, %dma_start3A_75] : memref<320000x128xf32, #tpu.memory_space<hbm>> -> memref<80x128xf32, #tpu.memory_space<hbm>>
    tpu.enqueue_dma source(%dma_start3A_76 : memref<80x128xf32, #tpu.memory_space<hbm>>) target(%dma_start3A_74 : memref<80x128xf32, #tpu.memory_space<vmem>>) target_semaphore(%dma_start3A_70 : memref<!tpu.dma_semaphore, #tpu.memory_space<semaphore_mem>>)
    %dma_wait3A = arith.constant 0 : i32
    %dma_wait3A_77 = arith.constant 0 : i32
    %dma_wait3A_78 = arith.constant 0 : i32
    %dma_wait3A_79 = arith.constant 0 : i32
    %dma_wait3A_80 = arith.constant 0 : i32
    %dma_wait3A_81 = arith.constant 0 : i32
    %dma_wait3A_82 = tpu.memref_slice %arg8[%dma_wait3A_78, %dma_wait3A_80, %dma_wait3A_81] : memref<2x80x128xf32, #tpu.memory_space<vmem>> -> memref<1x80x128xf32, #tpu.memory_space<vmem>>
    %dma_wait3A_83 = tpu.memref_squeeze %dma_wait3A_82 : memref<1x80x128xf32, #tpu.memory_space<vmem>> -> memref<80x128xf32, #tpu.memory_space<vmem>>
    %dma_wait3A_84 = arith.constant 0 : i32
    %dma_wait3A_85 = tpu.memref_slice %arg7[%dma_wait3A, %dma_wait3A_77, %dma_wait3A_84] : memref<2x2x80xi32, #tpu.memory_space<vmem>> -> memref<1x1x80xi32, #tpu.memory_space<vmem>>
    %dma_wait3A_86 = tpu.memref_squeeze %dma_wait3A_85 : memref<1x1x80xi32, #tpu.memory_space<vmem>> -> memref<80xi32, #tpu.memory_space<vmem>>
    %dma_wait3A_87 = arith.constant 0 : i32
    %dma_wait3A_88 = arith.constant 0 : i32
    %dma_wait3A_89 = tpu.memref_slice %arg2[%dma_wait3A_87, %dma_wait3A_88] : memref<10000x128xf32, #tpu.memory_space<hbm>> -> memref<10000x128xf32, #tpu.memory_space<hbm>>
    %dma_wait3A_90 = tpu.memref_slice %arg11[%dma_wait3A_79] : memref<2x!tpu.dma_semaphore, #tpu.memory_space<semaphore_mem>> -> memref<1x!tpu.dma_semaphore, #tpu.memory_space<semaphore_mem>>
    %dma_wait3A_91 = tpu.memref_squeeze %dma_wait3A_90 : memref<1x!tpu.dma_semaphore, #tpu.memory_space<semaphore_mem>> -> memref<!tpu.dma_semaphore, #tpu.memory_space<semaphore_mem>>
    tpu.wait_indirect_dma semaphore(%dma_wait3A_91 : memref<!tpu.dma_semaphore, #tpu.memory_space<semaphore_mem>>) src(%dma_wait3A_89 : memref<10000x128xf32, #tpu.memory_space<hbm>>) dst(%dma_wait3A_83 : memref<80x128xf32, #tpu.memory_space<vmem>>)
    %dma_wait3A_92 = arith.constant 0 : i32
    %dma_wait3A_93 = arith.constant 0 : i32
    %dma_wait3A_94 = arith.constant 0 : i32
    %dma_wait3A_95 = arith.constant 0 : i32
    %dma_wait3A_96 = tpu.memref_slice %arg9[%dma_wait3A_92, %dma_wait3A_94, %dma_wait3A_95] : memref<2x80x128xf32, #tpu.memory_space<vmem>> -> memref<1x80x128xf32, #tpu.memory_space<vmem>>
    %dma_wait3A_97 = tpu.memref_squeeze %dma_wait3A_96 : memref<1x80x128xf32, #tpu.memory_space<vmem>> -> memref<80x128xf32, #tpu.memory_space<vmem>>
    %dma_wait3A_98 = arith.constant 0 : i32
    %dma_wait3A_99 = arith.constant 0 : i32
    %dma_wait3A_100 = tpu.memref_slice %arg3[%dma_wait3A_98, %dma_wait3A_99] : memref<320000x128xf32, #tpu.memory_space<hbm>> -> memref<80x128xf32, #tpu.memory_space<hbm>>
    %dma_wait3A_101 = tpu.memref_slice %arg12[%dma_wait3A_93] : memref<2x!tpu.dma_semaphore, #tpu.memory_space<semaphore_mem>> -> memref<1x!tpu.dma_semaphore, #tpu.memory_space<semaphore_mem>>
    %dma_wait3A_102 = tpu.memref_squeeze %dma_wait3A_101 : memref<1x!tpu.dma_semaphore, #tpu.memory_space<semaphore_mem>> -> memref<!tpu.dma_semaphore, #tpu.memory_space<semaphore_mem>>
    %dma_wait3A_103 = arith.constant 0 : i32
    %dma_wait3A_104 = arith.constant 0 : i32
    %dma_wait3A_105 = tpu.memref_slice %arg9[%dma_wait3A_92, %dma_wait3A_103, %dma_wait3A_104] : memref<2x80x128xf32, #tpu.memory_space<vmem>> -> memref<1x80x128xf32, #tpu.memory_space<vmem>>
    %dma_wait3A_106 = tpu.memref_squeeze %dma_wait3A_105 : memref<1x80x128xf32, #tpu.memory_space<vmem>> -> memref<80x128xf32, #tpu.memory_space<vmem>>
    %dma_wait3A_107 = arith.constant 0 : i32
    %dma_wait3A_108 = arith.constant 0 : i32
    %dma_wait3A_109 = tpu.memref_slice %arg3[%dma_wait3A_107, %dma_wait3A_108] : memref<320000x128xf32, #tpu.memory_space<hbm>> -> memref<80x128xf32, #tpu.memory_space<hbm>>
    tpu.wait_dma2 semaphore(%dma_wait3A_102 : memref<!tpu.dma_semaphore, #tpu.memory_space<semaphore_mem>>) src(%dma_wait3A_109 : memref<80x128xf32, #tpu.memory_space<hbm>>) dst(%dma_wait3A_106 : memref<80x128xf32, #tpu.memory_space<vmem>>)
    %dma_start3A_110 = arith.constant 0 : i32
    %dma_start3A_111 = arith.constant 0 : i32
    %dma_start3A_112 = arith.constant 1 : i32
    %dma_start3A_113 = arith.constant 0 : i32
    %dma_start3A_114 = arith.constant 0 : i32
    %dma_start3A_115 = arith.constant 0 : i32
    %dma_start3A_116 = tpu.memref_slice %arg8[%dma_start3A_110, %dma_start3A_114, %dma_start3A_115] : memref<2x80x128xf32, #tpu.memory_space<vmem>> -> memref<1x80x128xf32, #tpu.memory_space<vmem>>
    %dma_start3A_117 = tpu.memref_squeeze %dma_start3A_116 : memref<1x80x128xf32, #tpu.memory_space<vmem>> -> memref<80x128xf32, #tpu.memory_space<vmem>>
    %dma_start3A_118 = arith.constant 0 : i32
    %dma_start3A_119 = tpu.memref_slice %arg7[%dma_start3A_111, %dma_start3A_112, %dma_start3A_118] : memref<2x2x80xi32, #tpu.memory_space<vmem>> -> memref<1x1x80xi32, #tpu.memory_space<vmem>>
    %dma_start3A_120 = tpu.memref_squeeze %dma_start3A_119 : memref<1x1x80xi32, #tpu.memory_space<vmem>> -> memref<80xi32, #tpu.memory_space<vmem>>
    %dma_start3A_121 = arith.constant 0 : i32
    %dma_start3A_122 = arith.constant 0 : i32
    %dma_start3A_123 = tpu.memref_slice %arg10[%dma_start3A_121, %dma_start3A_122] : memref<10112x128xf32, #tpu.memory_space<vmem_shared>> -> memref<10112x128xf32, #tpu.memory_space<vmem_shared>>
    %dma_start3A_124 = tpu.memref_slice %arg13[%dma_start3A_113] : memref<2x!tpu.dma_semaphore, #tpu.memory_space<semaphore_mem>> -> memref<1x!tpu.dma_semaphore, #tpu.memory_space<semaphore_mem>>
    %dma_start3A_125 = tpu.memref_squeeze %dma_start3A_124 : memref<1x!tpu.dma_semaphore, #tpu.memory_space<semaphore_mem>> -> memref<!tpu.dma_semaphore, #tpu.memory_space<semaphore_mem>>
    tpu.enqueue_indirect_dma source(%dma_start3A_117 : memref<80x128xf32, #tpu.memory_space<vmem>>) target(%dma_start3A_123 : memref<10112x128xf32, #tpu.memory_space<vmem_shared>>) offsets(%dma_start3A_120 : memref<80xi32, #tpu.memory_space<vmem>>) semaphore(%dma_start3A_125 : memref<!tpu.dma_semaphore, #tpu.memory_space<semaphore_mem>>) {add = true}
    %dma_start3A_126 = arith.constant 0 : i32
    %dma_start3A_127 = arith.constant 0 : i32
    %dma_start3A_128 = arith.constant 1 : i32
    %dma_start3A_129 = arith.constant 0 : i32
    %dma_start3A_130 = arith.constant 0 : i32
    %dma_start3A_131 = arith.constant 0 : i32
    %dma_start3A_132 = tpu.memref_slice %arg9[%dma_start3A_126, %dma_start3A_130, %dma_start3A_131] : memref<2x80x128xf32, #tpu.memory_space<vmem>> -> memref<1x80x128xf32, #tpu.memory_space<vmem>>
    %dma_start3A_133 = tpu.memref_squeeze %dma_start3A_132 : memref<1x80x128xf32, #tpu.memory_space<vmem>> -> memref<80x128xf32, #tpu.memory_space<vmem>>
    %dma_start3A_134 = arith.constant 0 : i32
    %dma_start3A_135 = tpu.memref_slice %arg7[%dma_start3A_127, %dma_start3A_128, %dma_start3A_134] : memref<2x2x80xi32, #tpu.memory_space<vmem>> -> memref<1x1x80xi32, #tpu.memory_space<vmem>>
    %dma_start3A_136 = tpu.memref_squeeze %dma_start3A_135 : memref<1x1x80xi32, #tpu.memory_space<vmem>> -> memref<80xi32, #tpu.memory_space<vmem>>
    %dma_start3A_137 = arith.constant 0 : i32
    %dma_start3A_138 = arith.constant 0 : i32
    %dma_start3A_139 = tpu.memref_slice %arg10[%dma_start3A_137, %dma_start3A_138] : memref<10112x128xf32, #tpu.memory_space<vmem_shared>> -> memref<10112x128xf32, #tpu.memory_space<vmem_shared>>
    %dma_start3A_140 = tpu.memref_slice %arg13[%dma_start3A_129] : memref<2x!tpu.dma_semaphore, #tpu.memory_space<semaphore_mem>> -> memref<1x!tpu.dma_semaphore, #tpu.memory_space<semaphore_mem>>
    %dma_start3A_141 = tpu.memref_squeeze %dma_start3A_140 : memref<1x!tpu.dma_semaphore, #tpu.memory_space<semaphore_mem>> -> memref<!tpu.dma_semaphore, #tpu.memory_space<semaphore_mem>>
    tpu.enqueue_indirect_dma source(%dma_start3A_133 : memref<80x128xf32, #tpu.memory_space<vmem>>) target(%dma_start3A_139 : memref<10112x128xf32, #tpu.memory_space<vmem_shared>>) offsets(%dma_start3A_136 : memref<80xi32, #tpu.memory_space<vmem>>) semaphore(%dma_start3A_141 : memref<!tpu.dma_semaphore, #tpu.memory_space<semaphore_mem>>) {add = true}
    %scan3A = arith.constant 0 : i32
    %scan3A_142 = arith.constant 1 : i32
    %scan3A_143 = arith.constant 61 : i32
    %scan3A_144 = arith.addi %scan3A_142, %scan3A_143 : i32
    %scan3A_145 = arith.constant 1 : i32
    scf.for %scan3A_417 = %scan3A_142 to %scan3A_144 step %scan3A_145  : i32 {
      %mul3A_418 = arith.constant 2 : i32
      %mul3A_419 = arith.muli %mul3A_418, %scan3A_417 : i32
      %add3A_420 = arith.constant 0 : i32
      %add3A_421 = arith.addi %mul3A_419, %add3A_420 : i32
      %dma_wait3A_422 = arith.constant 0 : i32
      %dma_wait3A_423 = arith.constant 0 : i32
      %dma_wait3A_424 = arith.constant 1 : i32
      %dma_wait3A_425 = arith.constant 0 : i32
      %dma_wait3A_426 = arith.constant 0 : i32
      %dma_wait3A_427 = arith.constant 0 : i32
      %dma_wait3A_428 = tpu.memref_slice %arg8[%dma_wait3A_422, %dma_wait3A_426, %dma_wait3A_427] : memref<2x80x128xf32, #tpu.memory_space<vmem>> -> memref<1x80x128xf32, #tpu.memory_space<vmem>>
      %dma_wait3A_429 = tpu.memref_squeeze %dma_wait3A_428 : memref<1x80x128xf32, #tpu.memory_space<vmem>> -> memref<80x128xf32, #tpu.memory_space<vmem>>
      %dma_wait3A_430 = arith.constant 0 : i32
      %dma_wait3A_431 = tpu.memref_slice %arg7[%dma_wait3A_423, %dma_wait3A_424, %dma_wait3A_430] : memref<2x2x80xi32, #tpu.memory_space<vmem>> -> memref<1x1x80xi32, #tpu.memory_space<vmem>>
      %dma_wait3A_432 = tpu.memref_squeeze %dma_wait3A_431 : memref<1x1x80xi32, #tpu.memory_space<vmem>> -> memref<80xi32, #tpu.memory_space<vmem>>
      %dma_wait3A_433 = arith.constant 0 : i32
      %dma_wait3A_434 = arith.constant 0 : i32
      %dma_wait3A_435 = tpu.memref_slice %arg10[%dma_wait3A_433, %dma_wait3A_434] : memref<10112x128xf32, #tpu.memory_space<vmem_shared>> -> memref<10112x128xf32, #tpu.memory_space<vmem_shared>>
      %dma_wait3A_436 = tpu.memref_slice %arg13[%dma_wait3A_425] : memref<2x!tpu.dma_semaphore, #tpu.memory_space<semaphore_mem>> -> memref<1x!tpu.dma_semaphore, #tpu.memory_space<semaphore_mem>>
      %dma_wait3A_437 = tpu.memref_squeeze %dma_wait3A_436 : memref<1x!tpu.dma_semaphore, #tpu.memory_space<semaphore_mem>> -> memref<!tpu.dma_semaphore, #tpu.memory_space<semaphore_mem>>
      tpu.wait_indirect_dma semaphore(%dma_wait3A_437 : memref<!tpu.dma_semaphore, #tpu.memory_space<semaphore_mem>>) src(%dma_wait3A_429 : memref<80x128xf32, #tpu.memory_space<vmem>>) dst(%dma_wait3A_435 : memref<10112x128xf32, #tpu.memory_space<vmem_shared>>)
      %dma_wait3A_438 = arith.constant 0 : i32
      %dma_wait3A_439 = arith.constant 0 : i32
      %dma_wait3A_440 = arith.constant 1 : i32
      %dma_wait3A_441 = arith.constant 0 : i32
      %dma_wait3A_442 = arith.constant 0 : i32
      %dma_wait3A_443 = arith.constant 0 : i32
      %dma_wait3A_444 = tpu.memref_slice %arg9[%dma_wait3A_438, %dma_wait3A_442, %dma_wait3A_443] : memref<2x80x128xf32, #tpu.memory_space<vmem>> -> memref<1x80x128xf32, #tpu.memory_space<vmem>>
      %dma_wait3A_445 = tpu.memref_squeeze %dma_wait3A_444 : memref<1x80x128xf32, #tpu.memory_space<vmem>> -> memref<80x128xf32, #tpu.memory_space<vmem>>
      %dma_wait3A_446 = arith.constant 0 : i32
      %dma_wait3A_447 = tpu.memref_slice %arg7[%dma_wait3A_439, %dma_wait3A_440, %dma_wait3A_446] : memref<2x2x80xi32, #tpu.memory_space<vmem>> -> memref<1x1x80xi32, #tpu.memory_space<vmem>>
      %dma_wait3A_448 = tpu.memref_squeeze %dma_wait3A_447 : memref<1x1x80xi32, #tpu.memory_space<vmem>> -> memref<80xi32, #tpu.memory_space<vmem>>
      %dma_wait3A_449 = arith.constant 0 : i32
      %dma_wait3A_450 = arith.constant 0 : i32
      %dma_wait3A_451 = tpu.memref_slice %arg10[%dma_wait3A_449, %dma_wait3A_450] : memref<10112x128xf32, #tpu.memory_space<vmem_shared>> -> memref<10112x128xf32, #tpu.memory_space<vmem_shared>>
      %dma_wait3A_452 = tpu.memref_slice %arg13[%dma_wait3A_441] : memref<2x!tpu.dma_semaphore, #tpu.memory_space<semaphore_mem>> -> memref<1x!tpu.dma_semaphore, #tpu.memory_space<semaphore_mem>>
      %dma_wait3A_453 = tpu.memref_squeeze %dma_wait3A_452 : memref<1x!tpu.dma_semaphore, #tpu.memory_space<semaphore_mem>> -> memref<!tpu.dma_semaphore, #tpu.memory_space<semaphore_mem>>
      tpu.wait_indirect_dma semaphore(%dma_wait3A_453 : memref<!tpu.dma_semaphore, #tpu.memory_space<semaphore_mem>>) src(%dma_wait3A_445 : memref<80x128xf32, #tpu.memory_space<vmem>>) dst(%dma_wait3A_451 : memref<10112x128xf32, #tpu.memory_space<vmem_shared>>)
      %mul3A_454 = arith.constant 32 : i32
      %mul3A_455 = arith.muli %mul3A_454, %add3A_421 : i32
      %add3A_456 = arith.addi %add3A, %mul3A_455 : i32
      %run_scoped3A_457 = arith.constant 0 : i32
      "tpu.region"() ({
        %run_scoped3A_698 = tpu.sem_alloc : memref<!tpu.dma_semaphore, #tpu.memory_space<semaphore_mem>>
        %dma_start3A_699 = arith.constant 0 : i32
        %dma_start3A_700 = arith.constant 0 : i32
        %dma_start3A_701 = tpu.memref_slice %arg7[%run_scoped3A_457, %dma_start3A_699, %dma_start3A_700] : memref<2x2x80xi32, #tpu.memory_space<vmem>> -> memref<1x2x80xi32, #tpu.memory_space<vmem>>
        %dma_start3A_702 = tpu.memref_squeeze %dma_start3A_701 : memref<1x2x80xi32, #tpu.memory_space<vmem>> -> memref<2x80xi32, #tpu.memory_space<vmem>>
        %dma_start3A_703 = arith.constant 0 : i32
        %dma_start3A_704 = arith.constant 0 : i32
        %dma_start3A_705 = tpu.memref_slice %arg4[%add3A_456, %dma_start3A_703, %dma_start3A_704] : memref<4000x2x80xi32, #tpu.memory_space<hbm>> -> memref<1x2x80xi32, #tpu.memory_space<hbm>>
        %dma_start3A_706 = tpu.memref_squeeze %dma_start3A_705 : memref<1x2x80xi32, #tpu.memory_space<hbm>> -> memref<2x80xi32, #tpu.memory_space<hbm>>
        %dma_start3A_707 = arith.constant 0 : i32
        %dma_start3A_708 = arith.constant 0 : i32
        %dma_start3A_709 = tpu.memref_slice %arg7[%run_scoped3A_457, %dma_start3A_707, %dma_start3A_708] : memref<2x2x80xi32, #tpu.memory_space<vmem>> -> memref<1x2x80xi32, #tpu.memory_space<vmem>>
        %dma_start3A_710 = tpu.memref_squeeze %dma_start3A_709 : memref<1x2x80xi32, #tpu.memory_space<vmem>> -> memref<2x80xi32, #tpu.memory_space<vmem>>
        %dma_start3A_711 = arith.constant 0 : i32
        %dma_start3A_712 = arith.constant 0 : i32
        %dma_start3A_713 = tpu.memref_slice %arg4[%add3A_456, %dma_start3A_711, %dma_start3A_712] : memref<4000x2x80xi32, #tpu.memory_space<hbm>> -> memref<1x2x80xi32, #tpu.memory_space<hbm>>
        %dma_start3A_714 = tpu.memref_squeeze %dma_start3A_713 : memref<1x2x80xi32, #tpu.memory_space<hbm>> -> memref<2x80xi32, #tpu.memory_space<hbm>>
        tpu.enqueue_dma source(%dma_start3A_714 : memref<2x80xi32, #tpu.memory_space<hbm>>) target(%dma_start3A_710 : memref<2x80xi32, #tpu.memory_space<vmem>>) target_semaphore(%run_scoped3A_698 : memref<!tpu.dma_semaphore, #tpu.memory_space<semaphore_mem>>)
        %dma_wait3A_715 = arith.constant 0 : i32
        %dma_wait3A_716 = arith.constant 0 : i32
        %dma_wait3A_717 = tpu.memref_slice %arg7[%run_scoped3A_457, %dma_wait3A_715, %dma_wait3A_716] : memref<2x2x80xi32, #tpu.memory_space<vmem>> -> memref<1x2x80xi32, #tpu.memory_space<vmem>>
        %dma_wait3A_718 = tpu.memref_squeeze %dma_wait3A_717 : memref<1x2x80xi32, #tpu.memory_space<vmem>> -> memref<2x80xi32, #tpu.memory_space<vmem>>
        %dma_wait3A_719 = arith.constant 0 : i32
        %dma_wait3A_720 = arith.constant 0 : i32
        %dma_wait3A_721 = tpu.memref_slice %arg4[%add3A_456, %dma_wait3A_719, %dma_wait3A_720] : memref<4000x2x80xi32, #tpu.memory_space<hbm>> -> memref<1x2x80xi32, #tpu.memory_space<hbm>>
        %dma_wait3A_722 = tpu.memref_squeeze %dma_wait3A_721 : memref<1x2x80xi32, #tpu.memory_space<hbm>> -> memref<2x80xi32, #tpu.memory_space<hbm>>
        %dma_wait3A_723 = arith.constant 0 : i32
        %dma_wait3A_724 = arith.constant 0 : i32
        %dma_wait3A_725 = tpu.memref_slice %arg7[%run_scoped3A_457, %dma_wait3A_723, %dma_wait3A_724] : memref<2x2x80xi32, #tpu.memory_space<vmem>> -> memref<1x2x80xi32, #tpu.memory_space<vmem>>
        %dma_wait3A_726 = tpu.memref_squeeze %dma_wait3A_725 : memref<1x2x80xi32, #tpu.memory_space<vmem>> -> memref<2x80xi32, #tpu.memory_space<vmem>>
        %dma_wait3A_727 = arith.constant 0 : i32
        %dma_wait3A_728 = arith.constant 0 : i32
        %dma_wait3A_729 = tpu.memref_slice %arg4[%add3A_456, %dma_wait3A_727, %dma_wait3A_728] : memref<4000x2x80xi32, #tpu.memory_space<hbm>> -> memref<1x2x80xi32, #tpu.memory_space<hbm>>
        %dma_wait3A_730 = tpu.memref_squeeze %dma_wait3A_729 : memref<1x2x80xi32, #tpu.memory_space<hbm>> -> memref<2x80xi32, #tpu.memory_space<hbm>>
        tpu.wait_dma2 semaphore(%run_scoped3A_698 : memref<!tpu.dma_semaphore, #tpu.memory_space<semaphore_mem>>) src(%dma_wait3A_730 : memref<2x80xi32, #tpu.memory_space<hbm>>) dst(%dma_wait3A_726 : memref<2x80xi32, #tpu.memory_space<vmem>>)
        tpu.yield
      }) : () -> ()
      %dma_start3A_458 = arith.constant 0 : i32
      %dma_start3A_459 = arith.constant 0 : i32
      %dma_start3A_460 = arith.constant 0 : i32
      %dma_start3A_461 = arith.constant 0 : i32
      %dma_start3A_462 = arith.constant 0 : i32
      %dma_start3A_463 = arith.constant 0 : i32
      %dma_start3A_464 = tpu.memref_slice %arg8[%dma_start3A_460, %dma_start3A_462, %dma_start3A_463] : memref<2x80x128xf32, #tpu.memory_space<vmem>> -> memref<1x80x128xf32, #tpu.memory_space<vmem>>
      %dma_start3A_465 = tpu.memref_squeeze %dma_start3A_464 : memref<1x80x128xf32, #tpu.memory_space<vmem>> -> memref<80x128xf32, #tpu.memory_space<vmem>>
      %dma_start3A_466 = arith.constant 0 : i32
      %dma_start3A_467 = tpu.memref_slice %arg7[%dma_start3A_458, %dma_start3A_459, %dma_start3A_466] : memref<2x2x80xi32, #tpu.memory_space<vmem>> -> memref<1x1x80xi32, #tpu.memory_space<vmem>>
      %dma_start3A_468 = tpu.memref_squeeze %dma_start3A_467 : memref<1x1x80xi32, #tpu.memory_space<vmem>> -> memref<80xi32, #tpu.memory_space<vmem>>
      %dma_start3A_469 = arith.constant 0 : i32
      %dma_start3A_470 = arith.constant 0 : i32
      %dma_start3A_471 = tpu.memref_slice %arg2[%dma_start3A_469, %dma_start3A_470] : memref<10000x128xf32, #tpu.memory_space<hbm>> -> memref<10000x128xf32, #tpu.memory_space<hbm>>
      %dma_start3A_472 = tpu.memref_slice %arg11[%dma_start3A_461] : memref<2x!tpu.dma_semaphore, #tpu.memory_space<semaphore_mem>> -> memref<1x!tpu.dma_semaphore, #tpu.memory_space<semaphore_mem>>
      %dma_start3A_473 = tpu.memref_squeeze %dma_start3A_472 : memref<1x!tpu.dma_semaphore, #tpu.memory_space<semaphore_mem>> -> memref<!tpu.dma_semaphore, #tpu.memory_space<semaphore_mem>>
      tpu.enqueue_indirect_dma source(%dma_start3A_471 : memref<10000x128xf32, #tpu.memory_space<hbm>>) target(%dma_start3A_465 : memref<80x128xf32, #tpu.memory_space<vmem>>) offsets(%dma_start3A_468 : memref<80xi32, #tpu.memory_space<vmem>>) semaphore(%dma_start3A_473 : memref<!tpu.dma_semaphore, #tpu.memory_space<semaphore_mem>>)
      %mul3A_474 = arith.constant 80 : i32
      %mul3A_475 = arith.muli %add3A_456, %mul3A_474 : i32
      %dma_start3A_476 = arith.constant 0 : i32
      %dma_start3A_477 = arith.constant 0 : i32
      %dma_start3A_478 = arith.constant 0 : i32
      %dma_start3A_479 = arith.constant 0 : i32
      %dma_start3A_480 = tpu.memref_slice %arg9[%dma_start3A_476, %dma_start3A_478, %dma_start3A_479] : memref<2x80x128xf32, #tpu.memory_space<vmem>> -> memref<1x80x128xf32, #tpu.memory_space<vmem>>
      %dma_start3A_481 = tpu.memref_squeeze %dma_start3A_480 : memref<1x80x128xf32, #tpu.memory_space<vmem>> -> memref<80x128xf32, #tpu.memory_space<vmem>>
      %dma_start3A_482 = arith.constant 0 : i32
      %dma_start3A_483 = tpu.memref_slice %arg3[%mul3A_475, %dma_start3A_482] : memref<320000x128xf32, #tpu.memory_space<hbm>> -> memref<80x128xf32, #tpu.memory_space<hbm>>
      %dma_start3A_484 = tpu.memref_slice %arg12[%dma_start3A_477] : memref<2x!tpu.dma_semaphore, #tpu.memory_space<semaphore_mem>> -> memref<1x!tpu.dma_semaphore, #tpu.memory_space<semaphore_mem>>
      %dma_start3A_485 = tpu.memref_squeeze %dma_start3A_484 : memref<1x!tpu.dma_semaphore, #tpu.memory_space<semaphore_mem>> -> memref<!tpu.dma_semaphore, #tpu.memory_space<semaphore_mem>>
      %dma_start3A_486 = arith.constant 0 : i32
      %dma_start3A_487 = arith.constant 0 : i32
      %dma_start3A_488 = tpu.memref_slice %arg9[%dma_start3A_476, %dma_start3A_486, %dma_start3A_487] : memref<2x80x128xf32, #tpu.memory_space<vmem>> -> memref<1x80x128xf32, #tpu.memory_space<vmem>>
      %dma_start3A_489 = tpu.memref_squeeze %dma_start3A_488 : memref<1x80x128xf32, #tpu.memory_space<vmem>> -> memref<80x128xf32, #tpu.memory_space<vmem>>
      %dma_start3A_490 = arith.constant 0 : i32
      %dma_start3A_491 = tpu.memref_slice %arg3[%mul3A_475, %dma_start3A_490] : memref<320000x128xf32, #tpu.memory_space<hbm>> -> memref<80x128xf32, #tpu.memory_space<hbm>>
      tpu.enqueue_dma source(%dma_start3A_491 : memref<80x128xf32, #tpu.memory_space<hbm>>) target(%dma_start3A_489 : memref<80x128xf32, #tpu.memory_space<vmem>>) target_semaphore(%dma_start3A_485 : memref<!tpu.dma_semaphore, #tpu.memory_space<semaphore_mem>>)
      %dma_wait3A_492 = arith.constant 1 : i32
      %dma_wait3A_493 = arith.constant 0 : i32
      %dma_wait3A_494 = arith.constant 1 : i32
      %dma_wait3A_495 = arith.constant 1 : i32
      %dma_wait3A_496 = arith.constant 0 : i32
      %dma_wait3A_497 = arith.constant 0 : i32
      %dma_wait3A_498 = tpu.memref_slice %arg8[%dma_wait3A_494, %dma_wait3A_496, %dma_wait3A_497] : memref<2x80x128xf32, #tpu.memory_space<vmem>> -> memref<1x80x128xf32, #tpu.memory_space<vmem>>
      %dma_wait3A_499 = tpu.memref_squeeze %dma_wait3A_498 : memref<1x80x128xf32, #tpu.memory_space<vmem>> -> memref<80x128xf32, #tpu.memory_space<vmem>>
      %dma_wait3A_500 = arith.constant 0 : i32
      %dma_wait3A_501 = tpu.memref_slice %arg7[%dma_wait3A_492, %dma_wait3A_493, %dma_wait3A_500] : memref<2x2x80xi32, #tpu.memory_space<vmem>> -> memref<1x1x80xi32, #tpu.memory_space<vmem>>
      %dma_wait3A_502 = tpu.memref_squeeze %dma_wait3A_501 : memref<1x1x80xi32, #tpu.memory_space<vmem>> -> memref<80xi32, #tpu.memory_space<vmem>>
      %dma_wait3A_503 = arith.constant 0 : i32
      %dma_wait3A_504 = arith.constant 0 : i32
      %dma_wait3A_505 = tpu.memref_slice %arg2[%dma_wait3A_503, %dma_wait3A_504] : memref<10000x128xf32, #tpu.memory_space<hbm>> -> memref<10000x128xf32, #tpu.memory_space<hbm>>
      %dma_wait3A_506 = tpu.memref_slice %arg11[%dma_wait3A_495] : memref<2x!tpu.dma_semaphore, #tpu.memory_space<semaphore_mem>> -> memref<1x!tpu.dma_semaphore, #tpu.memory_space<semaphore_mem>>
      %dma_wait3A_507 = tpu.memref_squeeze %dma_wait3A_506 : memref<1x!tpu.dma_semaphore, #tpu.memory_space<semaphore_mem>> -> memref<!tpu.dma_semaphore, #tpu.memory_space<semaphore_mem>>
      tpu.wait_indirect_dma semaphore(%dma_wait3A_507 : memref<!tpu.dma_semaphore, #tpu.memory_space<semaphore_mem>>) src(%dma_wait3A_505 : memref<10000x128xf32, #tpu.memory_space<hbm>>) dst(%dma_wait3A_499 : memref<80x128xf32, #tpu.memory_space<vmem>>)
      %dma_wait3A_508 = arith.constant 1 : i32
      %dma_wait3A_509 = arith.constant 1 : i32
      %dma_wait3A_510 = arith.constant 0 : i32
      %dma_wait3A_511 = arith.constant 0 : i32
      %dma_wait3A_512 = tpu.memref_slice %arg9[%dma_wait3A_508, %dma_wait3A_510, %dma_wait3A_511] : memref<2x80x128xf32, #tpu.memory_space<vmem>> -> memref<1x80x128xf32, #tpu.memory_space<vmem>>
      %dma_wait3A_513 = tpu.memref_squeeze %dma_wait3A_512 : memref<1x80x128xf32, #tpu.memory_space<vmem>> -> memref<80x128xf32, #tpu.memory_space<vmem>>
      %dma_wait3A_514 = arith.constant 0 : i32
      %dma_wait3A_515 = arith.constant 0 : i32
      %dma_wait3A_516 = tpu.memref_slice %arg3[%dma_wait3A_514, %dma_wait3A_515] : memref<320000x128xf32, #tpu.memory_space<hbm>> -> memref<80x128xf32, #tpu.memory_space<hbm>>
      %dma_wait3A_517 = tpu.memref_slice %arg12[%dma_wait3A_509] : memref<2x!tpu.dma_semaphore, #tpu.memory_space<semaphore_mem>> -> memref<1x!tpu.dma_semaphore, #tpu.memory_space<semaphore_mem>>
      %dma_wait3A_518 = tpu.memref_squeeze %dma_wait3A_517 : memref<1x!tpu.dma_semaphore, #tpu.memory_space<semaphore_mem>> -> memref<!tpu.dma_semaphore, #tpu.memory_space<semaphore_mem>>
      %dma_wait3A_519 = arith.constant 0 : i32
      %dma_wait3A_520 = arith.constant 0 : i32
      %dma_wait3A_521 = tpu.memref_slice %arg9[%dma_wait3A_508, %dma_wait3A_519, %dma_wait3A_520] : memref<2x80x128xf32, #tpu.memory_space<vmem>> -> memref<1x80x128xf32, #tpu.memory_space<vmem>>
      %dma_wait3A_522 = tpu.memref_squeeze %dma_wait3A_521 : memref<1x80x128xf32, #tpu.memory_space<vmem>> -> memref<80x128xf32, #tpu.memory_space<vmem>>
      %dma_wait3A_523 = arith.constant 0 : i32
      %dma_wait3A_524 = arith.constant 0 : i32
      %dma_wait3A_525 = tpu.memref_slice %arg3[%dma_wait3A_523, %dma_wait3A_524] : memref<320000x128xf32, #tpu.memory_space<hbm>> -> memref<80x128xf32, #tpu.memory_space<hbm>>
      tpu.wait_dma2 semaphore(%dma_wait3A_518 : memref<!tpu.dma_semaphore, #tpu.memory_space<semaphore_mem>>) src(%dma_wait3A_525 : memref<80x128xf32, #tpu.memory_space<hbm>>) dst(%dma_wait3A_522 : memref<80x128xf32, #tpu.memory_space<vmem>>)
      %dma_start3A_526 = arith.constant 1 : i32
      %dma_start3A_527 = arith.constant 1 : i32
      %dma_start3A_528 = arith.constant 1 : i32
      %dma_start3A_529 = arith.constant 1 : i32
      %dma_start3A_530 = arith.constant 0 : i32
      %dma_start3A_531 = arith.constant 0 : i32
      %dma_start3A_532 = tpu.memref_slice %arg8[%dma_start3A_526, %dma_start3A_530, %dma_start3A_531] : memref<2x80x128xf32, #tpu.memory_space<vmem>> -> memref<1x80x128xf32, #tpu.memory_space<vmem>>
      %dma_start3A_533 = tpu.memref_squeeze %dma_start3A_532 : memref<1x80x128xf32, #tpu.memory_space<vmem>> -> memref<80x128xf32, #tpu.memory_space<vmem>>
      %dma_start3A_534 = arith.constant 0 : i32
      %dma_start3A_535 = tpu.memref_slice %arg7[%dma_start3A_527, %dma_start3A_528, %dma_start3A_534] : memref<2x2x80xi32, #tpu.memory_space<vmem>> -> memref<1x1x80xi32, #tpu.memory_space<vmem>>
      %dma_start3A_536 = tpu.memref_squeeze %dma_start3A_535 : memref<1x1x80xi32, #tpu.memory_space<vmem>> -> memref<80xi32, #tpu.memory_space<vmem>>
      %dma_start3A_537 = arith.constant 0 : i32
      %dma_start3A_538 = arith.constant 0 : i32
      %dma_start3A_539 = tpu.memref_slice %arg10[%dma_start3A_537, %dma_start3A_538] : memref<10112x128xf32, #tpu.memory_space<vmem_shared>> -> memref<10112x128xf32, #tpu.memory_space<vmem_shared>>
      %dma_start3A_540 = tpu.memref_slice %arg13[%dma_start3A_529] : memref<2x!tpu.dma_semaphore, #tpu.memory_space<semaphore_mem>> -> memref<1x!tpu.dma_semaphore, #tpu.memory_space<semaphore_mem>>
      %dma_start3A_541 = tpu.memref_squeeze %dma_start3A_540 : memref<1x!tpu.dma_semaphore, #tpu.memory_space<semaphore_mem>> -> memref<!tpu.dma_semaphore, #tpu.memory_space<semaphore_mem>>
      tpu.enqueue_indirect_dma source(%dma_start3A_533 : memref<80x128xf32, #tpu.memory_space<vmem>>) target(%dma_start3A_539 : memref<10112x128xf32, #tpu.memory_space<vmem_shared>>) offsets(%dma_start3A_536 : memref<80xi32, #tpu.memory_space<vmem>>) semaphore(%dma_start3A_541 : memref<!tpu.dma_semaphore, #tpu.memory_space<semaphore_mem>>) {add = true}
      %dma_start3A_542 = arith.constant 1 : i32
      %dma_start3A_543 = arith.constant 1 : i32
      %dma_start3A_544 = arith.constant 1 : i32
      %dma_start3A_545 = arith.constant 1 : i32
      %dma_start3A_546 = arith.constant 0 : i32
      %dma_start3A_547 = arith.constant 0 : i32
      %dma_start3A_548 = tpu.memref_slice %arg9[%dma_start3A_542, %dma_start3A_546, %dma_start3A_547] : memref<2x80x128xf32, #tpu.memory_space<vmem>> -> memref<1x80x128xf32, #tpu.memory_space<vmem>>
      %dma_start3A_549 = tpu.memref_squeeze %dma_start3A_548 : memref<1x80x128xf32, #tpu.memory_space<vmem>> -> memref<80x128xf32, #tpu.memory_space<vmem>>
      %dma_start3A_550 = arith.constant 0 : i32
      %dma_start3A_551 = tpu.memref_slice %arg7[%dma_start3A_543, %dma_start3A_544, %dma_start3A_550] : memref<2x2x80xi32, #tpu.memory_space<vmem>> -> memref<1x1x80xi32, #tpu.memory_space<vmem>>
      %dma_start3A_552 = tpu.memref_squeeze %dma_start3A_551 : memref<1x1x80xi32, #tpu.memory_space<vmem>> -> memref<80xi32, #tpu.memory_space<vmem>>
      %dma_start3A_553 = arith.constant 0 : i32
      %dma_start3A_554 = arith.constant 0 : i32
      %dma_start3A_555 = tpu.memref_slice %arg10[%dma_start3A_553, %dma_start3A_554] : memref<10112x128xf32, #tpu.memory_space<vmem_shared>> -> memref<10112x128xf32, #tpu.memory_space<vmem_shared>>
      %dma_start3A_556 = tpu.memref_slice %arg13[%dma_start3A_545] : memref<2x!tpu.dma_semaphore, #tpu.memory_space<semaphore_mem>> -> memref<1x!tpu.dma_semaphore, #tpu.memory_space<semaphore_mem>>
      %dma_start3A_557 = tpu.memref_squeeze %dma_start3A_556 : memref<1x!tpu.dma_semaphore, #tpu.memory_space<semaphore_mem>> -> memref<!tpu.dma_semaphore, #tpu.memory_space<semaphore_mem>>
      tpu.enqueue_indirect_dma source(%dma_start3A_549 : memref<80x128xf32, #tpu.memory_space<vmem>>) target(%dma_start3A_555 : memref<10112x128xf32, #tpu.memory_space<vmem_shared>>) offsets(%dma_start3A_552 : memref<80xi32, #tpu.memory_space<vmem>>) semaphore(%dma_start3A_557 : memref<!tpu.dma_semaphore, #tpu.memory_space<semaphore_mem>>) {add = true}
      %mul3A_558 = arith.constant 2 : i32
      %mul3A_559 = arith.muli %mul3A_558, %scan3A_417 : i32
      %add3A_560 = arith.constant 1 : i32
      %add3A_561 = arith.addi %mul3A_559, %add3A_560 : i32
      %dma_wait3A_562 = arith.constant 1 : i32
      %dma_wait3A_563 = arith.constant 1 : i32
      %dma_wait3A_564 = arith.constant 1 : i32
      %dma_wait3A_565 = arith.constant 1 : i32
      %dma_wait3A_566 = arith.constant 0 : i32
      %dma_wait3A_567 = arith.constant 0 : i32
      %dma_wait3A_568 = tpu.memref_slice %arg8[%dma_wait3A_562, %dma_wait3A_566, %dma_wait3A_567] : memref<2x80x128xf32, #tpu.memory_space<vmem>> -> memref<1x80x128xf32, #tpu.memory_space<vmem>>
      %dma_wait3A_569 = tpu.memref_squeeze %dma_wait3A_568 : memref<1x80x128xf32, #tpu.memory_space<vmem>> -> memref<80x128xf32, #tpu.memory_space<vmem>>
      %dma_wait3A_570 = arith.constant 0 : i32
      %dma_wait3A_571 = tpu.memref_slice %arg7[%dma_wait3A_563, %dma_wait3A_564, %dma_wait3A_570] : memref<2x2x80xi32, #tpu.memory_space<vmem>> -> memref<1x1x80xi32, #tpu.memory_space<vmem>>
      %dma_wait3A_572 = tpu.memref_squeeze %dma_wait3A_571 : memref<1x1x80xi32, #tpu.memory_space<vmem>> -> memref<80xi32, #tpu.memory_space<vmem>>
      %dma_wait3A_573 = arith.constant 0 : i32
      %dma_wait3A_574 = arith.constant 0 : i32
      %dma_wait3A_575 = tpu.memref_slice %arg10[%dma_wait3A_573, %dma_wait3A_574] : memref<10112x128xf32, #tpu.memory_space<vmem_shared>> -> memref<10112x128xf32, #tpu.memory_space<vmem_shared>>
      %dma_wait3A_576 = tpu.memref_slice %arg13[%dma_wait3A_565] : memref<2x!tpu.dma_semaphore, #tpu.memory_space<semaphore_mem>> -> memref<1x!tpu.dma_semaphore, #tpu.memory_space<semaphore_mem>>
      %dma_wait3A_577 = tpu.memref_squeeze %dma_wait3A_576 : memref<1x!tpu.dma_semaphore, #tpu.memory_space<semaphore_mem>> -> memref<!tpu.dma_semaphore, #tpu.memory_space<semaphore_mem>>
      tpu.wait_indirect_dma semaphore(%dma_wait3A_577 : memref<!tpu.dma_semaphore, #tpu.memory_space<semaphore_mem>>) src(%dma_wait3A_569 : memref<80x128xf32, #tpu.memory_space<vmem>>) dst(%dma_wait3A_575 : memref<10112x128xf32, #tpu.memory_space<vmem_shared>>)
      %dma_wait3A_578 = arith.constant 1 : i32
      %dma_wait3A_579 = arith.constant 1 : i32
      %dma_wait3A_580 = arith.constant 1 : i32
      %dma_wait3A_581 = arith.constant 1 : i32
      %dma_wait3A_582 = arith.constant 0 : i32
      %dma_wait3A_583 = arith.constant 0 : i32
      %dma_wait3A_584 = tpu.memref_slice %arg9[%dma_wait3A_578, %dma_wait3A_582, %dma_wait3A_583] : memref<2x80x128xf32, #tpu.memory_space<vmem>> -> memref<1x80x128xf32, #tpu.memory_space<vmem>>
      %dma_wait3A_585 = tpu.memref_squeeze %dma_wait3A_584 : memref<1x80x128xf32, #tpu.memory_space<vmem>> -> memref<80x128xf32, #tpu.memory_space<vmem>>
      %dma_wait3A_586 = arith.constant 0 : i32
      %dma_wait3A_587 = tpu.memref_slice %arg7[%dma_wait3A_579, %dma_wait3A_580, %dma_wait3A_586] : memref<2x2x80xi32, #tpu.memory_space<vmem>> -> memref<1x1x80xi32, #tpu.memory_space<vmem>>
      %dma_wait3A_588 = tpu.memref_squeeze %dma_wait3A_587 : memref<1x1x80xi32, #tpu.memory_space<vmem>> -> memref<80xi32, #tpu.memory_space<vmem>>
      %dma_wait3A_589 = arith.constant 0 : i32
      %dma_wait3A_590 = arith.constant 0 : i32
      %dma_wait3A_591 = tpu.memref_slice %arg10[%dma_wait3A_589, %dma_wait3A_590] : memref<10112x128xf32, #tpu.memory_space<vmem_shared>> -> memref<10112x128xf32, #tpu.memory_space<vmem_shared>>
      %dma_wait3A_592 = tpu.memref_slice %arg13[%dma_wait3A_581] : memref<2x!tpu.dma_semaphore, #tpu.memory_space<semaphore_mem>> -> memref<1x!tpu.dma_semaphore, #tpu.memory_space<semaphore_mem>>
      %dma_wait3A_593 = tpu.memref_squeeze %dma_wait3A_592 : memref<1x!tpu.dma_semaphore, #tpu.memory_space<semaphore_mem>> -> memref<!tpu.dma_semaphore, #tpu.memory_space<semaphore_mem>>
      tpu.wait_indirect_dma semaphore(%dma_wait3A_593 : memref<!tpu.dma_semaphore, #tpu.memory_space<semaphore_mem>>) src(%dma_wait3A_585 : memref<80x128xf32, #tpu.memory_space<vmem>>) dst(%dma_wait3A_591 : memref<10112x128xf32, #tpu.memory_space<vmem_shared>>)
      %mul3A_594 = arith.constant 32 : i32
      %mul3A_595 = arith.muli %mul3A_594, %add3A_561 : i32
      %add3A_596 = arith.addi %add3A, %mul3A_595 : i32
      %run_scoped3A_597 = arith.constant 1 : i32
      "tpu.region"() ({
        %run_scoped3A_698 = tpu.sem_alloc : memref<!tpu.dma_semaphore, #tpu.memory_space<semaphore_mem>>
        %dma_start3A_699 = arith.constant 0 : i32
        %dma_start3A_700 = arith.constant 0 : i32
        %dma_start3A_701 = tpu.memref_slice %arg7[%run_scoped3A_597, %dma_start3A_699, %dma_start3A_700] : memref<2x2x80xi32, #tpu.memory_space<vmem>> -> memref<1x2x80xi32, #tpu.memory_space<vmem>>
        %dma_start3A_702 = tpu.memref_squeeze %dma_start3A_701 : memref<1x2x80xi32, #tpu.memory_space<vmem>> -> memref<2x80xi32, #tpu.memory_space<vmem>>
        %dma_start3A_703 = arith.constant 0 : i32
        %dma_start3A_704 = arith.constant 0 : i32
        %dma_start3A_705 = tpu.memref_slice %arg4[%add3A_596, %dma_start3A_703, %dma_start3A_704] : memref<4000x2x80xi32, #tpu.memory_space<hbm>> -> memref<1x2x80xi32, #tpu.memory_space<hbm>>
        %dma_start3A_706 = tpu.memref_squeeze %dma_start3A_705 : memref<1x2x80xi32, #tpu.memory_space<hbm>> -> memref<2x80xi32, #tpu.memory_space<hbm>>
        %dma_start3A_707 = arith.constant 0 : i32
        %dma_start3A_708 = arith.constant 0 : i32
        %dma_start3A_709 = tpu.memref_slice %arg7[%run_scoped3A_597, %dma_start3A_707, %dma_start3A_708] : memref<2x2x80xi32, #tpu.memory_space<vmem>> -> memref<1x2x80xi32, #tpu.memory_space<vmem>>
        %dma_start3A_710 = tpu.memref_squeeze %dma_start3A_709 : memref<1x2x80xi32, #tpu.memory_space<vmem>> -> memref<2x80xi32, #tpu.memory_space<vmem>>
        %dma_start3A_711 = arith.constant 0 : i32
        %dma_start3A_712 = arith.constant 0 : i32
        %dma_start3A_713 = tpu.memref_slice %arg4[%add3A_596, %dma_start3A_711, %dma_start3A_712] : memref<4000x2x80xi32, #tpu.memory_space<hbm>> -> memref<1x2x80xi32, #tpu.memory_space<hbm>>
        %dma_start3A_714 = tpu.memref_squeeze %dma_start3A_713 : memref<1x2x80xi32, #tpu.memory_space<hbm>> -> memref<2x80xi32, #tpu.memory_space<hbm>>
        tpu.enqueue_dma source(%dma_start3A_714 : memref<2x80xi32, #tpu.memory_space<hbm>>) target(%dma_start3A_710 : memref<2x80xi32, #tpu.memory_space<vmem>>) target_semaphore(%run_scoped3A_698 : memref<!tpu.dma_semaphore, #tpu.memory_space<semaphore_mem>>)
        %dma_wait3A_715 = arith.constant 0 : i32
        %dma_wait3A_716 = arith.constant 0 : i32
        %dma_wait3A_717 = tpu.memref_slice %arg7[%run_scoped3A_597, %dma_wait3A_715, %dma_wait3A_716] : memref<2x2x80xi32, #tpu.memory_space<vmem>> -> memref<1x2x80xi32, #tpu.memory_space<vmem>>
        %dma_wait3A_718 = tpu.memref_squeeze %dma_wait3A_717 : memref<1x2x80xi32, #tpu.memory_space<vmem>> -> memref<2x80xi32, #tpu.memory_space<vmem>>
        %dma_wait3A_719 = arith.constant 0 : i32
        %dma_wait3A_720 = arith.constant 0 : i32
        %dma_wait3A_721 = tpu.memref_slice %arg4[%add3A_596, %dma_wait3A_719, %dma_wait3A_720] : memref<4000x2x80xi32, #tpu.memory_space<hbm>> -> memref<1x2x80xi32, #tpu.memory_space<hbm>>
        %dma_wait3A_722 = tpu.memref_squeeze %dma_wait3A_721 : memref<1x2x80xi32, #tpu.memory_space<hbm>> -> memref<2x80xi32, #tpu.memory_space<hbm>>
        %dma_wait3A_723 = arith.constant 0 : i32
        %dma_wait3A_724 = arith.constant 0 : i32
        %dma_wait3A_725 = tpu.memref_slice %arg7[%run_scoped3A_597, %dma_wait3A_723, %dma_wait3A_724] : memref<2x2x80xi32, #tpu.memory_space<vmem>> -> memref<1x2x80xi32, #tpu.memory_space<vmem>>
        %dma_wait3A_726 = tpu.memref_squeeze %dma_wait3A_725 : memref<1x2x80xi32, #tpu.memory_space<vmem>> -> memref<2x80xi32, #tpu.memory_space<vmem>>
        %dma_wait3A_727 = arith.constant 0 : i32
        %dma_wait3A_728 = arith.constant 0 : i32
        %dma_wait3A_729 = tpu.memref_slice %arg4[%add3A_596, %dma_wait3A_727, %dma_wait3A_728] : memref<4000x2x80xi32, #tpu.memory_space<hbm>> -> memref<1x2x80xi32, #tpu.memory_space<hbm>>
        %dma_wait3A_730 = tpu.memref_squeeze %dma_wait3A_729 : memref<1x2x80xi32, #tpu.memory_space<hbm>> -> memref<2x80xi32, #tpu.memory_space<hbm>>
        tpu.wait_dma2 semaphore(%run_scoped3A_698 : memref<!tpu.dma_semaphore, #tpu.memory_space<semaphore_mem>>) src(%dma_wait3A_730 : memref<2x80xi32, #tpu.memory_space<hbm>>) dst(%dma_wait3A_726 : memref<2x80xi32, #tpu.memory_space<vmem>>)
        tpu.yield
      }) : () -> ()
      %dma_start3A_598 = arith.constant 1 : i32
      %dma_start3A_599 = arith.constant 0 : i32
      %dma_start3A_600 = arith.constant 1 : i32
      %dma_start3A_601 = arith.constant 1 : i32
      %dma_start3A_602 = arith.constant 0 : i32
      %dma_start3A_603 = arith.constant 0 : i32
      %dma_start3A_604 = tpu.memref_slice %arg8[%dma_start3A_600, %dma_start3A_602, %dma_start3A_603] : memref<2x80x128xf32, #tpu.memory_space<vmem>> -> memref<1x80x128xf32, #tpu.memory_space<vmem>>
      %dma_start3A_605 = tpu.memref_squeeze %dma_start3A_604 : memref<1x80x128xf32, #tpu.memory_space<vmem>> -> memref<80x128xf32, #tpu.memory_space<vmem>>
      %dma_start3A_606 = arith.constant 0 : i32
      %dma_start3A_607 = tpu.memref_slice %arg7[%dma_start3A_598, %dma_start3A_599, %dma_start3A_606] : memref<2x2x80xi32, #tpu.memory_space<vmem>> -> memref<1x1x80xi32, #tpu.memory_space<vmem>>
      %dma_start3A_608 = tpu.memref_squeeze %dma_start3A_607 : memref<1x1x80xi32, #tpu.memory_space<vmem>> -> memref<80xi32, #tpu.memory_space<vmem>>
      %dma_start3A_609 = arith.constant 0 : i32
      %dma_start3A_610 = arith.constant 0 : i32
      %dma_start3A_611 = tpu.memref_slice %arg2[%dma_start3A_609, %dma_start3A_610] : memref<10000x128xf32, #tpu.memory_space<hbm>> -> memref<10000x128xf32, #tpu.memory_space<hbm>>
      %dma_start3A_612 = tpu.memref_slice %arg11[%dma_start3A_601] : memref<2x!tpu.dma_semaphore, #tpu.memory_space<semaphore_mem>> -> memref<1x!tpu.dma_semaphore, #tpu.memory_space<semaphore_mem>>
      %dma_start3A_613 = tpu.memref_squeeze %dma_start3A_612 : memref<1x!tpu.dma_semaphore, #tpu.memory_space<semaphore_mem>> -> memref<!tpu.dma_semaphore, #tpu.memory_space<semaphore_mem>>
      tpu.enqueue_indirect_dma source(%dma_start3A_611 : memref<10000x128xf32, #tpu.memory_space<hbm>>) target(%dma_start3A_605 : memref<80x128xf32, #tpu.memory_space<vmem>>) offsets(%dma_start3A_608 : memref<80xi32, #tpu.memory_space<vmem>>) semaphore(%dma_start3A_613 : memref<!tpu.dma_semaphore, #tpu.memory_space<semaphore_mem>>)
      %mul3A_614 = arith.constant 80 : i32
      %mul3A_615 = arith.muli %add3A_596, %mul3A_614 : i32
      %dma_start3A_616 = arith.constant 1 : i32
      %dma_start3A_617 = arith.constant 1 : i32
      %dma_start3A_618 = arith.constant 0 : i32
      %dma_start3A_619 = arith.constant 0 : i32
      %dma_start3A_620 = tpu.memref_slice %arg9[%dma_start3A_616, %dma_start3A_618, %dma_start3A_619] : memref<2x80x128xf32, #tpu.memory_space<vmem>> -> memref<1x80x128xf32, #tpu.memory_space<vmem>>
      %dma_start3A_621 = tpu.memref_squeeze %dma_start3A_620 : memref<1x80x128xf32, #tpu.memory_space<vmem>> -> memref<80x128xf32, #tpu.memory_space<vmem>>
      %dma_start3A_622 = arith.constant 0 : i32
      %dma_start3A_623 = tpu.memref_slice %arg3[%mul3A_615, %dma_start3A_622] : memref<320000x128xf32, #tpu.memory_space<hbm>> -> memref<80x128xf32, #tpu.memory_space<hbm>>
      %dma_start3A_624 = tpu.memref_slice %arg12[%dma_start3A_617] : memref<2x!tpu.dma_semaphore, #tpu.memory_space<semaphore_mem>> -> memref<1x!tpu.dma_semaphore, #tpu.memory_space<semaphore_mem>>
      %dma_start3A_625 = tpu.memref_squeeze %dma_start3A_624 : memref<1x!tpu.dma_semaphore, #tpu.memory_space<semaphore_mem>> -> memref<!tpu.dma_semaphore, #tpu.memory_space<semaphore_mem>>
      %dma_start3A_626 = arith.constant 0 : i32
      %dma_start3A_627 = arith.constant 0 : i32
      %dma_start3A_628 = tpu.memref_slice %arg9[%dma_start3A_616, %dma_start3A_626, %dma_start3A_627] : memref<2x80x128xf32, #tpu.memory_space<vmem>> -> memref<1x80x128xf32, #tpu.memory_space<vmem>>
      %dma_start3A_629 = tpu.memref_squeeze %dma_start3A_628 : memref<1x80x128xf32, #tpu.memory_space<vmem>> -> memref<80x128xf32, #tpu.memory_space<vmem>>
      %dma_start3A_630 = arith.constant 0 : i32
      %dma_start3A_631 = tpu.memref_slice %arg3[%mul3A_615, %dma_start3A_630] : memref<320000x128xf32, #tpu.memory_space<hbm>> -> memref<80x128xf32, #tpu.memory_space<hbm>>
      tpu.enqueue_dma source(%dma_start3A_631 : memref<80x128xf32, #tpu.memory_space<hbm>>) target(%dma_start3A_629 : memref<80x128xf32, #tpu.memory_space<vmem>>) target_semaphore(%dma_start3A_625 : memref<!tpu.dma_semaphore, #tpu.memory_space<semaphore_mem>>)
      %dma_wait3A_632 = arith.constant 0 : i32
      %dma_wait3A_633 = arith.constant 0 : i32
      %dma_wait3A_634 = arith.constant 0 : i32
      %dma_wait3A_635 = arith.constant 0 : i32
      %dma_wait3A_636 = arith.constant 0 : i32
      %dma_wait3A_637 = arith.constant 0 : i32
      %dma_wait3A_638 = tpu.memref_slice %arg8[%dma_wait3A_634, %dma_wait3A_636, %dma_wait3A_637] : memref<2x80x128xf32, #tpu.memory_space<vmem>> -> memref<1x80x128xf32, #tpu.memory_space<vmem>>
      %dma_wait3A_639 = tpu.memref_squeeze %dma_wait3A_638 : memref<1x80x128xf32, #tpu.memory_space<vmem>> -> memref<80x128xf32, #tpu.memory_space<vmem>>
      %dma_wait3A_640 = arith.constant 0 : i32
      %dma_wait3A_641 = tpu.memref_slice %arg7[%dma_wait3A_632, %dma_wait3A_633, %dma_wait3A_640] : memref<2x2x80xi32, #tpu.memory_space<vmem>> -> memref<1x1x80xi32, #tpu.memory_space<vmem>>
      %dma_wait3A_642 = tpu.memref_squeeze %dma_wait3A_641 : memref<1x1x80xi32, #tpu.memory_space<vmem>> -> memref<80xi32, #tpu.memory_space<vmem>>
      %dma_wait3A_643 = arith.constant 0 : i32
      %dma_wait3A_644 = arith.constant 0 : i32
      %dma_wait3A_645 = tpu.memref_slice %arg2[%dma_wait3A_643, %dma_wait3A_644] : memref<10000x128xf32, #tpu.memory_space<hbm>> -> memref<10000x128xf32, #tpu.memory_space<hbm>>
      %dma_wait3A_646 = tpu.memref_slice %arg11[%dma_wait3A_635] : memref<2x!tpu.dma_semaphore, #tpu.memory_space<semaphore_mem>> -> memref<1x!tpu.dma_semaphore, #tpu.memory_space<semaphore_mem>>
      %dma_wait3A_647 = tpu.memref_squeeze %dma_wait3A_646 : memref<1x!tpu.dma_semaphore, #tpu.memory_space<semaphore_mem>> -> memref<!tpu.dma_semaphore, #tpu.memory_space<semaphore_mem>>
      tpu.wait_indirect_dma semaphore(%dma_wait3A_647 : memref<!tpu.dma_semaphore, #tpu.memory_space<semaphore_mem>>) src(%dma_wait3A_645 : memref<10000x128xf32, #tpu.memory_space<hbm>>) dst(%dma_wait3A_639 : memref<80x128xf32, #tpu.memory_space<vmem>>)
      %dma_wait3A_648 = arith.constant 0 : i32
      %dma_wait3A_649 = arith.constant 0 : i32
      %dma_wait3A_650 = arith.constant 0 : i32
      %dma_wait3A_651 = arith.constant 0 : i32
      %dma_wait3A_652 = tpu.memref_slice %arg9[%dma_wait3A_648, %dma_wait3A_650, %dma_wait3A_651] : memref<2x80x128xf32, #tpu.memory_space<vmem>> -> memref<1x80x128xf32, #tpu.memory_space<vmem>>
      %dma_wait3A_653 = tpu.memref_squeeze %dma_wait3A_652 : memref<1x80x128xf32, #tpu.memory_space<vmem>> -> memref<80x128xf32, #tpu.memory_space<vmem>>
      %dma_wait3A_654 = arith.constant 0 : i32
      %dma_wait3A_655 = arith.constant 0 : i32
      %dma_wait3A_656 = tpu.memref_slice %arg3[%dma_wait3A_654, %dma_wait3A_655] : memref<320000x128xf32, #tpu.memory_space<hbm>> -> memref<80x128xf32, #tpu.memory_space<hbm>>
      %dma_wait3A_657 = tpu.memref_slice %arg12[%dma_wait3A_649] : memref<2x!tpu.dma_semaphore, #tpu.memory_space<semaphore_mem>> -> memref<1x!tpu.dma_semaphore, #tpu.memory_space<semaphore_mem>>
      %dma_wait3A_658 = tpu.memref_squeeze %dma_wait3A_657 : memref<1x!tpu.dma_semaphore, #tpu.memory_space<semaphore_mem>> -> memref<!tpu.dma_semaphore, #tpu.memory_space<semaphore_mem>>
      %dma_wait3A_659 = arith.constant 0 : i32
      %dma_wait3A_660 = arith.constant 0 : i32
      %dma_wait3A_661 = tpu.memref_slice %arg9[%dma_wait3A_648, %dma_wait3A_659, %dma_wait3A_660] : memref<2x80x128xf32, #tpu.memory_space<vmem>> -> memref<1x80x128xf32, #tpu.memory_space<vmem>>
      %dma_wait3A_662 = tpu.memref_squeeze %dma_wait3A_661 : memref<1x80x128xf32, #tpu.memory_space<vmem>> -> memref<80x128xf32, #tpu.memory_space<vmem>>
      %dma_wait3A_663 = arith.constant 0 : i32
      %dma_wait3A_664 = arith.constant 0 : i32
      %dma_wait3A_665 = tpu.memref_slice %arg3[%dma_wait3A_663, %dma_wait3A_664] : memref<320000x128xf32, #tpu.memory_space<hbm>> -> memref<80x128xf32, #tpu.memory_space<hbm>>
      tpu.wait_dma2 semaphore(%dma_wait3A_658 : memref<!tpu.dma_semaphore, #tpu.memory_space<semaphore_mem>>) src(%dma_wait3A_665 : memref<80x128xf32, #tpu.memory_space<hbm>>) dst(%dma_wait3A_662 : memref<80x128xf32, #tpu.memory_space<vmem>>)
      %dma_start3A_666 = arith.constant 0 : i32
      %dma_start3A_667 = arith.constant 0 : i32
      %dma_start3A_668 = arith.constant 1 : i32
      %dma_start3A_669 = arith.constant 0 : i32
      %dma_start3A_670 = arith.constant 0 : i32
      %dma_start3A_671 = arith.constant 0 : i32
      %dma_start3A_672 = tpu.memref_slice %arg8[%dma_start3A_666, %dma_start3A_670, %dma_start3A_671] : memref<2x80x128xf32, #tpu.memory_space<vmem>> -> memref<1x80x128xf32, #tpu.memory_space<vmem>>
      %dma_start3A_673 = tpu.memref_squeeze %dma_start3A_672 : memref<1x80x128xf32, #tpu.memory_space<vmem>> -> memref<80x128xf32, #tpu.memory_space<vmem>>
      %dma_start3A_674 = arith.constant 0 : i32
      %dma_start3A_675 = tpu.memref_slice %arg7[%dma_start3A_667, %dma_start3A_668, %dma_start3A_674] : memref<2x2x80xi32, #tpu.memory_space<vmem>> -> memref<1x1x80xi32, #tpu.memory_space<vmem>>
      %dma_start3A_676 = tpu.memref_squeeze %dma_start3A_675 : memref<1x1x80xi32, #tpu.memory_space<vmem>> -> memref<80xi32, #tpu.memory_space<vmem>>
      %dma_start3A_677 = arith.constant 0 : i32
      %dma_start3A_678 = arith.constant 0 : i32
      %dma_start3A_679 = tpu.memref_slice %arg10[%dma_start3A_677, %dma_start3A_678] : memref<10112x128xf32, #tpu.memory_space<vmem_shared>> -> memref<10112x128xf32, #tpu.memory_space<vmem_shared>>
      %dma_start3A_680 = tpu.memref_slice %arg13[%dma_start3A_669] : memref<2x!tpu.dma_semaphore, #tpu.memory_space<semaphore_mem>> -> memref<1x!tpu.dma_semaphore, #tpu.memory_space<semaphore_mem>>
      %dma_start3A_681 = tpu.memref_squeeze %dma_start3A_680 : memref<1x!tpu.dma_semaphore, #tpu.memory_space<semaphore_mem>> -> memref<!tpu.dma_semaphore, #tpu.memory_space<semaphore_mem>>
      tpu.enqueue_indirect_dma source(%dma_start3A_673 : memref<80x128xf32, #tpu.memory_space<vmem>>) target(%dma_start3A_679 : memref<10112x128xf32, #tpu.memory_space<vmem_shared>>) offsets(%dma_start3A_676 : memref<80xi32, #tpu.memory_space<vmem>>) semaphore(%dma_start3A_681 : memref<!tpu.dma_semaphore, #tpu.memory_space<semaphore_mem>>) {add = true}
      %dma_start3A_682 = arith.constant 0 : i32
      %dma_start3A_683 = arith.constant 0 : i32
      %dma_start3A_684 = arith.constant 1 : i32
      %dma_start3A_685 = arith.constant 0 : i32
      %dma_start3A_686 = arith.constant 0 : i32
      %dma_start3A_687 = arith.constant 0 : i32
      %dma_start3A_688 = tpu.memref_slice %arg9[%dma_start3A_682, %dma_start3A_686, %dma_start3A_687] : memref<2x80x128xf32, #tpu.memory_space<vmem>> -> memref<1x80x128xf32, #tpu.memory_space<vmem>>
      %dma_start3A_689 = tpu.memref_squeeze %dma_start3A_688 : memref<1x80x128xf32, #tpu.memory_space<vmem>> -> memref<80x128xf32, #tpu.memory_space<vmem>>
      %dma_start3A_690 = arith.constant 0 : i32
      %dma_start3A_691 = tpu.memref_slice %arg7[%dma_start3A_683, %dma_start3A_684, %dma_start3A_690] : memref<2x2x80xi32, #tpu.memory_space<vmem>> -> memref<1x1x80xi32, #tpu.memory_space<vmem>>
      %dma_start3A_692 = tpu.memref_squeeze %dma_start3A_691 : memref<1x1x80xi32, #tpu.memory_space<vmem>> -> memref<80xi32, #tpu.memory_space<vmem>>
      %dma_start3A_693 = arith.constant 0 : i32
      %dma_start3A_694 = arith.constant 0 : i32
      %dma_start3A_695 = tpu.memref_slice %arg10[%dma_start3A_693, %dma_start3A_694] : memref<10112x128xf32, #tpu.memory_space<vmem_shared>> -> memref<10112x128xf32, #tpu.memory_space<vmem_shared>>
      %dma_start3A_696 = tpu.memref_slice %arg13[%dma_start3A_685] : memref<2x!tpu.dma_semaphore, #tpu.memory_space<semaphore_mem>> -> memref<1x!tpu.dma_semaphore, #tpu.memory_space<semaphore_mem>>
      %dma_start3A_697 = tpu.memref_squeeze %dma_start3A_696 : memref<1x!tpu.dma_semaphore, #tpu.memory_space<semaphore_mem>> -> memref<!tpu.dma_semaphore, #tpu.memory_space<semaphore_mem>>
      tpu.enqueue_indirect_dma source(%dma_start3A_689 : memref<80x128xf32, #tpu.memory_space<vmem>>) target(%dma_start3A_695 : memref<10112x128xf32, #tpu.memory_space<vmem_shared>>) offsets(%dma_start3A_692 : memref<80xi32, #tpu.memory_space<vmem>>) semaphore(%dma_start3A_697 : memref<!tpu.dma_semaphore, #tpu.memory_space<semaphore_mem>>) {add = true}
    }
    %scan3A_146 = arith.constant 61 : i32
    %dma_wait3A_147 = arith.constant 0 : i32
    %dma_wait3A_148 = arith.constant 0 : i32
    %dma_wait3A_149 = arith.constant 1 : i32
    %dma_wait3A_150 = arith.constant 0 : i32
    %dma_wait3A_151 = arith.constant 0 : i32
    %dma_wait3A_152 = arith.constant 0 : i32
    %dma_wait3A_153 = tpu.memref_slice %arg8[%dma_wait3A_147, %dma_wait3A_151, %dma_wait3A_152] : memref<2x80x128xf32, #tpu.memory_space<vmem>> -> memref<1x80x128xf32, #tpu.memory_space<vmem>>
    %dma_wait3A_154 = tpu.memref_squeeze %dma_wait3A_153 : memref<1x80x128xf32, #tpu.memory_space<vmem>> -> memref<80x128xf32, #tpu.memory_space<vmem>>
    %dma_wait3A_155 = arith.constant 0 : i32
    %dma_wait3A_156 = tpu.memref_slice %arg7[%dma_wait3A_148, %dma_wait3A_149, %dma_wait3A_155] : memref<2x2x80xi32, #tpu.memory_space<vmem>> -> memref<1x1x80xi32, #tpu.memory_space<vmem>>
    %dma_wait3A_157 = tpu.memref_squeeze %dma_wait3A_156 : memref<1x1x80xi32, #tpu.memory_space<vmem>> -> memref<80xi32, #tpu.memory_space<vmem>>
    %dma_wait3A_158 = arith.constant 0 : i32
    %dma_wait3A_159 = arith.constant 0 : i32
    %dma_wait3A_160 = tpu.memref_slice %arg10[%dma_wait3A_158, %dma_wait3A_159] : memref<10112x128xf32, #tpu.memory_space<vmem_shared>> -> memref<10112x128xf32, #tpu.memory_space<vmem_shared>>
    %dma_wait3A_161 = tpu.memref_slice %arg13[%dma_wait3A_150] : memref<2x!tpu.dma_semaphore, #tpu.memory_space<semaphore_mem>> -> memref<1x!tpu.dma_semaphore, #tpu.memory_space<semaphore_mem>>
    %dma_wait3A_162 = tpu.memref_squeeze %dma_wait3A_161 : memref<1x!tpu.dma_semaphore, #tpu.memory_space<semaphore_mem>> -> memref<!tpu.dma_semaphore, #tpu.memory_space<semaphore_mem>>
    tpu.wait_indirect_dma semaphore(%dma_wait3A_162 : memref<!tpu.dma_semaphore, #tpu.memory_space<semaphore_mem>>) src(%dma_wait3A_154 : memref<80x128xf32, #tpu.memory_space<vmem>>) dst(%dma_wait3A_160 : memref<10112x128xf32, #tpu.memory_space<vmem_shared>>)
    %dma_wait3A_163 = arith.constant 0 : i32
    %dma_wait3A_164 = arith.constant 0 : i32
    %dma_wait3A_165 = arith.constant 1 : i32
    %dma_wait3A_166 = arith.constant 0 : i32
    %dma_wait3A_167 = arith.constant 0 : i32
    %dma_wait3A_168 = arith.constant 0 : i32
    %dma_wait3A_169 = tpu.memref_slice %arg9[%dma_wait3A_163, %dma_wait3A_167, %dma_wait3A_168] : memref<2x80x128xf32, #tpu.memory_space<vmem>> -> memref<1x80x128xf32, #tpu.memory_space<vmem>>
    %dma_wait3A_170 = tpu.memref_squeeze %dma_wait3A_169 : memref<1x80x128xf32, #tpu.memory_space<vmem>> -> memref<80x128xf32, #tpu.memory_space<vmem>>
    %dma_wait3A_171 = arith.constant 0 : i32
    %dma_wait3A_172 = tpu.memref_slice %arg7[%dma_wait3A_164, %dma_wait3A_165, %dma_wait3A_171] : memref<2x2x80xi32, #tpu.memory_space<vmem>> -> memref<1x1x80xi32, #tpu.memory_space<vmem>>
    %dma_wait3A_173 = tpu.memref_squeeze %dma_wait3A_172 : memref<1x1x80xi32, #tpu.memory_space<vmem>> -> memref<80xi32, #tpu.memory_space<vmem>>
    %dma_wait3A_174 = arith.constant 0 : i32
    %dma_wait3A_175 = arith.constant 0 : i32
    %dma_wait3A_176 = tpu.memref_slice %arg10[%dma_wait3A_174, %dma_wait3A_175] : memref<10112x128xf32, #tpu.memory_space<vmem_shared>> -> memref<10112x128xf32, #tpu.memory_space<vmem_shared>>
    %dma_wait3A_177 = tpu.memref_slice %arg13[%dma_wait3A_166] : memref<2x!tpu.dma_semaphore, #tpu.memory_space<semaphore_mem>> -> memref<1x!tpu.dma_semaphore, #tpu.memory_space<semaphore_mem>>
    %dma_wait3A_178 = tpu.memref_squeeze %dma_wait3A_177 : memref<1x!tpu.dma_semaphore, #tpu.memory_space<semaphore_mem>> -> memref<!tpu.dma_semaphore, #tpu.memory_space<semaphore_mem>>
    tpu.wait_indirect_dma semaphore(%dma_wait3A_178 : memref<!tpu.dma_semaphore, #tpu.memory_space<semaphore_mem>>) src(%dma_wait3A_170 : memref<80x128xf32, #tpu.memory_space<vmem>>) dst(%dma_wait3A_176 : memref<10112x128xf32, #tpu.memory_space<vmem_shared>>)
    %add3A_179 = arith.constant 3968 : i32
    %add3A_180 = arith.addi %add3A, %add3A_179 : i32
    %run_scoped3A_181 = arith.constant 0 : i32
    "tpu.region"() ({
      %run_scoped3A_417 = tpu.sem_alloc : memref<!tpu.dma_semaphore, #tpu.memory_space<semaphore_mem>>
      %dma_start3A_418 = arith.constant 0 : i32
      %dma_start3A_419 = arith.constant 0 : i32
      %dma_start3A_420 = tpu.memref_slice %arg7[%run_scoped3A_181, %dma_start3A_418, %dma_start3A_419] : memref<2x2x80xi32, #tpu.memory_space<vmem>> -> memref<1x2x80xi32, #tpu.memory_space<vmem>>
      %dma_start3A_421 = tpu.memref_squeeze %dma_start3A_420 : memref<1x2x80xi32, #tpu.memory_space<vmem>> -> memref<2x80xi32, #tpu.memory_space<vmem>>
      %dma_start3A_422 = arith.constant 0 : i32
      %dma_start3A_423 = arith.constant 0 : i32
      %dma_start3A_424 = tpu.memref_slice %arg4[%add3A_180, %dma_start3A_422, %dma_start3A_423] : memref<4000x2x80xi32, #tpu.memory_space<hbm>> -> memref<1x2x80xi32, #tpu.memory_space<hbm>>
      %dma_start3A_425 = tpu.memref_squeeze %dma_start3A_424 : memref<1x2x80xi32, #tpu.memory_space<hbm>> -> memref<2x80xi32, #tpu.memory_space<hbm>>
      %dma_start3A_426 = arith.constant 0 : i32
      %dma_start3A_427 = arith.constant 0 : i32
      %dma_start3A_428 = tpu.memref_slice %arg7[%run_scoped3A_181, %dma_start3A_426, %dma_start3A_427] : memref<2x2x80xi32, #tpu.memory_space<vmem>> -> memref<1x2x80xi32, #tpu.memory_space<vmem>>
      %dma_start3A_429 = tpu.memref_squeeze %dma_start3A_428 : memref<1x2x80xi32, #tpu.memory_space<vmem>> -> memref<2x80xi32, #tpu.memory_space<vmem>>
      %dma_start3A_430 = arith.constant 0 : i32
      %dma_start3A_431 = arith.constant 0 : i32
      %dma_start3A_432 = tpu.memref_slice %arg4[%add3A_180, %dma_start3A_430, %dma_start3A_431] : memref<4000x2x80xi32, #tpu.memory_space<hbm>> -> memref<1x2x80xi32, #tpu.memory_space<hbm>>
      %dma_start3A_433 = tpu.memref_squeeze %dma_start3A_432 : memref<1x2x80xi32, #tpu.memory_space<hbm>> -> memref<2x80xi32, #tpu.memory_space<hbm>>
      tpu.enqueue_dma source(%dma_start3A_433 : memref<2x80xi32, #tpu.memory_space<hbm>>) target(%dma_start3A_429 : memref<2x80xi32, #tpu.memory_space<vmem>>) target_semaphore(%run_scoped3A_417 : memref<!tpu.dma_semaphore, #tpu.memory_space<semaphore_mem>>)
      %dma_wait3A_434 = arith.constant 0 : i32
      %dma_wait3A_435 = arith.constant 0 : i32
      %dma_wait3A_436 = tpu.memref_slice %arg7[%run_scoped3A_181, %dma_wait3A_434, %dma_wait3A_435] : memref<2x2x80xi32, #tpu.memory_space<vmem>> -> memref<1x2x80xi32, #tpu.memory_space<vmem>>
      %dma_wait3A_437 = tpu.memref_squeeze %dma_wait3A_436 : memref<1x2x80xi32, #tpu.memory_space<vmem>> -> memref<2x80xi32, #tpu.memory_space<vmem>>
      %dma_wait3A_438 = arith.constant 0 : i32
      %dma_wait3A_439 = arith.constant 0 : i32
      %dma_wait3A_440 = tpu.memref_slice %arg4[%add3A_180, %dma_wait3A_438, %dma_wait3A_439] : memref<4000x2x80xi32, #tpu.memory_space<hbm>> -> memref<1x2x80xi32, #tpu.memory_space<hbm>>
      %dma_wait3A_441 = tpu.memref_squeeze %dma_wait3A_440 : memref<1x2x80xi32, #tpu.memory_space<hbm>> -> memref<2x80xi32, #tpu.memory_space<hbm>>
      %dma_wait3A_442 = arith.constant 0 : i32
      %dma_wait3A_443 = arith.constant 0 : i32
      %dma_wait3A_444 = tpu.memref_slice %arg7[%run_scoped3A_181, %dma_wait3A_442, %dma_wait3A_443] : memref<2x2x80xi32, #tpu.memory_space<vmem>> -> memref<1x2x80xi32, #tpu.memory_space<vmem>>
      %dma_wait3A_445 = tpu.memref_squeeze %dma_wait3A_444 : memref<1x2x80xi32, #tpu.memory_space<vmem>> -> memref<2x80xi32, #tpu.memory_space<vmem>>
      %dma_wait3A_446 = arith.constant 0 : i32
      %dma_wait3A_447 = arith.constant 0 : i32
      %dma_wait3A_448 = tpu.memref_slice %arg4[%add3A_180, %dma_wait3A_446, %dma_wait3A_447] : memref<4000x2x80xi32, #tpu.memory_space<hbm>> -> memref<1x2x80xi32, #tpu.memory_space<hbm>>
      %dma_wait3A_449 = tpu.memref_squeeze %dma_wait3A_448 : memref<1x2x80xi32, #tpu.memory_space<hbm>> -> memref<2x80xi32, #tpu.memory_space<hbm>>
      tpu.wait_dma2 semaphore(%run_scoped3A_417 : memref<!tpu.dma_semaphore, #tpu.memory_space<semaphore_mem>>) src(%dma_wait3A_449 : memref<2x80xi32, #tpu.memory_space<hbm>>) dst(%dma_wait3A_445 : memref<2x80xi32, #tpu.memory_space<vmem>>)
      tpu.yield
    }) : () -> ()
    %dma_start3A_182 = arith.constant 0 : i32
    %dma_start3A_183 = arith.constant 0 : i32
    %dma_start3A_184 = arith.constant 0 : i32
    %dma_start3A_185 = arith.constant 0 : i32
    %dma_start3A_186 = arith.constant 0 : i32
    %dma_start3A_187 = arith.constant 0 : i32
    %dma_start3A_188 = tpu.memref_slice %arg8[%dma_start3A_184, %dma_start3A_186, %dma_start3A_187] : memref<2x80x128xf32, #tpu.memory_space<vmem>> -> memref<1x80x128xf32, #tpu.memory_space<vmem>>
    %dma_start3A_189 = tpu.memref_squeeze %dma_start3A_188 : memref<1x80x128xf32, #tpu.memory_space<vmem>> -> memref<80x128xf32, #tpu.memory_space<vmem>>
    %dma_start3A_190 = arith.constant 0 : i32
    %dma_start3A_191 = tpu.memref_slice %arg7[%dma_start3A_182, %dma_start3A_183, %dma_start3A_190] : memref<2x2x80xi32, #tpu.memory_space<vmem>> -> memref<1x1x80xi32, #tpu.memory_space<vmem>>
    %dma_start3A_192 = tpu.memref_squeeze %dma_start3A_191 : memref<1x1x80xi32, #tpu.memory_space<vmem>> -> memref<80xi32, #tpu.memory_space<vmem>>
    %dma_start3A_193 = arith.constant 0 : i32
    %dma_start3A_194 = arith.constant 0 : i32
    %dma_start3A_195 = tpu.memref_slice %arg2[%dma_start3A_193, %dma_start3A_194] : memref<10000x128xf32, #tpu.memory_space<hbm>> -> memref<10000x128xf32, #tpu.memory_space<hbm>>
    %dma_start3A_196 = tpu.memref_slice %arg11[%dma_start3A_185] : memref<2x!tpu.dma_semaphore, #tpu.memory_space<semaphore_mem>> -> memref<1x!tpu.dma_semaphore, #tpu.memory_space<semaphore_mem>>
    %dma_start3A_197 = tpu.memref_squeeze %dma_start3A_196 : memref<1x!tpu.dma_semaphore, #tpu.memory_space<semaphore_mem>> -> memref<!tpu.dma_semaphore, #tpu.memory_space<semaphore_mem>>
    tpu.enqueue_indirect_dma source(%dma_start3A_195 : memref<10000x128xf32, #tpu.memory_space<hbm>>) target(%dma_start3A_189 : memref<80x128xf32, #tpu.memory_space<vmem>>) offsets(%dma_start3A_192 : memref<80xi32, #tpu.memory_space<vmem>>) semaphore(%dma_start3A_197 : memref<!tpu.dma_semaphore, #tpu.memory_space<semaphore_mem>>)
    %mul3A_198 = arith.constant 80 : i32
    %mul3A_199 = arith.muli %add3A_180, %mul3A_198 : i32
    %dma_start3A_200 = arith.constant 0 : i32
    %dma_start3A_201 = arith.constant 0 : i32
    %dma_start3A_202 = arith.constant 0 : i32
    %dma_start3A_203 = arith.constant 0 : i32
    %dma_start3A_204 = tpu.memref_slice %arg9[%dma_start3A_200, %dma_start3A_202, %dma_start3A_203] : memref<2x80x128xf32, #tpu.memory_space<vmem>> -> memref<1x80x128xf32, #tpu.memory_space<vmem>>
    %dma_start3A_205 = tpu.memref_squeeze %dma_start3A_204 : memref<1x80x128xf32, #tpu.memory_space<vmem>> -> memref<80x128xf32, #tpu.memory_space<vmem>>
    %dma_start3A_206 = arith.constant 0 : i32
    %dma_start3A_207 = tpu.memref_slice %arg3[%mul3A_199, %dma_start3A_206] : memref<320000x128xf32, #tpu.memory_space<hbm>> -> memref<80x128xf32, #tpu.memory_space<hbm>>
    %dma_start3A_208 = tpu.memref_slice %arg12[%dma_start3A_201] : memref<2x!tpu.dma_semaphore, #tpu.memory_space<semaphore_mem>> -> memref<1x!tpu.dma_semaphore, #tpu.memory_space<semaphore_mem>>
    %dma_start3A_209 = tpu.memref_squeeze %dma_start3A_208 : memref<1x!tpu.dma_semaphore, #tpu.memory_space<semaphore_mem>> -> memref<!tpu.dma_semaphore, #tpu.memory_space<semaphore_mem>>
    %dma_start3A_210 = arith.constant 0 : i32
    %dma_start3A_211 = arith.constant 0 : i32
    %dma_start3A_212 = tpu.memref_slice %arg9[%dma_start3A_200, %dma_start3A_210, %dma_start3A_211] : memref<2x80x128xf32, #tpu.memory_space<vmem>> -> memref<1x80x128xf32, #tpu.memory_space<vmem>>
    %dma_start3A_213 = tpu.memref_squeeze %dma_start3A_212 : memref<1x80x128xf32, #tpu.memory_space<vmem>> -> memref<80x128xf32, #tpu.memory_space<vmem>>
    %dma_start3A_214 = arith.constant 0 : i32
    %dma_start3A_215 = tpu.memref_slice %arg3[%mul3A_199, %dma_start3A_214] : memref<320000x128xf32, #tpu.memory_space<hbm>> -> memref<80x128xf32, #tpu.memory_space<hbm>>
    tpu.enqueue_dma source(%dma_start3A_215 : memref<80x128xf32, #tpu.memory_space<hbm>>) target(%dma_start3A_213 : memref<80x128xf32, #tpu.memory_space<vmem>>) target_semaphore(%dma_start3A_209 : memref<!tpu.dma_semaphore, #tpu.memory_space<semaphore_mem>>)
    %dma_wait3A_216 = arith.constant 1 : i32
    %dma_wait3A_217 = arith.constant 0 : i32
    %dma_wait3A_218 = arith.constant 1 : i32
    %dma_wait3A_219 = arith.constant 1 : i32
    %dma_wait3A_220 = arith.constant 0 : i32
    %dma_wait3A_221 = arith.constant 0 : i32
    %dma_wait3A_222 = tpu.memref_slice %arg8[%dma_wait3A_218, %dma_wait3A_220, %dma_wait3A_221] : memref<2x80x128xf32, #tpu.memory_space<vmem>> -> memref<1x80x128xf32, #tpu.memory_space<vmem>>
    %dma_wait3A_223 = tpu.memref_squeeze %dma_wait3A_222 : memref<1x80x128xf32, #tpu.memory_space<vmem>> -> memref<80x128xf32, #tpu.memory_space<vmem>>
    %dma_wait3A_224 = arith.constant 0 : i32
    %dma_wait3A_225 = tpu.memref_slice %arg7[%dma_wait3A_216, %dma_wait3A_217, %dma_wait3A_224] : memref<2x2x80xi32, #tpu.memory_space<vmem>> -> memref<1x1x80xi32, #tpu.memory_space<vmem>>
    %dma_wait3A_226 = tpu.memref_squeeze %dma_wait3A_225 : memref<1x1x80xi32, #tpu.memory_space<vmem>> -> memref<80xi32, #tpu.memory_space<vmem>>
    %dma_wait3A_227 = arith.constant 0 : i32
    %dma_wait3A_228 = arith.constant 0 : i32
    %dma_wait3A_229 = tpu.memref_slice %arg2[%dma_wait3A_227, %dma_wait3A_228] : memref<10000x128xf32, #tpu.memory_space<hbm>> -> memref<10000x128xf32, #tpu.memory_space<hbm>>
    %dma_wait3A_230 = tpu.memref_slice %arg11[%dma_wait3A_219] : memref<2x!tpu.dma_semaphore, #tpu.memory_space<semaphore_mem>> -> memref<1x!tpu.dma_semaphore, #tpu.memory_space<semaphore_mem>>
    %dma_wait3A_231 = tpu.memref_squeeze %dma_wait3A_230 : memref<1x!tpu.dma_semaphore, #tpu.memory_space<semaphore_mem>> -> memref<!tpu.dma_semaphore, #tpu.memory_space<semaphore_mem>>
    tpu.wait_indirect_dma semaphore(%dma_wait3A_231 : memref<!tpu.dma_semaphore, #tpu.memory_space<semaphore_mem>>) src(%dma_wait3A_229 : memref<10000x128xf32, #tpu.memory_space<hbm>>) dst(%dma_wait3A_223 : memref<80x128xf32, #tpu.memory_space<vmem>>)
    %dma_wait3A_232 = arith.constant 1 : i32
    %dma_wait3A_233 = arith.constant 1 : i32
    %dma_wait3A_234 = arith.constant 0 : i32
    %dma_wait3A_235 = arith.constant 0 : i32
    %dma_wait3A_236 = tpu.memref_slice %arg9[%dma_wait3A_232, %dma_wait3A_234, %dma_wait3A_235] : memref<2x80x128xf32, #tpu.memory_space<vmem>> -> memref<1x80x128xf32, #tpu.memory_space<vmem>>
    %dma_wait3A_237 = tpu.memref_squeeze %dma_wait3A_236 : memref<1x80x128xf32, #tpu.memory_space<vmem>> -> memref<80x128xf32, #tpu.memory_space<vmem>>
    %dma_wait3A_238 = arith.constant 0 : i32
    %dma_wait3A_239 = arith.constant 0 : i32
    %dma_wait3A_240 = tpu.memref_slice %arg3[%dma_wait3A_238, %dma_wait3A_239] : memref<320000x128xf32, #tpu.memory_space<hbm>> -> memref<80x128xf32, #tpu.memory_space<hbm>>
    %dma_wait3A_241 = tpu.memref_slice %arg12[%dma_wait3A_233] : memref<2x!tpu.dma_semaphore, #tpu.memory_space<semaphore_mem>> -> memref<1x!tpu.dma_semaphore, #tpu.memory_space<semaphore_mem>>
    %dma_wait3A_242 = tpu.memref_squeeze %dma_wait3A_241 : memref<1x!tpu.dma_semaphore, #tpu.memory_space<semaphore_mem>> -> memref<!tpu.dma_semaphore, #tpu.memory_space<semaphore_mem>>
    %dma_wait3A_243 = arith.constant 0 : i32
    %dma_wait3A_244 = arith.constant 0 : i32
    %dma_wait3A_245 = tpu.memref_slice %arg9[%dma_wait3A_232, %dma_wait3A_243, %dma_wait3A_244] : memref<2x80x128xf32, #tpu.memory_space<vmem>> -> memref<1x80x128xf32, #tpu.memory_space<vmem>>
    %dma_wait3A_246 = tpu.memref_squeeze %dma_wait3A_245 : memref<1x80x128xf32, #tpu.memory_space<vmem>> -> memref<80x128xf32, #tpu.memory_space<vmem>>
    %dma_wait3A_247 = arith.constant 0 : i32
    %dma_wait3A_248 = arith.constant 0 : i32
    %dma_wait3A_249 = tpu.memref_slice %arg3[%dma_wait3A_247, %dma_wait3A_248] : memref<320000x128xf32, #tpu.memory_space<hbm>> -> memref<80x128xf32, #tpu.memory_space<hbm>>
    tpu.wait_dma2 semaphore(%dma_wait3A_242 : memref<!tpu.dma_semaphore, #tpu.memory_space<semaphore_mem>>) src(%dma_wait3A_249 : memref<80x128xf32, #tpu.memory_space<hbm>>) dst(%dma_wait3A_246 : memref<80x128xf32, #tpu.memory_space<vmem>>)
    %dma_start3A_250 = arith.constant 1 : i32
    %dma_start3A_251 = arith.constant 1 : i32
    %dma_start3A_252 = arith.constant 1 : i32
    %dma_start3A_253 = arith.constant 1 : i32
    %dma_start3A_254 = arith.constant 0 : i32
    %dma_start3A_255 = arith.constant 0 : i32
    %dma_start3A_256 = tpu.memref_slice %arg8[%dma_start3A_250, %dma_start3A_254, %dma_start3A_255] : memref<2x80x128xf32, #tpu.memory_space<vmem>> -> memref<1x80x128xf32, #tpu.memory_space<vmem>>
    %dma_start3A_257 = tpu.memref_squeeze %dma_start3A_256 : memref<1x80x128xf32, #tpu.memory_space<vmem>> -> memref<80x128xf32, #tpu.memory_space<vmem>>
    %dma_start3A_258 = arith.constant 0 : i32
    %dma_start3A_259 = tpu.memref_slice %arg7[%dma_start3A_251, %dma_start3A_252, %dma_start3A_258] : memref<2x2x80xi32, #tpu.memory_space<vmem>> -> memref<1x1x80xi32, #tpu.memory_space<vmem>>
    %dma_start3A_260 = tpu.memref_squeeze %dma_start3A_259 : memref<1x1x80xi32, #tpu.memory_space<vmem>> -> memref<80xi32, #tpu.memory_space<vmem>>
    %dma_start3A_261 = arith.constant 0 : i32
    %dma_start3A_262 = arith.constant 0 : i32
    %dma_start3A_263 = tpu.memref_slice %arg10[%dma_start3A_261, %dma_start3A_262] : memref<10112x128xf32, #tpu.memory_space<vmem_shared>> -> memref<10112x128xf32, #tpu.memory_space<vmem_shared>>
    %dma_start3A_264 = tpu.memref_slice %arg13[%dma_start3A_253] : memref<2x!tpu.dma_semaphore, #tpu.memory_space<semaphore_mem>> -> memref<1x!tpu.dma_semaphore, #tpu.memory_space<semaphore_mem>>
    %dma_start3A_265 = tpu.memref_squeeze %dma_start3A_264 : memref<1x!tpu.dma_semaphore, #tpu.memory_space<semaphore_mem>> -> memref<!tpu.dma_semaphore, #tpu.memory_space<semaphore_mem>>
    tpu.enqueue_indirect_dma source(%dma_start3A_257 : memref<80x128xf32, #tpu.memory_space<vmem>>) target(%dma_start3A_263 : memref<10112x128xf32, #tpu.memory_space<vmem_shared>>) offsets(%dma_start3A_260 : memref<80xi32, #tpu.memory_space<vmem>>) semaphore(%dma_start3A_265 : memref<!tpu.dma_semaphore, #tpu.memory_space<semaphore_mem>>) {add = true}
    %dma_start3A_266 = arith.constant 1 : i32
    %dma_start3A_267 = arith.constant 1 : i32
    %dma_start3A_268 = arith.constant 1 : i32
    %dma_start3A_269 = arith.constant 1 : i32
    %dma_start3A_270 = arith.constant 0 : i32
    %dma_start3A_271 = arith.constant 0 : i32
    %dma_start3A_272 = tpu.memref_slice %arg9[%dma_start3A_266, %dma_start3A_270, %dma_start3A_271] : memref<2x80x128xf32, #tpu.memory_space<vmem>> -> memref<1x80x128xf32, #tpu.memory_space<vmem>>
    %dma_start3A_273 = tpu.memref_squeeze %dma_start3A_272 : memref<1x80x128xf32, #tpu.memory_space<vmem>> -> memref<80x128xf32, #tpu.memory_space<vmem>>
    %dma_start3A_274 = arith.constant 0 : i32
    %dma_start3A_275 = tpu.memref_slice %arg7[%dma_start3A_267, %dma_start3A_268, %dma_start3A_274] : memref<2x2x80xi32, #tpu.memory_space<vmem>> -> memref<1x1x80xi32, #tpu.memory_space<vmem>>
    %dma_start3A_276 = tpu.memref_squeeze %dma_start3A_275 : memref<1x1x80xi32, #tpu.memory_space<vmem>> -> memref<80xi32, #tpu.memory_space<vmem>>
    %dma_start3A_277 = arith.constant 0 : i32
    %dma_start3A_278 = arith.constant 0 : i32
    %dma_start3A_279 = tpu.memref_slice %arg10[%dma_start3A_277, %dma_start3A_278] : memref<10112x128xf32, #tpu.memory_space<vmem_shared>> -> memref<10112x128xf32, #tpu.memory_space<vmem_shared>>
    %dma_start3A_280 = tpu.memref_slice %arg13[%dma_start3A_269] : memref<2x!tpu.dma_semaphore, #tpu.memory_space<semaphore_mem>> -> memref<1x!tpu.dma_semaphore, #tpu.memory_space<semaphore_mem>>
    %dma_start3A_281 = tpu.memref_squeeze %dma_start3A_280 : memref<1x!tpu.dma_semaphore, #tpu.memory_space<semaphore_mem>> -> memref<!tpu.dma_semaphore, #tpu.memory_space<semaphore_mem>>
    tpu.enqueue_indirect_dma source(%dma_start3A_273 : memref<80x128xf32, #tpu.memory_space<vmem>>) target(%dma_start3A_279 : memref<10112x128xf32, #tpu.memory_space<vmem_shared>>) offsets(%dma_start3A_276 : memref<80xi32, #tpu.memory_space<vmem>>) semaphore(%dma_start3A_281 : memref<!tpu.dma_semaphore, #tpu.memory_space<semaphore_mem>>) {add = true}
    %dma_wait3A_282 = arith.constant 0 : i32
    %dma_wait3A_283 = arith.constant 0 : i32
    %dma_wait3A_284 = arith.constant 0 : i32
    %dma_wait3A_285 = arith.constant 0 : i32
    %dma_wait3A_286 = arith.constant 0 : i32
    %dma_wait3A_287 = arith.constant 0 : i32
    %dma_wait3A_288 = tpu.memref_slice %arg8[%dma_wait3A_284, %dma_wait3A_286, %dma_wait3A_287] : memref<2x80x128xf32, #tpu.memory_space<vmem>> -> memref<1x80x128xf32, #tpu.memory_space<vmem>>
    %dma_wait3A_289 = tpu.memref_squeeze %dma_wait3A_288 : memref<1x80x128xf32, #tpu.memory_space<vmem>> -> memref<80x128xf32, #tpu.memory_space<vmem>>
    %dma_wait3A_290 = arith.constant 0 : i32
    %dma_wait3A_291 = tpu.memref_slice %arg7[%dma_wait3A_282, %dma_wait3A_283, %dma_wait3A_290] : memref<2x2x80xi32, #tpu.memory_space<vmem>> -> memref<1x1x80xi32, #tpu.memory_space<vmem>>
    %dma_wait3A_292 = tpu.memref_squeeze %dma_wait3A_291 : memref<1x1x80xi32, #tpu.memory_space<vmem>> -> memref<80xi32, #tpu.memory_space<vmem>>
    %dma_wait3A_293 = arith.constant 0 : i32
    %dma_wait3A_294 = arith.constant 0 : i32
    %dma_wait3A_295 = tpu.memref_slice %arg2[%dma_wait3A_293, %dma_wait3A_294] : memref<10000x128xf32, #tpu.memory_space<hbm>> -> memref<10000x128xf32, #tpu.memory_space<hbm>>
    %dma_wait3A_296 = tpu.memref_slice %arg11[%dma_wait3A_285] : memref<2x!tpu.dma_semaphore, #tpu.memory_space<semaphore_mem>> -> memref<1x!tpu.dma_semaphore, #tpu.memory_space<semaphore_mem>>
    %dma_wait3A_297 = tpu.memref_squeeze %dma_wait3A_296 : memref<1x!tpu.dma_semaphore, #tpu.memory_space<semaphore_mem>> -> memref<!tpu.dma_semaphore, #tpu.memory_space<semaphore_mem>>
    tpu.wait_indirect_dma semaphore(%dma_wait3A_297 : memref<!tpu.dma_semaphore, #tpu.memory_space<semaphore_mem>>) src(%dma_wait3A_295 : memref<10000x128xf32, #tpu.memory_space<hbm>>) dst(%dma_wait3A_289 : memref<80x128xf32, #tpu.memory_space<vmem>>)
    %dma_wait3A_298 = arith.constant 0 : i32
    %dma_wait3A_299 = arith.constant 0 : i32
    %dma_wait3A_300 = arith.constant 0 : i32
    %dma_wait3A_301 = arith.constant 0 : i32
    %dma_wait3A_302 = tpu.memref_slice %arg9[%dma_wait3A_298, %dma_wait3A_300, %dma_wait3A_301] : memref<2x80x128xf32, #tpu.memory_space<vmem>> -> memref<1x80x128xf32, #tpu.memory_space<vmem>>
    %dma_wait3A_303 = tpu.memref_squeeze %dma_wait3A_302 : memref<1x80x128xf32, #tpu.memory_space<vmem>> -> memref<80x128xf32, #tpu.memory_space<vmem>>
    %dma_wait3A_304 = arith.constant 0 : i32
    %dma_wait3A_305 = arith.constant 0 : i32
    %dma_wait3A_306 = tpu.memref_slice %arg3[%dma_wait3A_304, %dma_wait3A_305] : memref<320000x128xf32, #tpu.memory_space<hbm>> -> memref<80x128xf32, #tpu.memory_space<hbm>>
    %dma_wait3A_307 = tpu.memref_slice %arg12[%dma_wait3A_299] : memref<2x!tpu.dma_semaphore, #tpu.memory_space<semaphore_mem>> -> memref<1x!tpu.dma_semaphore, #tpu.memory_space<semaphore_mem>>
    %dma_wait3A_308 = tpu.memref_squeeze %dma_wait3A_307 : memref<1x!tpu.dma_semaphore, #tpu.memory_space<semaphore_mem>> -> memref<!tpu.dma_semaphore, #tpu.memory_space<semaphore_mem>>
    %dma_wait3A_309 = arith.constant 0 : i32
    %dma_wait3A_310 = arith.constant 0 : i32
    %dma_wait3A_311 = tpu.memref_slice %arg9[%dma_wait3A_298, %dma_wait3A_309, %dma_wait3A_310] : memref<2x80x128xf32, #tpu.memory_space<vmem>> -> memref<1x80x128xf32, #tpu.memory_space<vmem>>
    %dma_wait3A_312 = tpu.memref_squeeze %dma_wait3A_311 : memref<1x80x128xf32, #tpu.memory_space<vmem>> -> memref<80x128xf32, #tpu.memory_space<vmem>>
    %dma_wait3A_313 = arith.constant 0 : i32
    %dma_wait3A_314 = arith.constant 0 : i32
    %dma_wait3A_315 = tpu.memref_slice %arg3[%dma_wait3A_313, %dma_wait3A_314] : memref<320000x128xf32, #tpu.memory_space<hbm>> -> memref<80x128xf32, #tpu.memory_space<hbm>>
    tpu.wait_dma2 semaphore(%dma_wait3A_308 : memref<!tpu.dma_semaphore, #tpu.memory_space<semaphore_mem>>) src(%dma_wait3A_315 : memref<80x128xf32, #tpu.memory_space<hbm>>) dst(%dma_wait3A_312 : memref<80x128xf32, #tpu.memory_space<vmem>>)
    %dma_start3A_316 = arith.constant 0 : i32
    %dma_start3A_317 = arith.constant 0 : i32
    %dma_start3A_318 = arith.constant 1 : i32
    %dma_start3A_319 = arith.constant 0 : i32
    %dma_start3A_320 = arith.constant 0 : i32
    %dma_start3A_321 = arith.constant 0 : i32
    %dma_start3A_322 = tpu.memref_slice %arg8[%dma_start3A_316, %dma_start3A_320, %dma_start3A_321] : memref<2x80x128xf32, #tpu.memory_space<vmem>> -> memref<1x80x128xf32, #tpu.memory_space<vmem>>
    %dma_start3A_323 = tpu.memref_squeeze %dma_start3A_322 : memref<1x80x128xf32, #tpu.memory_space<vmem>> -> memref<80x128xf32, #tpu.memory_space<vmem>>
    %dma_start3A_324 = arith.constant 0 : i32
    %dma_start3A_325 = tpu.memref_slice %arg7[%dma_start3A_317, %dma_start3A_318, %dma_start3A_324] : memref<2x2x80xi32, #tpu.memory_space<vmem>> -> memref<1x1x80xi32, #tpu.memory_space<vmem>>
    %dma_start3A_326 = tpu.memref_squeeze %dma_start3A_325 : memref<1x1x80xi32, #tpu.memory_space<vmem>> -> memref<80xi32, #tpu.memory_space<vmem>>
    %dma_start3A_327 = arith.constant 0 : i32
    %dma_start3A_328 = arith.constant 0 : i32
    %dma_start3A_329 = tpu.memref_slice %arg10[%dma_start3A_327, %dma_start3A_328] : memref<10112x128xf32, #tpu.memory_space<vmem_shared>> -> memref<10112x128xf32, #tpu.memory_space<vmem_shared>>
    %dma_start3A_330 = tpu.memref_slice %arg13[%dma_start3A_319] : memref<2x!tpu.dma_semaphore, #tpu.memory_space<semaphore_mem>> -> memref<1x!tpu.dma_semaphore, #tpu.memory_space<semaphore_mem>>
    %dma_start3A_331 = tpu.memref_squeeze %dma_start3A_330 : memref<1x!tpu.dma_semaphore, #tpu.memory_space<semaphore_mem>> -> memref<!tpu.dma_semaphore, #tpu.memory_space<semaphore_mem>>
    tpu.enqueue_indirect_dma source(%dma_start3A_323 : memref<80x128xf32, #tpu.memory_space<vmem>>) target(%dma_start3A_329 : memref<10112x128xf32, #tpu.memory_space<vmem_shared>>) offsets(%dma_start3A_326 : memref<80xi32, #tpu.memory_space<vmem>>) semaphore(%dma_start3A_331 : memref<!tpu.dma_semaphore, #tpu.memory_space<semaphore_mem>>) {add = true}
    %dma_start3A_332 = arith.constant 0 : i32
    %dma_start3A_333 = arith.constant 0 : i32
    %dma_start3A_334 = arith.constant 1 : i32
    %dma_start3A_335 = arith.constant 0 : i32
    %dma_start3A_336 = arith.constant 0 : i32
    %dma_start3A_337 = arith.constant 0 : i32
    %dma_start3A_338 = tpu.memref_slice %arg9[%dma_start3A_332, %dma_start3A_336, %dma_start3A_337] : memref<2x80x128xf32, #tpu.memory_space<vmem>> -> memref<1x80x128xf32, #tpu.memory_space<vmem>>
    %dma_start3A_339 = tpu.memref_squeeze %dma_start3A_338 : memref<1x80x128xf32, #tpu.memory_space<vmem>> -> memref<80x128xf32, #tpu.memory_space<vmem>>
    %dma_start3A_340 = arith.constant 0 : i32
    %dma_start3A_341 = tpu.memref_slice %arg7[%dma_start3A_333, %dma_start3A_334, %dma_start3A_340] : memref<2x2x80xi32, #tpu.memory_space<vmem>> -> memref<1x1x80xi32, #tpu.memory_space<vmem>>
    %dma_start3A_342 = tpu.memref_squeeze %dma_start3A_341 : memref<1x1x80xi32, #tpu.memory_space<vmem>> -> memref<80xi32, #tpu.memory_space<vmem>>
    %dma_start3A_343 = arith.constant 0 : i32
    %dma_start3A_344 = arith.constant 0 : i32
    %dma_start3A_345 = tpu.memref_slice %arg10[%dma_start3A_343, %dma_start3A_344] : memref<10112x128xf32, #tpu.memory_space<vmem_shared>> -> memref<10112x128xf32, #tpu.memory_space<vmem_shared>>
    %dma_start3A_346 = tpu.memref_slice %arg13[%dma_start3A_335] : memref<2x!tpu.dma_semaphore, #tpu.memory_space<semaphore_mem>> -> memref<1x!tpu.dma_semaphore, #tpu.memory_space<semaphore_mem>>
    %dma_start3A_347 = tpu.memref_squeeze %dma_start3A_346 : memref<1x!tpu.dma_semaphore, #tpu.memory_space<semaphore_mem>> -> memref<!tpu.dma_semaphore, #tpu.memory_space<semaphore_mem>>
    tpu.enqueue_indirect_dma source(%dma_start3A_339 : memref<80x128xf32, #tpu.memory_space<vmem>>) target(%dma_start3A_345 : memref<10112x128xf32, #tpu.memory_space<vmem_shared>>) offsets(%dma_start3A_342 : memref<80xi32, #tpu.memory_space<vmem>>) semaphore(%dma_start3A_347 : memref<!tpu.dma_semaphore, #tpu.memory_space<semaphore_mem>>) {add = true}
    %dma_wait3A_348 = arith.constant 1 : i32
    %dma_wait3A_349 = arith.constant 1 : i32
    %dma_wait3A_350 = arith.constant 1 : i32
    %dma_wait3A_351 = arith.constant 1 : i32
    %dma_wait3A_352 = arith.constant 0 : i32
    %dma_wait3A_353 = arith.constant 0 : i32
    %dma_wait3A_354 = tpu.memref_slice %arg8[%dma_wait3A_348, %dma_wait3A_352, %dma_wait3A_353] : memref<2x80x128xf32, #tpu.memory_space<vmem>> -> memref<1x80x128xf32, #tpu.memory_space<vmem>>
    %dma_wait3A_355 = tpu.memref_squeeze %dma_wait3A_354 : memref<1x80x128xf32, #tpu.memory_space<vmem>> -> memref<80x128xf32, #tpu.memory_space<vmem>>
    %dma_wait3A_356 = arith.constant 0 : i32
    %dma_wait3A_357 = tpu.memref_slice %arg7[%dma_wait3A_349, %dma_wait3A_350, %dma_wait3A_356] : memref<2x2x80xi32, #tpu.memory_space<vmem>> -> memref<1x1x80xi32, #tpu.memory_space<vmem>>
    %dma_wait3A_358 = tpu.memref_squeeze %dma_wait3A_357 : memref<1x1x80xi32, #tpu.memory_space<vmem>> -> memref<80xi32, #tpu.memory_space<vmem>>
    %dma_wait3A_359 = arith.constant 0 : i32
    %dma_wait3A_360 = arith.constant 0 : i32
    %dma_wait3A_361 = tpu.memref_slice %arg10[%dma_wait3A_359, %dma_wait3A_360] : memref<10112x128xf32, #tpu.memory_space<vmem_shared>> -> memref<10112x128xf32, #tpu.memory_space<vmem_shared>>
    %dma_wait3A_362 = tpu.memref_slice %arg13[%dma_wait3A_351] : memref<2x!tpu.dma_semaphore, #tpu.memory_space<semaphore_mem>> -> memref<1x!tpu.dma_semaphore, #tpu.memory_space<semaphore_mem>>
    %dma_wait3A_363 = tpu.memref_squeeze %dma_wait3A_362 : memref<1x!tpu.dma_semaphore, #tpu.memory_space<semaphore_mem>> -> memref<!tpu.dma_semaphore, #tpu.memory_space<semaphore_mem>>
    tpu.wait_indirect_dma semaphore(%dma_wait3A_363 : memref<!tpu.dma_semaphore, #tpu.memory_space<semaphore_mem>>) src(%dma_wait3A_355 : memref<80x128xf32, #tpu.memory_space<vmem>>) dst(%dma_wait3A_361 : memref<10112x128xf32, #tpu.memory_space<vmem_shared>>)
    %dma_wait3A_364 = arith.constant 1 : i32
    %dma_wait3A_365 = arith.constant 1 : i32
    %dma_wait3A_366 = arith.constant 1 : i32
    %dma_wait3A_367 = arith.constant 1 : i32
    %dma_wait3A_368 = arith.constant 0 : i32
    %dma_wait3A_369 = arith.constant 0 : i32
    %dma_wait3A_370 = tpu.memref_slice %arg9[%dma_wait3A_364, %dma_wait3A_368, %dma_wait3A_369] : memref<2x80x128xf32, #tpu.memory_space<vmem>> -> memref<1x80x128xf32, #tpu.memory_space<vmem>>
    %dma_wait3A_371 = tpu.memref_squeeze %dma_wait3A_370 : memref<1x80x128xf32, #tpu.memory_space<vmem>> -> memref<80x128xf32, #tpu.memory_space<vmem>>
    %dma_wait3A_372 = arith.constant 0 : i32
    %dma_wait3A_373 = tpu.memref_slice %arg7[%dma_wait3A_365, %dma_wait3A_366, %dma_wait3A_372] : memref<2x2x80xi32, #tpu.memory_space<vmem>> -> memref<1x1x80xi32, #tpu.memory_space<vmem>>
    %dma_wait3A_374 = tpu.memref_squeeze %dma_wait3A_373 : memref<1x1x80xi32, #tpu.memory_space<vmem>> -> memref<80xi32, #tpu.memory_space<vmem>>
    %dma_wait3A_375 = arith.constant 0 : i32
    %dma_wait3A_376 = arith.constant 0 : i32
    %dma_wait3A_377 = tpu.memref_slice %arg10[%dma_wait3A_375, %dma_wait3A_376] : memref<10112x128xf32, #tpu.memory_space<vmem_shared>> -> memref<10112x128xf32, #tpu.memory_space<vmem_shared>>
    %dma_wait3A_378 = tpu.memref_slice %arg13[%dma_wait3A_367] : memref<2x!tpu.dma_semaphore, #tpu.memory_space<semaphore_mem>> -> memref<1x!tpu.dma_semaphore, #tpu.memory_space<semaphore_mem>>
    %dma_wait3A_379 = tpu.memref_squeeze %dma_wait3A_378 : memref<1x!tpu.dma_semaphore, #tpu.memory_space<semaphore_mem>> -> memref<!tpu.dma_semaphore, #tpu.memory_space<semaphore_mem>>
    tpu.wait_indirect_dma semaphore(%dma_wait3A_379 : memref<!tpu.dma_semaphore, #tpu.memory_space<semaphore_mem>>) src(%dma_wait3A_371 : memref<80x128xf32, #tpu.memory_space<vmem>>) dst(%dma_wait3A_377 : memref<10112x128xf32, #tpu.memory_space<vmem_shared>>)
    %dma_wait3A_380 = arith.constant 0 : i32
    %dma_wait3A_381 = arith.constant 0 : i32
    %dma_wait3A_382 = arith.constant 1 : i32
    %dma_wait3A_383 = arith.constant 0 : i32
    %dma_wait3A_384 = arith.constant 0 : i32
    %dma_wait3A_385 = arith.constant 0 : i32
    %dma_wait3A_386 = tpu.memref_slice %arg8[%dma_wait3A_380, %dma_wait3A_384, %dma_wait3A_385] : memref<2x80x128xf32, #tpu.memory_space<vmem>> -> memref<1x80x128xf32, #tpu.memory_space<vmem>>
    %dma_wait3A_387 = tpu.memref_squeeze %dma_wait3A_386 : memref<1x80x128xf32, #tpu.memory_space<vmem>> -> memref<80x128xf32, #tpu.memory_space<vmem>>
    %dma_wait3A_388 = arith.constant 0 : i32
    %dma_wait3A_389 = tpu.memref_slice %arg7[%dma_wait3A_381, %dma_wait3A_382, %dma_wait3A_388] : memref<2x2x80xi32, #tpu.memory_space<vmem>> -> memref<1x1x80xi32, #tpu.memory_space<vmem>>
    %dma_wait3A_390 = tpu.memref_squeeze %dma_wait3A_389 : memref<1x1x80xi32, #tpu.memory_space<vmem>> -> memref<80xi32, #tpu.memory_space<vmem>>
    %dma_wait3A_391 = arith.constant 0 : i32
    %dma_wait3A_392 = arith.constant 0 : i32
    %dma_wait3A_393 = tpu.memref_slice %arg10[%dma_wait3A_391, %dma_wait3A_392] : memref<10112x128xf32, #tpu.memory_space<vmem_shared>> -> memref<10112x128xf32, #tpu.memory_space<vmem_shared>>
    %dma_wait3A_394 = tpu.memref_slice %arg13[%dma_wait3A_383] : memref<2x!tpu.dma_semaphore, #tpu.memory_space<semaphore_mem>> -> memref<1x!tpu.dma_semaphore, #tpu.memory_space<semaphore_mem>>
    %dma_wait3A_395 = tpu.memref_squeeze %dma_wait3A_394 : memref<1x!tpu.dma_semaphore, #tpu.memory_space<semaphore_mem>> -> memref<!tpu.dma_semaphore, #tpu.memory_space<semaphore_mem>>
    tpu.wait_indirect_dma semaphore(%dma_wait3A_395 : memref<!tpu.dma_semaphore, #tpu.memory_space<semaphore_mem>>) src(%dma_wait3A_387 : memref<80x128xf32, #tpu.memory_space<vmem>>) dst(%dma_wait3A_393 : memref<10112x128xf32, #tpu.memory_space<vmem_shared>>)
    %dma_wait3A_396 = arith.constant 0 : i32
    %dma_wait3A_397 = arith.constant 0 : i32
    %dma_wait3A_398 = arith.constant 1 : i32
    %dma_wait3A_399 = arith.constant 0 : i32
    %dma_wait3A_400 = arith.constant 0 : i32
    %dma_wait3A_401 = arith.constant 0 : i32
    %dma_wait3A_402 = tpu.memref_slice %arg9[%dma_wait3A_396, %dma_wait3A_400, %dma_wait3A_401] : memref<2x80x128xf32, #tpu.memory_space<vmem>> -> memref<1x80x128xf32, #tpu.memory_space<vmem>>
    %dma_wait3A_403 = tpu.memref_squeeze %dma_wait3A_402 : memref<1x80x128xf32, #tpu.memory_space<vmem>> -> memref<80x128xf32, #tpu.memory_space<vmem>>
    %dma_wait3A_404 = arith.constant 0 : i32
    %dma_wait3A_405 = tpu.memref_slice %arg7[%dma_wait3A_397, %dma_wait3A_398, %dma_wait3A_404] : memref<2x2x80xi32, #tpu.memory_space<vmem>> -> memref<1x1x80xi32, #tpu.memory_space<vmem>>
    %dma_wait3A_406 = tpu.memref_squeeze %dma_wait3A_405 : memref<1x1x80xi32, #tpu.memory_space<vmem>> -> memref<80xi32, #tpu.memory_space<vmem>>
    %dma_wait3A_407 = arith.constant 0 : i32
    %dma_wait3A_408 = arith.constant 0 : i32
    %dma_wait3A_409 = tpu.memref_slice %arg10[%dma_wait3A_407, %dma_wait3A_408] : memref<10112x128xf32, #tpu.memory_space<vmem_shared>> -> memref<10112x128xf32, #tpu.memory_space<vmem_shared>>
    %dma_wait3A_410 = tpu.memref_slice %arg13[%dma_wait3A_399] : memref<2x!tpu.dma_semaphore, #tpu.memory_space<semaphore_mem>> -> memref<1x!tpu.dma_semaphore, #tpu.memory_space<semaphore_mem>>
    %dma_wait3A_411 = tpu.memref_squeeze %dma_wait3A_410 : memref<1x!tpu.dma_semaphore, #tpu.memory_space<semaphore_mem>> -> memref<!tpu.dma_semaphore, #tpu.memory_space<semaphore_mem>>
    tpu.wait_indirect_dma semaphore(%dma_wait3A_411 : memref<!tpu.dma_semaphore, #tpu.memory_space<semaphore_mem>>) src(%dma_wait3A_403 : memref<80x128xf32, #tpu.memory_space<vmem>>) dst(%dma_wait3A_409 : memref<10112x128xf32, #tpu.memory_space<vmem_shared>>)
    %barrier3A_412 = arith.constant 0 : index
    tpu.barrier barrier_id(%barrier3A_412)
    %mul3A_413 = arith.constant 632 : i32
    %mul3A_414 = arith.muli %arg1, %mul3A_413 : i32
    %mul3A_415 = arith.constant 632 : i32
    %mul3A_416 = arith.muli %arg1, %mul3A_415 : i32
    "tpu.region"() ({
      %run_scoped3A_417 = tpu.sem_alloc : memref<!tpu.dma_semaphore, #tpu.memory_space<semaphore_mem>>
      %dma_start3A_418 = arith.constant 0 : i32
      %dma_start3A_419 = arith.constant 0 : i32
      %dma_start3A_420 = tpu.memref_slice %arg6[%arg0, %dma_start3A_418, %dma_start3A_419] : memref<2x10112x128xf32, #tpu.memory_space<hbm>> -> memref<1x10112x128xf32, #tpu.memory_space<hbm>>
      %dma_start3A_421 = tpu.memref_squeeze %dma_start3A_420 : memref<1x10112x128xf32, #tpu.memory_space<hbm>> -> memref<10112x128xf32, #tpu.memory_space<hbm>>
      %dma_start3A_422 = arith.constant 0 : i32
      %dma_start3A_423 = tpu.memref_slice %dma_start3A_421[%mul3A_416, %dma_start3A_422] : memref<10112x128xf32, #tpu.memory_space<hbm>> -> memref<632x128xf32, #tpu.memory_space<hbm>>
      %dma_start3A_424 = arith.constant 0 : i32
      %dma_start3A_425 = tpu.memref_slice %arg10[%mul3A_414, %dma_start3A_424] : memref<10112x128xf32, #tpu.memory_space<vmem_shared>> -> memref<632x128xf32, #tpu.memory_space<vmem_shared>>
      tpu.enqueue_dma source(%dma_start3A_425 : memref<632x128xf32, #tpu.memory_space<vmem_shared>>) target(%dma_start3A_423 : memref<632x128xf32, #tpu.memory_space<hbm>>) target_semaphore(%run_scoped3A_417 : memref<!tpu.dma_semaphore, #tpu.memory_space<semaphore_mem>>)
      %dma_wait3A_426 = arith.constant 0 : i32
      %dma_wait3A_427 = arith.constant 0 : i32
      %dma_wait3A_428 = tpu.memref_slice %arg6[%arg0, %dma_wait3A_426, %dma_wait3A_427] : memref<2x10112x128xf32, #tpu.memory_space<hbm>> -> memref<1x10112x128xf32, #tpu.memory_space<hbm>>
      %dma_wait3A_429 = tpu.memref_squeeze %dma_wait3A_428 : memref<1x10112x128xf32, #tpu.memory_space<hbm>> -> memref<10112x128xf32, #tpu.memory_space<hbm>>
      %dma_wait3A_430 = arith.constant 0 : i32
      %dma_wait3A_431 = tpu.memref_slice %dma_wait3A_429[%mul3A_416, %dma_wait3A_430] : memref<10112x128xf32, #tpu.memory_space<hbm>> -> memref<632x128xf32, #tpu.memory_space<hbm>>
      %dma_wait3A_432 = arith.constant 0 : i32
      %dma_wait3A_433 = tpu.memref_slice %arg10[%mul3A_414, %dma_wait3A_432] : memref<10112x128xf32, #tpu.memory_space<vmem_shared>> -> memref<632x128xf32, #tpu.memory_space<vmem_shared>>
      tpu.wait_dma2 semaphore(%run_scoped3A_417 : memref<!tpu.dma_semaphore, #tpu.memory_space<semaphore_mem>>) src(%dma_wait3A_433 : memref<632x128xf32, #tpu.memory_space<vmem_shared>>) dst(%dma_wait3A_431 : memref<632x128xf32, #tpu.memory_space<hbm>>)
      tpu.yield
    }) : () -> ()
    return
  }
}

#map = affine_map<(d0, d1) -> (0, 0)>
#map1 = affine_map<(d0, d1) -> (0, 0, 0)>
module attributes {stable_mosaic.version = 14 : i64} {
  func.func @sc(%arg0: i32, %arg1: i32, %arg2: memref<10000x128xf32, #tpu.memory_space<hbm>>, %arg3: memref<320000x128xf32, #tpu.memory_space<hbm>>, %arg4: memref<4000x2x80xi32, #tpu.memory_space<hbm>>, %arg5: memref<10112x128xf32, #tpu.memory_space<hbm>>, %arg6: memref<2x10112x128xf32, #tpu.memory_space<hbm>>, %arg7: memref<2x2x80xi32, #tpu.memory_space<vmem>>, %arg8: memref<2x80x128xf32, #tpu.memory_space<vmem>>, %arg9: memref<2x80x128xf32, #tpu.memory_space<vmem>>, %arg10: memref<10112x128xf32, #tpu.memory_space<vmem_shared>>, %arg11: memref<2x!tpu.dma_semaphore, #tpu.memory_space<semaphore_mem>>, %arg12: memref<2x!tpu.dma_semaphore, #tpu.memory_space<semaphore_mem>>, %arg13: memref<2x!tpu.dma_semaphore, #tpu.memory_space<semaphore_mem>>) attributes {dimension_semantics = [#tpu.dimension_semantics<core_parallel>, #tpu.dimension_semantics<subcore_parallel>], iteration_bounds = array<i64: 2, 16>, scalar_prefetch = 0 : i64, scratch_operands = 7 : i64, tpu.core_type = #tpu.core_type<sc_vector_subcore>, window_params = [{transform_indices = #map}, {transform_indices = #map}, {transform_indices = #map1}, {transform_indices = #map}, {transform_indices = #map1}]} {
    %mul3A = arith.constant 16 : i32
    %mul3A_0 = arith.muli %arg0, %mul3A : i32
    %add3A = arith.addi %mul3A_0, %arg1 : i32
    %mul3A_1 = arith.constant 632 : i32
    %mul3A_2 = arith.muli %arg1, %mul3A_1 : i32
    %mul3A_3 = arith.constant 632 : i32
    %mul3A_4 = arith.muli %arg1, %mul3A_3 : i32
    "tpu.region"() ({
      %run_scoped3A_417 = tpu.sem_alloc : memref<!tpu.dma_semaphore, #tpu.memory_space<semaphore_mem>>
      %dma_start3A_418 = arith.constant 0 : i32
      %dma_start3A_419 = tpu.memref_slice %arg10[%mul3A_4, %dma_start3A_418] : memref<10112x128xf32, #tpu.memory_space<vmem_shared>> -> memref<632x128xf32, #tpu.memory_space<vmem_shared>>
      %dma_start3A_420 = arith.constant 0 : i32
      %dma_start3A_421 = tpu.memref_slice %arg5[%mul3A_2, %dma_start3A_420] : memref<10112x128xf32, #tpu.memory_space<hbm>> -> memref<632x128xf32, #tpu.memory_space<hbm>>
      tpu.enqueue_dma source(%dma_start3A_421 : memref<632x128xf32, #tpu.memory_space<hbm>>) target(%dma_start3A_419 : memref<632x128xf32, #tpu.memory_space<vmem_shared>>) target_semaphore(%run_scoped3A_417 : memref<!tpu.dma_semaphore, #tpu.memory_space<semaphore_mem>>)
      %dma_wait3A_422 = arith.constant 0 : i32
      %dma_wait3A_423 = tpu.memref_slice %arg10[%mul3A_4, %dma_wait3A_422] : memref<10112x128xf32, #tpu.memory_space<vmem_shared>> -> memref<632x128xf32, #tpu.memory_space<vmem_shared>>
      %dma_wait3A_424 = arith.constant 0 : i32
      %dma_wait3A_425 = tpu.memref_slice %arg5[%mul3A_2, %dma_wait3A_424] : memref<10112x128xf32, #tpu.memory_space<hbm>> -> memref<632x128xf32, #tpu.memory_space<hbm>>
      tpu.wait_dma2 semaphore(%run_scoped3A_417 : memref<!tpu.dma_semaphore, #tpu.memory_space<semaphore_mem>>) src(%dma_wait3A_425 : memref<632x128xf32, #tpu.memory_space<hbm>>) dst(%dma_wait3A_423 : memref<632x128xf32, #tpu.memory_space<vmem_shared>>)
      tpu.yield
    }) : () -> ()
    %barrier3A = arith.constant 0 : index
    tpu.barrier barrier_id(%barrier3A)
    %add3A_5 = arith.constant 0 : i32
    %add3A_6 = arith.addi %add3A, %add3A_5 : i32
    %run_scoped3A = arith.constant 0 : i32
    "tpu.region"() ({
      %run_scoped3A_417 = tpu.sem_alloc : memref<!tpu.dma_semaphore, #tpu.memory_space<semaphore_mem>>
      %dma_start3A_418 = arith.constant 0 : i32
      %dma_start3A_419 = arith.constant 0 : i32
      %dma_start3A_420 = tpu.memref_slice %arg7[%run_scoped3A, %dma_start3A_418, %dma_start3A_419] : memref<2x2x80xi32, #tpu.memory_space<vmem>> -> memref<1x2x80xi32, #tpu.memory_space<vmem>>
      %dma_start3A_421 = tpu.memref_squeeze %dma_start3A_420 : memref<1x2x80xi32, #tpu.memory_space<vmem>> -> memref<2x80xi32, #tpu.memory_space<vmem>>
      %dma_start3A_422 = arith.constant 0 : i32
      %dma_start3A_423 = arith.constant 0 : i32
      %dma_start3A_424 = tpu.memref_slice %arg4[%add3A_6, %dma_start3A_422, %dma_start3A_423] : memref<4000x2x80xi32, #tpu.memory_space<hbm>> -> memref<1x2x80xi32, #tpu.memory_space<hbm>>
      %dma_start3A_425 = tpu.memref_squeeze %dma_start3A_424 : memref<1x2x80xi32, #tpu.memory_space<hbm>> -> memref<2x80xi32, #tpu.memory_space<hbm>>
      %dma_start3A_426 = arith.constant 0 : i32
      %dma_start3A_427 = arith.constant 0 : i32
      %dma_start3A_428 = tpu.memref_slice %arg7[%run_scoped3A, %dma_start3A_426, %dma_start3A_427] : memref<2x2x80xi32, #tpu.memory_space<vmem>> -> memref<1x2x80xi32, #tpu.memory_space<vmem>>
      %dma_start3A_429 = tpu.memref_squeeze %dma_start3A_428 : memref<1x2x80xi32, #tpu.memory_space<vmem>> -> memref<2x80xi32, #tpu.memory_space<vmem>>
      %dma_start3A_430 = arith.constant 0 : i32
      %dma_start3A_431 = arith.constant 0 : i32
      %dma_start3A_432 = tpu.memref_slice %arg4[%add3A_6, %dma_start3A_430, %dma_start3A_431] : memref<4000x2x80xi32, #tpu.memory_space<hbm>> -> memref<1x2x80xi32, #tpu.memory_space<hbm>>
      %dma_start3A_433 = tpu.memref_squeeze %dma_start3A_432 : memref<1x2x80xi32, #tpu.memory_space<hbm>> -> memref<2x80xi32, #tpu.memory_space<hbm>>
      tpu.enqueue_dma source(%dma_start3A_433 : memref<2x80xi32, #tpu.memory_space<hbm>>) target(%dma_start3A_429 : memref<2x80xi32, #tpu.memory_space<vmem>>) target_semaphore(%run_scoped3A_417 : memref<!tpu.dma_semaphore, #tpu.memory_space<semaphore_mem>>)
      %dma_wait3A_434 = arith.constant 0 : i32
      %dma_wait3A_435 = arith.constant 0 : i32
      %dma_wait3A_436 = tpu.memref_slice %arg7[%run_scoped3A, %dma_wait3A_434, %dma_wait3A_435] : memref<2x2x80xi32, #tpu.memory_space<vmem>> -> memref<1x2x80xi32, #tpu.memory_space<vmem>>
      %dma_wait3A_437 = tpu.memref_squeeze %dma_wait3A_436 : memref<1x2x80xi32, #tpu.memory_space<vmem>> -> memref<2x80xi32, #tpu.memory_space<vmem>>
      %dma_wait3A_438 = arith.constant 0 : i32
      %dma_wait3A_439 = arith.constant 0 : i32
      %dma_wait3A_440 = tpu.memref_slice %arg4[%add3A_6, %dma_wait3A_438, %dma_wait3A_439] : memref<4000x2x80xi32, #tpu.memory_space<hbm>> -> memref<1x2x80xi32, #tpu.memory_space<hbm>>
      %dma_wait3A_441 = tpu.memref_squeeze %dma_wait3A_440 : memref<1x2x80xi32, #tpu.memory_space<hbm>> -> memref<2x80xi32, #tpu.memory_space<hbm>>
      %dma_wait3A_442 = arith.constant 0 : i32
      %dma_wait3A_443 = arith.constant 0 : i32
      %dma_wait3A_444 = tpu.memref_slice %arg7[%run_scoped3A, %dma_wait3A_442, %dma_wait3A_443] : memref<2x2x80xi32, #tpu.memory_space<vmem>> -> memref<1x2x80xi32, #tpu.memory_space<vmem>>
      %dma_wait3A_445 = tpu.memref_squeeze %dma_wait3A_444 : memref<1x2x80xi32, #tpu.memory_space<vmem>> -> memref<2x80xi32, #tpu.memory_space<vmem>>
      %dma_wait3A_446 = arith.constant 0 : i32
      %dma_wait3A_447 = arith.constant 0 : i32
      %dma_wait3A_448 = tpu.memref_slice %arg4[%add3A_6, %dma_wait3A_446, %dma_wait3A_447] : memref<4000x2x80xi32, #tpu.memory_space<hbm>> -> memref<1x2x80xi32, #tpu.memory_space<hbm>>
      %dma_wait3A_449 = tpu.memref_squeeze %dma_wait3A_448 : memref<1x2x80xi32, #tpu.memory_space<hbm>> -> memref<2x80xi32, #tpu.memory_space<hbm>>
      tpu.wait_dma2 semaphore(%run_scoped3A_417 : memref<!tpu.dma_semaphore, #tpu.memory_space<semaphore_mem>>) src(%dma_wait3A_449 : memref<2x80xi32, #tpu.memory_space<hbm>>) dst(%dma_wait3A_445 : memref<2x80xi32, #tpu.memory_space<vmem>>)
      tpu.yield
    }) : () -> ()
    %dma_start3A = arith.constant 0 : i32
    %dma_start3A_7 = arith.constant 0 : i32
    %dma_start3A_8 = arith.constant 0 : i32
    %dma_start3A_9 = arith.constant 0 : i32
    %dma_start3A_10 = arith.constant 0 : i32
    %dma_start3A_11 = arith.constant 0 : i32
    %dma_start3A_12 = tpu.memref_slice %arg8[%dma_start3A_8, %dma_start3A_10, %dma_start3A_11] : memref<2x80x128xf32, #tpu.memory_space<vmem>> -> memref<1x80x128xf32, #tpu.memory_space<vmem>>
    %dma_start3A_13 = tpu.memref_squeeze %dma_start3A_12 : memref<1x80x128xf32, #tpu.memory_space<vmem>> -> memref<80x128xf32, #tpu.memory_space<vmem>>
    %dma_start3A_14 = arith.constant 0 : i32
    %dma_start3A_15 = tpu.memref_slice %arg7[%dma_start3A, %dma_start3A_7, %dma_start3A_14] : memref<2x2x80xi32, #tpu.memory_space<vmem>> -> memref<1x1x80xi32, #tpu.memory_space<vmem>>
    %dma_start3A_16 = tpu.memref_squeeze %dma_start3A_15 : memref<1x1x80xi32, #tpu.memory_space<vmem>> -> memref<80xi32, #tpu.memory_space<vmem>>
    %dma_start3A_17 = arith.constant 0 : i32
    %dma_start3A_18 = arith.constant 0 : i32
    %dma_start3A_19 = tpu.memref_slice %arg2[%dma_start3A_17, %dma_start3A_18] : memref<10000x128xf32, #tpu.memory_space<hbm>> -> memref<10000x128xf32, #tpu.memory_space<hbm>>
    %dma_start3A_20 = tpu.memref_slice %arg11[%dma_start3A_9] : memref<2x!tpu.dma_semaphore, #tpu.memory_space<semaphore_mem>> -> memref<1x!tpu.dma_semaphore, #tpu.memory_space<semaphore_mem>>
    %dma_start3A_21 = tpu.memref_squeeze %dma_start3A_20 : memref<1x!tpu.dma_semaphore, #tpu.memory_space<semaphore_mem>> -> memref<!tpu.dma_semaphore, #tpu.memory_space<semaphore_mem>>
    tpu.enqueue_indirect_dma source(%dma_start3A_19 : memref<10000x128xf32, #tpu.memory_space<hbm>>) target(%dma_start3A_13 : memref<80x128xf32, #tpu.memory_space<vmem>>) offsets(%dma_start3A_16 : memref<80xi32, #tpu.memory_space<vmem>>) semaphore(%dma_start3A_21 : memref<!tpu.dma_semaphore, #tpu.memory_space<semaphore_mem>>)
    %mul3A_22 = arith.constant 80 : i32
    %mul3A_23 = arith.muli %add3A_6, %mul3A_22 : i32
    %dma_start3A_24 = arith.constant 0 : i32
    %dma_start3A_25 = arith.constant 0 : i32
    %dma_start3A_26 = arith.constant 0 : i32
    %dma_start3A_27 = arith.constant 0 : i32
    %dma_start3A_28 = tpu.memref_slice %arg9[%dma_start3A_24, %dma_start3A_26, %dma_start3A_27] : memref<2x80x128xf32, #tpu.memory_space<vmem>> -> memref<1x80x128xf32, #tpu.memory_space<vmem>>
    %dma_start3A_29 = tpu.memref_squeeze %dma_start3A_28 : memref<1x80x128xf32, #tpu.memory_space<vmem>> -> memref<80x128xf32, #tpu.memory_space<vmem>>
    %dma_start3A_30 = arith.constant 0 : i32
    %dma_start3A_31 = tpu.memref_slice %arg3[%mul3A_23, %dma_start3A_30] : memref<320000x128xf32, #tpu.memory_space<hbm>> -> memref<80x128xf32, #tpu.memory_space<hbm>>
    %dma_start3A_32 = tpu.memref_slice %arg12[%dma_start3A_25] : memref<2x!tpu.dma_semaphore, #tpu.memory_space<semaphore_mem>> -> memref<1x!tpu.dma_semaphore, #tpu.memory_space<semaphore_mem>>
    %dma_start3A_33 = tpu.memref_squeeze %dma_start3A_32 : memref<1x!tpu.dma_semaphore, #tpu.memory_space<semaphore_mem>> -> memref<!tpu.dma_semaphore, #tpu.memory_space<semaphore_mem>>
    %dma_start3A_34 = arith.constant 0 : i32
    %dma_start3A_35 = arith.constant 0 : i32
    %dma_start3A_36 = tpu.memref_slice %arg9[%dma_start3A_24, %dma_start3A_34, %dma_start3A_35] : memref<2x80x128xf32, #tpu.memory_space<vmem>> -> memref<1x80x128xf32, #tpu.memory_space<vmem>>
    %dma_start3A_37 = tpu.memref_squeeze %dma_start3A_36 : memref<1x80x128xf32, #tpu.memory_space<vmem>> -> memref<80x128xf32, #tpu.memory_space<vmem>>
    %dma_start3A_38 = arith.constant 0 : i32
    %dma_start3A_39 = tpu.memref_slice %arg3[%mul3A_23, %dma_start3A_38] : memref<320000x128xf32, #tpu.memory_space<hbm>> -> memref<80x128xf32, #tpu.memory_space<hbm>>
    tpu.enqueue_dma source(%dma_start3A_39 : memref<80x128xf32, #tpu.memory_space<hbm>>) target(%dma_start3A_37 : memref<80x128xf32, #tpu.memory_space<vmem>>) target_semaphore(%dma_start3A_33 : memref<!tpu.dma_semaphore, #tpu.memory_space<semaphore_mem>>)
    %add3A_40 = arith.constant 32 : i32
    %add3A_41 = arith.addi %add3A, %add3A_40 : i32
    %run_scoped3A_42 = arith.constant 1 : i32
    "tpu.region"() ({
      %run_scoped3A_417 = tpu.sem_alloc : memref<!tpu.dma_semaphore, #tpu.memory_space<semaphore_mem>>
      %dma_start3A_418 = arith.constant 0 : i32
      %dma_start3A_419 = arith.constant 0 : i32
      %dma_start3A_420 = tpu.memref_slice %arg7[%run_scoped3A_42, %dma_start3A_418, %dma_start3A_419] : memref<2x2x80xi32, #tpu.memory_space<vmem>> -> memref<1x2x80xi32, #tpu.memory_space<vmem>>
      %dma_start3A_421 = tpu.memref_squeeze %dma_start3A_420 : memref<1x2x80xi32, #tpu.memory_space<vmem>> -> memref<2x80xi32, #tpu.memory_space<vmem>>
      %dma_start3A_422 = arith.constant 0 : i32
      %dma_start3A_423 = arith.constant 0 : i32
      %dma_start3A_424 = tpu.memref_slice %arg4[%add3A_41, %dma_start3A_422, %dma_start3A_423] : memref<4000x2x80xi32, #tpu.memory_space<hbm>> -> memref<1x2x80xi32, #tpu.memory_space<hbm>>
      %dma_start3A_425 = tpu.memref_squeeze %dma_start3A_424 : memref<1x2x80xi32, #tpu.memory_space<hbm>> -> memref<2x80xi32, #tpu.memory_space<hbm>>
      %dma_start3A_426 = arith.constant 0 : i32
      %dma_start3A_427 = arith.constant 0 : i32
      %dma_start3A_428 = tpu.memref_slice %arg7[%run_scoped3A_42, %dma_start3A_426, %dma_start3A_427] : memref<2x2x80xi32, #tpu.memory_space<vmem>> -> memref<1x2x80xi32, #tpu.memory_space<vmem>>
      %dma_start3A_429 = tpu.memref_squeeze %dma_start3A_428 : memref<1x2x80xi32, #tpu.memory_space<vmem>> -> memref<2x80xi32, #tpu.memory_space<vmem>>
      %dma_start3A_430 = arith.constant 0 : i32
      %dma_start3A_431 = arith.constant 0 : i32
      %dma_start3A_432 = tpu.memref_slice %arg4[%add3A_41, %dma_start3A_430, %dma_start3A_431] : memref<4000x2x80xi32, #tpu.memory_space<hbm>> -> memref<1x2x80xi32, #tpu.memory_space<hbm>>
      %dma_start3A_433 = tpu.memref_squeeze %dma_start3A_432 : memref<1x2x80xi32, #tpu.memory_space<hbm>> -> memref<2x80xi32, #tpu.memory_space<hbm>>
      tpu.enqueue_dma source(%dma_start3A_433 : memref<2x80xi32, #tpu.memory_space<hbm>>) target(%dma_start3A_429 : memref<2x80xi32, #tpu.memory_space<vmem>>) target_semaphore(%run_scoped3A_417 : memref<!tpu.dma_semaphore, #tpu.memory_space<semaphore_mem>>)
      %dma_wait3A_434 = arith.constant 0 : i32
      %dma_wait3A_435 = arith.constant 0 : i32
      %dma_wait3A_436 = tpu.memref_slice %arg7[%run_scoped3A_42, %dma_wait3A_434, %dma_wait3A_435] : memref<2x2x80xi32, #tpu.memory_space<vmem>> -> memref<1x2x80xi32, #tpu.memory_space<vmem>>
      %dma_wait3A_437 = tpu.memref_squeeze %dma_wait3A_436 : memref<1x2x80xi32, #tpu.memory_space<vmem>> -> memref<2x80xi32, #tpu.memory_space<vmem>>
      %dma_wait3A_438 = arith.constant 0 : i32
      %dma_wait3A_439 = arith.constant 0 : i32
      %dma_wait3A_440 = tpu.memref_slice %arg4[%add3A_41, %dma_wait3A_438, %dma_wait3A_439] : memref<4000x2x80xi32, #tpu.memory_space<hbm>> -> memref<1x2x80xi32, #tpu.memory_space<hbm>>
      %dma_wait3A_441 = tpu.memref_squeeze %dma_wait3A_440 : memref<1x2x80xi32, #tpu.memory_space<hbm>> -> memref<2x80xi32, #tpu.memory_space<hbm>>
      %dma_wait3A_442 = arith.constant 0 : i32
      %dma_wait3A_443 = arith.constant 0 : i32
      %dma_wait3A_444 = tpu.memref_slice %arg7[%run_scoped3A_42, %dma_wait3A_442, %dma_wait3A_443] : memref<2x2x80xi32, #tpu.memory_space<vmem>> -> memref<1x2x80xi32, #tpu.memory_space<vmem>>
      %dma_wait3A_445 = tpu.memref_squeeze %dma_wait3A_444 : memref<1x2x80xi32, #tpu.memory_space<vmem>> -> memref<2x80xi32, #tpu.memory_space<vmem>>
      %dma_wait3A_446 = arith.constant 0 : i32
      %dma_wait3A_447 = arith.constant 0 : i32
      %dma_wait3A_448 = tpu.memref_slice %arg4[%add3A_41, %dma_wait3A_446, %dma_wait3A_447] : memref<4000x2x80xi32, #tpu.memory_space<hbm>> -> memref<1x2x80xi32, #tpu.memory_space<hbm>>
      %dma_wait3A_449 = tpu.memref_squeeze %dma_wait3A_448 : memref<1x2x80xi32, #tpu.memory_space<hbm>> -> memref<2x80xi32, #tpu.memory_space<hbm>>
      tpu.wait_dma2 semaphore(%run_scoped3A_417 : memref<!tpu.dma_semaphore, #tpu.memory_space<semaphore_mem>>) src(%dma_wait3A_449 : memref<2x80xi32, #tpu.memory_space<hbm>>) dst(%dma_wait3A_445 : memref<2x80xi32, #tpu.memory_space<vmem>>)
      tpu.yield
    }) : () -> ()
    %dma_start3A_43 = arith.constant 1 : i32
    %dma_start3A_44 = arith.constant 0 : i32
    %dma_start3A_45 = arith.constant 1 : i32
    %dma_start3A_46 = arith.constant 1 : i32
    %dma_start3A_47 = arith.constant 0 : i32
    %dma_start3A_48 = arith.constant 0 : i32
    %dma_start3A_49 = tpu.memref_slice %arg8[%dma_start3A_45, %dma_start3A_47, %dma_start3A_48] : memref<2x80x128xf32, #tpu.memory_space<vmem>> -> memref<1x80x128xf32, #tpu.memory_space<vmem>>
    %dma_start3A_50 = tpu.memref_squeeze %dma_start3A_49 : memref<1x80x128xf32, #tpu.memory_space<vmem>> -> memref<80x128xf32, #tpu.memory_space<vmem>>
    %dma_start3A_51 = arith.constant 0 : i32
    %dma_start3A_52 = tpu.memref_slice %arg7[%dma_start3A_43, %dma_start3A_44, %dma_start3A_51] : memref<2x2x80xi32, #tpu.memory_space<vmem>> -> memref<1x1x80xi32, #tpu.memory_space<vmem>>
    %dma_start3A_53 = tpu.memref_squeeze %dma_start3A_52 : memref<1x1x80xi32, #tpu.memory_space<vmem>> -> memref<80xi32, #tpu.memory_space<vmem>>
    %dma_start3A_54 = arith.constant 0 : i32
    %dma_start3A_55 = arith.constant 0 : i32
    %dma_start3A_56 = tpu.memref_slice %arg2[%dma_start3A_54, %dma_start3A_55] : memref<10000x128xf32, #tpu.memory_space<hbm>> -> memref<10000x128xf32, #tpu.memory_space<hbm>>
    %dma_start3A_57 = tpu.memref_slice %arg11[%dma_start3A_46] : memref<2x!tpu.dma_semaphore, #tpu.memory_space<semaphore_mem>> -> memref<1x!tpu.dma_semaphore, #tpu.memory_space<semaphore_mem>>
    %dma_start3A_58 = tpu.memref_squeeze %dma_start3A_57 : memref<1x!tpu.dma_semaphore, #tpu.memory_space<semaphore_mem>> -> memref<!tpu.dma_semaphore, #tpu.memory_space<semaphore_mem>>
    tpu.enqueue_indirect_dma source(%dma_start3A_56 : memref<10000x128xf32, #tpu.memory_space<hbm>>) target(%dma_start3A_50 : memref<80x128xf32, #tpu.memory_space<vmem>>) offsets(%dma_start3A_53 : memref<80xi32, #tpu.memory_space<vmem>>) semaphore(%dma_start3A_58 : memref<!tpu.dma_semaphore, #tpu.memory_space<semaphore_mem>>)
    %mul3A_59 = arith.constant 80 : i32
    %mul3A_60 = arith.muli %add3A_41, %mul3A_59 : i32
    %dma_start3A_61 = arith.constant 1 : i32
    %dma_start3A_62 = arith.constant 1 : i32
    %dma_start3A_63 = arith.constant 0 : i32
    %dma_start3A_64 = arith.constant 0 : i32
    %dma_start3A_65 = tpu.memref_slice %arg9[%dma_start3A_61, %dma_start3A_63, %dma_start3A_64] : memref<2x80x128xf32, #tpu.memory_space<vmem>> -> memref<1x80x128xf32, #tpu.memory_space<vmem>>
    %dma_start3A_66 = tpu.memref_squeeze %dma_start3A_65 : memref<1x80x128xf32, #tpu.memory_space<vmem>> -> memref<80x128xf32, #tpu.memory_space<vmem>>
    %dma_start3A_67 = arith.constant 0 : i32
    %dma_start3A_68 = tpu.memref_slice %arg3[%mul3A_60, %dma_start3A_67] : memref<320000x128xf32, #tpu.memory_space<hbm>> -> memref<80x128xf32, #tpu.memory_space<hbm>>
    %dma_start3A_69 = tpu.memref_slice %arg12[%dma_start3A_62] : memref<2x!tpu.dma_semaphore, #tpu.memory_space<semaphore_mem>> -> memref<1x!tpu.dma_semaphore, #tpu.memory_space<semaphore_mem>>
    %dma_start3A_70 = tpu.memref_squeeze %dma_start3A_69 : memref<1x!tpu.dma_semaphore, #tpu.memory_space<semaphore_mem>> -> memref<!tpu.dma_semaphore, #tpu.memory_space<semaphore_mem>>
    %dma_start3A_71 = arith.constant 0 : i32
    %dma_start3A_72 = arith.constant 0 : i32
    %dma_start3A_73 = tpu.memref_slice %arg9[%dma_start3A_61, %dma_start3A_71, %dma_start3A_72] : memref<2x80x128xf32, #tpu.memory_space<vmem>> -> memref<1x80x128xf32, #tpu.memory_space<vmem>>
    %dma_start3A_74 = tpu.memref_squeeze %dma_start3A_73 : memref<1x80x128xf32, #tpu.memory_space<vmem>> -> memref<80x128xf32, #tpu.memory_space<vmem>>
    %dma_start3A_75 = arith.constant 0 : i32
    %dma_start3A_76 = tpu.memref_slice %arg3[%mul3A_60, %dma_start3A_75] : memref<320000x128xf32, #tpu.memory_space<hbm>> -> memref<80x128xf32, #tpu.memory_space<hbm>>
    tpu.enqueue_dma source(%dma_start3A_76 : memref<80x128xf32, #tpu.memory_space<hbm>>) target(%dma_start3A_74 : memref<80x128xf32, #tpu.memory_space<vmem>>) target_semaphore(%dma_start3A_70 : memref<!tpu.dma_semaphore, #tpu.memory_space<semaphore_mem>>)
    %dma_wait3A = arith.constant 0 : i32
    %dma_wait3A_77 = arith.constant 0 : i32
    %dma_wait3A_78 = arith.constant 0 : i32
    %dma_wait3A_79 = arith.constant 0 : i32
    %dma_wait3A_80 = arith.constant 0 : i32
    %dma_wait3A_81 = arith.constant 0 : i32
    %dma_wait3A_82 = tpu.memref_slice %arg8[%dma_wait3A_78, %dma_wait3A_80, %dma_wait3A_81] : memref<2x80x128xf32, #tpu.memory_space<vmem>> -> memref<1x80x128xf32, #tpu.memory_space<vmem>>
    %dma_wait3A_83 = tpu.memref_squeeze %dma_wait3A_82 : memref<1x80x128xf32, #tpu.memory_space<vmem>> -> memref<80x128xf32, #tpu.memory_space<vmem>>
    %dma_wait3A_84 = arith.constant 0 : i32
    %dma_wait3A_85 = tpu.memref_slice %arg7[%dma_wait3A, %dma_wait3A_77, %dma_wait3A_84] : memref<2x2x80xi32, #tpu.memory_space<vmem>> -> memref<1x1x80xi32, #tpu.memory_space<vmem>>
    %dma_wait3A_86 = tpu.memref_squeeze %dma_wait3A_85 : memref<1x1x80xi32, #tpu.memory_space<vmem>> -> memref<80xi32, #tpu.memory_space<vmem>>
    %dma_wait3A_87 = arith.constant 0 : i32
    %dma_wait3A_88 = arith.constant 0 : i32
    %dma_wait3A_89 = tpu.memref_slice %arg2[%dma_wait3A_87, %dma_wait3A_88] : memref<10000x128xf32, #tpu.memory_space<hbm>> -> memref<10000x128xf32, #tpu.memory_space<hbm>>
    %dma_wait3A_90 = tpu.memref_slice %arg11[%dma_wait3A_79] : memref<2x!tpu.dma_semaphore, #tpu.memory_space<semaphore_mem>> -> memref<1x!tpu.dma_semaphore, #tpu.memory_space<semaphore_mem>>
    %dma_wait3A_91 = tpu.memref_squeeze %dma_wait3A_90 : memref<1x!tpu.dma_semaphore, #tpu.memory_space<semaphore_mem>> -> memref<!tpu.dma_semaphore, #tpu.memory_space<semaphore_mem>>
    tpu.wait_indirect_dma semaphore(%dma_wait3A_91 : memref<!tpu.dma_semaphore, #tpu.memory_space<semaphore_mem>>) src(%dma_wait3A_89 : memref<10000x128xf32, #tpu.memory_space<hbm>>) dst(%dma_wait3A_83 : memref<80x128xf32, #tpu.memory_space<vmem>>)
    %dma_wait3A_92 = arith.constant 0 : i32
    %dma_wait3A_93 = arith.constant 0 : i32
    %dma_wait3A_94 = arith.constant 0 : i32
    %dma_wait3A_95 = arith.constant 0 : i32
    %dma_wait3A_96 = tpu.memref_slice %arg9[%dma_wait3A_92, %dma_wait3A_94, %dma_wait3A_95] : memref<2x80x128xf32, #tpu.memory_space<vmem>> -> memref<1x80x128xf32, #tpu.memory_space<vmem>>
    %dma_wait3A_97 = tpu.memref_squeeze %dma_wait3A_96 : memref<1x80x128xf32, #tpu.memory_space<vmem>> -> memref<80x128xf32, #tpu.memory_space<vmem>>
    %dma_wait3A_98 = arith.constant 0 : i32
    %dma_wait3A_99 = arith.constant 0 : i32
    %dma_wait3A_100 = tpu.memref_slice %arg3[%dma_wait3A_98, %dma_wait3A_99] : memref<320000x128xf32, #tpu.memory_space<hbm>> -> memref<80x128xf32, #tpu.memory_space<hbm>>
    %dma_wait3A_101 = tpu.memref_slice %arg12[%dma_wait3A_93] : memref<2x!tpu.dma_semaphore, #tpu.memory_space<semaphore_mem>> -> memref<1x!tpu.dma_semaphore, #tpu.memory_space<semaphore_mem>>
    %dma_wait3A_102 = tpu.memref_squeeze %dma_wait3A_101 : memref<1x!tpu.dma_semaphore, #tpu.memory_space<semaphore_mem>> -> memref<!tpu.dma_semaphore, #tpu.memory_space<semaphore_mem>>
    %dma_wait3A_103 = arith.constant 0 : i32
    %dma_wait3A_104 = arith.constant 0 : i32
    %dma_wait3A_105 = tpu.memref_slice %arg9[%dma_wait3A_92, %dma_wait3A_103, %dma_wait3A_104] : memref<2x80x128xf32, #tpu.memory_space<vmem>> -> memref<1x80x128xf32, #tpu.memory_space<vmem>>
    %dma_wait3A_106 = tpu.memref_squeeze %dma_wait3A_105 : memref<1x80x128xf32, #tpu.memory_space<vmem>> -> memref<80x128xf32, #tpu.memory_space<vmem>>
    %dma_wait3A_107 = arith.constant 0 : i32
    %dma_wait3A_108 = arith.constant 0 : i32
    %dma_wait3A_109 = tpu.memref_slice %arg3[%dma_wait3A_107, %dma_wait3A_108] : memref<320000x128xf32, #tpu.memory_space<hbm>> -> memref<80x128xf32, #tpu.memory_space<hbm>>
    tpu.wait_dma2 semaphore(%dma_wait3A_102 : memref<!tpu.dma_semaphore, #tpu.memory_space<semaphore_mem>>) src(%dma_wait3A_109 : memref<80x128xf32, #tpu.memory_space<hbm>>) dst(%dma_wait3A_106 : memref<80x128xf32, #tpu.memory_space<vmem>>)
    %dma_start3A_110 = arith.constant 0 : i32
    %dma_start3A_111 = arith.constant 0 : i32
    %dma_start3A_112 = arith.constant 1 : i32
    %dma_start3A_113 = arith.constant 0 : i32
    %dma_start3A_114 = arith.constant 0 : i32
    %dma_start3A_115 = arith.constant 0 : i32
    %dma_start3A_116 = tpu.memref_slice %arg8[%dma_start3A_110, %dma_start3A_114, %dma_start3A_115] : memref<2x80x128xf32, #tpu.memory_space<vmem>> -> memref<1x80x128xf32, #tpu.memory_space<vmem>>
    %dma_start3A_117 = tpu.memref_squeeze %dma_start3A_116 : memref<1x80x128xf32, #tpu.memory_space<vmem>> -> memref<80x128xf32, #tpu.memory_space<vmem>>
    %dma_start3A_118 = arith.constant 0 : i32
    %dma_start3A_119 = tpu.memref_slice %arg7[%dma_start3A_111, %dma_start3A_112, %dma_start3A_118] : memref<2x2x80xi32, #tpu.memory_space<vmem>> -> memref<1x1x80xi32, #tpu.memory_space<vmem>>
    %dma_start3A_120 = tpu.memref_squeeze %dma_start3A_119 : memref<1x1x80xi32, #tpu.memory_space<vmem>> -> memref<80xi32, #tpu.memory_space<vmem>>
    %dma_start3A_121 = arith.constant 0 : i32
    %dma_start3A_122 = arith.constant 0 : i32
    %dma_start3A_123 = tpu.memref_slice %arg10[%dma_start3A_121, %dma_start3A_122] : memref<10112x128xf32, #tpu.memory_space<vmem_shared>> -> memref<10112x128xf32, #tpu.memory_space<vmem_shared>>
    %dma_start3A_124 = tpu.memref_slice %arg13[%dma_start3A_113] : memref<2x!tpu.dma_semaphore, #tpu.memory_space<semaphore_mem>> -> memref<1x!tpu.dma_semaphore, #tpu.memory_space<semaphore_mem>>
    %dma_start3A_125 = tpu.memref_squeeze %dma_start3A_124 : memref<1x!tpu.dma_semaphore, #tpu.memory_space<semaphore_mem>> -> memref<!tpu.dma_semaphore, #tpu.memory_space<semaphore_mem>>
    tpu.enqueue_indirect_dma source(%dma_start3A_117 : memref<80x128xf32, #tpu.memory_space<vmem>>) target(%dma_start3A_123 : memref<10112x128xf32, #tpu.memory_space<vmem_shared>>) offsets(%dma_start3A_120 : memref<80xi32, #tpu.memory_space<vmem>>) semaphore(%dma_start3A_125 : memref<!tpu.dma_semaphore, #tpu.memory_space<semaphore_mem>>) {add = true}
    %dma_start3A_126 = arith.constant 0 : i32
    %dma_start3A_127 = arith.constant 0 : i32
    %dma_start3A_128 = arith.constant 1 : i32
    %dma_start3A_129 = arith.constant 0 : i32
    %dma_start3A_130 = arith.constant 0 : i32
    %dma_start3A_131 = arith.constant 0 : i32
    %dma_start3A_132 = tpu.memref_slice %arg9[%dma_start3A_126, %dma_start3A_130, %dma_start3A_131] : memref<2x80x128xf32, #tpu.memory_space<vmem>> -> memref<1x80x128xf32, #tpu.memory_space<vmem>>
    %dma_start3A_133 = tpu.memref_squeeze %dma_start3A_132 : memref<1x80x128xf32, #tpu.memory_space<vmem>> -> memref<80x128xf32, #tpu.memory_space<vmem>>
    %dma_start3A_134 = arith.constant 0 : i32
    %dma_start3A_135 = tpu.memref_slice %arg7[%dma_start3A_127, %dma_start3A_128, %dma_start3A_134] : memref<2x2x80xi32, #tpu.memory_space<vmem>> -> memref<1x1x80xi32, #tpu.memory_space<vmem>>
    %dma_start3A_136 = tpu.memref_squeeze %dma_start3A_135 : memref<1x1x80xi32, #tpu.memory_space<vmem>> -> memref<80xi32, #tpu.memory_space<vmem>>
    %dma_start3A_137 = arith.constant 0 : i32
    %dma_start3A_138 = arith.constant 0 : i32
    %dma_start3A_139 = tpu.memref_slice %arg10[%dma_start3A_137, %dma_start3A_138] : memref<10112x128xf32, #tpu.memory_space<vmem_shared>> -> memref<10112x128xf32, #tpu.memory_space<vmem_shared>>
    %dma_start3A_140 = tpu.memref_slice %arg13[%dma_start3A_129] : memref<2x!tpu.dma_semaphore, #tpu.memory_space<semaphore_mem>> -> memref<1x!tpu.dma_semaphore, #tpu.memory_space<semaphore_mem>>
    %dma_start3A_141 = tpu.memref_squeeze %dma_start3A_140 : memref<1x!tpu.dma_semaphore, #tpu.memory_space<semaphore_mem>> -> memref<!tpu.dma_semaphore, #tpu.memory_space<semaphore_mem>>
    tpu.enqueue_indirect_dma source(%dma_start3A_133 : memref<80x128xf32, #tpu.memory_space<vmem>>) target(%dma_start3A_139 : memref<10112x128xf32, #tpu.memory_space<vmem_shared>>) offsets(%dma_start3A_136 : memref<80xi32, #tpu.memory_space<vmem>>) semaphore(%dma_start3A_141 : memref<!tpu.dma_semaphore, #tpu.memory_space<semaphore_mem>>) {add = true}
    %scan3A = arith.constant 0 : i32
    %scan3A_142 = arith.constant 1 : i32
    %scan3A_143 = arith.constant 61 : i32
    %scan3A_144 = arith.addi %scan3A_142, %scan3A_143 : i32
    %scan3A_145 = arith.constant 1 : i32
    scf.for %scan3A_417 = %scan3A_142 to %scan3A_144 step %scan3A_145  : i32 {
      %mul3A_418 = arith.constant 2 : i32
      %mul3A_419 = arith.muli %mul3A_418, %scan3A_417 : i32
      %add3A_420 = arith.constant 0 : i32
      %add3A_421 = arith.addi %mul3A_419, %add3A_420 : i32
      %dma_wait3A_422 = arith.constant 0 : i32
      %dma_wait3A_423 = arith.constant 0 : i32
      %dma_wait3A_424 = arith.constant 1 : i32
      %dma_wait3A_425 = arith.constant 0 : i32
      %dma_wait3A_426 = arith.constant 0 : i32
      %dma_wait3A_427 = arith.constant 0 : i32
      %dma_wait3A_428 = tpu.memref_slice %arg8[%dma_wait3A_422, %dma_wait3A_426, %dma_wait3A_427] : memref<2x80x128xf32, #tpu.memory_space<vmem>> -> memref<1x80x128xf32, #tpu.memory_space<vmem>>
      %dma_wait3A_429 = tpu.memref_squeeze %dma_wait3A_428 : memref<1x80x128xf32, #tpu.memory_space<vmem>> -> memref<80x128xf32, #tpu.memory_space<vmem>>
      %dma_wait3A_430 = arith.constant 0 : i32
      %dma_wait3A_431 = tpu.memref_slice %arg7[%dma_wait3A_423, %dma_wait3A_424, %dma_wait3A_430] : memref<2x2x80xi32, #tpu.memory_space<vmem>> -> memref<1x1x80xi32, #tpu.memory_space<vmem>>
      %dma_wait3A_432 = tpu.memref_squeeze %dma_wait3A_431 : memref<1x1x80xi32, #tpu.memory_space<vmem>> -> memref<80xi32, #tpu.memory_space<vmem>>
      %dma_wait3A_433 = arith.constant 0 : i32
      %dma_wait3A_434 = arith.constant 0 : i32
      %dma_wait3A_435 = tpu.memref_slice %arg10[%dma_wait3A_433, %dma_wait3A_434] : memref<10112x128xf32, #tpu.memory_space<vmem_shared>> -> memref<10112x128xf32, #tpu.memory_space<vmem_shared>>
      %dma_wait3A_436 = tpu.memref_slice %arg13[%dma_wait3A_425] : memref<2x!tpu.dma_semaphore, #tpu.memory_space<semaphore_mem>> -> memref<1x!tpu.dma_semaphore, #tpu.memory_space<semaphore_mem>>
      %dma_wait3A_437 = tpu.memref_squeeze %dma_wait3A_436 : memref<1x!tpu.dma_semaphore, #tpu.memory_space<semaphore_mem>> -> memref<!tpu.dma_semaphore, #tpu.memory_space<semaphore_mem>>
      tpu.wait_indirect_dma semaphore(%dma_wait3A_437 : memref<!tpu.dma_semaphore, #tpu.memory_space<semaphore_mem>>) src(%dma_wait3A_429 : memref<80x128xf32, #tpu.memory_space<vmem>>) dst(%dma_wait3A_435 : memref<10112x128xf32, #tpu.memory_space<vmem_shared>>)
      %dma_wait3A_438 = arith.constant 0 : i32
      %dma_wait3A_439 = arith.constant 0 : i32
      %dma_wait3A_440 = arith.constant 1 : i32
      %dma_wait3A_441 = arith.constant 0 : i32
      %dma_wait3A_442 = arith.constant 0 : i32
      %dma_wait3A_443 = arith.constant 0 : i32
      %dma_wait3A_444 = tpu.memref_slice %arg9[%dma_wait3A_438, %dma_wait3A_442, %dma_wait3A_443] : memref<2x80x128xf32, #tpu.memory_space<vmem>> -> memref<1x80x128xf32, #tpu.memory_space<vmem>>
      %dma_wait3A_445 = tpu.memref_squeeze %dma_wait3A_444 : memref<1x80x128xf32, #tpu.memory_space<vmem>> -> memref<80x128xf32, #tpu.memory_space<vmem>>
      %dma_wait3A_446 = arith.constant 0 : i32
      %dma_wait3A_447 = tpu.memref_slice %arg7[%dma_wait3A_439, %dma_wait3A_440, %dma_wait3A_446] : memref<2x2x80xi32, #tpu.memory_space<vmem>> -> memref<1x1x80xi32, #tpu.memory_space<vmem>>
      %dma_wait3A_448 = tpu.memref_squeeze %dma_wait3A_447 : memref<1x1x80xi32, #tpu.memory_space<vmem>> -> memref<80xi32, #tpu.memory_space<vmem>>
      %dma_wait3A_449 = arith.constant 0 : i32
      %dma_wait3A_450 = arith.constant 0 : i32
      %dma_wait3A_451 = tpu.memref_slice %arg10[%dma_wait3A_449, %dma_wait3A_450] : memref<10112x128xf32, #tpu.memory_space<vmem_shared>> -> memref<10112x128xf32, #tpu.memory_space<vmem_shared>>
      %dma_wait3A_452 = tpu.memref_slice %arg13[%dma_wait3A_441] : memref<2x!tpu.dma_semaphore, #tpu.memory_space<semaphore_mem>> -> memref<1x!tpu.dma_semaphore, #tpu.memory_space<semaphore_mem>>
      %dma_wait3A_453 = tpu.memref_squeeze %dma_wait3A_452 : memref<1x!tpu.dma_semaphore, #tpu.memory_space<semaphore_mem>> -> memref<!tpu.dma_semaphore, #tpu.memory_space<semaphore_mem>>
      tpu.wait_indirect_dma semaphore(%dma_wait3A_453 : memref<!tpu.dma_semaphore, #tpu.memory_space<semaphore_mem>>) src(%dma_wait3A_445 : memref<80x128xf32, #tpu.memory_space<vmem>>) dst(%dma_wait3A_451 : memref<10112x128xf32, #tpu.memory_space<vmem_shared>>)
      %mul3A_454 = arith.constant 32 : i32
      %mul3A_455 = arith.muli %mul3A_454, %add3A_421 : i32
      %add3A_456 = arith.addi %add3A, %mul3A_455 : i32
      %run_scoped3A_457 = arith.constant 0 : i32
      "tpu.region"() ({
        %run_scoped3A_698 = tpu.sem_alloc : memref<!tpu.dma_semaphore, #tpu.memory_space<semaphore_mem>>
        %dma_start3A_699 = arith.constant 0 : i32
        %dma_start3A_700 = arith.constant 0 : i32
        %dma_start3A_701 = tpu.memref_slice %arg7[%run_scoped3A_457, %dma_start3A_699, %dma_start3A_700] : memref<2x2x80xi32, #tpu.memory_space<vmem>> -> memref<1x2x80xi32, #tpu.memory_space<vmem>>
        %dma_start3A_702 = tpu.memref_squeeze %dma_start3A_701 : memref<1x2x80xi32, #tpu.memory_space<vmem>> -> memref<2x80xi32, #tpu.memory_space<vmem>>
        %dma_start3A_703 = arith.constant 0 : i32
        %dma_start3A_704 = arith.constant 0 : i32
        %dma_start3A_705 = tpu.memref_slice %arg4[%add3A_456, %dma_start3A_703, %dma_start3A_704] : memref<4000x2x80xi32, #tpu.memory_space<hbm>> -> memref<1x2x80xi32, #tpu.memory_space<hbm>>
        %dma_start3A_706 = tpu.memref_squeeze %dma_start3A_705 : memref<1x2x80xi32, #tpu.memory_space<hbm>> -> memref<2x80xi32, #tpu.memory_space<hbm>>
        %dma_start3A_707 = arith.constant 0 : i32
        %dma_start3A_708 = arith.constant 0 : i32
        %dma_start3A_709 = tpu.memref_slice %arg7[%run_scoped3A_457, %dma_start3A_707, %dma_start3A_708] : memref<2x2x80xi32, #tpu.memory_space<vmem>> -> memref<1x2x80xi32, #tpu.memory_space<vmem>>
        %dma_start3A_710 = tpu.memref_squeeze %dma_start3A_709 : memref<1x2x80xi32, #tpu.memory_space<vmem>> -> memref<2x80xi32, #tpu.memory_space<vmem>>
        %dma_start3A_711 = arith.constant 0 : i32
        %dma_start3A_712 = arith.constant 0 : i32
        %dma_start3A_713 = tpu.memref_slice %arg4[%add3A_456, %dma_start3A_711, %dma_start3A_712] : memref<4000x2x80xi32, #tpu.memory_space<hbm>> -> memref<1x2x80xi32, #tpu.memory_space<hbm>>
        %dma_start3A_714 = tpu.memref_squeeze %dma_start3A_713 : memref<1x2x80xi32, #tpu.memory_space<hbm>> -> memref<2x80xi32, #tpu.memory_space<hbm>>
        tpu.enqueue_dma source(%dma_start3A_714 : memref<2x80xi32, #tpu.memory_space<hbm>>) target(%dma_start3A_710 : memref<2x80xi32, #tpu.memory_space<vmem>>) target_semaphore(%run_scoped3A_698 : memref<!tpu.dma_semaphore, #tpu.memory_space<semaphore_mem>>)
        %dma_wait3A_715 = arith.constant 0 : i32
        %dma_wait3A_716 = arith.constant 0 : i32
        %dma_wait3A_717 = tpu.memref_slice %arg7[%run_scoped3A_457, %dma_wait3A_715, %dma_wait3A_716] : memref<2x2x80xi32, #tpu.memory_space<vmem>> -> memref<1x2x80xi32, #tpu.memory_space<vmem>>
        %dma_wait3A_718 = tpu.memref_squeeze %dma_wait3A_717 : memref<1x2x80xi32, #tpu.memory_space<vmem>> -> memref<2x80xi32, #tpu.memory_space<vmem>>
        %dma_wait3A_719 = arith.constant 0 : i32
        %dma_wait3A_720 = arith.constant 0 : i32
        %dma_wait3A_721 = tpu.memref_slice %arg4[%add3A_456, %dma_wait3A_719, %dma_wait3A_720] : memref<4000x2x80xi32, #tpu.memory_space<hbm>> -> memref<1x2x80xi32, #tpu.memory_space<hbm>>
        %dma_wait3A_722 = tpu.memref_squeeze %dma_wait3A_721 : memref<1x2x80xi32, #tpu.memory_space<hbm>> -> memref<2x80xi32, #tpu.memory_space<hbm>>
        %dma_wait3A_723 = arith.constant 0 : i32
        %dma_wait3A_724 = arith.constant 0 : i32
        %dma_wait3A_725 = tpu.memref_slice %arg7[%run_scoped3A_457, %dma_wait3A_723, %dma_wait3A_724] : memref<2x2x80xi32, #tpu.memory_space<vmem>> -> memref<1x2x80xi32, #tpu.memory_space<vmem>>
        %dma_wait3A_726 = tpu.memref_squeeze %dma_wait3A_725 : memref<1x2x80xi32, #tpu.memory_space<vmem>> -> memref<2x80xi32, #tpu.memory_space<vmem>>
        %dma_wait3A_727 = arith.constant 0 : i32
        %dma_wait3A_728 = arith.constant 0 : i32
        %dma_wait3A_729 = tpu.memref_slice %arg4[%add3A_456, %dma_wait3A_727, %dma_wait3A_728] : memref<4000x2x80xi32, #tpu.memory_space<hbm>> -> memref<1x2x80xi32, #tpu.memory_space<hbm>>
        %dma_wait3A_730 = tpu.memref_squeeze %dma_wait3A_729 : memref<1x2x80xi32, #tpu.memory_space<hbm>> -> memref<2x80xi32, #tpu.memory_space<hbm>>
        tpu.wait_dma2 semaphore(%run_scoped3A_698 : memref<!tpu.dma_semaphore, #tpu.memory_space<semaphore_mem>>) src(%dma_wait3A_730 : memref<2x80xi32, #tpu.memory_space<hbm>>) dst(%dma_wait3A_726 : memref<2x80xi32, #tpu.memory_space<vmem>>)
        tpu.yield
      }) : () -> ()
      %dma_start3A_458 = arith.constant 0 : i32
      %dma_start3A_459 = arith.constant 0 : i32
      %dma_start3A_460 = arith.constant 0 : i32
      %dma_start3A_461 = arith.constant 0 : i32
      %dma_start3A_462 = arith.constant 0 : i32
      %dma_start3A_463 = arith.constant 0 : i32
      %dma_start3A_464 = tpu.memref_slice %arg8[%dma_start3A_460, %dma_start3A_462, %dma_start3A_463] : memref<2x80x128xf32, #tpu.memory_space<vmem>> -> memref<1x80x128xf32, #tpu.memory_space<vmem>>
      %dma_start3A_465 = tpu.memref_squeeze %dma_start3A_464 : memref<1x80x128xf32, #tpu.memory_space<vmem>> -> memref<80x128xf32, #tpu.memory_space<vmem>>
      %dma_start3A_466 = arith.constant 0 : i32
      %dma_start3A_467 = tpu.memref_slice %arg7[%dma_start3A_458, %dma_start3A_459, %dma_start3A_466] : memref<2x2x80xi32, #tpu.memory_space<vmem>> -> memref<1x1x80xi32, #tpu.memory_space<vmem>>
      %dma_start3A_468 = tpu.memref_squeeze %dma_start3A_467 : memref<1x1x80xi32, #tpu.memory_space<vmem>> -> memref<80xi32, #tpu.memory_space<vmem>>
      %dma_start3A_469 = arith.constant 0 : i32
      %dma_start3A_470 = arith.constant 0 : i32
      %dma_start3A_471 = tpu.memref_slice %arg2[%dma_start3A_469, %dma_start3A_470] : memref<10000x128xf32, #tpu.memory_space<hbm>> -> memref<10000x128xf32, #tpu.memory_space<hbm>>
      %dma_start3A_472 = tpu.memref_slice %arg11[%dma_start3A_461] : memref<2x!tpu.dma_semaphore, #tpu.memory_space<semaphore_mem>> -> memref<1x!tpu.dma_semaphore, #tpu.memory_space<semaphore_mem>>
      %dma_start3A_473 = tpu.memref_squeeze %dma_start3A_472 : memref<1x!tpu.dma_semaphore, #tpu.memory_space<semaphore_mem>> -> memref<!tpu.dma_semaphore, #tpu.memory_space<semaphore_mem>>
      tpu.enqueue_indirect_dma source(%dma_start3A_471 : memref<10000x128xf32, #tpu.memory_space<hbm>>) target(%dma_start3A_465 : memref<80x128xf32, #tpu.memory_space<vmem>>) offsets(%dma_start3A_468 : memref<80xi32, #tpu.memory_space<vmem>>) semaphore(%dma_start3A_473 : memref<!tpu.dma_semaphore, #tpu.memory_space<semaphore_mem>>)
      %mul3A_474 = arith.constant 80 : i32
      %mul3A_475 = arith.muli %add3A_456, %mul3A_474 : i32
      %dma_start3A_476 = arith.constant 0 : i32
      %dma_start3A_477 = arith.constant 0 : i32
      %dma_start3A_478 = arith.constant 0 : i32
      %dma_start3A_479 = arith.constant 0 : i32
      %dma_start3A_480 = tpu.memref_slice %arg9[%dma_start3A_476, %dma_start3A_478, %dma_start3A_479] : memref<2x80x128xf32, #tpu.memory_space<vmem>> -> memref<1x80x128xf32, #tpu.memory_space<vmem>>
      %dma_start3A_481 = tpu.memref_squeeze %dma_start3A_480 : memref<1x80x128xf32, #tpu.memory_space<vmem>> -> memref<80x128xf32, #tpu.memory_space<vmem>>
      %dma_start3A_482 = arith.constant 0 : i32
      %dma_start3A_483 = tpu.memref_slice %arg3[%mul3A_475, %dma_start3A_482] : memref<320000x128xf32, #tpu.memory_space<hbm>> -> memref<80x128xf32, #tpu.memory_space<hbm>>
      %dma_start3A_484 = tpu.memref_slice %arg12[%dma_start3A_477] : memref<2x!tpu.dma_semaphore, #tpu.memory_space<semaphore_mem>> -> memref<1x!tpu.dma_semaphore, #tpu.memory_space<semaphore_mem>>
      %dma_start3A_485 = tpu.memref_squeeze %dma_start3A_484 : memref<1x!tpu.dma_semaphore, #tpu.memory_space<semaphore_mem>> -> memref<!tpu.dma_semaphore, #tpu.memory_space<semaphore_mem>>
      %dma_start3A_486 = arith.constant 0 : i32
      %dma_start3A_487 = arith.constant 0 : i32
      %dma_start3A_488 = tpu.memref_slice %arg9[%dma_start3A_476, %dma_start3A_486, %dma_start3A_487] : memref<2x80x128xf32, #tpu.memory_space<vmem>> -> memref<1x80x128xf32, #tpu.memory_space<vmem>>
      %dma_start3A_489 = tpu.memref_squeeze %dma_start3A_488 : memref<1x80x128xf32, #tpu.memory_space<vmem>> -> memref<80x128xf32, #tpu.memory_space<vmem>>
      %dma_start3A_490 = arith.constant 0 : i32
      %dma_start3A_491 = tpu.memref_slice %arg3[%mul3A_475, %dma_start3A_490] : memref<320000x128xf32, #tpu.memory_space<hbm>> -> memref<80x128xf32, #tpu.memory_space<hbm>>
      tpu.enqueue_dma source(%dma_start3A_491 : memref<80x128xf32, #tpu.memory_space<hbm>>) target(%dma_start3A_489 : memref<80x128xf32, #tpu.memory_space<vmem>>) target_semaphore(%dma_start3A_485 : memref<!tpu.dma_semaphore, #tpu.memory_space<semaphore_mem>>)
      %dma_wait3A_492 = arith.constant 1 : i32
      %dma_wait3A_493 = arith.constant 0 : i32
      %dma_wait3A_494 = arith.constant 1 : i32
      %dma_wait3A_495 = arith.constant 1 : i32
      %dma_wait3A_496 = arith.constant 0 : i32
      %dma_wait3A_497 = arith.constant 0 : i32
      %dma_wait3A_498 = tpu.memref_slice %arg8[%dma_wait3A_494, %dma_wait3A_496, %dma_wait3A_497] : memref<2x80x128xf32, #tpu.memory_space<vmem>> -> memref<1x80x128xf32, #tpu.memory_space<vmem>>
      %dma_wait3A_499 = tpu.memref_squeeze %dma_wait3A_498 : memref<1x80x128xf32, #tpu.memory_space<vmem>> -> memref<80x128xf32, #tpu.memory_space<vmem>>
      %dma_wait3A_500 = arith.constant 0 : i32
      %dma_wait3A_501 = tpu.memref_slice %arg7[%dma_wait3A_492, %dma_wait3A_493, %dma_wait3A_500] : memref<2x2x80xi32, #tpu.memory_space<vmem>> -> memref<1x1x80xi32, #tpu.memory_space<vmem>>
      %dma_wait3A_502 = tpu.memref_squeeze %dma_wait3A_501 : memref<1x1x80xi32, #tpu.memory_space<vmem>> -> memref<80xi32, #tpu.memory_space<vmem>>
      %dma_wait3A_503 = arith.constant 0 : i32
      %dma_wait3A_504 = arith.constant 0 : i32
      %dma_wait3A_505 = tpu.memref_slice %arg2[%dma_wait3A_503, %dma_wait3A_504] : memref<10000x128xf32, #tpu.memory_space<hbm>> -> memref<10000x128xf32, #tpu.memory_space<hbm>>
      %dma_wait3A_506 = tpu.memref_slice %arg11[%dma_wait3A_495] : memref<2x!tpu.dma_semaphore, #tpu.memory_space<semaphore_mem>> -> memref<1x!tpu.dma_semaphore, #tpu.memory_space<semaphore_mem>>
      %dma_wait3A_507 = tpu.memref_squeeze %dma_wait3A_506 : memref<1x!tpu.dma_semaphore, #tpu.memory_space<semaphore_mem>> -> memref<!tpu.dma_semaphore, #tpu.memory_space<semaphore_mem>>
      tpu.wait_indirect_dma semaphore(%dma_wait3A_507 : memref<!tpu.dma_semaphore, #tpu.memory_space<semaphore_mem>>) src(%dma_wait3A_505 : memref<10000x128xf32, #tpu.memory_space<hbm>>) dst(%dma_wait3A_499 : memref<80x128xf32, #tpu.memory_space<vmem>>)
      %dma_wait3A_508 = arith.constant 1 : i32
      %dma_wait3A_509 = arith.constant 1 : i32
      %dma_wait3A_510 = arith.constant 0 : i32
      %dma_wait3A_511 = arith.constant 0 : i32
      %dma_wait3A_512 = tpu.memref_slice %arg9[%dma_wait3A_508, %dma_wait3A_510, %dma_wait3A_511] : memref<2x80x128xf32, #tpu.memory_space<vmem>> -> memref<1x80x128xf32, #tpu.memory_space<vmem>>
      %dma_wait3A_513 = tpu.memref_squeeze %dma_wait3A_512 : memref<1x80x128xf32, #tpu.memory_space<vmem>> -> memref<80x128xf32, #tpu.memory_space<vmem>>
      %dma_wait3A_514 = arith.constant 0 : i32
      %dma_wait3A_515 = arith.constant 0 : i32
      %dma_wait3A_516 = tpu.memref_slice %arg3[%dma_wait3A_514, %dma_wait3A_515] : memref<320000x128xf32, #tpu.memory_space<hbm>> -> memref<80x128xf32, #tpu.memory_space<hbm>>
      %dma_wait3A_517 = tpu.memref_slice %arg12[%dma_wait3A_509] : memref<2x!tpu.dma_semaphore, #tpu.memory_space<semaphore_mem>> -> memref<1x!tpu.dma_semaphore, #tpu.memory_space<semaphore_mem>>
      %dma_wait3A_518 = tpu.memref_squeeze %dma_wait3A_517 : memref<1x!tpu.dma_semaphore, #tpu.memory_space<semaphore_mem>> -> memref<!tpu.dma_semaphore, #tpu.memory_space<semaphore_mem>>
      %dma_wait3A_519 = arith.constant 0 : i32
      %dma_wait3A_520 = arith.constant 0 : i32
      %dma_wait3A_521 = tpu.memref_slice %arg9[%dma_wait3A_508, %dma_wait3A_519, %dma_wait3A_520] : memref<2x80x128xf32, #tpu.memory_space<vmem>> -> memref<1x80x128xf32, #tpu.memory_space<vmem>>
      %dma_wait3A_522 = tpu.memref_squeeze %dma_wait3A_521 : memref<1x80x128xf32, #tpu.memory_space<vmem>> -> memref<80x128xf32, #tpu.memory_space<vmem>>
      %dma_wait3A_523 = arith.constant 0 : i32
      %dma_wait3A_524 = arith.constant 0 : i32
      %dma_wait3A_525 = tpu.memref_slice %arg3[%dma_wait3A_523, %dma_wait3A_524] : memref<320000x128xf32, #tpu.memory_space<hbm>> -> memref<80x128xf32, #tpu.memory_space<hbm>>
      tpu.wait_dma2 semaphore(%dma_wait3A_518 : memref<!tpu.dma_semaphore, #tpu.memory_space<semaphore_mem>>) src(%dma_wait3A_525 : memref<80x128xf32, #tpu.memory_space<hbm>>) dst(%dma_wait3A_522 : memref<80x128xf32, #tpu.memory_space<vmem>>)
      %dma_start3A_526 = arith.constant 1 : i32
      %dma_start3A_527 = arith.constant 1 : i32
      %dma_start3A_528 = arith.constant 1 : i32
      %dma_start3A_529 = arith.constant 1 : i32
      %dma_start3A_530 = arith.constant 0 : i32
      %dma_start3A_531 = arith.constant 0 : i32
      %dma_start3A_532 = tpu.memref_slice %arg8[%dma_start3A_526, %dma_start3A_530, %dma_start3A_531] : memref<2x80x128xf32, #tpu.memory_space<vmem>> -> memref<1x80x128xf32, #tpu.memory_space<vmem>>
      %dma_start3A_533 = tpu.memref_squeeze %dma_start3A_532 : memref<1x80x128xf32, #tpu.memory_space<vmem>> -> memref<80x128xf32, #tpu.memory_space<vmem>>
      %dma_start3A_534 = arith.constant 0 : i32
      %dma_start3A_535 = tpu.memref_slice %arg7[%dma_start3A_527, %dma_start3A_528, %dma_start3A_534] : memref<2x2x80xi32, #tpu.memory_space<vmem>> -> memref<1x1x80xi32, #tpu.memory_space<vmem>>
      %dma_start3A_536 = tpu.memref_squeeze %dma_start3A_535 : memref<1x1x80xi32, #tpu.memory_space<vmem>> -> memref<80xi32, #tpu.memory_space<vmem>>
      %dma_start3A_537 = arith.constant 0 : i32
      %dma_start3A_538 = arith.constant 0 : i32
      %dma_start3A_539 = tpu.memref_slice %arg10[%dma_start3A_537, %dma_start3A_538] : memref<10112x128xf32, #tpu.memory_space<vmem_shared>> -> memref<10112x128xf32, #tpu.memory_space<vmem_shared>>
      %dma_start3A_540 = tpu.memref_slice %arg13[%dma_start3A_529] : memref<2x!tpu.dma_semaphore, #tpu.memory_space<semaphore_mem>> -> memref<1x!tpu.dma_semaphore, #tpu.memory_space<semaphore_mem>>
      %dma_start3A_541 = tpu.memref_squeeze %dma_start3A_540 : memref<1x!tpu.dma_semaphore, #tpu.memory_space<semaphore_mem>> -> memref<!tpu.dma_semaphore, #tpu.memory_space<semaphore_mem>>
      tpu.enqueue_indirect_dma source(%dma_start3A_533 : memref<80x128xf32, #tpu.memory_space<vmem>>) target(%dma_start3A_539 : memref<10112x128xf32, #tpu.memory_space<vmem_shared>>) offsets(%dma_start3A_536 : memref<80xi32, #tpu.memory_space<vmem>>) semaphore(%dma_start3A_541 : memref<!tpu.dma_semaphore, #tpu.memory_space<semaphore_mem>>) {add = true}
      %dma_start3A_542 = arith.constant 1 : i32
      %dma_start3A_543 = arith.constant 1 : i32
      %dma_start3A_544 = arith.constant 1 : i32
      %dma_start3A_545 = arith.constant 1 : i32
      %dma_start3A_546 = arith.constant 0 : i32
      %dma_start3A_547 = arith.constant 0 : i32
      %dma_start3A_548 = tpu.memref_slice %arg9[%dma_start3A_542, %dma_start3A_546, %dma_start3A_547] : memref<2x80x128xf32, #tpu.memory_space<vmem>> -> memref<1x80x128xf32, #tpu.memory_space<vmem>>
      %dma_start3A_549 = tpu.memref_squeeze %dma_start3A_548 : memref<1x80x128xf32, #tpu.memory_space<vmem>> -> memref<80x128xf32, #tpu.memory_space<vmem>>
      %dma_start3A_550 = arith.constant 0 : i32
      %dma_start3A_551 = tpu.memref_slice %arg7[%dma_start3A_543, %dma_start3A_544, %dma_start3A_550] : memref<2x2x80xi32, #tpu.memory_space<vmem>> -> memref<1x1x80xi32, #tpu.memory_space<vmem>>
      %dma_start3A_552 = tpu.memref_squeeze %dma_start3A_551 : memref<1x1x80xi32, #tpu.memory_space<vmem>> -> memref<80xi32, #tpu.memory_space<vmem>>
      %dma_start3A_553 = arith.constant 0 : i32
      %dma_start3A_554 = arith.constant 0 : i32
      %dma_start3A_555 = tpu.memref_slice %arg10[%dma_start3A_553, %dma_start3A_554] : memref<10112x128xf32, #tpu.memory_space<vmem_shared>> -> memref<10112x128xf32, #tpu.memory_space<vmem_shared>>
      %dma_start3A_556 = tpu.memref_slice %arg13[%dma_start3A_545] : memref<2x!tpu.dma_semaphore, #tpu.memory_space<semaphore_mem>> -> memref<1x!tpu.dma_semaphore, #tpu.memory_space<semaphore_mem>>
      %dma_start3A_557 = tpu.memref_squeeze %dma_start3A_556 : memref<1x!tpu.dma_semaphore, #tpu.memory_space<semaphore_mem>> -> memref<!tpu.dma_semaphore, #tpu.memory_space<semaphore_mem>>
      tpu.enqueue_indirect_dma source(%dma_start3A_549 : memref<80x128xf32, #tpu.memory_space<vmem>>) target(%dma_start3A_555 : memref<10112x128xf32, #tpu.memory_space<vmem_shared>>) offsets(%dma_start3A_552 : memref<80xi32, #tpu.memory_space<vmem>>) semaphore(%dma_start3A_557 : memref<!tpu.dma_semaphore, #tpu.memory_space<semaphore_mem>>) {add = true}
      %mul3A_558 = arith.constant 2 : i32
      %mul3A_559 = arith.muli %mul3A_558, %scan3A_417 : i32
      %add3A_560 = arith.constant 1 : i32
      %add3A_561 = arith.addi %mul3A_559, %add3A_560 : i32
      %dma_wait3A_562 = arith.constant 1 : i32
      %dma_wait3A_563 = arith.constant 1 : i32
      %dma_wait3A_564 = arith.constant 1 : i32
      %dma_wait3A_565 = arith.constant 1 : i32
      %dma_wait3A_566 = arith.constant 0 : i32
      %dma_wait3A_567 = arith.constant 0 : i32
      %dma_wait3A_568 = tpu.memref_slice %arg8[%dma_wait3A_562, %dma_wait3A_566, %dma_wait3A_567] : memref<2x80x128xf32, #tpu.memory_space<vmem>> -> memref<1x80x128xf32, #tpu.memory_space<vmem>>
      %dma_wait3A_569 = tpu.memref_squeeze %dma_wait3A_568 : memref<1x80x128xf32, #tpu.memory_space<vmem>> -> memref<80x128xf32, #tpu.memory_space<vmem>>
      %dma_wait3A_570 = arith.constant 0 : i32
      %dma_wait3A_571 = tpu.memref_slice %arg7[%dma_wait3A_563, %dma_wait3A_564, %dma_wait3A_570] : memref<2x2x80xi32, #tpu.memory_space<vmem>> -> memref<1x1x80xi32, #tpu.memory_space<vmem>>
      %dma_wait3A_572 = tpu.memref_squeeze %dma_wait3A_571 : memref<1x1x80xi32, #tpu.memory_space<vmem>> -> memref<80xi32, #tpu.memory_space<vmem>>
      %dma_wait3A_573 = arith.constant 0 : i32
      %dma_wait3A_574 = arith.constant 0 : i32
      %dma_wait3A_575 = tpu.memref_slice %arg10[%dma_wait3A_573, %dma_wait3A_574] : memref<10112x128xf32, #tpu.memory_space<vmem_shared>> -> memref<10112x128xf32, #tpu.memory_space<vmem_shared>>
      %dma_wait3A_576 = tpu.memref_slice %arg13[%dma_wait3A_565] : memref<2x!tpu.dma_semaphore, #tpu.memory_space<semaphore_mem>> -> memref<1x!tpu.dma_semaphore, #tpu.memory_space<semaphore_mem>>
      %dma_wait3A_577 = tpu.memref_squeeze %dma_wait3A_576 : memref<1x!tpu.dma_semaphore, #tpu.memory_space<semaphore_mem>> -> memref<!tpu.dma_semaphore, #tpu.memory_space<semaphore_mem>>
      tpu.wait_indirect_dma semaphore(%dma_wait3A_577 : memref<!tpu.dma_semaphore, #tpu.memory_space<semaphore_mem>>) src(%dma_wait3A_569 : memref<80x128xf32, #tpu.memory_space<vmem>>) dst(%dma_wait3A_575 : memref<10112x128xf32, #tpu.memory_space<vmem_shared>>)
      %dma_wait3A_578 = arith.constant 1 : i32
      %dma_wait3A_579 = arith.constant 1 : i32
      %dma_wait3A_580 = arith.constant 1 : i32
      %dma_wait3A_581 = arith.constant 1 : i32
      %dma_wait3A_582 = arith.constant 0 : i32
      %dma_wait3A_583 = arith.constant 0 : i32
      %dma_wait3A_584 = tpu.memref_slice %arg9[%dma_wait3A_578, %dma_wait3A_582, %dma_wait3A_583] : memref<2x80x128xf32, #tpu.memory_space<vmem>> -> memref<1x80x128xf32, #tpu.memory_space<vmem>>
      %dma_wait3A_585 = tpu.memref_squeeze %dma_wait3A_584 : memref<1x80x128xf32, #tpu.memory_space<vmem>> -> memref<80x128xf32, #tpu.memory_space<vmem>>
      %dma_wait3A_586 = arith.constant 0 : i32
      %dma_wait3A_587 = tpu.memref_slice %arg7[%dma_wait3A_579, %dma_wait3A_580, %dma_wait3A_586] : memref<2x2x80xi32, #tpu.memory_space<vmem>> -> memref<1x1x80xi32, #tpu.memory_space<vmem>>
      %dma_wait3A_588 = tpu.memref_squeeze %dma_wait3A_587 : memref<1x1x80xi32, #tpu.memory_space<vmem>> -> memref<80xi32, #tpu.memory_space<vmem>>
      %dma_wait3A_589 = arith.constant 0 : i32
      %dma_wait3A_590 = arith.constant 0 : i32
      %dma_wait3A_591 = tpu.memref_slice %arg10[%dma_wait3A_589, %dma_wait3A_590] : memref<10112x128xf32, #tpu.memory_space<vmem_shared>> -> memref<10112x128xf32, #tpu.memory_space<vmem_shared>>
      %dma_wait3A_592 = tpu.memref_slice %arg13[%dma_wait3A_581] : memref<2x!tpu.dma_semaphore, #tpu.memory_space<semaphore_mem>> -> memref<1x!tpu.dma_semaphore, #tpu.memory_space<semaphore_mem>>
      %dma_wait3A_593 = tpu.memref_squeeze %dma_wait3A_592 : memref<1x!tpu.dma_semaphore, #tpu.memory_space<semaphore_mem>> -> memref<!tpu.dma_semaphore, #tpu.memory_space<semaphore_mem>>
      tpu.wait_indirect_dma semaphore(%dma_wait3A_593 : memref<!tpu.dma_semaphore, #tpu.memory_space<semaphore_mem>>) src(%dma_wait3A_585 : memref<80x128xf32, #tpu.memory_space<vmem>>) dst(%dma_wait3A_591 : memref<10112x128xf32, #tpu.memory_space<vmem_shared>>)
      %mul3A_594 = arith.constant 32 : i32
      %mul3A_595 = arith.muli %mul3A_594, %add3A_561 : i32
      %add3A_596 = arith.addi %add3A, %mul3A_595 : i32
      %run_scoped3A_597 = arith.constant 1 : i32
      "tpu.region"() ({
        %run_scoped3A_698 = tpu.sem_alloc : memref<!tpu.dma_semaphore, #tpu.memory_space<semaphore_mem>>
        %dma_start3A_699 = arith.constant 0 : i32
        %dma_start3A_700 = arith.constant 0 : i32
        %dma_start3A_701 = tpu.memref_slice %arg7[%run_scoped3A_597, %dma_start3A_699, %dma_start3A_700] : memref<2x2x80xi32, #tpu.memory_space<vmem>> -> memref<1x2x80xi32, #tpu.memory_space<vmem>>
        %dma_start3A_702 = tpu.memref_squeeze %dma_start3A_701 : memref<1x2x80xi32, #tpu.memory_space<vmem>> -> memref<2x80xi32, #tpu.memory_space<vmem>>
        %dma_start3A_703 = arith.constant 0 : i32
        %dma_start3A_704 = arith.constant 0 : i32
        %dma_start3A_705 = tpu.memref_slice %arg4[%add3A_596, %dma_start3A_703, %dma_start3A_704] : memref<4000x2x80xi32, #tpu.memory_space<hbm>> -> memref<1x2x80xi32, #tpu.memory_space<hbm>>
        %dma_start3A_706 = tpu.memref_squeeze %dma_start3A_705 : memref<1x2x80xi32, #tpu.memory_space<hbm>> -> memref<2x80xi32, #tpu.memory_space<hbm>>
        %dma_start3A_707 = arith.constant 0 : i32
        %dma_start3A_708 = arith.constant 0 : i32
        %dma_start3A_709 = tpu.memref_slice %arg7[%run_scoped3A_597, %dma_start3A_707, %dma_start3A_708] : memref<2x2x80xi32, #tpu.memory_space<vmem>> -> memref<1x2x80xi32, #tpu.memory_space<vmem>>
        %dma_start3A_710 = tpu.memref_squeeze %dma_start3A_709 : memref<1x2x80xi32, #tpu.memory_space<vmem>> -> memref<2x80xi32, #tpu.memory_space<vmem>>
        %dma_start3A_711 = arith.constant 0 : i32
        %dma_start3A_712 = arith.constant 0 : i32
        %dma_start3A_713 = tpu.memref_slice %arg4[%add3A_596, %dma_start3A_711, %dma_start3A_712] : memref<4000x2x80xi32, #tpu.memory_space<hbm>> -> memref<1x2x80xi32, #tpu.memory_space<hbm>>
        %dma_start3A_714 = tpu.memref_squeeze %dma_start3A_713 : memref<1x2x80xi32, #tpu.memory_space<hbm>> -> memref<2x80xi32, #tpu.memory_space<hbm>>
        tpu.enqueue_dma source(%dma_start3A_714 : memref<2x80xi32, #tpu.memory_space<hbm>>) target(%dma_start3A_710 : memref<2x80xi32, #tpu.memory_space<vmem>>) target_semaphore(%run_scoped3A_698 : memref<!tpu.dma_semaphore, #tpu.memory_space<semaphore_mem>>)
        %dma_wait3A_715 = arith.constant 0 : i32
        %dma_wait3A_716 = arith.constant 0 : i32
        %dma_wait3A_717 = tpu.memref_slice %arg7[%run_scoped3A_597, %dma_wait3A_715, %dma_wait3A_716] : memref<2x2x80xi32, #tpu.memory_space<vmem>> -> memref<1x2x80xi32, #tpu.memory_space<vmem>>
        %dma_wait3A_718 = tpu.memref_squeeze %dma_wait3A_717 : memref<1x2x80xi32, #tpu.memory_space<vmem>> -> memref<2x80xi32, #tpu.memory_space<vmem>>
        %dma_wait3A_719 = arith.constant 0 : i32
        %dma_wait3A_720 = arith.constant 0 : i32
        %dma_wait3A_721 = tpu.memref_slice %arg4[%add3A_596, %dma_wait3A_719, %dma_wait3A_720] : memref<4000x2x80xi32, #tpu.memory_space<hbm>> -> memref<1x2x80xi32, #tpu.memory_space<hbm>>
        %dma_wait3A_722 = tpu.memref_squeeze %dma_wait3A_721 : memref<1x2x80xi32, #tpu.memory_space<hbm>> -> memref<2x80xi32, #tpu.memory_space<hbm>>
        %dma_wait3A_723 = arith.constant 0 : i32
        %dma_wait3A_724 = arith.constant 0 : i32
        %dma_wait3A_725 = tpu.memref_slice %arg7[%run_scoped3A_597, %dma_wait3A_723, %dma_wait3A_724] : memref<2x2x80xi32, #tpu.memory_space<vmem>> -> memref<1x2x80xi32, #tpu.memory_space<vmem>>
        %dma_wait3A_726 = tpu.memref_squeeze %dma_wait3A_725 : memref<1x2x80xi32, #tpu.memory_space<vmem>> -> memref<2x80xi32, #tpu.memory_space<vmem>>
        %dma_wait3A_727 = arith.constant 0 : i32
        %dma_wait3A_728 = arith.constant 0 : i32
        %dma_wait3A_729 = tpu.memref_slice %arg4[%add3A_596, %dma_wait3A_727, %dma_wait3A_728] : memref<4000x2x80xi32, #tpu.memory_space<hbm>> -> memref<1x2x80xi32, #tpu.memory_space<hbm>>
        %dma_wait3A_730 = tpu.memref_squeeze %dma_wait3A_729 : memref<1x2x80xi32, #tpu.memory_space<hbm>> -> memref<2x80xi32, #tpu.memory_space<hbm>>
        tpu.wait_dma2 semaphore(%run_scoped3A_698 : memref<!tpu.dma_semaphore, #tpu.memory_space<semaphore_mem>>) src(%dma_wait3A_730 : memref<2x80xi32, #tpu.memory_space<hbm>>) dst(%dma_wait3A_726 : memref<2x80xi32, #tpu.memory_space<vmem>>)
        tpu.yield
      }) : () -> ()
      %dma_start3A_598 = arith.constant 1 : i32
      %dma_start3A_599 = arith.constant 0 : i32
      %dma_start3A_600 = arith.constant 1 : i32
      %dma_start3A_601 = arith.constant 1 : i32
      %dma_start3A_602 = arith.constant 0 : i32
      %dma_start3A_603 = arith.constant 0 : i32
      %dma_start3A_604 = tpu.memref_slice %arg8[%dma_start3A_600, %dma_start3A_602, %dma_start3A_603] : memref<2x80x128xf32, #tpu.memory_space<vmem>> -> memref<1x80x128xf32, #tpu.memory_space<vmem>>
      %dma_start3A_605 = tpu.memref_squeeze %dma_start3A_604 : memref<1x80x128xf32, #tpu.memory_space<vmem>> -> memref<80x128xf32, #tpu.memory_space<vmem>>
      %dma_start3A_606 = arith.constant 0 : i32
      %dma_start3A_607 = tpu.memref_slice %arg7[%dma_start3A_598, %dma_start3A_599, %dma_start3A_606] : memref<2x2x80xi32, #tpu.memory_space<vmem>> -> memref<1x1x80xi32, #tpu.memory_space<vmem>>
      %dma_start3A_608 = tpu.memref_squeeze %dma_start3A_607 : memref<1x1x80xi32, #tpu.memory_space<vmem>> -> memref<80xi32, #tpu.memory_space<vmem>>
      %dma_start3A_609 = arith.constant 0 : i32
      %dma_start3A_610 = arith.constant 0 : i32
      %dma_start3A_611 = tpu.memref_slice %arg2[%dma_start3A_609, %dma_start3A_610] : memref<10000x128xf32, #tpu.memory_space<hbm>> -> memref<10000x128xf32, #tpu.memory_space<hbm>>
      %dma_start3A_612 = tpu.memref_slice %arg11[%dma_start3A_601] : memref<2x!tpu.dma_semaphore, #tpu.memory_space<semaphore_mem>> -> memref<1x!tpu.dma_semaphore, #tpu.memory_space<semaphore_mem>>
      %dma_start3A_613 = tpu.memref_squeeze %dma_start3A_612 : memref<1x!tpu.dma_semaphore, #tpu.memory_space<semaphore_mem>> -> memref<!tpu.dma_semaphore, #tpu.memory_space<semaphore_mem>>
      tpu.enqueue_indirect_dma source(%dma_start3A_611 : memref<10000x128xf32, #tpu.memory_space<hbm>>) target(%dma_start3A_605 : memref<80x128xf32, #tpu.memory_space<vmem>>) offsets(%dma_start3A_608 : memref<80xi32, #tpu.memory_space<vmem>>) semaphore(%dma_start3A_613 : memref<!tpu.dma_semaphore, #tpu.memory_space<semaphore_mem>>)
      %mul3A_614 = arith.constant 80 : i32
      %mul3A_615 = arith.muli %add3A_596, %mul3A_614 : i32
      %dma_start3A_616 = arith.constant 1 : i32
      %dma_start3A_617 = arith.constant 1 : i32
      %dma_start3A_618 = arith.constant 0 : i32
      %dma_start3A_619 = arith.constant 0 : i32
      %dma_start3A_620 = tpu.memref_slice %arg9[%dma_start3A_616, %dma_start3A_618, %dma_start3A_619] : memref<2x80x128xf32, #tpu.memory_space<vmem>> -> memref<1x80x128xf32, #tpu.memory_space<vmem>>
      %dma_start3A_621 = tpu.memref_squeeze %dma_start3A_620 : memref<1x80x128xf32, #tpu.memory_space<vmem>> -> memref<80x128xf32, #tpu.memory_space<vmem>>
      %dma_start3A_622 = arith.constant 0 : i32
      %dma_start3A_623 = tpu.memref_slice %arg3[%mul3A_615, %dma_start3A_622] : memref<320000x128xf32, #tpu.memory_space<hbm>> -> memref<80x128xf32, #tpu.memory_space<hbm>>
      %dma_start3A_624 = tpu.memref_slice %arg12[%dma_start3A_617] : memref<2x!tpu.dma_semaphore, #tpu.memory_space<semaphore_mem>> -> memref<1x!tpu.dma_semaphore, #tpu.memory_space<semaphore_mem>>
      %dma_start3A_625 = tpu.memref_squeeze %dma_start3A_624 : memref<1x!tpu.dma_semaphore, #tpu.memory_space<semaphore_mem>> -> memref<!tpu.dma_semaphore, #tpu.memory_space<semaphore_mem>>
      %dma_start3A_626 = arith.constant 0 : i32
      %dma_start3A_627 = arith.constant 0 : i32
      %dma_start3A_628 = tpu.memref_slice %arg9[%dma_start3A_616, %dma_start3A_626, %dma_start3A_627] : memref<2x80x128xf32, #tpu.memory_space<vmem>> -> memref<1x80x128xf32, #tpu.memory_space<vmem>>
      %dma_start3A_629 = tpu.memref_squeeze %dma_start3A_628 : memref<1x80x128xf32, #tpu.memory_space<vmem>> -> memref<80x128xf32, #tpu.memory_space<vmem>>
      %dma_start3A_630 = arith.constant 0 : i32
      %dma_start3A_631 = tpu.memref_slice %arg3[%mul3A_615, %dma_start3A_630] : memref<320000x128xf32, #tpu.memory_space<hbm>> -> memref<80x128xf32, #tpu.memory_space<hbm>>
      tpu.enqueue_dma source(%dma_start3A_631 : memref<80x128xf32, #tpu.memory_space<hbm>>) target(%dma_start3A_629 : memref<80x128xf32, #tpu.memory_space<vmem>>) target_semaphore(%dma_start3A_625 : memref<!tpu.dma_semaphore, #tpu.memory_space<semaphore_mem>>)
      %dma_wait3A_632 = arith.constant 0 : i32
      %dma_wait3A_633 = arith.constant 0 : i32
      %dma_wait3A_634 = arith.constant 0 : i32
      %dma_wait3A_635 = arith.constant 0 : i32
      %dma_wait3A_636 = arith.constant 0 : i32
      %dma_wait3A_637 = arith.constant 0 : i32
      %dma_wait3A_638 = tpu.memref_slice %arg8[%dma_wait3A_634, %dma_wait3A_636, %dma_wait3A_637] : memref<2x80x128xf32, #tpu.memory_space<vmem>> -> memref<1x80x128xf32, #tpu.memory_space<vmem>>
      %dma_wait3A_639 = tpu.memref_squeeze %dma_wait3A_638 : memref<1x80x128xf32, #tpu.memory_space<vmem>> -> memref<80x128xf32, #tpu.memory_space<vmem>>
      %dma_wait3A_640 = arith.constant 0 : i32
      %dma_wait3A_641 = tpu.memref_slice %arg7[%dma_wait3A_632, %dma_wait3A_633, %dma_wait3A_640] : memref<2x2x80xi32, #tpu.memory_space<vmem>> -> memref<1x1x80xi32, #tpu.memory_space<vmem>>
      %dma_wait3A_642 = tpu.memref_squeeze %dma_wait3A_641 : memref<1x1x80xi32, #tpu.memory_space<vmem>> -> memref<80xi32, #tpu.memory_space<vmem>>
      %dma_wait3A_643 = arith.constant 0 : i32
      %dma_wait3A_644 = arith.constant 0 : i32
      %dma_wait3A_645 = tpu.memref_slice %arg2[%dma_wait3A_643, %dma_wait3A_644] : memref<10000x128xf32, #tpu.memory_space<hbm>> -> memref<10000x128xf32, #tpu.memory_space<hbm>>
      %dma_wait3A_646 = tpu.memref_slice %arg11[%dma_wait3A_635] : memref<2x!tpu.dma_semaphore, #tpu.memory_space<semaphore_mem>> -> memref<1x!tpu.dma_semaphore, #tpu.memory_space<semaphore_mem>>
      %dma_wait3A_647 = tpu.memref_squeeze %dma_wait3A_646 : memref<1x!tpu.dma_semaphore, #tpu.memory_space<semaphore_mem>> -> memref<!tpu.dma_semaphore, #tpu.memory_space<semaphore_mem>>
      tpu.wait_indirect_dma semaphore(%dma_wait3A_647 : memref<!tpu.dma_semaphore, #tpu.memory_space<semaphore_mem>>) src(%dma_wait3A_645 : memref<10000x128xf32, #tpu.memory_space<hbm>>) dst(%dma_wait3A_639 : memref<80x128xf32, #tpu.memory_space<vmem>>)
      %dma_wait3A_648 = arith.constant 0 : i32
      %dma_wait3A_649 = arith.constant 0 : i32
      %dma_wait3A_650 = arith.constant 0 : i32
      %dma_wait3A_651 = arith.constant 0 : i32
      %dma_wait3A_652 = tpu.memref_slice %arg9[%dma_wait3A_648, %dma_wait3A_650, %dma_wait3A_651] : memref<2x80x128xf32, #tpu.memory_space<vmem>> -> memref<1x80x128xf32, #tpu.memory_space<vmem>>
      %dma_wait3A_653 = tpu.memref_squeeze %dma_wait3A_652 : memref<1x80x128xf32, #tpu.memory_space<vmem>> -> memref<80x128xf32, #tpu.memory_space<vmem>>
      %dma_wait3A_654 = arith.constant 0 : i32
      %dma_wait3A_655 = arith.constant 0 : i32
      %dma_wait3A_656 = tpu.memref_slice %arg3[%dma_wait3A_654, %dma_wait3A_655] : memref<320000x128xf32, #tpu.memory_space<hbm>> -> memref<80x128xf32, #tpu.memory_space<hbm>>
      %dma_wait3A_657 = tpu.memref_slice %arg12[%dma_wait3A_649] : memref<2x!tpu.dma_semaphore, #tpu.memory_space<semaphore_mem>> -> memref<1x!tpu.dma_semaphore, #tpu.memory_space<semaphore_mem>>
      %dma_wait3A_658 = tpu.memref_squeeze %dma_wait3A_657 : memref<1x!tpu.dma_semaphore, #tpu.memory_space<semaphore_mem>> -> memref<!tpu.dma_semaphore, #tpu.memory_space<semaphore_mem>>
      %dma_wait3A_659 = arith.constant 0 : i32
      %dma_wait3A_660 = arith.constant 0 : i32
      %dma_wait3A_661 = tpu.memref_slice %arg9[%dma_wait3A_648, %dma_wait3A_659, %dma_wait3A_660] : memref<2x80x128xf32, #tpu.memory_space<vmem>> -> memref<1x80x128xf32, #tpu.memory_space<vmem>>
      %dma_wait3A_662 = tpu.memref_squeeze %dma_wait3A_661 : memref<1x80x128xf32, #tpu.memory_space<vmem>> -> memref<80x128xf32, #tpu.memory_space<vmem>>
      %dma_wait3A_663 = arith.constant 0 : i32
      %dma_wait3A_664 = arith.constant 0 : i32
      %dma_wait3A_665 = tpu.memref_slice %arg3[%dma_wait3A_663, %dma_wait3A_664] : memref<320000x128xf32, #tpu.memory_space<hbm>> -> memref<80x128xf32, #tpu.memory_space<hbm>>
      tpu.wait_dma2 semaphore(%dma_wait3A_658 : memref<!tpu.dma_semaphore, #tpu.memory_space<semaphore_mem>>) src(%dma_wait3A_665 : memref<80x128xf32, #tpu.memory_space<hbm>>) dst(%dma_wait3A_662 : memref<80x128xf32, #tpu.memory_space<vmem>>)
      %dma_start3A_666 = arith.constant 0 : i32
      %dma_start3A_667 = arith.constant 0 : i32
      %dma_start3A_668 = arith.constant 1 : i32
      %dma_start3A_669 = arith.constant 0 : i32
      %dma_start3A_670 = arith.constant 0 : i32
      %dma_start3A_671 = arith.constant 0 : i32
      %dma_start3A_672 = tpu.memref_slice %arg8[%dma_start3A_666, %dma_start3A_670, %dma_start3A_671] : memref<2x80x128xf32, #tpu.memory_space<vmem>> -> memref<1x80x128xf32, #tpu.memory_space<vmem>>
      %dma_start3A_673 = tpu.memref_squeeze %dma_start3A_672 : memref<1x80x128xf32, #tpu.memory_space<vmem>> -> memref<80x128xf32, #tpu.memory_space<vmem>>
      %dma_start3A_674 = arith.constant 0 : i32
      %dma_start3A_675 = tpu.memref_slice %arg7[%dma_start3A_667, %dma_start3A_668, %dma_start3A_674] : memref<2x2x80xi32, #tpu.memory_space<vmem>> -> memref<1x1x80xi32, #tpu.memory_space<vmem>>
      %dma_start3A_676 = tpu.memref_squeeze %dma_start3A_675 : memref<1x1x80xi32, #tpu.memory_space<vmem>> -> memref<80xi32, #tpu.memory_space<vmem>>
      %dma_start3A_677 = arith.constant 0 : i32
      %dma_start3A_678 = arith.constant 0 : i32
      %dma_start3A_679 = tpu.memref_slice %arg10[%dma_start3A_677, %dma_start3A_678] : memref<10112x128xf32, #tpu.memory_space<vmem_shared>> -> memref<10112x128xf32, #tpu.memory_space<vmem_shared>>
      %dma_start3A_680 = tpu.memref_slice %arg13[%dma_start3A_669] : memref<2x!tpu.dma_semaphore, #tpu.memory_space<semaphore_mem>> -> memref<1x!tpu.dma_semaphore, #tpu.memory_space<semaphore_mem>>
      %dma_start3A_681 = tpu.memref_squeeze %dma_start3A_680 : memref<1x!tpu.dma_semaphore, #tpu.memory_space<semaphore_mem>> -> memref<!tpu.dma_semaphore, #tpu.memory_space<semaphore_mem>>
      tpu.enqueue_indirect_dma source(%dma_start3A_673 : memref<80x128xf32, #tpu.memory_space<vmem>>) target(%dma_start3A_679 : memref<10112x128xf32, #tpu.memory_space<vmem_shared>>) offsets(%dma_start3A_676 : memref<80xi32, #tpu.memory_space<vmem>>) semaphore(%dma_start3A_681 : memref<!tpu.dma_semaphore, #tpu.memory_space<semaphore_mem>>) {add = true}
      %dma_start3A_682 = arith.constant 0 : i32
      %dma_start3A_683 = arith.constant 0 : i32
      %dma_start3A_684 = arith.constant 1 : i32
      %dma_start3A_685 = arith.constant 0 : i32
      %dma_start3A_686 = arith.constant 0 : i32
      %dma_start3A_687 = arith.constant 0 : i32
      %dma_start3A_688 = tpu.memref_slice %arg9[%dma_start3A_682, %dma_start3A_686, %dma_start3A_687] : memref<2x80x128xf32, #tpu.memory_space<vmem>> -> memref<1x80x128xf32, #tpu.memory_space<vmem>>
      %dma_start3A_689 = tpu.memref_squeeze %dma_start3A_688 : memref<1x80x128xf32, #tpu.memory_space<vmem>> -> memref<80x128xf32, #tpu.memory_space<vmem>>
      %dma_start3A_690 = arith.constant 0 : i32
      %dma_start3A_691 = tpu.memref_slice %arg7[%dma_start3A_683, %dma_start3A_684, %dma_start3A_690] : memref<2x2x80xi32, #tpu.memory_space<vmem>> -> memref<1x1x80xi32, #tpu.memory_space<vmem>>
      %dma_start3A_692 = tpu.memref_squeeze %dma_start3A_691 : memref<1x1x80xi32, #tpu.memory_space<vmem>> -> memref<80xi32, #tpu.memory_space<vmem>>
      %dma_start3A_693 = arith.constant 0 : i32
      %dma_start3A_694 = arith.constant 0 : i32
      %dma_start3A_695 = tpu.memref_slice %arg10[%dma_start3A_693, %dma_start3A_694] : memref<10112x128xf32, #tpu.memory_space<vmem_shared>> -> memref<10112x128xf32, #tpu.memory_space<vmem_shared>>
      %dma_start3A_696 = tpu.memref_slice %arg13[%dma_start3A_685] : memref<2x!tpu.dma_semaphore, #tpu.memory_space<semaphore_mem>> -> memref<1x!tpu.dma_semaphore, #tpu.memory_space<semaphore_mem>>
      %dma_start3A_697 = tpu.memref_squeeze %dma_start3A_696 : memref<1x!tpu.dma_semaphore, #tpu.memory_space<semaphore_mem>> -> memref<!tpu.dma_semaphore, #tpu.memory_space<semaphore_mem>>
      tpu.enqueue_indirect_dma source(%dma_start3A_689 : memref<80x128xf32, #tpu.memory_space<vmem>>) target(%dma_start3A_695 : memref<10112x128xf32, #tpu.memory_space<vmem_shared>>) offsets(%dma_start3A_692 : memref<80xi32, #tpu.memory_space<vmem>>) semaphore(%dma_start3A_697 : memref<!tpu.dma_semaphore, #tpu.memory_space<semaphore_mem>>) {add = true}
    }
    %scan3A_146 = arith.constant 61 : i32
    %dma_wait3A_147 = arith.constant 0 : i32
    %dma_wait3A_148 = arith.constant 0 : i32
    %dma_wait3A_149 = arith.constant 1 : i32
    %dma_wait3A_150 = arith.constant 0 : i32
    %dma_wait3A_151 = arith.constant 0 : i32
    %dma_wait3A_152 = arith.constant 0 : i32
    %dma_wait3A_153 = tpu.memref_slice %arg8[%dma_wait3A_147, %dma_wait3A_151, %dma_wait3A_152] : memref<2x80x128xf32, #tpu.memory_space<vmem>> -> memref<1x80x128xf32, #tpu.memory_space<vmem>>
    %dma_wait3A_154 = tpu.memref_squeeze %dma_wait3A_153 : memref<1x80x128xf32, #tpu.memory_space<vmem>> -> memref<80x128xf32, #tpu.memory_space<vmem>>
    %dma_wait3A_155 = arith.constant 0 : i32
    %dma_wait3A_156 = tpu.memref_slice %arg7[%dma_wait3A_148, %dma_wait3A_149, %dma_wait3A_155] : memref<2x2x80xi32, #tpu.memory_space<vmem>> -> memref<1x1x80xi32, #tpu.memory_space<vmem>>
    %dma_wait3A_157 = tpu.memref_squeeze %dma_wait3A_156 : memref<1x1x80xi32, #tpu.memory_space<vmem>> -> memref<80xi32, #tpu.memory_space<vmem>>
    %dma_wait3A_158 = arith.constant 0 : i32
    %dma_wait3A_159 = arith.constant 0 : i32
    %dma_wait3A_160 = tpu.memref_slice %arg10[%dma_wait3A_158, %dma_wait3A_159] : memref<10112x128xf32, #tpu.memory_space<vmem_shared>> -> memref<10112x128xf32, #tpu.memory_space<vmem_shared>>
    %dma_wait3A_161 = tpu.memref_slice %arg13[%dma_wait3A_150] : memref<2x!tpu.dma_semaphore, #tpu.memory_space<semaphore_mem>> -> memref<1x!tpu.dma_semaphore, #tpu.memory_space<semaphore_mem>>
    %dma_wait3A_162 = tpu.memref_squeeze %dma_wait3A_161 : memref<1x!tpu.dma_semaphore, #tpu.memory_space<semaphore_mem>> -> memref<!tpu.dma_semaphore, #tpu.memory_space<semaphore_mem>>
    tpu.wait_indirect_dma semaphore(%dma_wait3A_162 : memref<!tpu.dma_semaphore, #tpu.memory_space<semaphore_mem>>) src(%dma_wait3A_154 : memref<80x128xf32, #tpu.memory_space<vmem>>) dst(%dma_wait3A_160 : memref<10112x128xf32, #tpu.memory_space<vmem_shared>>)
    %dma_wait3A_163 = arith.constant 0 : i32
    %dma_wait3A_164 = arith.constant 0 : i32
    %dma_wait3A_165 = arith.constant 1 : i32
    %dma_wait3A_166 = arith.constant 0 : i32
    %dma_wait3A_167 = arith.constant 0 : i32
    %dma_wait3A_168 = arith.constant 0 : i32
    %dma_wait3A_169 = tpu.memref_slice %arg9[%dma_wait3A_163, %dma_wait3A_167, %dma_wait3A_168] : memref<2x80x128xf32, #tpu.memory_space<vmem>> -> memref<1x80x128xf32, #tpu.memory_space<vmem>>
    %dma_wait3A_170 = tpu.memref_squeeze %dma_wait3A_169 : memref<1x80x128xf32, #tpu.memory_space<vmem>> -> memref<80x128xf32, #tpu.memory_space<vmem>>
    %dma_wait3A_171 = arith.constant 0 : i32
    %dma_wait3A_172 = tpu.memref_slice %arg7[%dma_wait3A_164, %dma_wait3A_165, %dma_wait3A_171] : memref<2x2x80xi32, #tpu.memory_space<vmem>> -> memref<1x1x80xi32, #tpu.memory_space<vmem>>
    %dma_wait3A_173 = tpu.memref_squeeze %dma_wait3A_172 : memref<1x1x80xi32, #tpu.memory_space<vmem>> -> memref<80xi32, #tpu.memory_space<vmem>>
    %dma_wait3A_174 = arith.constant 0 : i32
    %dma_wait3A_175 = arith.constant 0 : i32
    %dma_wait3A_176 = tpu.memref_slice %arg10[%dma_wait3A_174, %dma_wait3A_175] : memref<10112x128xf32, #tpu.memory_space<vmem_shared>> -> memref<10112x128xf32, #tpu.memory_space<vmem_shared>>
    %dma_wait3A_177 = tpu.memref_slice %arg13[%dma_wait3A_166] : memref<2x!tpu.dma_semaphore, #tpu.memory_space<semaphore_mem>> -> memref<1x!tpu.dma_semaphore, #tpu.memory_space<semaphore_mem>>
    %dma_wait3A_178 = tpu.memref_squeeze %dma_wait3A_177 : memref<1x!tpu.dma_semaphore, #tpu.memory_space<semaphore_mem>> -> memref<!tpu.dma_semaphore, #tpu.memory_space<semaphore_mem>>
    tpu.wait_indirect_dma semaphore(%dma_wait3A_178 : memref<!tpu.dma_semaphore, #tpu.memory_space<semaphore_mem>>) src(%dma_wait3A_170 : memref<80x128xf32, #tpu.memory_space<vmem>>) dst(%dma_wait3A_176 : memref<10112x128xf32, #tpu.memory_space<vmem_shared>>)
    %add3A_179 = arith.constant 3968 : i32
    %add3A_180 = arith.addi %add3A, %add3A_179 : i32
    %run_scoped3A_181 = arith.constant 0 : i32
    "tpu.region"() ({
      %run_scoped3A_417 = tpu.sem_alloc : memref<!tpu.dma_semaphore, #tpu.memory_space<semaphore_mem>>
      %dma_start3A_418 = arith.constant 0 : i32
      %dma_start3A_419 = arith.constant 0 : i32
      %dma_start3A_420 = tpu.memref_slice %arg7[%run_scoped3A_181, %dma_start3A_418, %dma_start3A_419] : memref<2x2x80xi32, #tpu.memory_space<vmem>> -> memref<1x2x80xi32, #tpu.memory_space<vmem>>
      %dma_start3A_421 = tpu.memref_squeeze %dma_start3A_420 : memref<1x2x80xi32, #tpu.memory_space<vmem>> -> memref<2x80xi32, #tpu.memory_space<vmem>>
      %dma_start3A_422 = arith.constant 0 : i32
      %dma_start3A_423 = arith.constant 0 : i32
      %dma_start3A_424 = tpu.memref_slice %arg4[%add3A_180, %dma_start3A_422, %dma_start3A_423] : memref<4000x2x80xi32, #tpu.memory_space<hbm>> -> memref<1x2x80xi32, #tpu.memory_space<hbm>>
      %dma_start3A_425 = tpu.memref_squeeze %dma_start3A_424 : memref<1x2x80xi32, #tpu.memory_space<hbm>> -> memref<2x80xi32, #tpu.memory_space<hbm>>
      %dma_start3A_426 = arith.constant 0 : i32
      %dma_start3A_427 = arith.constant 0 : i32
      %dma_start3A_428 = tpu.memref_slice %arg7[%run_scoped3A_181, %dma_start3A_426, %dma_start3A_427] : memref<2x2x80xi32, #tpu.memory_space<vmem>> -> memref<1x2x80xi32, #tpu.memory_space<vmem>>
      %dma_start3A_429 = tpu.memref_squeeze %dma_start3A_428 : memref<1x2x80xi32, #tpu.memory_space<vmem>> -> memref<2x80xi32, #tpu.memory_space<vmem>>
      %dma_start3A_430 = arith.constant 0 : i32
      %dma_start3A_431 = arith.constant 0 : i32
      %dma_start3A_432 = tpu.memref_slice %arg4[%add3A_180, %dma_start3A_430, %dma_start3A_431] : memref<4000x2x80xi32, #tpu.memory_space<hbm>> -> memref<1x2x80xi32, #tpu.memory_space<hbm>>
      %dma_start3A_433 = tpu.memref_squeeze %dma_start3A_432 : memref<1x2x80xi32, #tpu.memory_space<hbm>> -> memref<2x80xi32, #tpu.memory_space<hbm>>
      tpu.enqueue_dma source(%dma_start3A_433 : memref<2x80xi32, #tpu.memory_space<hbm>>) target(%dma_start3A_429 : memref<2x80xi32, #tpu.memory_space<vmem>>) target_semaphore(%run_scoped3A_417 : memref<!tpu.dma_semaphore, #tpu.memory_space<semaphore_mem>>)
      %dma_wait3A_434 = arith.constant 0 : i32
      %dma_wait3A_435 = arith.constant 0 : i32
      %dma_wait3A_436 = tpu.memref_slice %arg7[%run_scoped3A_181, %dma_wait3A_434, %dma_wait3A_435] : memref<2x2x80xi32, #tpu.memory_space<vmem>> -> memref<1x2x80xi32, #tpu.memory_space<vmem>>
      %dma_wait3A_437 = tpu.memref_squeeze %dma_wait3A_436 : memref<1x2x80xi32, #tpu.memory_space<vmem>> -> memref<2x80xi32, #tpu.memory_space<vmem>>
      %dma_wait3A_438 = arith.constant 0 : i32
      %dma_wait3A_439 = arith.constant 0 : i32
      %dma_wait3A_440 = tpu.memref_slice %arg4[%add3A_180, %dma_wait3A_438, %dma_wait3A_439] : memref<4000x2x80xi32, #tpu.memory_space<hbm>> -> memref<1x2x80xi32, #tpu.memory_space<hbm>>
      %dma_wait3A_441 = tpu.memref_squeeze %dma_wait3A_440 : memref<1x2x80xi32, #tpu.memory_space<hbm>> -> memref<2x80xi32, #tpu.memory_space<hbm>>
      %dma_wait3A_442 = arith.constant 0 : i32
      %dma_wait3A_443 = arith.constant 0 : i32
      %dma_wait3A_444 = tpu.memref_slice %arg7[%run_scoped3A_181, %dma_wait3A_442, %dma_wait3A_443] : memref<2x2x80xi32, #tpu.memory_space<vmem>> -> memref<1x2x80xi32, #tpu.memory_space<vmem>>
      %dma_wait3A_445 = tpu.memref_squeeze %dma_wait3A_444 : memref<1x2x80xi32, #tpu.memory_space<vmem>> -> memref<2x80xi32, #tpu.memory_space<vmem>>
      %dma_wait3A_446 = arith.constant 0 : i32
      %dma_wait3A_447 = arith.constant 0 : i32
      %dma_wait3A_448 = tpu.memref_slice %arg4[%add3A_180, %dma_wait3A_446, %dma_wait3A_447] : memref<4000x2x80xi32, #tpu.memory_space<hbm>> -> memref<1x2x80xi32, #tpu.memory_space<hbm>>
      %dma_wait3A_449 = tpu.memref_squeeze %dma_wait3A_448 : memref<1x2x80xi32, #tpu.memory_space<hbm>> -> memref<2x80xi32, #tpu.memory_space<hbm>>
      tpu.wait_dma2 semaphore(%run_scoped3A_417 : memref<!tpu.dma_semaphore, #tpu.memory_space<semaphore_mem>>) src(%dma_wait3A_449 : memref<2x80xi32, #tpu.memory_space<hbm>>) dst(%dma_wait3A_445 : memref<2x80xi32, #tpu.memory_space<vmem>>)
      tpu.yield
    }) : () -> ()
    %dma_start3A_182 = arith.constant 0 : i32
    %dma_start3A_183 = arith.constant 0 : i32
    %dma_start3A_184 = arith.constant 0 : i32
    %dma_start3A_185 = arith.constant 0 : i32
    %dma_start3A_186 = arith.constant 0 : i32
    %dma_start3A_187 = arith.constant 0 : i32
    %dma_start3A_188 = tpu.memref_slice %arg8[%dma_start3A_184, %dma_start3A_186, %dma_start3A_187] : memref<2x80x128xf32, #tpu.memory_space<vmem>> -> memref<1x80x128xf32, #tpu.memory_space<vmem>>
    %dma_start3A_189 = tpu.memref_squeeze %dma_start3A_188 : memref<1x80x128xf32, #tpu.memory_space<vmem>> -> memref<80x128xf32, #tpu.memory_space<vmem>>
    %dma_start3A_190 = arith.constant 0 : i32
    %dma_start3A_191 = tpu.memref_slice %arg7[%dma_start3A_182, %dma_start3A_183, %dma_start3A_190] : memref<2x2x80xi32, #tpu.memory_space<vmem>> -> memref<1x1x80xi32, #tpu.memory_space<vmem>>
    %dma_start3A_192 = tpu.memref_squeeze %dma_start3A_191 : memref<1x1x80xi32, #tpu.memory_space<vmem>> -> memref<80xi32, #tpu.memory_space<vmem>>
    %dma_start3A_193 = arith.constant 0 : i32
    %dma_start3A_194 = arith.constant 0 : i32
    %dma_start3A_195 = tpu.memref_slice %arg2[%dma_start3A_193, %dma_start3A_194] : memref<10000x128xf32, #tpu.memory_space<hbm>> -> memref<10000x128xf32, #tpu.memory_space<hbm>>
    %dma_start3A_196 = tpu.memref_slice %arg11[%dma_start3A_185] : memref<2x!tpu.dma_semaphore, #tpu.memory_space<semaphore_mem>> -> memref<1x!tpu.dma_semaphore, #tpu.memory_space<semaphore_mem>>
    %dma_start3A_197 = tpu.memref_squeeze %dma_start3A_196 : memref<1x!tpu.dma_semaphore, #tpu.memory_space<semaphore_mem>> -> memref<!tpu.dma_semaphore, #tpu.memory_space<semaphore_mem>>
    tpu.enqueue_indirect_dma source(%dma_start3A_195 : memref<10000x128xf32, #tpu.memory_space<hbm>>) target(%dma_start3A_189 : memref<80x128xf32, #tpu.memory_space<vmem>>) offsets(%dma_start3A_192 : memref<80xi32, #tpu.memory_space<vmem>>) semaphore(%dma_start3A_197 : memref<!tpu.dma_semaphore, #tpu.memory_space<semaphore_mem>>)
    %mul3A_198 = arith.constant 80 : i32
    %mul3A_199 = arith.muli %add3A_180, %mul3A_198 : i32
    %dma_start3A_200 = arith.constant 0 : i32
    %dma_start3A_201 = arith.constant 0 : i32
    %dma_start3A_202 = arith.constant 0 : i32
    %dma_start3A_203 = arith.constant 0 : i32
    %dma_start3A_204 = tpu.memref_slice %arg9[%dma_start3A_200, %dma_start3A_202, %dma_start3A_203] : memref<2x80x128xf32, #tpu.memory_space<vmem>> -> memref<1x80x128xf32, #tpu.memory_space<vmem>>
    %dma_start3A_205 = tpu.memref_squeeze %dma_start3A_204 : memref<1x80x128xf32, #tpu.memory_space<vmem>> -> memref<80x128xf32, #tpu.memory_space<vmem>>
    %dma_start3A_206 = arith.constant 0 : i32
    %dma_start3A_207 = tpu.memref_slice %arg3[%mul3A_199, %dma_start3A_206] : memref<320000x128xf32, #tpu.memory_space<hbm>> -> memref<80x128xf32, #tpu.memory_space<hbm>>
    %dma_start3A_208 = tpu.memref_slice %arg12[%dma_start3A_201] : memref<2x!tpu.dma_semaphore, #tpu.memory_space<semaphore_mem>> -> memref<1x!tpu.dma_semaphore, #tpu.memory_space<semaphore_mem>>
    %dma_start3A_209 = tpu.memref_squeeze %dma_start3A_208 : memref<1x!tpu.dma_semaphore, #tpu.memory_space<semaphore_mem>> -> memref<!tpu.dma_semaphore, #tpu.memory_space<semaphore_mem>>
    %dma_start3A_210 = arith.constant 0 : i32
    %dma_start3A_211 = arith.constant 0 : i32
    %dma_start3A_212 = tpu.memref_slice %arg9[%dma_start3A_200, %dma_start3A_210, %dma_start3A_211] : memref<2x80x128xf32, #tpu.memory_space<vmem>> -> memref<1x80x128xf32, #tpu.memory_space<vmem>>
    %dma_start3A_213 = tpu.memref_squeeze %dma_start3A_212 : memref<1x80x128xf32, #tpu.memory_space<vmem>> -> memref<80x128xf32, #tpu.memory_space<vmem>>
    %dma_start3A_214 = arith.constant 0 : i32
    %dma_start3A_215 = tpu.memref_slice %arg3[%mul3A_199, %dma_start3A_214] : memref<320000x128xf32, #tpu.memory_space<hbm>> -> memref<80x128xf32, #tpu.memory_space<hbm>>
    tpu.enqueue_dma source(%dma_start3A_215 : memref<80x128xf32, #tpu.memory_space<hbm>>) target(%dma_start3A_213 : memref<80x128xf32, #tpu.memory_space<vmem>>) target_semaphore(%dma_start3A_209 : memref<!tpu.dma_semaphore, #tpu.memory_space<semaphore_mem>>)
    %dma_wait3A_216 = arith.constant 1 : i32
    %dma_wait3A_217 = arith.constant 0 : i32
    %dma_wait3A_218 = arith.constant 1 : i32
    %dma_wait3A_219 = arith.constant 1 : i32
    %dma_wait3A_220 = arith.constant 0 : i32
    %dma_wait3A_221 = arith.constant 0 : i32
    %dma_wait3A_222 = tpu.memref_slice %arg8[%dma_wait3A_218, %dma_wait3A_220, %dma_wait3A_221] : memref<2x80x128xf32, #tpu.memory_space<vmem>> -> memref<1x80x128xf32, #tpu.memory_space<vmem>>
    %dma_wait3A_223 = tpu.memref_squeeze %dma_wait3A_222 : memref<1x80x128xf32, #tpu.memory_space<vmem>> -> memref<80x128xf32, #tpu.memory_space<vmem>>
    %dma_wait3A_224 = arith.constant 0 : i32
    %dma_wait3A_225 = tpu.memref_slice %arg7[%dma_wait3A_216, %dma_wait3A_217, %dma_wait3A_224] : memref<2x2x80xi32, #tpu.memory_space<vmem>> -> memref<1x1x80xi32, #tpu.memory_space<vmem>>
    %dma_wait3A_226 = tpu.memref_squeeze %dma_wait3A_225 : memref<1x1x80xi32, #tpu.memory_space<vmem>> -> memref<80xi32, #tpu.memory_space<vmem>>
    %dma_wait3A_227 = arith.constant 0 : i32
    %dma_wait3A_228 = arith.constant 0 : i32
    %dma_wait3A_229 = tpu.memref_slice %arg2[%dma_wait3A_227, %dma_wait3A_228] : memref<10000x128xf32, #tpu.memory_space<hbm>> -> memref<10000x128xf32, #tpu.memory_space<hbm>>
    %dma_wait3A_230 = tpu.memref_slice %arg11[%dma_wait3A_219] : memref<2x!tpu.dma_semaphore, #tpu.memory_space<semaphore_mem>> -> memref<1x!tpu.dma_semaphore, #tpu.memory_space<semaphore_mem>>
    %dma_wait3A_231 = tpu.memref_squeeze %dma_wait3A_230 : memref<1x!tpu.dma_semaphore, #tpu.memory_space<semaphore_mem>> -> memref<!tpu.dma_semaphore, #tpu.memory_space<semaphore_mem>>
    tpu.wait_indirect_dma semaphore(%dma_wait3A_231 : memref<!tpu.dma_semaphore, #tpu.memory_space<semaphore_mem>>) src(%dma_wait3A_229 : memref<10000x128xf32, #tpu.memory_space<hbm>>) dst(%dma_wait3A_223 : memref<80x128xf32, #tpu.memory_space<vmem>>)
    %dma_wait3A_232 = arith.constant 1 : i32
    %dma_wait3A_233 = arith.constant 1 : i32
    %dma_wait3A_234 = arith.constant 0 : i32
    %dma_wait3A_235 = arith.constant 0 : i32
    %dma_wait3A_236 = tpu.memref_slice %arg9[%dma_wait3A_232, %dma_wait3A_234, %dma_wait3A_235] : memref<2x80x128xf32, #tpu.memory_space<vmem>> -> memref<1x80x128xf32, #tpu.memory_space<vmem>>
    %dma_wait3A_237 = tpu.memref_squeeze %dma_wait3A_236 : memref<1x80x128xf32, #tpu.memory_space<vmem>> -> memref<80x128xf32, #tpu.memory_space<vmem>>
    %dma_wait3A_238 = arith.constant 0 : i32
    %dma_wait3A_239 = arith.constant 0 : i32
    %dma_wait3A_240 = tpu.memref_slice %arg3[%dma_wait3A_238, %dma_wait3A_239] : memref<320000x128xf32, #tpu.memory_space<hbm>> -> memref<80x128xf32, #tpu.memory_space<hbm>>
    %dma_wait3A_241 = tpu.memref_slice %arg12[%dma_wait3A_233] : memref<2x!tpu.dma_semaphore, #tpu.memory_space<semaphore_mem>> -> memref<1x!tpu.dma_semaphore, #tpu.memory_space<semaphore_mem>>
    %dma_wait3A_242 = tpu.memref_squeeze %dma_wait3A_241 : memref<1x!tpu.dma_semaphore, #tpu.memory_space<semaphore_mem>> -> memref<!tpu.dma_semaphore, #tpu.memory_space<semaphore_mem>>
    %dma_wait3A_243 = arith.constant 0 : i32
    %dma_wait3A_244 = arith.constant 0 : i32
    %dma_wait3A_245 = tpu.memref_slice %arg9[%dma_wait3A_232, %dma_wait3A_243, %dma_wait3A_244] : memref<2x80x128xf32, #tpu.memory_space<vmem>> -> memref<1x80x128xf32, #tpu.memory_space<vmem>>
    %dma_wait3A_246 = tpu.memref_squeeze %dma_wait3A_245 : memref<1x80x128xf32, #tpu.memory_space<vmem>> -> memref<80x128xf32, #tpu.memory_space<vmem>>
    %dma_wait3A_247 = arith.constant 0 : i32
    %dma_wait3A_248 = arith.constant 0 : i32
    %dma_wait3A_249 = tpu.memref_slice %arg3[%dma_wait3A_247, %dma_wait3A_248] : memref<320000x128xf32, #tpu.memory_space<hbm>> -> memref<80x128xf32, #tpu.memory_space<hbm>>
    tpu.wait_dma2 semaphore(%dma_wait3A_242 : memref<!tpu.dma_semaphore, #tpu.memory_space<semaphore_mem>>) src(%dma_wait3A_249 : memref<80x128xf32, #tpu.memory_space<hbm>>) dst(%dma_wait3A_246 : memref<80x128xf32, #tpu.memory_space<vmem>>)
    %dma_start3A_250 = arith.constant 1 : i32
    %dma_start3A_251 = arith.constant 1 : i32
    %dma_start3A_252 = arith.constant 1 : i32
    %dma_start3A_253 = arith.constant 1 : i32
    %dma_start3A_254 = arith.constant 0 : i32
    %dma_start3A_255 = arith.constant 0 : i32
    %dma_start3A_256 = tpu.memref_slice %arg8[%dma_start3A_250, %dma_start3A_254, %dma_start3A_255] : memref<2x80x128xf32, #tpu.memory_space<vmem>> -> memref<1x80x128xf32, #tpu.memory_space<vmem>>
    %dma_start3A_257 = tpu.memref_squeeze %dma_start3A_256 : memref<1x80x128xf32, #tpu.memory_space<vmem>> -> memref<80x128xf32, #tpu.memory_space<vmem>>
    %dma_start3A_258 = arith.constant 0 : i32
    %dma_start3A_259 = tpu.memref_slice %arg7[%dma_start3A_251, %dma_start3A_252, %dma_start3A_258] : memref<2x2x80xi32, #tpu.memory_space<vmem>> -> memref<1x1x80xi32, #tpu.memory_space<vmem>>
    %dma_start3A_260 = tpu.memref_squeeze %dma_start3A_259 : memref<1x1x80xi32, #tpu.memory_space<vmem>> -> memref<80xi32, #tpu.memory_space<vmem>>
    %dma_start3A_261 = arith.constant 0 : i32
    %dma_start3A_262 = arith.constant 0 : i32
    %dma_start3A_263 = tpu.memref_slice %arg10[%dma_start3A_261, %dma_start3A_262] : memref<10112x128xf32, #tpu.memory_space<vmem_shared>> -> memref<10112x128xf32, #tpu.memory_space<vmem_shared>>
    %dma_start3A_264 = tpu.memref_slice %arg13[%dma_start3A_253] : memref<2x!tpu.dma_semaphore, #tpu.memory_space<semaphore_mem>> -> memref<1x!tpu.dma_semaphore, #tpu.memory_space<semaphore_mem>>
    %dma_start3A_265 = tpu.memref_squeeze %dma_start3A_264 : memref<1x!tpu.dma_semaphore, #tpu.memory_space<semaphore_mem>> -> memref<!tpu.dma_semaphore, #tpu.memory_space<semaphore_mem>>
    tpu.enqueue_indirect_dma source(%dma_start3A_257 : memref<80x128xf32, #tpu.memory_space<vmem>>) target(%dma_start3A_263 : memref<10112x128xf32, #tpu.memory_space<vmem_shared>>) offsets(%dma_start3A_260 : memref<80xi32, #tpu.memory_space<vmem>>) semaphore(%dma_start3A_265 : memref<!tpu.dma_semaphore, #tpu.memory_space<semaphore_mem>>) {add = true}
    %dma_start3A_266 = arith.constant 1 : i32
    %dma_start3A_267 = arith.constant 1 : i32
    %dma_start3A_268 = arith.constant 1 : i32
    %dma_start3A_269 = arith.constant 1 : i32
    %dma_start3A_270 = arith.constant 0 : i32
    %dma_start3A_271 = arith.constant 0 : i32
    %dma_start3A_272 = tpu.memref_slice %arg9[%dma_start3A_266, %dma_start3A_270, %dma_start3A_271] : memref<2x80x128xf32, #tpu.memory_space<vmem>> -> memref<1x80x128xf32, #tpu.memory_space<vmem>>
    %dma_start3A_273 = tpu.memref_squeeze %dma_start3A_272 : memref<1x80x128xf32, #tpu.memory_space<vmem>> -> memref<80x128xf32, #tpu.memory_space<vmem>>
    %dma_start3A_274 = arith.constant 0 : i32
    %dma_start3A_275 = tpu.memref_slice %arg7[%dma_start3A_267, %dma_start3A_268, %dma_start3A_274] : memref<2x2x80xi32, #tpu.memory_space<vmem>> -> memref<1x1x80xi32, #tpu.memory_space<vmem>>
    %dma_start3A_276 = tpu.memref_squeeze %dma_start3A_275 : memref<1x1x80xi32, #tpu.memory_space<vmem>> -> memref<80xi32, #tpu.memory_space<vmem>>
    %dma_start3A_277 = arith.constant 0 : i32
    %dma_start3A_278 = arith.constant 0 : i32
    %dma_start3A_279 = tpu.memref_slice %arg10[%dma_start3A_277, %dma_start3A_278] : memref<10112x128xf32, #tpu.memory_space<vmem_shared>> -> memref<10112x128xf32, #tpu.memory_space<vmem_shared>>
    %dma_start3A_280 = tpu.memref_slice %arg13[%dma_start3A_269] : memref<2x!tpu.dma_semaphore, #tpu.memory_space<semaphore_mem>> -> memref<1x!tpu.dma_semaphore, #tpu.memory_space<semaphore_mem>>
    %dma_start3A_281 = tpu.memref_squeeze %dma_start3A_280 : memref<1x!tpu.dma_semaphore, #tpu.memory_space<semaphore_mem>> -> memref<!tpu.dma_semaphore, #tpu.memory_space<semaphore_mem>>
    tpu.enqueue_indirect_dma source(%dma_start3A_273 : memref<80x128xf32, #tpu.memory_space<vmem>>) target(%dma_start3A_279 : memref<10112x128xf32, #tpu.memory_space<vmem_shared>>) offsets(%dma_start3A_276 : memref<80xi32, #tpu.memory_space<vmem>>) semaphore(%dma_start3A_281 : memref<!tpu.dma_semaphore, #tpu.memory_space<semaphore_mem>>) {add = true}
    %dma_wait3A_282 = arith.constant 0 : i32
    %dma_wait3A_283 = arith.constant 0 : i32
    %dma_wait3A_284 = arith.constant 0 : i32
    %dma_wait3A_285 = arith.constant 0 : i32
    %dma_wait3A_286 = arith.constant 0 : i32
    %dma_wait3A_287 = arith.constant 0 : i32
    %dma_wait3A_288 = tpu.memref_slice %arg8[%dma_wait3A_284, %dma_wait3A_286, %dma_wait3A_287] : memref<2x80x128xf32, #tpu.memory_space<vmem>> -> memref<1x80x128xf32, #tpu.memory_space<vmem>>
    %dma_wait3A_289 = tpu.memref_squeeze %dma_wait3A_288 : memref<1x80x128xf32, #tpu.memory_space<vmem>> -> memref<80x128xf32, #tpu.memory_space<vmem>>
    %dma_wait3A_290 = arith.constant 0 : i32
    %dma_wait3A_291 = tpu.memref_slice %arg7[%dma_wait3A_282, %dma_wait3A_283, %dma_wait3A_290] : memref<2x2x80xi32, #tpu.memory_space<vmem>> -> memref<1x1x80xi32, #tpu.memory_space<vmem>>
    %dma_wait3A_292 = tpu.memref_squeeze %dma_wait3A_291 : memref<1x1x80xi32, #tpu.memory_space<vmem>> -> memref<80xi32, #tpu.memory_space<vmem>>
    %dma_wait3A_293 = arith.constant 0 : i32
    %dma_wait3A_294 = arith.constant 0 : i32
    %dma_wait3A_295 = tpu.memref_slice %arg2[%dma_wait3A_293, %dma_wait3A_294] : memref<10000x128xf32, #tpu.memory_space<hbm>> -> memref<10000x128xf32, #tpu.memory_space<hbm>>
    %dma_wait3A_296 = tpu.memref_slice %arg11[%dma_wait3A_285] : memref<2x!tpu.dma_semaphore, #tpu.memory_space<semaphore_mem>> -> memref<1x!tpu.dma_semaphore, #tpu.memory_space<semaphore_mem>>
    %dma_wait3A_297 = tpu.memref_squeeze %dma_wait3A_296 : memref<1x!tpu.dma_semaphore, #tpu.memory_space<semaphore_mem>> -> memref<!tpu.dma_semaphore, #tpu.memory_space<semaphore_mem>>
    tpu.wait_indirect_dma semaphore(%dma_wait3A_297 : memref<!tpu.dma_semaphore, #tpu.memory_space<semaphore_mem>>) src(%dma_wait3A_295 : memref<10000x128xf32, #tpu.memory_space<hbm>>) dst(%dma_wait3A_289 : memref<80x128xf32, #tpu.memory_space<vmem>>)
    %dma_wait3A_298 = arith.constant 0 : i32
    %dma_wait3A_299 = arith.constant 0 : i32
    %dma_wait3A_300 = arith.constant 0 : i32
    %dma_wait3A_301 = arith.constant 0 : i32
    %dma_wait3A_302 = tpu.memref_slice %arg9[%dma_wait3A_298, %dma_wait3A_300, %dma_wait3A_301] : memref<2x80x128xf32, #tpu.memory_space<vmem>> -> memref<1x80x128xf32, #tpu.memory_space<vmem>>
    %dma_wait3A_303 = tpu.memref_squeeze %dma_wait3A_302 : memref<1x80x128xf32, #tpu.memory_space<vmem>> -> memref<80x128xf32, #tpu.memory_space<vmem>>
    %dma_wait3A_304 = arith.constant 0 : i32
    %dma_wait3A_305 = arith.constant 0 : i32
    %dma_wait3A_306 = tpu.memref_slice %arg3[%dma_wait3A_304, %dma_wait3A_305] : memref<320000x128xf32, #tpu.memory_space<hbm>> -> memref<80x128xf32, #tpu.memory_space<hbm>>
    %dma_wait3A_307 = tpu.memref_slice %arg12[%dma_wait3A_299] : memref<2x!tpu.dma_semaphore, #tpu.memory_space<semaphore_mem>> -> memref<1x!tpu.dma_semaphore, #tpu.memory_space<semaphore_mem>>
    %dma_wait3A_308 = tpu.memref_squeeze %dma_wait3A_307 : memref<1x!tpu.dma_semaphore, #tpu.memory_space<semaphore_mem>> -> memref<!tpu.dma_semaphore, #tpu.memory_space<semaphore_mem>>
    %dma_wait3A_309 = arith.constant 0 : i32
    %dma_wait3A_310 = arith.constant 0 : i32
    %dma_wait3A_311 = tpu.memref_slice %arg9[%dma_wait3A_298, %dma_wait3A_309, %dma_wait3A_310] : memref<2x80x128xf32, #tpu.memory_space<vmem>> -> memref<1x80x128xf32, #tpu.memory_space<vmem>>
    %dma_wait3A_312 = tpu.memref_squeeze %dma_wait3A_311 : memref<1x80x128xf32, #tpu.memory_space<vmem>> -> memref<80x128xf32, #tpu.memory_space<vmem>>
    %dma_wait3A_313 = arith.constant 0 : i32
    %dma_wait3A_314 = arith.constant 0 : i32
    %dma_wait3A_315 = tpu.memref_slice %arg3[%dma_wait3A_313, %dma_wait3A_314] : memref<320000x128xf32, #tpu.memory_space<hbm>> -> memref<80x128xf32, #tpu.memory_space<hbm>>
    tpu.wait_dma2 semaphore(%dma_wait3A_308 : memref<!tpu.dma_semaphore, #tpu.memory_space<semaphore_mem>>) src(%dma_wait3A_315 : memref<80x128xf32, #tpu.memory_space<hbm>>) dst(%dma_wait3A_312 : memref<80x128xf32, #tpu.memory_space<vmem>>)
    %dma_start3A_316 = arith.constant 0 : i32
    %dma_start3A_317 = arith.constant 0 : i32
    %dma_start3A_318 = arith.constant 1 : i32
    %dma_start3A_319 = arith.constant 0 : i32
    %dma_start3A_320 = arith.constant 0 : i32
    %dma_start3A_321 = arith.constant 0 : i32
    %dma_start3A_322 = tpu.memref_slice %arg8[%dma_start3A_316, %dma_start3A_320, %dma_start3A_321] : memref<2x80x128xf32, #tpu.memory_space<vmem>> -> memref<1x80x128xf32, #tpu.memory_space<vmem>>
    %dma_start3A_323 = tpu.memref_squeeze %dma_start3A_322 : memref<1x80x128xf32, #tpu.memory_space<vmem>> -> memref<80x128xf32, #tpu.memory_space<vmem>>
    %dma_start3A_324 = arith.constant 0 : i32
    %dma_start3A_325 = tpu.memref_slice %arg7[%dma_start3A_317, %dma_start3A_318, %dma_start3A_324] : memref<2x2x80xi32, #tpu.memory_space<vmem>> -> memref<1x1x80xi32, #tpu.memory_space<vmem>>
    %dma_start3A_326 = tpu.memref_squeeze %dma_start3A_325 : memref<1x1x80xi32, #tpu.memory_space<vmem>> -> memref<80xi32, #tpu.memory_space<vmem>>
    %dma_start3A_327 = arith.constant 0 : i32
    %dma_start3A_328 = arith.constant 0 : i32
    %dma_start3A_329 = tpu.memref_slice %arg10[%dma_start3A_327, %dma_start3A_328] : memref<10112x128xf32, #tpu.memory_space<vmem_shared>> -> memref<10112x128xf32, #tpu.memory_space<vmem_shared>>
    %dma_start3A_330 = tpu.memref_slice %arg13[%dma_start3A_319] : memref<2x!tpu.dma_semaphore, #tpu.memory_space<semaphore_mem>> -> memref<1x!tpu.dma_semaphore, #tpu.memory_space<semaphore_mem>>
    %dma_start3A_331 = tpu.memref_squeeze %dma_start3A_330 : memref<1x!tpu.dma_semaphore, #tpu.memory_space<semaphore_mem>> -> memref<!tpu.dma_semaphore, #tpu.memory_space<semaphore_mem>>
    tpu.enqueue_indirect_dma source(%dma_start3A_323 : memref<80x128xf32, #tpu.memory_space<vmem>>) target(%dma_start3A_329 : memref<10112x128xf32, #tpu.memory_space<vmem_shared>>) offsets(%dma_start3A_326 : memref<80xi32, #tpu.memory_space<vmem>>) semaphore(%dma_start3A_331 : memref<!tpu.dma_semaphore, #tpu.memory_space<semaphore_mem>>) {add = true}
    %dma_start3A_332 = arith.constant 0 : i32
    %dma_start3A_333 = arith.constant 0 : i32
    %dma_start3A_334 = arith.constant 1 : i32
    %dma_start3A_335 = arith.constant 0 : i32
    %dma_start3A_336 = arith.constant 0 : i32
    %dma_start3A_337 = arith.constant 0 : i32
    %dma_start3A_338 = tpu.memref_slice %arg9[%dma_start3A_332, %dma_start3A_336, %dma_start3A_337] : memref<2x80x128xf32, #tpu.memory_space<vmem>> -> memref<1x80x128xf32, #tpu.memory_space<vmem>>
    %dma_start3A_339 = tpu.memref_squeeze %dma_start3A_338 : memref<1x80x128xf32, #tpu.memory_space<vmem>> -> memref<80x128xf32, #tpu.memory_space<vmem>>
    %dma_start3A_340 = arith.constant 0 : i32
    %dma_start3A_341 = tpu.memref_slice %arg7[%dma_start3A_333, %dma_start3A_334, %dma_start3A_340] : memref<2x2x80xi32, #tpu.memory_space<vmem>> -> memref<1x1x80xi32, #tpu.memory_space<vmem>>
    %dma_start3A_342 = tpu.memref_squeeze %dma_start3A_341 : memref<1x1x80xi32, #tpu.memory_space<vmem>> -> memref<80xi32, #tpu.memory_space<vmem>>
    %dma_start3A_343 = arith.constant 0 : i32
    %dma_start3A_344 = arith.constant 0 : i32
    %dma_start3A_345 = tpu.memref_slice %arg10[%dma_start3A_343, %dma_start3A_344] : memref<10112x128xf32, #tpu.memory_space<vmem_shared>> -> memref<10112x128xf32, #tpu.memory_space<vmem_shared>>
    %dma_start3A_346 = tpu.memref_slice %arg13[%dma_start3A_335] : memref<2x!tpu.dma_semaphore, #tpu.memory_space<semaphore_mem>> -> memref<1x!tpu.dma_semaphore, #tpu.memory_space<semaphore_mem>>
    %dma_start3A_347 = tpu.memref_squeeze %dma_start3A_346 : memref<1x!tpu.dma_semaphore, #tpu.memory_space<semaphore_mem>> -> memref<!tpu.dma_semaphore, #tpu.memory_space<semaphore_mem>>
    tpu.enqueue_indirect_dma source(%dma_start3A_339 : memref<80x128xf32, #tpu.memory_space<vmem>>) target(%dma_start3A_345 : memref<10112x128xf32, #tpu.memory_space<vmem_shared>>) offsets(%dma_start3A_342 : memref<80xi32, #tpu.memory_space<vmem>>) semaphore(%dma_start3A_347 : memref<!tpu.dma_semaphore, #tpu.memory_space<semaphore_mem>>) {add = true}
    %dma_wait3A_348 = arith.constant 1 : i32
    %dma_wait3A_349 = arith.constant 1 : i32
    %dma_wait3A_350 = arith.constant 1 : i32
    %dma_wait3A_351 = arith.constant 1 : i32
    %dma_wait3A_352 = arith.constant 0 : i32
    %dma_wait3A_353 = arith.constant 0 : i32
    %dma_wait3A_354 = tpu.memref_slice %arg8[%dma_wait3A_348, %dma_wait3A_352, %dma_wait3A_353] : memref<2x80x128xf32, #tpu.memory_space<vmem>> -> memref<1x80x128xf32, #tpu.memory_space<vmem>>
    %dma_wait3A_355 = tpu.memref_squeeze %dma_wait3A_354 : memref<1x80x128xf32, #tpu.memory_space<vmem>> -> memref<80x128xf32, #tpu.memory_space<vmem>>
    %dma_wait3A_356 = arith.constant 0 : i32
    %dma_wait3A_357 = tpu.memref_slice %arg7[%dma_wait3A_349, %dma_wait3A_350, %dma_wait3A_356] : memref<2x2x80xi32, #tpu.memory_space<vmem>> -> memref<1x1x80xi32, #tpu.memory_space<vmem>>
    %dma_wait3A_358 = tpu.memref_squeeze %dma_wait3A_357 : memref<1x1x80xi32, #tpu.memory_space<vmem>> -> memref<80xi32, #tpu.memory_space<vmem>>
    %dma_wait3A_359 = arith.constant 0 : i32
    %dma_wait3A_360 = arith.constant 0 : i32
    %dma_wait3A_361 = tpu.memref_slice %arg10[%dma_wait3A_359, %dma_wait3A_360] : memref<10112x128xf32, #tpu.memory_space<vmem_shared>> -> memref<10112x128xf32, #tpu.memory_space<vmem_shared>>
    %dma_wait3A_362 = tpu.memref_slice %arg13[%dma_wait3A_351] : memref<2x!tpu.dma_semaphore, #tpu.memory_space<semaphore_mem>> -> memref<1x!tpu.dma_semaphore, #tpu.memory_space<semaphore_mem>>
    %dma_wait3A_363 = tpu.memref_squeeze %dma_wait3A_362 : memref<1x!tpu.dma_semaphore, #tpu.memory_space<semaphore_mem>> -> memref<!tpu.dma_semaphore, #tpu.memory_space<semaphore_mem>>
    tpu.wait_indirect_dma semaphore(%dma_wait3A_363 : memref<!tpu.dma_semaphore, #tpu.memory_space<semaphore_mem>>) src(%dma_wait3A_355 : memref<80x128xf32, #tpu.memory_space<vmem>>) dst(%dma_wait3A_361 : memref<10112x128xf32, #tpu.memory_space<vmem_shared>>)
    %dma_wait3A_364 = arith.constant 1 : i32
    %dma_wait3A_365 = arith.constant 1 : i32
    %dma_wait3A_366 = arith.constant 1 : i32
    %dma_wait3A_367 = arith.constant 1 : i32
    %dma_wait3A_368 = arith.constant 0 : i32
    %dma_wait3A_369 = arith.constant 0 : i32
    %dma_wait3A_370 = tpu.memref_slice %arg9[%dma_wait3A_364, %dma_wait3A_368, %dma_wait3A_369] : memref<2x80x128xf32, #tpu.memory_space<vmem>> -> memref<1x80x128xf32, #tpu.memory_space<vmem>>
    %dma_wait3A_371 = tpu.memref_squeeze %dma_wait3A_370 : memref<1x80x128xf32, #tpu.memory_space<vmem>> -> memref<80x128xf32, #tpu.memory_space<vmem>>
    %dma_wait3A_372 = arith.constant 0 : i32
    %dma_wait3A_373 = tpu.memref_slice %arg7[%dma_wait3A_365, %dma_wait3A_366, %dma_wait3A_372] : memref<2x2x80xi32, #tpu.memory_space<vmem>> -> memref<1x1x80xi32, #tpu.memory_space<vmem>>
    %dma_wait3A_374 = tpu.memref_squeeze %dma_wait3A_373 : memref<1x1x80xi32, #tpu.memory_space<vmem>> -> memref<80xi32, #tpu.memory_space<vmem>>
    %dma_wait3A_375 = arith.constant 0 : i32
    %dma_wait3A_376 = arith.constant 0 : i32
    %dma_wait3A_377 = tpu.memref_slice %arg10[%dma_wait3A_375, %dma_wait3A_376] : memref<10112x128xf32, #tpu.memory_space<vmem_shared>> -> memref<10112x128xf32, #tpu.memory_space<vmem_shared>>
    %dma_wait3A_378 = tpu.memref_slice %arg13[%dma_wait3A_367] : memref<2x!tpu.dma_semaphore, #tpu.memory_space<semaphore_mem>> -> memref<1x!tpu.dma_semaphore, #tpu.memory_space<semaphore_mem>>
    %dma_wait3A_379 = tpu.memref_squeeze %dma_wait3A_378 : memref<1x!tpu.dma_semaphore, #tpu.memory_space<semaphore_mem>> -> memref<!tpu.dma_semaphore, #tpu.memory_space<semaphore_mem>>
    tpu.wait_indirect_dma semaphore(%dma_wait3A_379 : memref<!tpu.dma_semaphore, #tpu.memory_space<semaphore_mem>>) src(%dma_wait3A_371 : memref<80x128xf32, #tpu.memory_space<vmem>>) dst(%dma_wait3A_377 : memref<10112x128xf32, #tpu.memory_space<vmem_shared>>)
    %dma_wait3A_380 = arith.constant 0 : i32
    %dma_wait3A_381 = arith.constant 0 : i32
    %dma_wait3A_382 = arith.constant 1 : i32
    %dma_wait3A_383 = arith.constant 0 : i32
    %dma_wait3A_384 = arith.constant 0 : i32
    %dma_wait3A_385 = arith.constant 0 : i32
    %dma_wait3A_386 = tpu.memref_slice %arg8[%dma_wait3A_380, %dma_wait3A_384, %dma_wait3A_385] : memref<2x80x128xf32, #tpu.memory_space<vmem>> -> memref<1x80x128xf32, #tpu.memory_space<vmem>>
    %dma_wait3A_387 = tpu.memref_squeeze %dma_wait3A_386 : memref<1x80x128xf32, #tpu.memory_space<vmem>> -> memref<80x128xf32, #tpu.memory_space<vmem>>
    %dma_wait3A_388 = arith.constant 0 : i32
    %dma_wait3A_389 = tpu.memref_slice %arg7[%dma_wait3A_381, %dma_wait3A_382, %dma_wait3A_388] : memref<2x2x80xi32, #tpu.memory_space<vmem>> -> memref<1x1x80xi32, #tpu.memory_space<vmem>>
    %dma_wait3A_390 = tpu.memref_squeeze %dma_wait3A_389 : memref<1x1x80xi32, #tpu.memory_space<vmem>> -> memref<80xi32, #tpu.memory_space<vmem>>
    %dma_wait3A_391 = arith.constant 0 : i32
    %dma_wait3A_392 = arith.constant 0 : i32
    %dma_wait3A_393 = tpu.memref_slice %arg10[%dma_wait3A_391, %dma_wait3A_392] : memref<10112x128xf32, #tpu.memory_space<vmem_shared>> -> memref<10112x128xf32, #tpu.memory_space<vmem_shared>>
    %dma_wait3A_394 = tpu.memref_slice %arg13[%dma_wait3A_383] : memref<2x!tpu.dma_semaphore, #tpu.memory_space<semaphore_mem>> -> memref<1x!tpu.dma_semaphore, #tpu.memory_space<semaphore_mem>>
    %dma_wait3A_395 = tpu.memref_squeeze %dma_wait3A_394 : memref<1x!tpu.dma_semaphore, #tpu.memory_space<semaphore_mem>> -> memref<!tpu.dma_semaphore, #tpu.memory_space<semaphore_mem>>
    tpu.wait_indirect_dma semaphore(%dma_wait3A_395 : memref<!tpu.dma_semaphore, #tpu.memory_space<semaphore_mem>>) src(%dma_wait3A_387 : memref<80x128xf32, #tpu.memory_space<vmem>>) dst(%dma_wait3A_393 : memref<10112x128xf32, #tpu.memory_space<vmem_shared>>)
    %dma_wait3A_396 = arith.constant 0 : i32
    %dma_wait3A_397 = arith.constant 0 : i32
    %dma_wait3A_398 = arith.constant 1 : i32
    %dma_wait3A_399 = arith.constant 0 : i32
    %dma_wait3A_400 = arith.constant 0 : i32
    %dma_wait3A_401 = arith.constant 0 : i32
    %dma_wait3A_402 = tpu.memref_slice %arg9[%dma_wait3A_396, %dma_wait3A_400, %dma_wait3A_401] : memref<2x80x128xf32, #tpu.memory_space<vmem>> -> memref<1x80x128xf32, #tpu.memory_space<vmem>>
    %dma_wait3A_403 = tpu.memref_squeeze %dma_wait3A_402 : memref<1x80x128xf32, #tpu.memory_space<vmem>> -> memref<80x128xf32, #tpu.memory_space<vmem>>
    %dma_wait3A_404 = arith.constant 0 : i32
    %dma_wait3A_405 = tpu.memref_slice %arg7[%dma_wait3A_397, %dma_wait3A_398, %dma_wait3A_404] : memref<2x2x80xi32, #tpu.memory_space<vmem>> -> memref<1x1x80xi32, #tpu.memory_space<vmem>>
    %dma_wait3A_406 = tpu.memref_squeeze %dma_wait3A_405 : memref<1x1x80xi32, #tpu.memory_space<vmem>> -> memref<80xi32, #tpu.memory_space<vmem>>
    %dma_wait3A_407 = arith.constant 0 : i32
    %dma_wait3A_408 = arith.constant 0 : i32
    %dma_wait3A_409 = tpu.memref_slice %arg10[%dma_wait3A_407, %dma_wait3A_408] : memref<10112x128xf32, #tpu.memory_space<vmem_shared>> -> memref<10112x128xf32, #tpu.memory_space<vmem_shared>>
    %dma_wait3A_410 = tpu.memref_slice %arg13[%dma_wait3A_399] : memref<2x!tpu.dma_semaphore, #tpu.memory_space<semaphore_mem>> -> memref<1x!tpu.dma_semaphore, #tpu.memory_space<semaphore_mem>>
    %dma_wait3A_411 = tpu.memref_squeeze %dma_wait3A_410 : memref<1x!tpu.dma_semaphore, #tpu.memory_space<semaphore_mem>> -> memref<!tpu.dma_semaphore, #tpu.memory_space<semaphore_mem>>
    tpu.wait_indirect_dma semaphore(%dma_wait3A_411 : memref<!tpu.dma_semaphore, #tpu.memory_space<semaphore_mem>>) src(%dma_wait3A_403 : memref<80x128xf32, #tpu.memory_space<vmem>>) dst(%dma_wait3A_409 : memref<10112x128xf32, #tpu.memory_space<vmem_shared>>)
    %barrier3A_412 = arith.constant 0 : index
    tpu.barrier barrier_id(%barrier3A_412)
    %mul3A_413 = arith.constant 632 : i32
    %mul3A_414 = arith.muli %arg1, %mul3A_413 : i32
    %mul3A_415 = arith.constant 632 : i32
    %mul3A_416 = arith.muli %arg1, %mul3A_415 : i32
    "tpu.region"() ({
      %run_scoped3A_417 = tpu.sem_alloc : memref<!tpu.dma_semaphore, #tpu.memory_space<semaphore_mem>>
      %dma_start3A_418 = arith.constant 0 : i32
      %dma_start3A_419 = arith.constant 0 : i32
      %dma_start3A_420 = tpu.memref_slice %arg6[%arg0, %dma_start3A_418, %dma_start3A_419] : memref<2x10112x128xf32, #tpu.memory_space<hbm>> -> memref<1x10112x128xf32, #tpu.memory_space<hbm>>
      %dma_start3A_421 = tpu.memref_squeeze %dma_start3A_420 : memref<1x10112x128xf32, #tpu.memory_space<hbm>> -> memref<10112x128xf32, #tpu.memory_space<hbm>>
      %dma_start3A_422 = arith.constant 0 : i32
      %dma_start3A_423 = tpu.memref_slice %dma_start3A_421[%mul3A_416, %dma_start3A_422] : memref<10112x128xf32, #tpu.memory_space<hbm>> -> memref<632x128xf32, #tpu.memory_space<hbm>>
      %dma_start3A_424 = arith.constant 0 : i32
      %dma_start3A_425 = tpu.memref_slice %arg10[%mul3A_414, %dma_start3A_424] : memref<10112x128xf32, #tpu.memory_space<vmem_shared>> -> memref<632x128xf32, #tpu.memory_space<vmem_shared>>
      tpu.enqueue_dma source(%dma_start3A_425 : memref<632x128xf32, #tpu.memory_space<vmem_shared>>) target(%dma_start3A_423 : memref<632x128xf32, #tpu.memory_space<hbm>>) target_semaphore(%run_scoped3A_417 : memref<!tpu.dma_semaphore, #tpu.memory_space<semaphore_mem>>)
      %dma_wait3A_426 = arith.constant 0 : i32
      %dma_wait3A_427 = arith.constant 0 : i32
      %dma_wait3A_428 = tpu.memref_slice %arg6[%arg0, %dma_wait3A_426, %dma_wait3A_427] : memref<2x10112x128xf32, #tpu.memory_space<hbm>> -> memref<1x10112x128xf32, #tpu.memory_space<hbm>>
      %dma_wait3A_429 = tpu.memref_squeeze %dma_wait3A_428 : memref<1x10112x128xf32, #tpu.memory_space<hbm>> -> memref<10112x128xf32, #tpu.memory_space<hbm>>
      %dma_wait3A_430 = arith.constant 0 : i32
      %dma_wait3A_431 = tpu.memref_slice %dma_wait3A_429[%mul3A_416, %dma_wait3A_430] : memref<10112x128xf32, #tpu.memory_space<hbm>> -> memref<632x128xf32, #tpu.memory_space<hbm>>
      %dma_wait3A_432 = arith.constant 0 : i32
      %dma_wait3A_433 = tpu.memref_slice %arg10[%mul3A_414, %dma_wait3A_432] : memref<10112x128xf32, #tpu.memory_space<vmem_shared>> -> memref<632x128xf32, #tpu.memory_space<vmem_shared>>
      tpu.wait_dma2 semaphore(%run_scoped3A_417 : memref<!tpu.dma_semaphore, #tpu.memory_space<semaphore_mem>>) src(%dma_wait3A_433 : memref<632x128xf32, #tpu.memory_space<vmem_shared>>) dst(%dma_wait3A_431 : memref<632x128xf32, #tpu.memory_space<hbm>>)
      tpu.yield
    }) : () -> ()
    return
  }
}

#map = affine_map<(d0, d1) -> (0, 0)>
#map1 = affine_map<(d0, d1) -> (0, 0, 0)>
module attributes {stable_mosaic.version = 14 : i64} {
  func.func @sc(%arg0: i32, %arg1: i32, %arg2: memref<10000x128xf32, #tpu.memory_space<hbm>>, %arg3: memref<320000x128xf32, #tpu.memory_space<hbm>>, %arg4: memref<4000x2x80xi32, #tpu.memory_space<hbm>>, %arg5: memref<10112x128xf32, #tpu.memory_space<hbm>>, %arg6: memref<2x10112x128xf32, #tpu.memory_space<hbm>>, %arg7: memref<2x2x80xi32, #tpu.memory_space<vmem>>, %arg8: memref<2x80x128xf32, #tpu.memory_space<vmem>>, %arg9: memref<2x80x128xf32, #tpu.memory_space<vmem>>, %arg10: memref<10112x128xf32, #tpu.memory_space<vmem_shared>>, %arg11: memref<2x!tpu.dma_semaphore, #tpu.memory_space<semaphore_mem>>, %arg12: memref<2x!tpu.dma_semaphore, #tpu.memory_space<semaphore_mem>>, %arg13: memref<2x!tpu.dma_semaphore, #tpu.memory_space<semaphore_mem>>) attributes {dimension_semantics = [#tpu.dimension_semantics<core_parallel>, #tpu.dimension_semantics<subcore_parallel>], iteration_bounds = array<i64: 2, 16>, scalar_prefetch = 0 : i64, scratch_operands = 7 : i64, tpu.core_type = #tpu.core_type<sc_vector_subcore>, window_params = [{transform_indices = #map}, {transform_indices = #map}, {transform_indices = #map1}, {transform_indices = #map}, {transform_indices = #map1}]} {
    %mul3A = arith.constant 16 : i32
    %mul3A_0 = arith.muli %arg0, %mul3A : i32
    %add3A = arith.addi %mul3A_0, %arg1 : i32
    %mul3A_1 = arith.constant 632 : i32
    %mul3A_2 = arith.muli %arg1, %mul3A_1 : i32
    %mul3A_3 = arith.constant 632 : i32
    %mul3A_4 = arith.muli %arg1, %mul3A_3 : i32
    "tpu.region"() ({
      %run_scoped3A_417 = tpu.sem_alloc : memref<!tpu.dma_semaphore, #tpu.memory_space<semaphore_mem>>
      %dma_start3A_418 = arith.constant 0 : i32
      %dma_start3A_419 = tpu.memref_slice %arg10[%mul3A_4, %dma_start3A_418] : memref<10112x128xf32, #tpu.memory_space<vmem_shared>> -> memref<632x128xf32, #tpu.memory_space<vmem_shared>>
      %dma_start3A_420 = arith.constant 0 : i32
      %dma_start3A_421 = tpu.memref_slice %arg5[%mul3A_2, %dma_start3A_420] : memref<10112x128xf32, #tpu.memory_space<hbm>> -> memref<632x128xf32, #tpu.memory_space<hbm>>
      tpu.enqueue_dma source(%dma_start3A_421 : memref<632x128xf32, #tpu.memory_space<hbm>>) target(%dma_start3A_419 : memref<632x128xf32, #tpu.memory_space<vmem_shared>>) target_semaphore(%run_scoped3A_417 : memref<!tpu.dma_semaphore, #tpu.memory_space<semaphore_mem>>)
      %dma_wait3A_422 = arith.constant 0 : i32
      %dma_wait3A_423 = tpu.memref_slice %arg10[%mul3A_4, %dma_wait3A_422] : memref<10112x128xf32, #tpu.memory_space<vmem_shared>> -> memref<632x128xf32, #tpu.memory_space<vmem_shared>>
      %dma_wait3A_424 = arith.constant 0 : i32
      %dma_wait3A_425 = tpu.memref_slice %arg5[%mul3A_2, %dma_wait3A_424] : memref<10112x128xf32, #tpu.memory_space<hbm>> -> memref<632x128xf32, #tpu.memory_space<hbm>>
      tpu.wait_dma2 semaphore(%run_scoped3A_417 : memref<!tpu.dma_semaphore, #tpu.memory_space<semaphore_mem>>) src(%dma_wait3A_425 : memref<632x128xf32, #tpu.memory_space<hbm>>) dst(%dma_wait3A_423 : memref<632x128xf32, #tpu.memory_space<vmem_shared>>)
      tpu.yield
    }) : () -> ()
    %barrier3A = arith.constant 0 : index
    tpu.barrier barrier_id(%barrier3A)
    %add3A_5 = arith.constant 0 : i32
    %add3A_6 = arith.addi %add3A, %add3A_5 : i32
    %run_scoped3A = arith.constant 0 : i32
    "tpu.region"() ({
      %run_scoped3A_417 = tpu.sem_alloc : memref<!tpu.dma_semaphore, #tpu.memory_space<semaphore_mem>>
      %dma_start3A_418 = arith.constant 0 : i32
      %dma_start3A_419 = arith.constant 0 : i32
      %dma_start3A_420 = tpu.memref_slice %arg7[%run_scoped3A, %dma_start3A_418, %dma_start3A_419] : memref<2x2x80xi32, #tpu.memory_space<vmem>> -> memref<1x2x80xi32, #tpu.memory_space<vmem>>
      %dma_start3A_421 = tpu.memref_squeeze %dma_start3A_420 : memref<1x2x80xi32, #tpu.memory_space<vmem>> -> memref<2x80xi32, #tpu.memory_space<vmem>>
      %dma_start3A_422 = arith.constant 0 : i32
      %dma_start3A_423 = arith.constant 0 : i32
      %dma_start3A_424 = tpu.memref_slice %arg4[%add3A_6, %dma_start3A_422, %dma_start3A_423] : memref<4000x2x80xi32, #tpu.memory_space<hbm>> -> memref<1x2x80xi32, #tpu.memory_space<hbm>>
      %dma_start3A_425 = tpu.memref_squeeze %dma_start3A_424 : memref<1x2x80xi32, #tpu.memory_space<hbm>> -> memref<2x80xi32, #tpu.memory_space<hbm>>
      %dma_start3A_426 = arith.constant 0 : i32
      %dma_start3A_427 = arith.constant 0 : i32
      %dma_start3A_428 = tpu.memref_slice %arg7[%run_scoped3A, %dma_start3A_426, %dma_start3A_427] : memref<2x2x80xi32, #tpu.memory_space<vmem>> -> memref<1x2x80xi32, #tpu.memory_space<vmem>>
      %dma_start3A_429 = tpu.memref_squeeze %dma_start3A_428 : memref<1x2x80xi32, #tpu.memory_space<vmem>> -> memref<2x80xi32, #tpu.memory_space<vmem>>
      %dma_start3A_430 = arith.constant 0 : i32
      %dma_start3A_431 = arith.constant 0 : i32
      %dma_start3A_432 = tpu.memref_slice %arg4[%add3A_6, %dma_start3A_430, %dma_start3A_431] : memref<4000x2x80xi32, #tpu.memory_space<hbm>> -> memref<1x2x80xi32, #tpu.memory_space<hbm>>
      %dma_start3A_433 = tpu.memref_squeeze %dma_start3A_432 : memref<1x2x80xi32, #tpu.memory_space<hbm>> -> memref<2x80xi32, #tpu.memory_space<hbm>>
      tpu.enqueue_dma source(%dma_start3A_433 : memref<2x80xi32, #tpu.memory_space<hbm>>) target(%dma_start3A_429 : memref<2x80xi32, #tpu.memory_space<vmem>>) target_semaphore(%run_scoped3A_417 : memref<!tpu.dma_semaphore, #tpu.memory_space<semaphore_mem>>)
      %dma_wait3A_434 = arith.constant 0 : i32
      %dma_wait3A_435 = arith.constant 0 : i32
      %dma_wait3A_436 = tpu.memref_slice %arg7[%run_scoped3A, %dma_wait3A_434, %dma_wait3A_435] : memref<2x2x80xi32, #tpu.memory_space<vmem>> -> memref<1x2x80xi32, #tpu.memory_space<vmem>>
      %dma_wait3A_437 = tpu.memref_squeeze %dma_wait3A_436 : memref<1x2x80xi32, #tpu.memory_space<vmem>> -> memref<2x80xi32, #tpu.memory_space<vmem>>
      %dma_wait3A_438 = arith.constant 0 : i32
      %dma_wait3A_439 = arith.constant 0 : i32
      %dma_wait3A_440 = tpu.memref_slice %arg4[%add3A_6, %dma_wait3A_438, %dma_wait3A_439] : memref<4000x2x80xi32, #tpu.memory_space<hbm>> -> memref<1x2x80xi32, #tpu.memory_space<hbm>>
      %dma_wait3A_441 = tpu.memref_squeeze %dma_wait3A_440 : memref<1x2x80xi32, #tpu.memory_space<hbm>> -> memref<2x80xi32, #tpu.memory_space<hbm>>
      %dma_wait3A_442 = arith.constant 0 : i32
      %dma_wait3A_443 = arith.constant 0 : i32
      %dma_wait3A_444 = tpu.memref_slice %arg7[%run_scoped3A, %dma_wait3A_442, %dma_wait3A_443] : memref<2x2x80xi32, #tpu.memory_space<vmem>> -> memref<1x2x80xi32, #tpu.memory_space<vmem>>
      %dma_wait3A_445 = tpu.memref_squeeze %dma_wait3A_444 : memref<1x2x80xi32, #tpu.memory_space<vmem>> -> memref<2x80xi32, #tpu.memory_space<vmem>>
      %dma_wait3A_446 = arith.constant 0 : i32
      %dma_wait3A_447 = arith.constant 0 : i32
      %dma_wait3A_448 = tpu.memref_slice %arg4[%add3A_6, %dma_wait3A_446, %dma_wait3A_447] : memref<4000x2x80xi32, #tpu.memory_space<hbm>> -> memref<1x2x80xi32, #tpu.memory_space<hbm>>
      %dma_wait3A_449 = tpu.memref_squeeze %dma_wait3A_448 : memref<1x2x80xi32, #tpu.memory_space<hbm>> -> memref<2x80xi32, #tpu.memory_space<hbm>>
      tpu.wait_dma2 semaphore(%run_scoped3A_417 : memref<!tpu.dma_semaphore, #tpu.memory_space<semaphore_mem>>) src(%dma_wait3A_449 : memref<2x80xi32, #tpu.memory_space<hbm>>) dst(%dma_wait3A_445 : memref<2x80xi32, #tpu.memory_space<vmem>>)
      tpu.yield
    }) : () -> ()
    %dma_start3A = arith.constant 0 : i32
    %dma_start3A_7 = arith.constant 0 : i32
    %dma_start3A_8 = arith.constant 0 : i32
    %dma_start3A_9 = arith.constant 0 : i32
    %dma_start3A_10 = arith.constant 0 : i32
    %dma_start3A_11 = arith.constant 0 : i32
    %dma_start3A_12 = tpu.memref_slice %arg8[%dma_start3A_8, %dma_start3A_10, %dma_start3A_11] : memref<2x80x128xf32, #tpu.memory_space<vmem>> -> memref<1x80x128xf32, #tpu.memory_space<vmem>>
    %dma_start3A_13 = tpu.memref_squeeze %dma_start3A_12 : memref<1x80x128xf32, #tpu.memory_space<vmem>> -> memref<80x128xf32, #tpu.memory_space<vmem>>
    %dma_start3A_14 = arith.constant 0 : i32
    %dma_start3A_15 = tpu.memref_slice %arg7[%dma_start3A, %dma_start3A_7, %dma_start3A_14] : memref<2x2x80xi32, #tpu.memory_space<vmem>> -> memref<1x1x80xi32, #tpu.memory_space<vmem>>
    %dma_start3A_16 = tpu.memref_squeeze %dma_start3A_15 : memref<1x1x80xi32, #tpu.memory_space<vmem>> -> memref<80xi32, #tpu.memory_space<vmem>>
    %dma_start3A_17 = arith.constant 0 : i32
    %dma_start3A_18 = arith.constant 0 : i32
    %dma_start3A_19 = tpu.memref_slice %arg2[%dma_start3A_17, %dma_start3A_18] : memref<10000x128xf32, #tpu.memory_space<hbm>> -> memref<10000x128xf32, #tpu.memory_space<hbm>>
    %dma_start3A_20 = tpu.memref_slice %arg11[%dma_start3A_9] : memref<2x!tpu.dma_semaphore, #tpu.memory_space<semaphore_mem>> -> memref<1x!tpu.dma_semaphore, #tpu.memory_space<semaphore_mem>>
    %dma_start3A_21 = tpu.memref_squeeze %dma_start3A_20 : memref<1x!tpu.dma_semaphore, #tpu.memory_space<semaphore_mem>> -> memref<!tpu.dma_semaphore, #tpu.memory_space<semaphore_mem>>
    tpu.enqueue_indirect_dma source(%dma_start3A_19 : memref<10000x128xf32, #tpu.memory_space<hbm>>) target(%dma_start3A_13 : memref<80x128xf32, #tpu.memory_space<vmem>>) offsets(%dma_start3A_16 : memref<80xi32, #tpu.memory_space<vmem>>) semaphore(%dma_start3A_21 : memref<!tpu.dma_semaphore, #tpu.memory_space<semaphore_mem>>)
    %mul3A_22 = arith.constant 80 : i32
    %mul3A_23 = arith.muli %add3A_6, %mul3A_22 : i32
    %dma_start3A_24 = arith.constant 0 : i32
    %dma_start3A_25 = arith.constant 0 : i32
    %dma_start3A_26 = arith.constant 0 : i32
    %dma_start3A_27 = arith.constant 0 : i32
    %dma_start3A_28 = tpu.memref_slice %arg9[%dma_start3A_24, %dma_start3A_26, %dma_start3A_27] : memref<2x80x128xf32, #tpu.memory_space<vmem>> -> memref<1x80x128xf32, #tpu.memory_space<vmem>>
    %dma_start3A_29 = tpu.memref_squeeze %dma_start3A_28 : memref<1x80x128xf32, #tpu.memory_space<vmem>> -> memref<80x128xf32, #tpu.memory_space<vmem>>
    %dma_start3A_30 = arith.constant 0 : i32
    %dma_start3A_31 = tpu.memref_slice %arg3[%mul3A_23, %dma_start3A_30] : memref<320000x128xf32, #tpu.memory_space<hbm>> -> memref<80x128xf32, #tpu.memory_space<hbm>>
    %dma_start3A_32 = tpu.memref_slice %arg12[%dma_start3A_25] : memref<2x!tpu.dma_semaphore, #tpu.memory_space<semaphore_mem>> -> memref<1x!tpu.dma_semaphore, #tpu.memory_space<semaphore_mem>>
    %dma_start3A_33 = tpu.memref_squeeze %dma_start3A_32 : memref<1x!tpu.dma_semaphore, #tpu.memory_space<semaphore_mem>> -> memref<!tpu.dma_semaphore, #tpu.memory_space<semaphore_mem>>
    %dma_start3A_34 = arith.constant 0 : i32
    %dma_start3A_35 = arith.constant 0 : i32
    %dma_start3A_36 = tpu.memref_slice %arg9[%dma_start3A_24, %dma_start3A_34, %dma_start3A_35] : memref<2x80x128xf32, #tpu.memory_space<vmem>> -> memref<1x80x128xf32, #tpu.memory_space<vmem>>
    %dma_start3A_37 = tpu.memref_squeeze %dma_start3A_36 : memref<1x80x128xf32, #tpu.memory_space<vmem>> -> memref<80x128xf32, #tpu.memory_space<vmem>>
    %dma_start3A_38 = arith.constant 0 : i32
    %dma_start3A_39 = tpu.memref_slice %arg3[%mul3A_23, %dma_start3A_38] : memref<320000x128xf32, #tpu.memory_space<hbm>> -> memref<80x128xf32, #tpu.memory_space<hbm>>
    tpu.enqueue_dma source(%dma_start3A_39 : memref<80x128xf32, #tpu.memory_space<hbm>>) target(%dma_start3A_37 : memref<80x128xf32, #tpu.memory_space<vmem>>) target_semaphore(%dma_start3A_33 : memref<!tpu.dma_semaphore, #tpu.memory_space<semaphore_mem>>)
    %add3A_40 = arith.constant 32 : i32
    %add3A_41 = arith.addi %add3A, %add3A_40 : i32
    %run_scoped3A_42 = arith.constant 1 : i32
    "tpu.region"() ({
      %run_scoped3A_417 = tpu.sem_alloc : memref<!tpu.dma_semaphore, #tpu.memory_space<semaphore_mem>>
      %dma_start3A_418 = arith.constant 0 : i32
      %dma_start3A_419 = arith.constant 0 : i32
      %dma_start3A_420 = tpu.memref_slice %arg7[%run_scoped3A_42, %dma_start3A_418, %dma_start3A_419] : memref<2x2x80xi32, #tpu.memory_space<vmem>> -> memref<1x2x80xi32, #tpu.memory_space<vmem>>
      %dma_start3A_421 = tpu.memref_squeeze %dma_start3A_420 : memref<1x2x80xi32, #tpu.memory_space<vmem>> -> memref<2x80xi32, #tpu.memory_space<vmem>>
      %dma_start3A_422 = arith.constant 0 : i32
      %dma_start3A_423 = arith.constant 0 : i32
      %dma_start3A_424 = tpu.memref_slice %arg4[%add3A_41, %dma_start3A_422, %dma_start3A_423] : memref<4000x2x80xi32, #tpu.memory_space<hbm>> -> memref<1x2x80xi32, #tpu.memory_space<hbm>>
      %dma_start3A_425 = tpu.memref_squeeze %dma_start3A_424 : memref<1x2x80xi32, #tpu.memory_space<hbm>> -> memref<2x80xi32, #tpu.memory_space<hbm>>
      %dma_start3A_426 = arith.constant 0 : i32
      %dma_start3A_427 = arith.constant 0 : i32
      %dma_start3A_428 = tpu.memref_slice %arg7[%run_scoped3A_42, %dma_start3A_426, %dma_start3A_427] : memref<2x2x80xi32, #tpu.memory_space<vmem>> -> memref<1x2x80xi32, #tpu.memory_space<vmem>>
      %dma_start3A_429 = tpu.memref_squeeze %dma_start3A_428 : memref<1x2x80xi32, #tpu.memory_space<vmem>> -> memref<2x80xi32, #tpu.memory_space<vmem>>
      %dma_start3A_430 = arith.constant 0 : i32
      %dma_start3A_431 = arith.constant 0 : i32
      %dma_start3A_432 = tpu.memref_slice %arg4[%add3A_41, %dma_start3A_430, %dma_start3A_431] : memref<4000x2x80xi32, #tpu.memory_space<hbm>> -> memref<1x2x80xi32, #tpu.memory_space<hbm>>
      %dma_start3A_433 = tpu.memref_squeeze %dma_start3A_432 : memref<1x2x80xi32, #tpu.memory_space<hbm>> -> memref<2x80xi32, #tpu.memory_space<hbm>>
      tpu.enqueue_dma source(%dma_start3A_433 : memref<2x80xi32, #tpu.memory_space<hbm>>) target(%dma_start3A_429 : memref<2x80xi32, #tpu.memory_space<vmem>>) target_semaphore(%run_scoped3A_417 : memref<!tpu.dma_semaphore, #tpu.memory_space<semaphore_mem>>)
      %dma_wait3A_434 = arith.constant 0 : i32
      %dma_wait3A_435 = arith.constant 0 : i32
      %dma_wait3A_436 = tpu.memref_slice %arg7[%run_scoped3A_42, %dma_wait3A_434, %dma_wait3A_435] : memref<2x2x80xi32, #tpu.memory_space<vmem>> -> memref<1x2x80xi32, #tpu.memory_space<vmem>>
      %dma_wait3A_437 = tpu.memref_squeeze %dma_wait3A_436 : memref<1x2x80xi32, #tpu.memory_space<vmem>> -> memref<2x80xi32, #tpu.memory_space<vmem>>
      %dma_wait3A_438 = arith.constant 0 : i32
      %dma_wait3A_439 = arith.constant 0 : i32
      %dma_wait3A_440 = tpu.memref_slice %arg4[%add3A_41, %dma_wait3A_438, %dma_wait3A_439] : memref<4000x2x80xi32, #tpu.memory_space<hbm>> -> memref<1x2x80xi32, #tpu.memory_space<hbm>>
      %dma_wait3A_441 = tpu.memref_squeeze %dma_wait3A_440 : memref<1x2x80xi32, #tpu.memory_space<hbm>> -> memref<2x80xi32, #tpu.memory_space<hbm>>
      %dma_wait3A_442 = arith.constant 0 : i32
      %dma_wait3A_443 = arith.constant 0 : i32
      %dma_wait3A_444 = tpu.memref_slice %arg7[%run_scoped3A_42, %dma_wait3A_442, %dma_wait3A_443] : memref<2x2x80xi32, #tpu.memory_space<vmem>> -> memref<1x2x80xi32, #tpu.memory_space<vmem>>
      %dma_wait3A_445 = tpu.memref_squeeze %dma_wait3A_444 : memref<1x2x80xi32, #tpu.memory_space<vmem>> -> memref<2x80xi32, #tpu.memory_space<vmem>>
      %dma_wait3A_446 = arith.constant 0 : i32
      %dma_wait3A_447 = arith.constant 0 : i32
      %dma_wait3A_448 = tpu.memref_slice %arg4[%add3A_41, %dma_wait3A_446, %dma_wait3A_447] : memref<4000x2x80xi32, #tpu.memory_space<hbm>> -> memref<1x2x80xi32, #tpu.memory_space<hbm>>
      %dma_wait3A_449 = tpu.memref_squeeze %dma_wait3A_448 : memref<1x2x80xi32, #tpu.memory_space<hbm>> -> memref<2x80xi32, #tpu.memory_space<hbm>>
      tpu.wait_dma2 semaphore(%run_scoped3A_417 : memref<!tpu.dma_semaphore, #tpu.memory_space<semaphore_mem>>) src(%dma_wait3A_449 : memref<2x80xi32, #tpu.memory_space<hbm>>) dst(%dma_wait3A_445 : memref<2x80xi32, #tpu.memory_space<vmem>>)
      tpu.yield
    }) : () -> ()
    %dma_start3A_43 = arith.constant 1 : i32
    %dma_start3A_44 = arith.constant 0 : i32
    %dma_start3A_45 = arith.constant 1 : i32
    %dma_start3A_46 = arith.constant 1 : i32
    %dma_start3A_47 = arith.constant 0 : i32
    %dma_start3A_48 = arith.constant 0 : i32
    %dma_start3A_49 = tpu.memref_slice %arg8[%dma_start3A_45, %dma_start3A_47, %dma_start3A_48] : memref<2x80x128xf32, #tpu.memory_space<vmem>> -> memref<1x80x128xf32, #tpu.memory_space<vmem>>
    %dma_start3A_50 = tpu.memref_squeeze %dma_start3A_49 : memref<1x80x128xf32, #tpu.memory_space<vmem>> -> memref<80x128xf32, #tpu.memory_space<vmem>>
    %dma_start3A_51 = arith.constant 0 : i32
    %dma_start3A_52 = tpu.memref_slice %arg7[%dma_start3A_43, %dma_start3A_44, %dma_start3A_51] : memref<2x2x80xi32, #tpu.memory_space<vmem>> -> memref<1x1x80xi32, #tpu.memory_space<vmem>>
    %dma_start3A_53 = tpu.memref_squeeze %dma_start3A_52 : memref<1x1x80xi32, #tpu.memory_space<vmem>> -> memref<80xi32, #tpu.memory_space<vmem>>
    %dma_start3A_54 = arith.constant 0 : i32
    %dma_start3A_55 = arith.constant 0 : i32
    %dma_start3A_56 = tpu.memref_slice %arg2[%dma_start3A_54, %dma_start3A_55] : memref<10000x128xf32, #tpu.memory_space<hbm>> -> memref<10000x128xf32, #tpu.memory_space<hbm>>
    %dma_start3A_57 = tpu.memref_slice %arg11[%dma_start3A_46] : memref<2x!tpu.dma_semaphore, #tpu.memory_space<semaphore_mem>> -> memref<1x!tpu.dma_semaphore, #tpu.memory_space<semaphore_mem>>
    %dma_start3A_58 = tpu.memref_squeeze %dma_start3A_57 : memref<1x!tpu.dma_semaphore, #tpu.memory_space<semaphore_mem>> -> memref<!tpu.dma_semaphore, #tpu.memory_space<semaphore_mem>>
    tpu.enqueue_indirect_dma source(%dma_start3A_56 : memref<10000x128xf32, #tpu.memory_space<hbm>>) target(%dma_start3A_50 : memref<80x128xf32, #tpu.memory_space<vmem>>) offsets(%dma_start3A_53 : memref<80xi32, #tpu.memory_space<vmem>>) semaphore(%dma_start3A_58 : memref<!tpu.dma_semaphore, #tpu.memory_space<semaphore_mem>>)
    %mul3A_59 = arith.constant 80 : i32
    %mul3A_60 = arith.muli %add3A_41, %mul3A_59 : i32
    %dma_start3A_61 = arith.constant 1 : i32
    %dma_start3A_62 = arith.constant 1 : i32
    %dma_start3A_63 = arith.constant 0 : i32
    %dma_start3A_64 = arith.constant 0 : i32
    %dma_start3A_65 = tpu.memref_slice %arg9[%dma_start3A_61, %dma_start3A_63, %dma_start3A_64] : memref<2x80x128xf32, #tpu.memory_space<vmem>> -> memref<1x80x128xf32, #tpu.memory_space<vmem>>
    %dma_start3A_66 = tpu.memref_squeeze %dma_start3A_65 : memref<1x80x128xf32, #tpu.memory_space<vmem>> -> memref<80x128xf32, #tpu.memory_space<vmem>>
    %dma_start3A_67 = arith.constant 0 : i32
    %dma_start3A_68 = tpu.memref_slice %arg3[%mul3A_60, %dma_start3A_67] : memref<320000x128xf32, #tpu.memory_space<hbm>> -> memref<80x128xf32, #tpu.memory_space<hbm>>
    %dma_start3A_69 = tpu.memref_slice %arg12[%dma_start3A_62] : memref<2x!tpu.dma_semaphore, #tpu.memory_space<semaphore_mem>> -> memref<1x!tpu.dma_semaphore, #tpu.memory_space<semaphore_mem>>
    %dma_start3A_70 = tpu.memref_squeeze %dma_start3A_69 : memref<1x!tpu.dma_semaphore, #tpu.memory_space<semaphore_mem>> -> memref<!tpu.dma_semaphore, #tpu.memory_space<semaphore_mem>>
    %dma_start3A_71 = arith.constant 0 : i32
    %dma_start3A_72 = arith.constant 0 : i32
    %dma_start3A_73 = tpu.memref_slice %arg9[%dma_start3A_61, %dma_start3A_71, %dma_start3A_72] : memref<2x80x128xf32, #tpu.memory_space<vmem>> -> memref<1x80x128xf32, #tpu.memory_space<vmem>>
    %dma_start3A_74 = tpu.memref_squeeze %dma_start3A_73 : memref<1x80x128xf32, #tpu.memory_space<vmem>> -> memref<80x128xf32, #tpu.memory_space<vmem>>
    %dma_start3A_75 = arith.constant 0 : i32
    %dma_start3A_76 = tpu.memref_slice %arg3[%mul3A_60, %dma_start3A_75] : memref<320000x128xf32, #tpu.memory_space<hbm>> -> memref<80x128xf32, #tpu.memory_space<hbm>>
    tpu.enqueue_dma source(%dma_start3A_76 : memref<80x128xf32, #tpu.memory_space<hbm>>) target(%dma_start3A_74 : memref<80x128xf32, #tpu.memory_space<vmem>>) target_semaphore(%dma_start3A_70 : memref<!tpu.dma_semaphore, #tpu.memory_space<semaphore_mem>>)
    %dma_wait3A = arith.constant 0 : i32
    %dma_wait3A_77 = arith.constant 0 : i32
    %dma_wait3A_78 = arith.constant 0 : i32
    %dma_wait3A_79 = arith.constant 0 : i32
    %dma_wait3A_80 = arith.constant 0 : i32
    %dma_wait3A_81 = arith.constant 0 : i32
    %dma_wait3A_82 = tpu.memref_slice %arg8[%dma_wait3A_78, %dma_wait3A_80, %dma_wait3A_81] : memref<2x80x128xf32, #tpu.memory_space<vmem>> -> memref<1x80x128xf32, #tpu.memory_space<vmem>>
    %dma_wait3A_83 = tpu.memref_squeeze %dma_wait3A_82 : memref<1x80x128xf32, #tpu.memory_space<vmem>> -> memref<80x128xf32, #tpu.memory_space<vmem>>
    %dma_wait3A_84 = arith.constant 0 : i32
    %dma_wait3A_85 = tpu.memref_slice %arg7[%dma_wait3A, %dma_wait3A_77, %dma_wait3A_84] : memref<2x2x80xi32, #tpu.memory_space<vmem>> -> memref<1x1x80xi32, #tpu.memory_space<vmem>>
    %dma_wait3A_86 = tpu.memref_squeeze %dma_wait3A_85 : memref<1x1x80xi32, #tpu.memory_space<vmem>> -> memref<80xi32, #tpu.memory_space<vmem>>
    %dma_wait3A_87 = arith.constant 0 : i32
    %dma_wait3A_88 = arith.constant 0 : i32
    %dma_wait3A_89 = tpu.memref_slice %arg2[%dma_wait3A_87, %dma_wait3A_88] : memref<10000x128xf32, #tpu.memory_space<hbm>> -> memref<10000x128xf32, #tpu.memory_space<hbm>>
    %dma_wait3A_90 = tpu.memref_slice %arg11[%dma_wait3A_79] : memref<2x!tpu.dma_semaphore, #tpu.memory_space<semaphore_mem>> -> memref<1x!tpu.dma_semaphore, #tpu.memory_space<semaphore_mem>>
    %dma_wait3A_91 = tpu.memref_squeeze %dma_wait3A_90 : memref<1x!tpu.dma_semaphore, #tpu.memory_space<semaphore_mem>> -> memref<!tpu.dma_semaphore, #tpu.memory_space<semaphore_mem>>
    tpu.wait_indirect_dma semaphore(%dma_wait3A_91 : memref<!tpu.dma_semaphore, #tpu.memory_space<semaphore_mem>>) src(%dma_wait3A_89 : memref<10000x128xf32, #tpu.memory_space<hbm>>) dst(%dma_wait3A_83 : memref<80x128xf32, #tpu.memory_space<vmem>>)
    %dma_wait3A_92 = arith.constant 0 : i32
    %dma_wait3A_93 = arith.constant 0 : i32
    %dma_wait3A_94 = arith.constant 0 : i32
    %dma_wait3A_95 = arith.constant 0 : i32
    %dma_wait3A_96 = tpu.memref_slice %arg9[%dma_wait3A_92, %dma_wait3A_94, %dma_wait3A_95] : memref<2x80x128xf32, #tpu.memory_space<vmem>> -> memref<1x80x128xf32, #tpu.memory_space<vmem>>
    %dma_wait3A_97 = tpu.memref_squeeze %dma_wait3A_96 : memref<1x80x128xf32, #tpu.memory_space<vmem>> -> memref<80x128xf32, #tpu.memory_space<vmem>>
    %dma_wait3A_98 = arith.constant 0 : i32
    %dma_wait3A_99 = arith.constant 0 : i32
    %dma_wait3A_100 = tpu.memref_slice %arg3[%dma_wait3A_98, %dma_wait3A_99] : memref<320000x128xf32, #tpu.memory_space<hbm>> -> memref<80x128xf32, #tpu.memory_space<hbm>>
    %dma_wait3A_101 = tpu.memref_slice %arg12[%dma_wait3A_93] : memref<2x!tpu.dma_semaphore, #tpu.memory_space<semaphore_mem>> -> memref<1x!tpu.dma_semaphore, #tpu.memory_space<semaphore_mem>>
    %dma_wait3A_102 = tpu.memref_squeeze %dma_wait3A_101 : memref<1x!tpu.dma_semaphore, #tpu.memory_space<semaphore_mem>> -> memref<!tpu.dma_semaphore, #tpu.memory_space<semaphore_mem>>
    %dma_wait3A_103 = arith.constant 0 : i32
    %dma_wait3A_104 = arith.constant 0 : i32
    %dma_wait3A_105 = tpu.memref_slice %arg9[%dma_wait3A_92, %dma_wait3A_103, %dma_wait3A_104] : memref<2x80x128xf32, #tpu.memory_space<vmem>> -> memref<1x80x128xf32, #tpu.memory_space<vmem>>
    %dma_wait3A_106 = tpu.memref_squeeze %dma_wait3A_105 : memref<1x80x128xf32, #tpu.memory_space<vmem>> -> memref<80x128xf32, #tpu.memory_space<vmem>>
    %dma_wait3A_107 = arith.constant 0 : i32
    %dma_wait3A_108 = arith.constant 0 : i32
    %dma_wait3A_109 = tpu.memref_slice %arg3[%dma_wait3A_107, %dma_wait3A_108] : memref<320000x128xf32, #tpu.memory_space<hbm>> -> memref<80x128xf32, #tpu.memory_space<hbm>>
    tpu.wait_dma2 semaphore(%dma_wait3A_102 : memref<!tpu.dma_semaphore, #tpu.memory_space<semaphore_mem>>) src(%dma_wait3A_109 : memref<80x128xf32, #tpu.memory_space<hbm>>) dst(%dma_wait3A_106 : memref<80x128xf32, #tpu.memory_space<vmem>>)
    %dma_start3A_110 = arith.constant 0 : i32
    %dma_start3A_111 = arith.constant 0 : i32
    %dma_start3A_112 = arith.constant 1 : i32
    %dma_start3A_113 = arith.constant 0 : i32
    %dma_start3A_114 = arith.constant 0 : i32
    %dma_start3A_115 = arith.constant 0 : i32
    %dma_start3A_116 = tpu.memref_slice %arg8[%dma_start3A_110, %dma_start3A_114, %dma_start3A_115] : memref<2x80x128xf32, #tpu.memory_space<vmem>> -> memref<1x80x128xf32, #tpu.memory_space<vmem>>
    %dma_start3A_117 = tpu.memref_squeeze %dma_start3A_116 : memref<1x80x128xf32, #tpu.memory_space<vmem>> -> memref<80x128xf32, #tpu.memory_space<vmem>>
    %dma_start3A_118 = arith.constant 0 : i32
    %dma_start3A_119 = tpu.memref_slice %arg7[%dma_start3A_111, %dma_start3A_112, %dma_start3A_118] : memref<2x2x80xi32, #tpu.memory_space<vmem>> -> memref<1x1x80xi32, #tpu.memory_space<vmem>>
    %dma_start3A_120 = tpu.memref_squeeze %dma_start3A_119 : memref<1x1x80xi32, #tpu.memory_space<vmem>> -> memref<80xi32, #tpu.memory_space<vmem>>
    %dma_start3A_121 = arith.constant 0 : i32
    %dma_start3A_122 = arith.constant 0 : i32
    %dma_start3A_123 = tpu.memref_slice %arg10[%dma_start3A_121, %dma_start3A_122] : memref<10112x128xf32, #tpu.memory_space<vmem_shared>> -> memref<10112x128xf32, #tpu.memory_space<vmem_shared>>
    %dma_start3A_124 = tpu.memref_slice %arg13[%dma_start3A_113] : memref<2x!tpu.dma_semaphore, #tpu.memory_space<semaphore_mem>> -> memref<1x!tpu.dma_semaphore, #tpu.memory_space<semaphore_mem>>
    %dma_start3A_125 = tpu.memref_squeeze %dma_start3A_124 : memref<1x!tpu.dma_semaphore, #tpu.memory_space<semaphore_mem>> -> memref<!tpu.dma_semaphore, #tpu.memory_space<semaphore_mem>>
    tpu.enqueue_indirect_dma source(%dma_start3A_117 : memref<80x128xf32, #tpu.memory_space<vmem>>) target(%dma_start3A_123 : memref<10112x128xf32, #tpu.memory_space<vmem_shared>>) offsets(%dma_start3A_120 : memref<80xi32, #tpu.memory_space<vmem>>) semaphore(%dma_start3A_125 : memref<!tpu.dma_semaphore, #tpu.memory_space<semaphore_mem>>) {add = true}
    %dma_start3A_126 = arith.constant 0 : i32
    %dma_start3A_127 = arith.constant 0 : i32
    %dma_start3A_128 = arith.constant 1 : i32
    %dma_start3A_129 = arith.constant 0 : i32
    %dma_start3A_130 = arith.constant 0 : i32
    %dma_start3A_131 = arith.constant 0 : i32
    %dma_start3A_132 = tpu.memref_slice %arg9[%dma_start3A_126, %dma_start3A_130, %dma_start3A_131] : memref<2x80x128xf32, #tpu.memory_space<vmem>> -> memref<1x80x128xf32, #tpu.memory_space<vmem>>
    %dma_start3A_133 = tpu.memref_squeeze %dma_start3A_132 : memref<1x80x128xf32, #tpu.memory_space<vmem>> -> memref<80x128xf32, #tpu.memory_space<vmem>>
    %dma_start3A_134 = arith.constant 0 : i32
    %dma_start3A_135 = tpu.memref_slice %arg7[%dma_start3A_127, %dma_start3A_128, %dma_start3A_134] : memref<2x2x80xi32, #tpu.memory_space<vmem>> -> memref<1x1x80xi32, #tpu.memory_space<vmem>>
    %dma_start3A_136 = tpu.memref_squeeze %dma_start3A_135 : memref<1x1x80xi32, #tpu.memory_space<vmem>> -> memref<80xi32, #tpu.memory_space<vmem>>
    %dma_start3A_137 = arith.constant 0 : i32
    %dma_start3A_138 = arith.constant 0 : i32
    %dma_start3A_139 = tpu.memref_slice %arg10[%dma_start3A_137, %dma_start3A_138] : memref<10112x128xf32, #tpu.memory_space<vmem_shared>> -> memref<10112x128xf32, #tpu.memory_space<vmem_shared>>
    %dma_start3A_140 = tpu.memref_slice %arg13[%dma_start3A_129] : memref<2x!tpu.dma_semaphore, #tpu.memory_space<semaphore_mem>> -> memref<1x!tpu.dma_semaphore, #tpu.memory_space<semaphore_mem>>
    %dma_start3A_141 = tpu.memref_squeeze %dma_start3A_140 : memref<1x!tpu.dma_semaphore, #tpu.memory_space<semaphore_mem>> -> memref<!tpu.dma_semaphore, #tpu.memory_space<semaphore_mem>>
    tpu.enqueue_indirect_dma source(%dma_start3A_133 : memref<80x128xf32, #tpu.memory_space<vmem>>) target(%dma_start3A_139 : memref<10112x128xf32, #tpu.memory_space<vmem_shared>>) offsets(%dma_start3A_136 : memref<80xi32, #tpu.memory_space<vmem>>) semaphore(%dma_start3A_141 : memref<!tpu.dma_semaphore, #tpu.memory_space<semaphore_mem>>) {add = true}
    %scan3A = arith.constant 0 : i32
    %scan3A_142 = arith.constant 1 : i32
    %scan3A_143 = arith.constant 61 : i32
    %scan3A_144 = arith.addi %scan3A_142, %scan3A_143 : i32
    %scan3A_145 = arith.constant 1 : i32
    scf.for %scan3A_417 = %scan3A_142 to %scan3A_144 step %scan3A_145  : i32 {
      %mul3A_418 = arith.constant 2 : i32
      %mul3A_419 = arith.muli %mul3A_418, %scan3A_417 : i32
      %add3A_420 = arith.constant 0 : i32
      %add3A_421 = arith.addi %mul3A_419, %add3A_420 : i32
      %dma_wait3A_422 = arith.constant 0 : i32
      %dma_wait3A_423 = arith.constant 0 : i32
      %dma_wait3A_424 = arith.constant 1 : i32
      %dma_wait3A_425 = arith.constant 0 : i32
      %dma_wait3A_426 = arith.constant 0 : i32
      %dma_wait3A_427 = arith.constant 0 : i32
      %dma_wait3A_428 = tpu.memref_slice %arg8[%dma_wait3A_422, %dma_wait3A_426, %dma_wait3A_427] : memref<2x80x128xf32, #tpu.memory_space<vmem>> -> memref<1x80x128xf32, #tpu.memory_space<vmem>>
      %dma_wait3A_429 = tpu.memref_squeeze %dma_wait3A_428 : memref<1x80x128xf32, #tpu.memory_space<vmem>> -> memref<80x128xf32, #tpu.memory_space<vmem>>
      %dma_wait3A_430 = arith.constant 0 : i32
      %dma_wait3A_431 = tpu.memref_slice %arg7[%dma_wait3A_423, %dma_wait3A_424, %dma_wait3A_430] : memref<2x2x80xi32, #tpu.memory_space<vmem>> -> memref<1x1x80xi32, #tpu.memory_space<vmem>>
      %dma_wait3A_432 = tpu.memref_squeeze %dma_wait3A_431 : memref<1x1x80xi32, #tpu.memory_space<vmem>> -> memref<80xi32, #tpu.memory_space<vmem>>
      %dma_wait3A_433 = arith.constant 0 : i32
      %dma_wait3A_434 = arith.constant 0 : i32
      %dma_wait3A_435 = tpu.memref_slice %arg10[%dma_wait3A_433, %dma_wait3A_434] : memref<10112x128xf32, #tpu.memory_space<vmem_shared>> -> memref<10112x128xf32, #tpu.memory_space<vmem_shared>>
      %dma_wait3A_436 = tpu.memref_slice %arg13[%dma_wait3A_425] : memref<2x!tpu.dma_semaphore, #tpu.memory_space<semaphore_mem>> -> memref<1x!tpu.dma_semaphore, #tpu.memory_space<semaphore_mem>>
      %dma_wait3A_437 = tpu.memref_squeeze %dma_wait3A_436 : memref<1x!tpu.dma_semaphore, #tpu.memory_space<semaphore_mem>> -> memref<!tpu.dma_semaphore, #tpu.memory_space<semaphore_mem>>
      tpu.wait_indirect_dma semaphore(%dma_wait3A_437 : memref<!tpu.dma_semaphore, #tpu.memory_space<semaphore_mem>>) src(%dma_wait3A_429 : memref<80x128xf32, #tpu.memory_space<vmem>>) dst(%dma_wait3A_435 : memref<10112x128xf32, #tpu.memory_space<vmem_shared>>)
      %dma_wait3A_438 = arith.constant 0 : i32
      %dma_wait3A_439 = arith.constant 0 : i32
      %dma_wait3A_440 = arith.constant 1 : i32
      %dma_wait3A_441 = arith.constant 0 : i32
      %dma_wait3A_442 = arith.constant 0 : i32
      %dma_wait3A_443 = arith.constant 0 : i32
      %dma_wait3A_444 = tpu.memref_slice %arg9[%dma_wait3A_438, %dma_wait3A_442, %dma_wait3A_443] : memref<2x80x128xf32, #tpu.memory_space<vmem>> -> memref<1x80x128xf32, #tpu.memory_space<vmem>>
      %dma_wait3A_445 = tpu.memref_squeeze %dma_wait3A_444 : memref<1x80x128xf32, #tpu.memory_space<vmem>> -> memref<80x128xf32, #tpu.memory_space<vmem>>
      %dma_wait3A_446 = arith.constant 0 : i32
      %dma_wait3A_447 = tpu.memref_slice %arg7[%dma_wait3A_439, %dma_wait3A_440, %dma_wait3A_446] : memref<2x2x80xi32, #tpu.memory_space<vmem>> -> memref<1x1x80xi32, #tpu.memory_space<vmem>>
      %dma_wait3A_448 = tpu.memref_squeeze %dma_wait3A_447 : memref<1x1x80xi32, #tpu.memory_space<vmem>> -> memref<80xi32, #tpu.memory_space<vmem>>
      %dma_wait3A_449 = arith.constant 0 : i32
      %dma_wait3A_450 = arith.constant 0 : i32
      %dma_wait3A_451 = tpu.memref_slice %arg10[%dma_wait3A_449, %dma_wait3A_450] : memref<10112x128xf32, #tpu.memory_space<vmem_shared>> -> memref<10112x128xf32, #tpu.memory_space<vmem_shared>>
      %dma_wait3A_452 = tpu.memref_slice %arg13[%dma_wait3A_441] : memref<2x!tpu.dma_semaphore, #tpu.memory_space<semaphore_mem>> -> memref<1x!tpu.dma_semaphore, #tpu.memory_space<semaphore_mem>>
      %dma_wait3A_453 = tpu.memref_squeeze %dma_wait3A_452 : memref<1x!tpu.dma_semaphore, #tpu.memory_space<semaphore_mem>> -> memref<!tpu.dma_semaphore, #tpu.memory_space<semaphore_mem>>
      tpu.wait_indirect_dma semaphore(%dma_wait3A_453 : memref<!tpu.dma_semaphore, #tpu.memory_space<semaphore_mem>>) src(%dma_wait3A_445 : memref<80x128xf32, #tpu.memory_space<vmem>>) dst(%dma_wait3A_451 : memref<10112x128xf32, #tpu.memory_space<vmem_shared>>)
      %mul3A_454 = arith.constant 32 : i32
      %mul3A_455 = arith.muli %mul3A_454, %add3A_421 : i32
      %add3A_456 = arith.addi %add3A, %mul3A_455 : i32
      %run_scoped3A_457 = arith.constant 0 : i32
      "tpu.region"() ({
        %run_scoped3A_698 = tpu.sem_alloc : memref<!tpu.dma_semaphore, #tpu.memory_space<semaphore_mem>>
        %dma_start3A_699 = arith.constant 0 : i32
        %dma_start3A_700 = arith.constant 0 : i32
        %dma_start3A_701 = tpu.memref_slice %arg7[%run_scoped3A_457, %dma_start3A_699, %dma_start3A_700] : memref<2x2x80xi32, #tpu.memory_space<vmem>> -> memref<1x2x80xi32, #tpu.memory_space<vmem>>
        %dma_start3A_702 = tpu.memref_squeeze %dma_start3A_701 : memref<1x2x80xi32, #tpu.memory_space<vmem>> -> memref<2x80xi32, #tpu.memory_space<vmem>>
        %dma_start3A_703 = arith.constant 0 : i32
        %dma_start3A_704 = arith.constant 0 : i32
        %dma_start3A_705 = tpu.memref_slice %arg4[%add3A_456, %dma_start3A_703, %dma_start3A_704] : memref<4000x2x80xi32, #tpu.memory_space<hbm>> -> memref<1x2x80xi32, #tpu.memory_space<hbm>>
        %dma_start3A_706 = tpu.memref_squeeze %dma_start3A_705 : memref<1x2x80xi32, #tpu.memory_space<hbm>> -> memref<2x80xi32, #tpu.memory_space<hbm>>
        %dma_start3A_707 = arith.constant 0 : i32
        %dma_start3A_708 = arith.constant 0 : i32
        %dma_start3A_709 = tpu.memref_slice %arg7[%run_scoped3A_457, %dma_start3A_707, %dma_start3A_708] : memref<2x2x80xi32, #tpu.memory_space<vmem>> -> memref<1x2x80xi32, #tpu.memory_space<vmem>>
        %dma_start3A_710 = tpu.memref_squeeze %dma_start3A_709 : memref<1x2x80xi32, #tpu.memory_space<vmem>> -> memref<2x80xi32, #tpu.memory_space<vmem>>
        %dma_start3A_711 = arith.constant 0 : i32
        %dma_start3A_712 = arith.constant 0 : i32
        %dma_start3A_713 = tpu.memref_slice %arg4[%add3A_456, %dma_start3A_711, %dma_start3A_712] : memref<4000x2x80xi32, #tpu.memory_space<hbm>> -> memref<1x2x80xi32, #tpu.memory_space<hbm>>
        %dma_start3A_714 = tpu.memref_squeeze %dma_start3A_713 : memref<1x2x80xi32, #tpu.memory_space<hbm>> -> memref<2x80xi32, #tpu.memory_space<hbm>>
        tpu.enqueue_dma source(%dma_start3A_714 : memref<2x80xi32, #tpu.memory_space<hbm>>) target(%dma_start3A_710 : memref<2x80xi32, #tpu.memory_space<vmem>>) target_semaphore(%run_scoped3A_698 : memref<!tpu.dma_semaphore, #tpu.memory_space<semaphore_mem>>)
        %dma_wait3A_715 = arith.constant 0 : i32
        %dma_wait3A_716 = arith.constant 0 : i32
        %dma_wait3A_717 = tpu.memref_slice %arg7[%run_scoped3A_457, %dma_wait3A_715, %dma_wait3A_716] : memref<2x2x80xi32, #tpu.memory_space<vmem>> -> memref<1x2x80xi32, #tpu.memory_space<vmem>>
        %dma_wait3A_718 = tpu.memref_squeeze %dma_wait3A_717 : memref<1x2x80xi32, #tpu.memory_space<vmem>> -> memref<2x80xi32, #tpu.memory_space<vmem>>
        %dma_wait3A_719 = arith.constant 0 : i32
        %dma_wait3A_720 = arith.constant 0 : i32
        %dma_wait3A_721 = tpu.memref_slice %arg4[%add3A_456, %dma_wait3A_719, %dma_wait3A_720] : memref<4000x2x80xi32, #tpu.memory_space<hbm>> -> memref<1x2x80xi32, #tpu.memory_space<hbm>>
        %dma_wait3A_722 = tpu.memref_squeeze %dma_wait3A_721 : memref<1x2x80xi32, #tpu.memory_space<hbm>> -> memref<2x80xi32, #tpu.memory_space<hbm>>
        %dma_wait3A_723 = arith.constant 0 : i32
        %dma_wait3A_724 = arith.constant 0 : i32
        %dma_wait3A_725 = tpu.memref_slice %arg7[%run_scoped3A_457, %dma_wait3A_723, %dma_wait3A_724] : memref<2x2x80xi32, #tpu.memory_space<vmem>> -> memref<1x2x80xi32, #tpu.memory_space<vmem>>
        %dma_wait3A_726 = tpu.memref_squeeze %dma_wait3A_725 : memref<1x2x80xi32, #tpu.memory_space<vmem>> -> memref<2x80xi32, #tpu.memory_space<vmem>>
        %dma_wait3A_727 = arith.constant 0 : i32
        %dma_wait3A_728 = arith.constant 0 : i32
        %dma_wait3A_729 = tpu.memref_slice %arg4[%add3A_456, %dma_wait3A_727, %dma_wait3A_728] : memref<4000x2x80xi32, #tpu.memory_space<hbm>> -> memref<1x2x80xi32, #tpu.memory_space<hbm>>
        %dma_wait3A_730 = tpu.memref_squeeze %dma_wait3A_729 : memref<1x2x80xi32, #tpu.memory_space<hbm>> -> memref<2x80xi32, #tpu.memory_space<hbm>>
        tpu.wait_dma2 semaphore(%run_scoped3A_698 : memref<!tpu.dma_semaphore, #tpu.memory_space<semaphore_mem>>) src(%dma_wait3A_730 : memref<2x80xi32, #tpu.memory_space<hbm>>) dst(%dma_wait3A_726 : memref<2x80xi32, #tpu.memory_space<vmem>>)
        tpu.yield
      }) : () -> ()
      %dma_start3A_458 = arith.constant 0 : i32
      %dma_start3A_459 = arith.constant 0 : i32
      %dma_start3A_460 = arith.constant 0 : i32
      %dma_start3A_461 = arith.constant 0 : i32
      %dma_start3A_462 = arith.constant 0 : i32
      %dma_start3A_463 = arith.constant 0 : i32
      %dma_start3A_464 = tpu.memref_slice %arg8[%dma_start3A_460, %dma_start3A_462, %dma_start3A_463] : memref<2x80x128xf32, #tpu.memory_space<vmem>> -> memref<1x80x128xf32, #tpu.memory_space<vmem>>
      %dma_start3A_465 = tpu.memref_squeeze %dma_start3A_464 : memref<1x80x128xf32, #tpu.memory_space<vmem>> -> memref<80x128xf32, #tpu.memory_space<vmem>>
      %dma_start3A_466 = arith.constant 0 : i32
      %dma_start3A_467 = tpu.memref_slice %arg7[%dma_start3A_458, %dma_start3A_459, %dma_start3A_466] : memref<2x2x80xi32, #tpu.memory_space<vmem>> -> memref<1x1x80xi32, #tpu.memory_space<vmem>>
      %dma_start3A_468 = tpu.memref_squeeze %dma_start3A_467 : memref<1x1x80xi32, #tpu.memory_space<vmem>> -> memref<80xi32, #tpu.memory_space<vmem>>
      %dma_start3A_469 = arith.constant 0 : i32
      %dma_start3A_470 = arith.constant 0 : i32
      %dma_start3A_471 = tpu.memref_slice %arg2[%dma_start3A_469, %dma_start3A_470] : memref<10000x128xf32, #tpu.memory_space<hbm>> -> memref<10000x128xf32, #tpu.memory_space<hbm>>
      %dma_start3A_472 = tpu.memref_slice %arg11[%dma_start3A_461] : memref<2x!tpu.dma_semaphore, #tpu.memory_space<semaphore_mem>> -> memref<1x!tpu.dma_semaphore, #tpu.memory_space<semaphore_mem>>
      %dma_start3A_473 = tpu.memref_squeeze %dma_start3A_472 : memref<1x!tpu.dma_semaphore, #tpu.memory_space<semaphore_mem>> -> memref<!tpu.dma_semaphore, #tpu.memory_space<semaphore_mem>>
      tpu.enqueue_indirect_dma source(%dma_start3A_471 : memref<10000x128xf32, #tpu.memory_space<hbm>>) target(%dma_start3A_465 : memref<80x128xf32, #tpu.memory_space<vmem>>) offsets(%dma_start3A_468 : memref<80xi32, #tpu.memory_space<vmem>>) semaphore(%dma_start3A_473 : memref<!tpu.dma_semaphore, #tpu.memory_space<semaphore_mem>>)
      %mul3A_474 = arith.constant 80 : i32
      %mul3A_475 = arith.muli %add3A_456, %mul3A_474 : i32
      %dma_start3A_476 = arith.constant 0 : i32
      %dma_start3A_477 = arith.constant 0 : i32
      %dma_start3A_478 = arith.constant 0 : i32
      %dma_start3A_479 = arith.constant 0 : i32
      %dma_start3A_480 = tpu.memref_slice %arg9[%dma_start3A_476, %dma_start3A_478, %dma_start3A_479] : memref<2x80x128xf32, #tpu.memory_space<vmem>> -> memref<1x80x128xf32, #tpu.memory_space<vmem>>
      %dma_start3A_481 = tpu.memref_squeeze %dma_start3A_480 : memref<1x80x128xf32, #tpu.memory_space<vmem>> -> memref<80x128xf32, #tpu.memory_space<vmem>>
      %dma_start3A_482 = arith.constant 0 : i32
      %dma_start3A_483 = tpu.memref_slice %arg3[%mul3A_475, %dma_start3A_482] : memref<320000x128xf32, #tpu.memory_space<hbm>> -> memref<80x128xf32, #tpu.memory_space<hbm>>
      %dma_start3A_484 = tpu.memref_slice %arg12[%dma_start3A_477] : memref<2x!tpu.dma_semaphore, #tpu.memory_space<semaphore_mem>> -> memref<1x!tpu.dma_semaphore, #tpu.memory_space<semaphore_mem>>
      %dma_start3A_485 = tpu.memref_squeeze %dma_start3A_484 : memref<1x!tpu.dma_semaphore, #tpu.memory_space<semaphore_mem>> -> memref<!tpu.dma_semaphore, #tpu.memory_space<semaphore_mem>>
      %dma_start3A_486 = arith.constant 0 : i32
      %dma_start3A_487 = arith.constant 0 : i32
      %dma_start3A_488 = tpu.memref_slice %arg9[%dma_start3A_476, %dma_start3A_486, %dma_start3A_487] : memref<2x80x128xf32, #tpu.memory_space<vmem>> -> memref<1x80x128xf32, #tpu.memory_space<vmem>>
      %dma_start3A_489 = tpu.memref_squeeze %dma_start3A_488 : memref<1x80x128xf32, #tpu.memory_space<vmem>> -> memref<80x128xf32, #tpu.memory_space<vmem>>
      %dma_start3A_490 = arith.constant 0 : i32
      %dma_start3A_491 = tpu.memref_slice %arg3[%mul3A_475, %dma_start3A_490] : memref<320000x128xf32, #tpu.memory_space<hbm>> -> memref<80x128xf32, #tpu.memory_space<hbm>>
      tpu.enqueue_dma source(%dma_start3A_491 : memref<80x128xf32, #tpu.memory_space<hbm>>) target(%dma_start3A_489 : memref<80x128xf32, #tpu.memory_space<vmem>>) target_semaphore(%dma_start3A_485 : memref<!tpu.dma_semaphore, #tpu.memory_space<semaphore_mem>>)
      %dma_wait3A_492 = arith.constant 1 : i32
      %dma_wait3A_493 = arith.constant 0 : i32
      %dma_wait3A_494 = arith.constant 1 : i32
      %dma_wait3A_495 = arith.constant 1 : i32
      %dma_wait3A_496 = arith.constant 0 : i32
      %dma_wait3A_497 = arith.constant 0 : i32
      %dma_wait3A_498 = tpu.memref_slice %arg8[%dma_wait3A_494, %dma_wait3A_496, %dma_wait3A_497] : memref<2x80x128xf32, #tpu.memory_space<vmem>> -> memref<1x80x128xf32, #tpu.memory_space<vmem>>
      %dma_wait3A_499 = tpu.memref_squeeze %dma_wait3A_498 : memref<1x80x128xf32, #tpu.memory_space<vmem>> -> memref<80x128xf32, #tpu.memory_space<vmem>>
      %dma_wait3A_500 = arith.constant 0 : i32
      %dma_wait3A_501 = tpu.memref_slice %arg7[%dma_wait3A_492, %dma_wait3A_493, %dma_wait3A_500] : memref<2x2x80xi32, #tpu.memory_space<vmem>> -> memref<1x1x80xi32, #tpu.memory_space<vmem>>
      %dma_wait3A_502 = tpu.memref_squeeze %dma_wait3A_501 : memref<1x1x80xi32, #tpu.memory_space<vmem>> -> memref<80xi32, #tpu.memory_space<vmem>>
      %dma_wait3A_503 = arith.constant 0 : i32
      %dma_wait3A_504 = arith.constant 0 : i32
      %dma_wait3A_505 = tpu.memref_slice %arg2[%dma_wait3A_503, %dma_wait3A_504] : memref<10000x128xf32, #tpu.memory_space<hbm>> -> memref<10000x128xf32, #tpu.memory_space<hbm>>
      %dma_wait3A_506 = tpu.memref_slice %arg11[%dma_wait3A_495] : memref<2x!tpu.dma_semaphore, #tpu.memory_space<semaphore_mem>> -> memref<1x!tpu.dma_semaphore, #tpu.memory_space<semaphore_mem>>
      %dma_wait3A_507 = tpu.memref_squeeze %dma_wait3A_506 : memref<1x!tpu.dma_semaphore, #tpu.memory_space<semaphore_mem>> -> memref<!tpu.dma_semaphore, #tpu.memory_space<semaphore_mem>>
      tpu.wait_indirect_dma semaphore(%dma_wait3A_507 : memref<!tpu.dma_semaphore, #tpu.memory_space<semaphore_mem>>) src(%dma_wait3A_505 : memref<10000x128xf32, #tpu.memory_space<hbm>>) dst(%dma_wait3A_499 : memref<80x128xf32, #tpu.memory_space<vmem>>)
      %dma_wait3A_508 = arith.constant 1 : i32
      %dma_wait3A_509 = arith.constant 1 : i32
      %dma_wait3A_510 = arith.constant 0 : i32
      %dma_wait3A_511 = arith.constant 0 : i32
      %dma_wait3A_512 = tpu.memref_slice %arg9[%dma_wait3A_508, %dma_wait3A_510, %dma_wait3A_511] : memref<2x80x128xf32, #tpu.memory_space<vmem>> -> memref<1x80x128xf32, #tpu.memory_space<vmem>>
      %dma_wait3A_513 = tpu.memref_squeeze %dma_wait3A_512 : memref<1x80x128xf32, #tpu.memory_space<vmem>> -> memref<80x128xf32, #tpu.memory_space<vmem>>
      %dma_wait3A_514 = arith.constant 0 : i32
      %dma_wait3A_515 = arith.constant 0 : i32
      %dma_wait3A_516 = tpu.memref_slice %arg3[%dma_wait3A_514, %dma_wait3A_515] : memref<320000x128xf32, #tpu.memory_space<hbm>> -> memref<80x128xf32, #tpu.memory_space<hbm>>
      %dma_wait3A_517 = tpu.memref_slice %arg12[%dma_wait3A_509] : memref<2x!tpu.dma_semaphore, #tpu.memory_space<semaphore_mem>> -> memref<1x!tpu.dma_semaphore, #tpu.memory_space<semaphore_mem>>
      %dma_wait3A_518 = tpu.memref_squeeze %dma_wait3A_517 : memref<1x!tpu.dma_semaphore, #tpu.memory_space<semaphore_mem>> -> memref<!tpu.dma_semaphore, #tpu.memory_space<semaphore_mem>>
      %dma_wait3A_519 = arith.constant 0 : i32
      %dma_wait3A_520 = arith.constant 0 : i32
      %dma_wait3A_521 = tpu.memref_slice %arg9[%dma_wait3A_508, %dma_wait3A_519, %dma_wait3A_520] : memref<2x80x128xf32, #tpu.memory_space<vmem>> -> memref<1x80x128xf32, #tpu.memory_space<vmem>>
      %dma_wait3A_522 = tpu.memref_squeeze %dma_wait3A_521 : memref<1x80x128xf32, #tpu.memory_space<vmem>> -> memref<80x128xf32, #tpu.memory_space<vmem>>
      %dma_wait3A_523 = arith.constant 0 : i32
      %dma_wait3A_524 = arith.constant 0 : i32
      %dma_wait3A_525 = tpu.memref_slice %arg3[%dma_wait3A_523, %dma_wait3A_524] : memref<320000x128xf32, #tpu.memory_space<hbm>> -> memref<80x128xf32, #tpu.memory_space<hbm>>
      tpu.wait_dma2 semaphore(%dma_wait3A_518 : memref<!tpu.dma_semaphore, #tpu.memory_space<semaphore_mem>>) src(%dma_wait3A_525 : memref<80x128xf32, #tpu.memory_space<hbm>>) dst(%dma_wait3A_522 : memref<80x128xf32, #tpu.memory_space<vmem>>)
      %dma_start3A_526 = arith.constant 1 : i32
      %dma_start3A_527 = arith.constant 1 : i32
      %dma_start3A_528 = arith.constant 1 : i32
      %dma_start3A_529 = arith.constant 1 : i32
      %dma_start3A_530 = arith.constant 0 : i32
      %dma_start3A_531 = arith.constant 0 : i32
      %dma_start3A_532 = tpu.memref_slice %arg8[%dma_start3A_526, %dma_start3A_530, %dma_start3A_531] : memref<2x80x128xf32, #tpu.memory_space<vmem>> -> memref<1x80x128xf32, #tpu.memory_space<vmem>>
      %dma_start3A_533 = tpu.memref_squeeze %dma_start3A_532 : memref<1x80x128xf32, #tpu.memory_space<vmem>> -> memref<80x128xf32, #tpu.memory_space<vmem>>
      %dma_start3A_534 = arith.constant 0 : i32
      %dma_start3A_535 = tpu.memref_slice %arg7[%dma_start3A_527, %dma_start3A_528, %dma_start3A_534] : memref<2x2x80xi32, #tpu.memory_space<vmem>> -> memref<1x1x80xi32, #tpu.memory_space<vmem>>
      %dma_start3A_536 = tpu.memref_squeeze %dma_start3A_535 : memref<1x1x80xi32, #tpu.memory_space<vmem>> -> memref<80xi32, #tpu.memory_space<vmem>>
      %dma_start3A_537 = arith.constant 0 : i32
      %dma_start3A_538 = arith.constant 0 : i32
      %dma_start3A_539 = tpu.memref_slice %arg10[%dma_start3A_537, %dma_start3A_538] : memref<10112x128xf32, #tpu.memory_space<vmem_shared>> -> memref<10112x128xf32, #tpu.memory_space<vmem_shared>>
      %dma_start3A_540 = tpu.memref_slice %arg13[%dma_start3A_529] : memref<2x!tpu.dma_semaphore, #tpu.memory_space<semaphore_mem>> -> memref<1x!tpu.dma_semaphore, #tpu.memory_space<semaphore_mem>>
      %dma_start3A_541 = tpu.memref_squeeze %dma_start3A_540 : memref<1x!tpu.dma_semaphore, #tpu.memory_space<semaphore_mem>> -> memref<!tpu.dma_semaphore, #tpu.memory_space<semaphore_mem>>
      tpu.enqueue_indirect_dma source(%dma_start3A_533 : memref<80x128xf32, #tpu.memory_space<vmem>>) target(%dma_start3A_539 : memref<10112x128xf32, #tpu.memory_space<vmem_shared>>) offsets(%dma_start3A_536 : memref<80xi32, #tpu.memory_space<vmem>>) semaphore(%dma_start3A_541 : memref<!tpu.dma_semaphore, #tpu.memory_space<semaphore_mem>>) {add = true}
      %dma_start3A_542 = arith.constant 1 : i32
      %dma_start3A_543 = arith.constant 1 : i32
      %dma_start3A_544 = arith.constant 1 : i32
      %dma_start3A_545 = arith.constant 1 : i32
      %dma_start3A_546 = arith.constant 0 : i32
      %dma_start3A_547 = arith.constant 0 : i32
      %dma_start3A_548 = tpu.memref_slice %arg9[%dma_start3A_542, %dma_start3A_546, %dma_start3A_547] : memref<2x80x128xf32, #tpu.memory_space<vmem>> -> memref<1x80x128xf32, #tpu.memory_space<vmem>>
      %dma_start3A_549 = tpu.memref_squeeze %dma_start3A_548 : memref<1x80x128xf32, #tpu.memory_space<vmem>> -> memref<80x128xf32, #tpu.memory_space<vmem>>
      %dma_start3A_550 = arith.constant 0 : i32
      %dma_start3A_551 = tpu.memref_slice %arg7[%dma_start3A_543, %dma_start3A_544, %dma_start3A_550] : memref<2x2x80xi32, #tpu.memory_space<vmem>> -> memref<1x1x80xi32, #tpu.memory_space<vmem>>
      %dma_start3A_552 = tpu.memref_squeeze %dma_start3A_551 : memref<1x1x80xi32, #tpu.memory_space<vmem>> -> memref<80xi32, #tpu.memory_space<vmem>>
      %dma_start3A_553 = arith.constant 0 : i32
      %dma_start3A_554 = arith.constant 0 : i32
      %dma_start3A_555 = tpu.memref_slice %arg10[%dma_start3A_553, %dma_start3A_554] : memref<10112x128xf32, #tpu.memory_space<vmem_shared>> -> memref<10112x128xf32, #tpu.memory_space<vmem_shared>>
      %dma_start3A_556 = tpu.memref_slice %arg13[%dma_start3A_545] : memref<2x!tpu.dma_semaphore, #tpu.memory_space<semaphore_mem>> -> memref<1x!tpu.dma_semaphore, #tpu.memory_space<semaphore_mem>>
      %dma_start3A_557 = tpu.memref_squeeze %dma_start3A_556 : memref<1x!tpu.dma_semaphore, #tpu.memory_space<semaphore_mem>> -> memref<!tpu.dma_semaphore, #tpu.memory_space<semaphore_mem>>
      tpu.enqueue_indirect_dma source(%dma_start3A_549 : memref<80x128xf32, #tpu.memory_space<vmem>>) target(%dma_start3A_555 : memref<10112x128xf32, #tpu.memory_space<vmem_shared>>) offsets(%dma_start3A_552 : memref<80xi32, #tpu.memory_space<vmem>>) semaphore(%dma_start3A_557 : memref<!tpu.dma_semaphore, #tpu.memory_space<semaphore_mem>>) {add = true}
      %mul3A_558 = arith.constant 2 : i32
      %mul3A_559 = arith.muli %mul3A_558, %scan3A_417 : i32
      %add3A_560 = arith.constant 1 : i32
      %add3A_561 = arith.addi %mul3A_559, %add3A_560 : i32
      %dma_wait3A_562 = arith.constant 1 : i32
      %dma_wait3A_563 = arith.constant 1 : i32
      %dma_wait3A_564 = arith.constant 1 : i32
      %dma_wait3A_565 = arith.constant 1 : i32
      %dma_wait3A_566 = arith.constant 0 : i32
      %dma_wait3A_567 = arith.constant 0 : i32
      %dma_wait3A_568 = tpu.memref_slice %arg8[%dma_wait3A_562, %dma_wait3A_566, %dma_wait3A_567] : memref<2x80x128xf32, #tpu.memory_space<vmem>> -> memref<1x80x128xf32, #tpu.memory_space<vmem>>
      %dma_wait3A_569 = tpu.memref_squeeze %dma_wait3A_568 : memref<1x80x128xf32, #tpu.memory_space<vmem>> -> memref<80x128xf32, #tpu.memory_space<vmem>>
      %dma_wait3A_570 = arith.constant 0 : i32
      %dma_wait3A_571 = tpu.memref_slice %arg7[%dma_wait3A_563, %dma_wait3A_564, %dma_wait3A_570] : memref<2x2x80xi32, #tpu.memory_space<vmem>> -> memref<1x1x80xi32, #tpu.memory_space<vmem>>
      %dma_wait3A_572 = tpu.memref_squeeze %dma_wait3A_571 : memref<1x1x80xi32, #tpu.memory_space<vmem>> -> memref<80xi32, #tpu.memory_space<vmem>>
      %dma_wait3A_573 = arith.constant 0 : i32
      %dma_wait3A_574 = arith.constant 0 : i32
      %dma_wait3A_575 = tpu.memref_slice %arg10[%dma_wait3A_573, %dma_wait3A_574] : memref<10112x128xf32, #tpu.memory_space<vmem_shared>> -> memref<10112x128xf32, #tpu.memory_space<vmem_shared>>
      %dma_wait3A_576 = tpu.memref_slice %arg13[%dma_wait3A_565] : memref<2x!tpu.dma_semaphore, #tpu.memory_space<semaphore_mem>> -> memref<1x!tpu.dma_semaphore, #tpu.memory_space<semaphore_mem>>
      %dma_wait3A_577 = tpu.memref_squeeze %dma_wait3A_576 : memref<1x!tpu.dma_semaphore, #tpu.memory_space<semaphore_mem>> -> memref<!tpu.dma_semaphore, #tpu.memory_space<semaphore_mem>>
      tpu.wait_indirect_dma semaphore(%dma_wait3A_577 : memref<!tpu.dma_semaphore, #tpu.memory_space<semaphore_mem>>) src(%dma_wait3A_569 : memref<80x128xf32, #tpu.memory_space<vmem>>) dst(%dma_wait3A_575 : memref<10112x128xf32, #tpu.memory_space<vmem_shared>>)
      %dma_wait3A_578 = arith.constant 1 : i32
      %dma_wait3A_579 = arith.constant 1 : i32
      %dma_wait3A_580 = arith.constant 1 : i32
      %dma_wait3A_581 = arith.constant 1 : i32
      %dma_wait3A_582 = arith.constant 0 : i32
      %dma_wait3A_583 = arith.constant 0 : i32
      %dma_wait3A_584 = tpu.memref_slice %arg9[%dma_wait3A_578, %dma_wait3A_582, %dma_wait3A_583] : memref<2x80x128xf32, #tpu.memory_space<vmem>> -> memref<1x80x128xf32, #tpu.memory_space<vmem>>
      %dma_wait3A_585 = tpu.memref_squeeze %dma_wait3A_584 : memref<1x80x128xf32, #tpu.memory_space<vmem>> -> memref<80x128xf32, #tpu.memory_space<vmem>>
      %dma_wait3A_586 = arith.constant 0 : i32
      %dma_wait3A_587 = tpu.memref_slice %arg7[%dma_wait3A_579, %dma_wait3A_580, %dma_wait3A_586] : memref<2x2x80xi32, #tpu.memory_space<vmem>> -> memref<1x1x80xi32, #tpu.memory_space<vmem>>
      %dma_wait3A_588 = tpu.memref_squeeze %dma_wait3A_587 : memref<1x1x80xi32, #tpu.memory_space<vmem>> -> memref<80xi32, #tpu.memory_space<vmem>>
      %dma_wait3A_589 = arith.constant 0 : i32
      %dma_wait3A_590 = arith.constant 0 : i32
      %dma_wait3A_591 = tpu.memref_slice %arg10[%dma_wait3A_589, %dma_wait3A_590] : memref<10112x128xf32, #tpu.memory_space<vmem_shared>> -> memref<10112x128xf32, #tpu.memory_space<vmem_shared>>
      %dma_wait3A_592 = tpu.memref_slice %arg13[%dma_wait3A_581] : memref<2x!tpu.dma_semaphore, #tpu.memory_space<semaphore_mem>> -> memref<1x!tpu.dma_semaphore, #tpu.memory_space<semaphore_mem>>
      %dma_wait3A_593 = tpu.memref_squeeze %dma_wait3A_592 : memref<1x!tpu.dma_semaphore, #tpu.memory_space<semaphore_mem>> -> memref<!tpu.dma_semaphore, #tpu.memory_space<semaphore_mem>>
      tpu.wait_indirect_dma semaphore(%dma_wait3A_593 : memref<!tpu.dma_semaphore, #tpu.memory_space<semaphore_mem>>) src(%dma_wait3A_585 : memref<80x128xf32, #tpu.memory_space<vmem>>) dst(%dma_wait3A_591 : memref<10112x128xf32, #tpu.memory_space<vmem_shared>>)
      %mul3A_594 = arith.constant 32 : i32
      %mul3A_595 = arith.muli %mul3A_594, %add3A_561 : i32
      %add3A_596 = arith.addi %add3A, %mul3A_595 : i32
      %run_scoped3A_597 = arith.constant 1 : i32
      "tpu.region"() ({
        %run_scoped3A_698 = tpu.sem_alloc : memref<!tpu.dma_semaphore, #tpu.memory_space<semaphore_mem>>
        %dma_start3A_699 = arith.constant 0 : i32
        %dma_start3A_700 = arith.constant 0 : i32
        %dma_start3A_701 = tpu.memref_slice %arg7[%run_scoped3A_597, %dma_start3A_699, %dma_start3A_700] : memref<2x2x80xi32, #tpu.memory_space<vmem>> -> memref<1x2x80xi32, #tpu.memory_space<vmem>>
        %dma_start3A_702 = tpu.memref_squeeze %dma_start3A_701 : memref<1x2x80xi32, #tpu.memory_space<vmem>> -> memref<2x80xi32, #tpu.memory_space<vmem>>
        %dma_start3A_703 = arith.constant 0 : i32
        %dma_start3A_704 = arith.constant 0 : i32
        %dma_start3A_705 = tpu.memref_slice %arg4[%add3A_596, %dma_start3A_703, %dma_start3A_704] : memref<4000x2x80xi32, #tpu.memory_space<hbm>> -> memref<1x2x80xi32, #tpu.memory_space<hbm>>
        %dma_start3A_706 = tpu.memref_squeeze %dma_start3A_705 : memref<1x2x80xi32, #tpu.memory_space<hbm>> -> memref<2x80xi32, #tpu.memory_space<hbm>>
        %dma_start3A_707 = arith.constant 0 : i32
        %dma_start3A_708 = arith.constant 0 : i32
        %dma_start3A_709 = tpu.memref_slice %arg7[%run_scoped3A_597, %dma_start3A_707, %dma_start3A_708] : memref<2x2x80xi32, #tpu.memory_space<vmem>> -> memref<1x2x80xi32, #tpu.memory_space<vmem>>
        %dma_start3A_710 = tpu.memref_squeeze %dma_start3A_709 : memref<1x2x80xi32, #tpu.memory_space<vmem>> -> memref<2x80xi32, #tpu.memory_space<vmem>>
        %dma_start3A_711 = arith.constant 0 : i32
        %dma_start3A_712 = arith.constant 0 : i32
        %dma_start3A_713 = tpu.memref_slice %arg4[%add3A_596, %dma_start3A_711, %dma_start3A_712] : memref<4000x2x80xi32, #tpu.memory_space<hbm>> -> memref<1x2x80xi32, #tpu.memory_space<hbm>>
        %dma_start3A_714 = tpu.memref_squeeze %dma_start3A_713 : memref<1x2x80xi32, #tpu.memory_space<hbm>> -> memref<2x80xi32, #tpu.memory_space<hbm>>
        tpu.enqueue_dma source(%dma_start3A_714 : memref<2x80xi32, #tpu.memory_space<hbm>>) target(%dma_start3A_710 : memref<2x80xi32, #tpu.memory_space<vmem>>) target_semaphore(%run_scoped3A_698 : memref<!tpu.dma_semaphore, #tpu.memory_space<semaphore_mem>>)
        %dma_wait3A_715 = arith.constant 0 : i32
        %dma_wait3A_716 = arith.constant 0 : i32
        %dma_wait3A_717 = tpu.memref_slice %arg7[%run_scoped3A_597, %dma_wait3A_715, %dma_wait3A_716] : memref<2x2x80xi32, #tpu.memory_space<vmem>> -> memref<1x2x80xi32, #tpu.memory_space<vmem>>
        %dma_wait3A_718 = tpu.memref_squeeze %dma_wait3A_717 : memref<1x2x80xi32, #tpu.memory_space<vmem>> -> memref<2x80xi32, #tpu.memory_space<vmem>>
        %dma_wait3A_719 = arith.constant 0 : i32
        %dma_wait3A_720 = arith.constant 0 : i32
        %dma_wait3A_721 = tpu.memref_slice %arg4[%add3A_596, %dma_wait3A_719, %dma_wait3A_720] : memref<4000x2x80xi32, #tpu.memory_space<hbm>> -> memref<1x2x80xi32, #tpu.memory_space<hbm>>
        %dma_wait3A_722 = tpu.memref_squeeze %dma_wait3A_721 : memref<1x2x80xi32, #tpu.memory_space<hbm>> -> memref<2x80xi32, #tpu.memory_space<hbm>>
        %dma_wait3A_723 = arith.constant 0 : i32
        %dma_wait3A_724 = arith.constant 0 : i32
        %dma_wait3A_725 = tpu.memref_slice %arg7[%run_scoped3A_597, %dma_wait3A_723, %dma_wait3A_724] : memref<2x2x80xi32, #tpu.memory_space<vmem>> -> memref<1x2x80xi32, #tpu.memory_space<vmem>>
        %dma_wait3A_726 = tpu.memref_squeeze %dma_wait3A_725 : memref<1x2x80xi32, #tpu.memory_space<vmem>> -> memref<2x80xi32, #tpu.memory_space<vmem>>
        %dma_wait3A_727 = arith.constant 0 : i32
        %dma_wait3A_728 = arith.constant 0 : i32
        %dma_wait3A_729 = tpu.memref_slice %arg4[%add3A_596, %dma_wait3A_727, %dma_wait3A_728] : memref<4000x2x80xi32, #tpu.memory_space<hbm>> -> memref<1x2x80xi32, #tpu.memory_space<hbm>>
        %dma_wait3A_730 = tpu.memref_squeeze %dma_wait3A_729 : memref<1x2x80xi32, #tpu.memory_space<hbm>> -> memref<2x80xi32, #tpu.memory_space<hbm>>
        tpu.wait_dma2 semaphore(%run_scoped3A_698 : memref<!tpu.dma_semaphore, #tpu.memory_space<semaphore_mem>>) src(%dma_wait3A_730 : memref<2x80xi32, #tpu.memory_space<hbm>>) dst(%dma_wait3A_726 : memref<2x80xi32, #tpu.memory_space<vmem>>)
        tpu.yield
      }) : () -> ()
      %dma_start3A_598 = arith.constant 1 : i32
      %dma_start3A_599 = arith.constant 0 : i32
      %dma_start3A_600 = arith.constant 1 : i32
      %dma_start3A_601 = arith.constant 1 : i32
      %dma_start3A_602 = arith.constant 0 : i32
      %dma_start3A_603 = arith.constant 0 : i32
      %dma_start3A_604 = tpu.memref_slice %arg8[%dma_start3A_600, %dma_start3A_602, %dma_start3A_603] : memref<2x80x128xf32, #tpu.memory_space<vmem>> -> memref<1x80x128xf32, #tpu.memory_space<vmem>>
      %dma_start3A_605 = tpu.memref_squeeze %dma_start3A_604 : memref<1x80x128xf32, #tpu.memory_space<vmem>> -> memref<80x128xf32, #tpu.memory_space<vmem>>
      %dma_start3A_606 = arith.constant 0 : i32
      %dma_start3A_607 = tpu.memref_slice %arg7[%dma_start3A_598, %dma_start3A_599, %dma_start3A_606] : memref<2x2x80xi32, #tpu.memory_space<vmem>> -> memref<1x1x80xi32, #tpu.memory_space<vmem>>
      %dma_start3A_608 = tpu.memref_squeeze %dma_start3A_607 : memref<1x1x80xi32, #tpu.memory_space<vmem>> -> memref<80xi32, #tpu.memory_space<vmem>>
      %dma_start3A_609 = arith.constant 0 : i32
      %dma_start3A_610 = arith.constant 0 : i32
      %dma_start3A_611 = tpu.memref_slice %arg2[%dma_start3A_609, %dma_start3A_610] : memref<10000x128xf32, #tpu.memory_space<hbm>> -> memref<10000x128xf32, #tpu.memory_space<hbm>>
      %dma_start3A_612 = tpu.memref_slice %arg11[%dma_start3A_601] : memref<2x!tpu.dma_semaphore, #tpu.memory_space<semaphore_mem>> -> memref<1x!tpu.dma_semaphore, #tpu.memory_space<semaphore_mem>>
      %dma_start3A_613 = tpu.memref_squeeze %dma_start3A_612 : memref<1x!tpu.dma_semaphore, #tpu.memory_space<semaphore_mem>> -> memref<!tpu.dma_semaphore, #tpu.memory_space<semaphore_mem>>
      tpu.enqueue_indirect_dma source(%dma_start3A_611 : memref<10000x128xf32, #tpu.memory_space<hbm>>) target(%dma_start3A_605 : memref<80x128xf32, #tpu.memory_space<vmem>>) offsets(%dma_start3A_608 : memref<80xi32, #tpu.memory_space<vmem>>) semaphore(%dma_start3A_613 : memref<!tpu.dma_semaphore, #tpu.memory_space<semaphore_mem>>)
      %mul3A_614 = arith.constant 80 : i32
      %mul3A_615 = arith.muli %add3A_596, %mul3A_614 : i32
      %dma_start3A_616 = arith.constant 1 : i32
      %dma_start3A_617 = arith.constant 1 : i32
      %dma_start3A_618 = arith.constant 0 : i32
      %dma_start3A_619 = arith.constant 0 : i32
      %dma_start3A_620 = tpu.memref_slice %arg9[%dma_start3A_616, %dma_start3A_618, %dma_start3A_619] : memref<2x80x128xf32, #tpu.memory_space<vmem>> -> memref<1x80x128xf32, #tpu.memory_space<vmem>>
      %dma_start3A_621 = tpu.memref_squeeze %dma_start3A_620 : memref<1x80x128xf32, #tpu.memory_space<vmem>> -> memref<80x128xf32, #tpu.memory_space<vmem>>
      %dma_start3A_622 = arith.constant 0 : i32
      %dma_start3A_623 = tpu.memref_slice %arg3[%mul3A_615, %dma_start3A_622] : memref<320000x128xf32, #tpu.memory_space<hbm>> -> memref<80x128xf32, #tpu.memory_space<hbm>>
      %dma_start3A_624 = tpu.memref_slice %arg12[%dma_start3A_617] : memref<2x!tpu.dma_semaphore, #tpu.memory_space<semaphore_mem>> -> memref<1x!tpu.dma_semaphore, #tpu.memory_space<semaphore_mem>>
      %dma_start3A_625 = tpu.memref_squeeze %dma_start3A_624 : memref<1x!tpu.dma_semaphore, #tpu.memory_space<semaphore_mem>> -> memref<!tpu.dma_semaphore, #tpu.memory_space<semaphore_mem>>
      %dma_start3A_626 = arith.constant 0 : i32
      %dma_start3A_627 = arith.constant 0 : i32
      %dma_start3A_628 = tpu.memref_slice %arg9[%dma_start3A_616, %dma_start3A_626, %dma_start3A_627] : memref<2x80x128xf32, #tpu.memory_space<vmem>> -> memref<1x80x128xf32, #tpu.memory_space<vmem>>
      %dma_start3A_629 = tpu.memref_squeeze %dma_start3A_628 : memref<1x80x128xf32, #tpu.memory_space<vmem>> -> memref<80x128xf32, #tpu.memory_space<vmem>>
      %dma_start3A_630 = arith.constant 0 : i32
      %dma_start3A_631 = tpu.memref_slice %arg3[%mul3A_615, %dma_start3A_630] : memref<320000x128xf32, #tpu.memory_space<hbm>> -> memref<80x128xf32, #tpu.memory_space<hbm>>
      tpu.enqueue_dma source(%dma_start3A_631 : memref<80x128xf32, #tpu.memory_space<hbm>>) target(%dma_start3A_629 : memref<80x128xf32, #tpu.memory_space<vmem>>) target_semaphore(%dma_start3A_625 : memref<!tpu.dma_semaphore, #tpu.memory_space<semaphore_mem>>)
      %dma_wait3A_632 = arith.constant 0 : i32
      %dma_wait3A_633 = arith.constant 0 : i32
      %dma_wait3A_634 = arith.constant 0 : i32
      %dma_wait3A_635 = arith.constant 0 : i32
      %dma_wait3A_636 = arith.constant 0 : i32
      %dma_wait3A_637 = arith.constant 0 : i32
      %dma_wait3A_638 = tpu.memref_slice %arg8[%dma_wait3A_634, %dma_wait3A_636, %dma_wait3A_637] : memref<2x80x128xf32, #tpu.memory_space<vmem>> -> memref<1x80x128xf32, #tpu.memory_space<vmem>>
      %dma_wait3A_639 = tpu.memref_squeeze %dma_wait3A_638 : memref<1x80x128xf32, #tpu.memory_space<vmem>> -> memref<80x128xf32, #tpu.memory_space<vmem>>
      %dma_wait3A_640 = arith.constant 0 : i32
      %dma_wait3A_641 = tpu.memref_slice %arg7[%dma_wait3A_632, %dma_wait3A_633, %dma_wait3A_640] : memref<2x2x80xi32, #tpu.memory_space<vmem>> -> memref<1x1x80xi32, #tpu.memory_space<vmem>>
      %dma_wait3A_642 = tpu.memref_squeeze %dma_wait3A_641 : memref<1x1x80xi32, #tpu.memory_space<vmem>> -> memref<80xi32, #tpu.memory_space<vmem>>
      %dma_wait3A_643 = arith.constant 0 : i32
      %dma_wait3A_644 = arith.constant 0 : i32
      %dma_wait3A_645 = tpu.memref_slice %arg2[%dma_wait3A_643, %dma_wait3A_644] : memref<10000x128xf32, #tpu.memory_space<hbm>> -> memref<10000x128xf32, #tpu.memory_space<hbm>>
      %dma_wait3A_646 = tpu.memref_slice %arg11[%dma_wait3A_635] : memref<2x!tpu.dma_semaphore, #tpu.memory_space<semaphore_mem>> -> memref<1x!tpu.dma_semaphore, #tpu.memory_space<semaphore_mem>>
      %dma_wait3A_647 = tpu.memref_squeeze %dma_wait3A_646 : memref<1x!tpu.dma_semaphore, #tpu.memory_space<semaphore_mem>> -> memref<!tpu.dma_semaphore, #tpu.memory_space<semaphore_mem>>
      tpu.wait_indirect_dma semaphore(%dma_wait3A_647 : memref<!tpu.dma_semaphore, #tpu.memory_space<semaphore_mem>>) src(%dma_wait3A_645 : memref<10000x128xf32, #tpu.memory_space<hbm>>) dst(%dma_wait3A_639 : memref<80x128xf32, #tpu.memory_space<vmem>>)
      %dma_wait3A_648 = arith.constant 0 : i32
      %dma_wait3A_649 = arith.constant 0 : i32
      %dma_wait3A_650 = arith.constant 0 : i32
      %dma_wait3A_651 = arith.constant 0 : i32
      %dma_wait3A_652 = tpu.memref_slice %arg9[%dma_wait3A_648, %dma_wait3A_650, %dma_wait3A_651] : memref<2x80x128xf32, #tpu.memory_space<vmem>> -> memref<1x80x128xf32, #tpu.memory_space<vmem>>
      %dma_wait3A_653 = tpu.memref_squeeze %dma_wait3A_652 : memref<1x80x128xf32, #tpu.memory_space<vmem>> -> memref<80x128xf32, #tpu.memory_space<vmem>>
      %dma_wait3A_654 = arith.constant 0 : i32
      %dma_wait3A_655 = arith.constant 0 : i32
      %dma_wait3A_656 = tpu.memref_slice %arg3[%dma_wait3A_654, %dma_wait3A_655] : memref<320000x128xf32, #tpu.memory_space<hbm>> -> memref<80x128xf32, #tpu.memory_space<hbm>>
      %dma_wait3A_657 = tpu.memref_slice %arg12[%dma_wait3A_649] : memref<2x!tpu.dma_semaphore, #tpu.memory_space<semaphore_mem>> -> memref<1x!tpu.dma_semaphore, #tpu.memory_space<semaphore_mem>>
      %dma_wait3A_658 = tpu.memref_squeeze %dma_wait3A_657 : memref<1x!tpu.dma_semaphore, #tpu.memory_space<semaphore_mem>> -> memref<!tpu.dma_semaphore, #tpu.memory_space<semaphore_mem>>
      %dma_wait3A_659 = arith.constant 0 : i32
      %dma_wait3A_660 = arith.constant 0 : i32
      %dma_wait3A_661 = tpu.memref_slice %arg9[%dma_wait3A_648, %dma_wait3A_659, %dma_wait3A_660] : memref<2x80x128xf32, #tpu.memory_space<vmem>> -> memref<1x80x128xf32, #tpu.memory_space<vmem>>
      %dma_wait3A_662 = tpu.memref_squeeze %dma_wait3A_661 : memref<1x80x128xf32, #tpu.memory_space<vmem>> -> memref<80x128xf32, #tpu.memory_space<vmem>>
      %dma_wait3A_663 = arith.constant 0 : i32
      %dma_wait3A_664 = arith.constant 0 : i32
      %dma_wait3A_665 = tpu.memref_slice %arg3[%dma_wait3A_663, %dma_wait3A_664] : memref<320000x128xf32, #tpu.memory_space<hbm>> -> memref<80x128xf32, #tpu.memory_space<hbm>>
      tpu.wait_dma2 semaphore(%dma_wait3A_658 : memref<!tpu.dma_semaphore, #tpu.memory_space<semaphore_mem>>) src(%dma_wait3A_665 : memref<80x128xf32, #tpu.memory_space<hbm>>) dst(%dma_wait3A_662 : memref<80x128xf32, #tpu.memory_space<vmem>>)
      %dma_start3A_666 = arith.constant 0 : i32
      %dma_start3A_667 = arith.constant 0 : i32
      %dma_start3A_668 = arith.constant 1 : i32
      %dma_start3A_669 = arith.constant 0 : i32
      %dma_start3A_670 = arith.constant 0 : i32
      %dma_start3A_671 = arith.constant 0 : i32
      %dma_start3A_672 = tpu.memref_slice %arg8[%dma_start3A_666, %dma_start3A_670, %dma_start3A_671] : memref<2x80x128xf32, #tpu.memory_space<vmem>> -> memref<1x80x128xf32, #tpu.memory_space<vmem>>
      %dma_start3A_673 = tpu.memref_squeeze %dma_start3A_672 : memref<1x80x128xf32, #tpu.memory_space<vmem>> -> memref<80x128xf32, #tpu.memory_space<vmem>>
      %dma_start3A_674 = arith.constant 0 : i32
      %dma_start3A_675 = tpu.memref_slice %arg7[%dma_start3A_667, %dma_start3A_668, %dma_start3A_674] : memref<2x2x80xi32, #tpu.memory_space<vmem>> -> memref<1x1x80xi32, #tpu.memory_space<vmem>>
      %dma_start3A_676 = tpu.memref_squeeze %dma_start3A_675 : memref<1x1x80xi32, #tpu.memory_space<vmem>> -> memref<80xi32, #tpu.memory_space<vmem>>
      %dma_start3A_677 = arith.constant 0 : i32
      %dma_start3A_678 = arith.constant 0 : i32
      %dma_start3A_679 = tpu.memref_slice %arg10[%dma_start3A_677, %dma_start3A_678] : memref<10112x128xf32, #tpu.memory_space<vmem_shared>> -> memref<10112x128xf32, #tpu.memory_space<vmem_shared>>
      %dma_start3A_680 = tpu.memref_slice %arg13[%dma_start3A_669] : memref<2x!tpu.dma_semaphore, #tpu.memory_space<semaphore_mem>> -> memref<1x!tpu.dma_semaphore, #tpu.memory_space<semaphore_mem>>
      %dma_start3A_681 = tpu.memref_squeeze %dma_start3A_680 : memref<1x!tpu.dma_semaphore, #tpu.memory_space<semaphore_mem>> -> memref<!tpu.dma_semaphore, #tpu.memory_space<semaphore_mem>>
      tpu.enqueue_indirect_dma source(%dma_start3A_673 : memref<80x128xf32, #tpu.memory_space<vmem>>) target(%dma_start3A_679 : memref<10112x128xf32, #tpu.memory_space<vmem_shared>>) offsets(%dma_start3A_676 : memref<80xi32, #tpu.memory_space<vmem>>) semaphore(%dma_start3A_681 : memref<!tpu.dma_semaphore, #tpu.memory_space<semaphore_mem>>) {add = true}
      %dma_start3A_682 = arith.constant 0 : i32
      %dma_start3A_683 = arith.constant 0 : i32
      %dma_start3A_684 = arith.constant 1 : i32
      %dma_start3A_685 = arith.constant 0 : i32
      %dma_start3A_686 = arith.constant 0 : i32
      %dma_start3A_687 = arith.constant 0 : i32
      %dma_start3A_688 = tpu.memref_slice %arg9[%dma_start3A_682, %dma_start3A_686, %dma_start3A_687] : memref<2x80x128xf32, #tpu.memory_space<vmem>> -> memref<1x80x128xf32, #tpu.memory_space<vmem>>
      %dma_start3A_689 = tpu.memref_squeeze %dma_start3A_688 : memref<1x80x128xf32, #tpu.memory_space<vmem>> -> memref<80x128xf32, #tpu.memory_space<vmem>>
      %dma_start3A_690 = arith.constant 0 : i32
      %dma_start3A_691 = tpu.memref_slice %arg7[%dma_start3A_683, %dma_start3A_684, %dma_start3A_690] : memref<2x2x80xi32, #tpu.memory_space<vmem>> -> memref<1x1x80xi32, #tpu.memory_space<vmem>>
      %dma_start3A_692 = tpu.memref_squeeze %dma_start3A_691 : memref<1x1x80xi32, #tpu.memory_space<vmem>> -> memref<80xi32, #tpu.memory_space<vmem>>
      %dma_start3A_693 = arith.constant 0 : i32
      %dma_start3A_694 = arith.constant 0 : i32
      %dma_start3A_695 = tpu.memref_slice %arg10[%dma_start3A_693, %dma_start3A_694] : memref<10112x128xf32, #tpu.memory_space<vmem_shared>> -> memref<10112x128xf32, #tpu.memory_space<vmem_shared>>
      %dma_start3A_696 = tpu.memref_slice %arg13[%dma_start3A_685] : memref<2x!tpu.dma_semaphore, #tpu.memory_space<semaphore_mem>> -> memref<1x!tpu.dma_semaphore, #tpu.memory_space<semaphore_mem>>
      %dma_start3A_697 = tpu.memref_squeeze %dma_start3A_696 : memref<1x!tpu.dma_semaphore, #tpu.memory_space<semaphore_mem>> -> memref<!tpu.dma_semaphore, #tpu.memory_space<semaphore_mem>>
      tpu.enqueue_indirect_dma source(%dma_start3A_689 : memref<80x128xf32, #tpu.memory_space<vmem>>) target(%dma_start3A_695 : memref<10112x128xf32, #tpu.memory_space<vmem_shared>>) offsets(%dma_start3A_692 : memref<80xi32, #tpu.memory_space<vmem>>) semaphore(%dma_start3A_697 : memref<!tpu.dma_semaphore, #tpu.memory_space<semaphore_mem>>) {add = true}
    }
    %scan3A_146 = arith.constant 61 : i32
    %dma_wait3A_147 = arith.constant 0 : i32
    %dma_wait3A_148 = arith.constant 0 : i32
    %dma_wait3A_149 = arith.constant 1 : i32
    %dma_wait3A_150 = arith.constant 0 : i32
    %dma_wait3A_151 = arith.constant 0 : i32
    %dma_wait3A_152 = arith.constant 0 : i32
    %dma_wait3A_153 = tpu.memref_slice %arg8[%dma_wait3A_147, %dma_wait3A_151, %dma_wait3A_152] : memref<2x80x128xf32, #tpu.memory_space<vmem>> -> memref<1x80x128xf32, #tpu.memory_space<vmem>>
    %dma_wait3A_154 = tpu.memref_squeeze %dma_wait3A_153 : memref<1x80x128xf32, #tpu.memory_space<vmem>> -> memref<80x128xf32, #tpu.memory_space<vmem>>
    %dma_wait3A_155 = arith.constant 0 : i32
    %dma_wait3A_156 = tpu.memref_slice %arg7[%dma_wait3A_148, %dma_wait3A_149, %dma_wait3A_155] : memref<2x2x80xi32, #tpu.memory_space<vmem>> -> memref<1x1x80xi32, #tpu.memory_space<vmem>>
    %dma_wait3A_157 = tpu.memref_squeeze %dma_wait3A_156 : memref<1x1x80xi32, #tpu.memory_space<vmem>> -> memref<80xi32, #tpu.memory_space<vmem>>
    %dma_wait3A_158 = arith.constant 0 : i32
    %dma_wait3A_159 = arith.constant 0 : i32
    %dma_wait3A_160 = tpu.memref_slice %arg10[%dma_wait3A_158, %dma_wait3A_159] : memref<10112x128xf32, #tpu.memory_space<vmem_shared>> -> memref<10112x128xf32, #tpu.memory_space<vmem_shared>>
    %dma_wait3A_161 = tpu.memref_slice %arg13[%dma_wait3A_150] : memref<2x!tpu.dma_semaphore, #tpu.memory_space<semaphore_mem>> -> memref<1x!tpu.dma_semaphore, #tpu.memory_space<semaphore_mem>>
    %dma_wait3A_162 = tpu.memref_squeeze %dma_wait3A_161 : memref<1x!tpu.dma_semaphore, #tpu.memory_space<semaphore_mem>> -> memref<!tpu.dma_semaphore, #tpu.memory_space<semaphore_mem>>
    tpu.wait_indirect_dma semaphore(%dma_wait3A_162 : memref<!tpu.dma_semaphore, #tpu.memory_space<semaphore_mem>>) src(%dma_wait3A_154 : memref<80x128xf32, #tpu.memory_space<vmem>>) dst(%dma_wait3A_160 : memref<10112x128xf32, #tpu.memory_space<vmem_shared>>)
    %dma_wait3A_163 = arith.constant 0 : i32
    %dma_wait3A_164 = arith.constant 0 : i32
    %dma_wait3A_165 = arith.constant 1 : i32
    %dma_wait3A_166 = arith.constant 0 : i32
    %dma_wait3A_167 = arith.constant 0 : i32
    %dma_wait3A_168 = arith.constant 0 : i32
    %dma_wait3A_169 = tpu.memref_slice %arg9[%dma_wait3A_163, %dma_wait3A_167, %dma_wait3A_168] : memref<2x80x128xf32, #tpu.memory_space<vmem>> -> memref<1x80x128xf32, #tpu.memory_space<vmem>>
    %dma_wait3A_170 = tpu.memref_squeeze %dma_wait3A_169 : memref<1x80x128xf32, #tpu.memory_space<vmem>> -> memref<80x128xf32, #tpu.memory_space<vmem>>
    %dma_wait3A_171 = arith.constant 0 : i32
    %dma_wait3A_172 = tpu.memref_slice %arg7[%dma_wait3A_164, %dma_wait3A_165, %dma_wait3A_171] : memref<2x2x80xi32, #tpu.memory_space<vmem>> -> memref<1x1x80xi32, #tpu.memory_space<vmem>>
    %dma_wait3A_173 = tpu.memref_squeeze %dma_wait3A_172 : memref<1x1x80xi32, #tpu.memory_space<vmem>> -> memref<80xi32, #tpu.memory_space<vmem>>
    %dma_wait3A_174 = arith.constant 0 : i32
    %dma_wait3A_175 = arith.constant 0 : i32
    %dma_wait3A_176 = tpu.memref_slice %arg10[%dma_wait3A_174, %dma_wait3A_175] : memref<10112x128xf32, #tpu.memory_space<vmem_shared>> -> memref<10112x128xf32, #tpu.memory_space<vmem_shared>>
    %dma_wait3A_177 = tpu.memref_slice %arg13[%dma_wait3A_166] : memref<2x!tpu.dma_semaphore, #tpu.memory_space<semaphore_mem>> -> memref<1x!tpu.dma_semaphore, #tpu.memory_space<semaphore_mem>>
    %dma_wait3A_178 = tpu.memref_squeeze %dma_wait3A_177 : memref<1x!tpu.dma_semaphore, #tpu.memory_space<semaphore_mem>> -> memref<!tpu.dma_semaphore, #tpu.memory_space<semaphore_mem>>
    tpu.wait_indirect_dma semaphore(%dma_wait3A_178 : memref<!tpu.dma_semaphore, #tpu.memory_space<semaphore_mem>>) src(%dma_wait3A_170 : memref<80x128xf32, #tpu.memory_space<vmem>>) dst(%dma_wait3A_176 : memref<10112x128xf32, #tpu.memory_space<vmem_shared>>)
    %add3A_179 = arith.constant 3968 : i32
    %add3A_180 = arith.addi %add3A, %add3A_179 : i32
    %run_scoped3A_181 = arith.constant 0 : i32
    "tpu.region"() ({
      %run_scoped3A_417 = tpu.sem_alloc : memref<!tpu.dma_semaphore, #tpu.memory_space<semaphore_mem>>
      %dma_start3A_418 = arith.constant 0 : i32
      %dma_start3A_419 = arith.constant 0 : i32
      %dma_start3A_420 = tpu.memref_slice %arg7[%run_scoped3A_181, %dma_start3A_418, %dma_start3A_419] : memref<2x2x80xi32, #tpu.memory_space<vmem>> -> memref<1x2x80xi32, #tpu.memory_space<vmem>>
      %dma_start3A_421 = tpu.memref_squeeze %dma_start3A_420 : memref<1x2x80xi32, #tpu.memory_space<vmem>> -> memref<2x80xi32, #tpu.memory_space<vmem>>
      %dma_start3A_422 = arith.constant 0 : i32
      %dma_start3A_423 = arith.constant 0 : i32
      %dma_start3A_424 = tpu.memref_slice %arg4[%add3A_180, %dma_start3A_422, %dma_start3A_423] : memref<4000x2x80xi32, #tpu.memory_space<hbm>> -> memref<1x2x80xi32, #tpu.memory_space<hbm>>
      %dma_start3A_425 = tpu.memref_squeeze %dma_start3A_424 : memref<1x2x80xi32, #tpu.memory_space<hbm>> -> memref<2x80xi32, #tpu.memory_space<hbm>>
      %dma_start3A_426 = arith.constant 0 : i32
      %dma_start3A_427 = arith.constant 0 : i32
      %dma_start3A_428 = tpu.memref_slice %arg7[%run_scoped3A_181, %dma_start3A_426, %dma_start3A_427] : memref<2x2x80xi32, #tpu.memory_space<vmem>> -> memref<1x2x80xi32, #tpu.memory_space<vmem>>
      %dma_start3A_429 = tpu.memref_squeeze %dma_start3A_428 : memref<1x2x80xi32, #tpu.memory_space<vmem>> -> memref<2x80xi32, #tpu.memory_space<vmem>>
      %dma_start3A_430 = arith.constant 0 : i32
      %dma_start3A_431 = arith.constant 0 : i32
      %dma_start3A_432 = tpu.memref_slice %arg4[%add3A_180, %dma_start3A_430, %dma_start3A_431] : memref<4000x2x80xi32, #tpu.memory_space<hbm>> -> memref<1x2x80xi32, #tpu.memory_space<hbm>>
      %dma_start3A_433 = tpu.memref_squeeze %dma_start3A_432 : memref<1x2x80xi32, #tpu.memory_space<hbm>> -> memref<2x80xi32, #tpu.memory_space<hbm>>
      tpu.enqueue_dma source(%dma_start3A_433 : memref<2x80xi32, #tpu.memory_space<hbm>>) target(%dma_start3A_429 : memref<2x80xi32, #tpu.memory_space<vmem>>) target_semaphore(%run_scoped3A_417 : memref<!tpu.dma_semaphore, #tpu.memory_space<semaphore_mem>>)
      %dma_wait3A_434 = arith.constant 0 : i32
      %dma_wait3A_435 = arith.constant 0 : i32
      %dma_wait3A_436 = tpu.memref_slice %arg7[%run_scoped3A_181, %dma_wait3A_434, %dma_wait3A_435] : memref<2x2x80xi32, #tpu.memory_space<vmem>> -> memref<1x2x80xi32, #tpu.memory_space<vmem>>
      %dma_wait3A_437 = tpu.memref_squeeze %dma_wait3A_436 : memref<1x2x80xi32, #tpu.memory_space<vmem>> -> memref<2x80xi32, #tpu.memory_space<vmem>>
      %dma_wait3A_438 = arith.constant 0 : i32
      %dma_wait3A_439 = arith.constant 0 : i32
      %dma_wait3A_440 = tpu.memref_slice %arg4[%add3A_180, %dma_wait3A_438, %dma_wait3A_439] : memref<4000x2x80xi32, #tpu.memory_space<hbm>> -> memref<1x2x80xi32, #tpu.memory_space<hbm>>
      %dma_wait3A_441 = tpu.memref_squeeze %dma_wait3A_440 : memref<1x2x80xi32, #tpu.memory_space<hbm>> -> memref<2x80xi32, #tpu.memory_space<hbm>>
      %dma_wait3A_442 = arith.constant 0 : i32
      %dma_wait3A_443 = arith.constant 0 : i32
      %dma_wait3A_444 = tpu.memref_slice %arg7[%run_scoped3A_181, %dma_wait3A_442, %dma_wait3A_443] : memref<2x2x80xi32, #tpu.memory_space<vmem>> -> memref<1x2x80xi32, #tpu.memory_space<vmem>>
      %dma_wait3A_445 = tpu.memref_squeeze %dma_wait3A_444 : memref<1x2x80xi32, #tpu.memory_space<vmem>> -> memref<2x80xi32, #tpu.memory_space<vmem>>
      %dma_wait3A_446 = arith.constant 0 : i32
      %dma_wait3A_447 = arith.constant 0 : i32
      %dma_wait3A_448 = tpu.memref_slice %arg4[%add3A_180, %dma_wait3A_446, %dma_wait3A_447] : memref<4000x2x80xi32, #tpu.memory_space<hbm>> -> memref<1x2x80xi32, #tpu.memory_space<hbm>>
      %dma_wait3A_449 = tpu.memref_squeeze %dma_wait3A_448 : memref<1x2x80xi32, #tpu.memory_space<hbm>> -> memref<2x80xi32, #tpu.memory_space<hbm>>
      tpu.wait_dma2 semaphore(%run_scoped3A_417 : memref<!tpu.dma_semaphore, #tpu.memory_space<semaphore_mem>>) src(%dma_wait3A_449 : memref<2x80xi32, #tpu.memory_space<hbm>>) dst(%dma_wait3A_445 : memref<2x80xi32, #tpu.memory_space<vmem>>)
      tpu.yield
    }) : () -> ()
    %dma_start3A_182 = arith.constant 0 : i32
    %dma_start3A_183 = arith.constant 0 : i32
    %dma_start3A_184 = arith.constant 0 : i32
    %dma_start3A_185 = arith.constant 0 : i32
    %dma_start3A_186 = arith.constant 0 : i32
    %dma_start3A_187 = arith.constant 0 : i32
    %dma_start3A_188 = tpu.memref_slice %arg8[%dma_start3A_184, %dma_start3A_186, %dma_start3A_187] : memref<2x80x128xf32, #tpu.memory_space<vmem>> -> memref<1x80x128xf32, #tpu.memory_space<vmem>>
    %dma_start3A_189 = tpu.memref_squeeze %dma_start3A_188 : memref<1x80x128xf32, #tpu.memory_space<vmem>> -> memref<80x128xf32, #tpu.memory_space<vmem>>
    %dma_start3A_190 = arith.constant 0 : i32
    %dma_start3A_191 = tpu.memref_slice %arg7[%dma_start3A_182, %dma_start3A_183, %dma_start3A_190] : memref<2x2x80xi32, #tpu.memory_space<vmem>> -> memref<1x1x80xi32, #tpu.memory_space<vmem>>
    %dma_start3A_192 = tpu.memref_squeeze %dma_start3A_191 : memref<1x1x80xi32, #tpu.memory_space<vmem>> -> memref<80xi32, #tpu.memory_space<vmem>>
    %dma_start3A_193 = arith.constant 0 : i32
    %dma_start3A_194 = arith.constant 0 : i32
    %dma_start3A_195 = tpu.memref_slice %arg2[%dma_start3A_193, %dma_start3A_194] : memref<10000x128xf32, #tpu.memory_space<hbm>> -> memref<10000x128xf32, #tpu.memory_space<hbm>>
    %dma_start3A_196 = tpu.memref_slice %arg11[%dma_start3A_185] : memref<2x!tpu.dma_semaphore, #tpu.memory_space<semaphore_mem>> -> memref<1x!tpu.dma_semaphore, #tpu.memory_space<semaphore_mem>>
    %dma_start3A_197 = tpu.memref_squeeze %dma_start3A_196 : memref<1x!tpu.dma_semaphore, #tpu.memory_space<semaphore_mem>> -> memref<!tpu.dma_semaphore, #tpu.memory_space<semaphore_mem>>
    tpu.enqueue_indirect_dma source(%dma_start3A_195 : memref<10000x128xf32, #tpu.memory_space<hbm>>) target(%dma_start3A_189 : memref<80x128xf32, #tpu.memory_space<vmem>>) offsets(%dma_start3A_192 : memref<80xi32, #tpu.memory_space<vmem>>) semaphore(%dma_start3A_197 : memref<!tpu.dma_semaphore, #tpu.memory_space<semaphore_mem>>)
    %mul3A_198 = arith.constant 80 : i32
    %mul3A_199 = arith.muli %add3A_180, %mul3A_198 : i32
    %dma_start3A_200 = arith.constant 0 : i32
    %dma_start3A_201 = arith.constant 0 : i32
    %dma_start3A_202 = arith.constant 0 : i32
    %dma_start3A_203 = arith.constant 0 : i32
    %dma_start3A_204 = tpu.memref_slice %arg9[%dma_start3A_200, %dma_start3A_202, %dma_start3A_203] : memref<2x80x128xf32, #tpu.memory_space<vmem>> -> memref<1x80x128xf32, #tpu.memory_space<vmem>>
    %dma_start3A_205 = tpu.memref_squeeze %dma_start3A_204 : memref<1x80x128xf32, #tpu.memory_space<vmem>> -> memref<80x128xf32, #tpu.memory_space<vmem>>
    %dma_start3A_206 = arith.constant 0 : i32
    %dma_start3A_207 = tpu.memref_slice %arg3[%mul3A_199, %dma_start3A_206] : memref<320000x128xf32, #tpu.memory_space<hbm>> -> memref<80x128xf32, #tpu.memory_space<hbm>>
    %dma_start3A_208 = tpu.memref_slice %arg12[%dma_start3A_201] : memref<2x!tpu.dma_semaphore, #tpu.memory_space<semaphore_mem>> -> memref<1x!tpu.dma_semaphore, #tpu.memory_space<semaphore_mem>>
    %dma_start3A_209 = tpu.memref_squeeze %dma_start3A_208 : memref<1x!tpu.dma_semaphore, #tpu.memory_space<semaphore_mem>> -> memref<!tpu.dma_semaphore, #tpu.memory_space<semaphore_mem>>
    %dma_start3A_210 = arith.constant 0 : i32
    %dma_start3A_211 = arith.constant 0 : i32
    %dma_start3A_212 = tpu.memref_slice %arg9[%dma_start3A_200, %dma_start3A_210, %dma_start3A_211] : memref<2x80x128xf32, #tpu.memory_space<vmem>> -> memref<1x80x128xf32, #tpu.memory_space<vmem>>
    %dma_start3A_213 = tpu.memref_squeeze %dma_start3A_212 : memref<1x80x128xf32, #tpu.memory_space<vmem>> -> memref<80x128xf32, #tpu.memory_space<vmem>>
    %dma_start3A_214 = arith.constant 0 : i32
    %dma_start3A_215 = tpu.memref_slice %arg3[%mul3A_199, %dma_start3A_214] : memref<320000x128xf32, #tpu.memory_space<hbm>> -> memref<80x128xf32, #tpu.memory_space<hbm>>
    tpu.enqueue_dma source(%dma_start3A_215 : memref<80x128xf32, #tpu.memory_space<hbm>>) target(%dma_start3A_213 : memref<80x128xf32, #tpu.memory_space<vmem>>) target_semaphore(%dma_start3A_209 : memref<!tpu.dma_semaphore, #tpu.memory_space<semaphore_mem>>)
    %dma_wait3A_216 = arith.constant 1 : i32
    %dma_wait3A_217 = arith.constant 0 : i32
    %dma_wait3A_218 = arith.constant 1 : i32
    %dma_wait3A_219 = arith.constant 1 : i32
    %dma_wait3A_220 = arith.constant 0 : i32
    %dma_wait3A_221 = arith.constant 0 : i32
    %dma_wait3A_222 = tpu.memref_slice %arg8[%dma_wait3A_218, %dma_wait3A_220, %dma_wait3A_221] : memref<2x80x128xf32, #tpu.memory_space<vmem>> -> memref<1x80x128xf32, #tpu.memory_space<vmem>>
    %dma_wait3A_223 = tpu.memref_squeeze %dma_wait3A_222 : memref<1x80x128xf32, #tpu.memory_space<vmem>> -> memref<80x128xf32, #tpu.memory_space<vmem>>
    %dma_wait3A_224 = arith.constant 0 : i32
    %dma_wait3A_225 = tpu.memref_slice %arg7[%dma_wait3A_216, %dma_wait3A_217, %dma_wait3A_224] : memref<2x2x80xi32, #tpu.memory_space<vmem>> -> memref<1x1x80xi32, #tpu.memory_space<vmem>>
    %dma_wait3A_226 = tpu.memref_squeeze %dma_wait3A_225 : memref<1x1x80xi32, #tpu.memory_space<vmem>> -> memref<80xi32, #tpu.memory_space<vmem>>
    %dma_wait3A_227 = arith.constant 0 : i32
    %dma_wait3A_228 = arith.constant 0 : i32
    %dma_wait3A_229 = tpu.memref_slice %arg2[%dma_wait3A_227, %dma_wait3A_228] : memref<10000x128xf32, #tpu.memory_space<hbm>> -> memref<10000x128xf32, #tpu.memory_space<hbm>>
    %dma_wait3A_230 = tpu.memref_slice %arg11[%dma_wait3A_219] : memref<2x!tpu.dma_semaphore, #tpu.memory_space<semaphore_mem>> -> memref<1x!tpu.dma_semaphore, #tpu.memory_space<semaphore_mem>>
    %dma_wait3A_231 = tpu.memref_squeeze %dma_wait3A_230 : memref<1x!tpu.dma_semaphore, #tpu.memory_space<semaphore_mem>> -> memref<!tpu.dma_semaphore, #tpu.memory_space<semaphore_mem>>
    tpu.wait_indirect_dma semaphore(%dma_wait3A_231 : memref<!tpu.dma_semaphore, #tpu.memory_space<semaphore_mem>>) src(%dma_wait3A_229 : memref<10000x128xf32, #tpu.memory_space<hbm>>) dst(%dma_wait3A_223 : memref<80x128xf32, #tpu.memory_space<vmem>>)
    %dma_wait3A_232 = arith.constant 1 : i32
    %dma_wait3A_233 = arith.constant 1 : i32
    %dma_wait3A_234 = arith.constant 0 : i32
    %dma_wait3A_235 = arith.constant 0 : i32
    %dma_wait3A_236 = tpu.memref_slice %arg9[%dma_wait3A_232, %dma_wait3A_234, %dma_wait3A_235] : memref<2x80x128xf32, #tpu.memory_space<vmem>> -> memref<1x80x128xf32, #tpu.memory_space<vmem>>
    %dma_wait3A_237 = tpu.memref_squeeze %dma_wait3A_236 : memref<1x80x128xf32, #tpu.memory_space<vmem>> -> memref<80x128xf32, #tpu.memory_space<vmem>>
    %dma_wait3A_238 = arith.constant 0 : i32
    %dma_wait3A_239 = arith.constant 0 : i32
    %dma_wait3A_240 = tpu.memref_slice %arg3[%dma_wait3A_238, %dma_wait3A_239] : memref<320000x128xf32, #tpu.memory_space<hbm>> -> memref<80x128xf32, #tpu.memory_space<hbm>>
    %dma_wait3A_241 = tpu.memref_slice %arg12[%dma_wait3A_233] : memref<2x!tpu.dma_semaphore, #tpu.memory_space<semaphore_mem>> -> memref<1x!tpu.dma_semaphore, #tpu.memory_space<semaphore_mem>>
    %dma_wait3A_242 = tpu.memref_squeeze %dma_wait3A_241 : memref<1x!tpu.dma_semaphore, #tpu.memory_space<semaphore_mem>> -> memref<!tpu.dma_semaphore, #tpu.memory_space<semaphore_mem>>
    %dma_wait3A_243 = arith.constant 0 : i32
    %dma_wait3A_244 = arith.constant 0 : i32
    %dma_wait3A_245 = tpu.memref_slice %arg9[%dma_wait3A_232, %dma_wait3A_243, %dma_wait3A_244] : memref<2x80x128xf32, #tpu.memory_space<vmem>> -> memref<1x80x128xf32, #tpu.memory_space<vmem>>
    %dma_wait3A_246 = tpu.memref_squeeze %dma_wait3A_245 : memref<1x80x128xf32, #tpu.memory_space<vmem>> -> memref<80x128xf32, #tpu.memory_space<vmem>>
    %dma_wait3A_247 = arith.constant 0 : i32
    %dma_wait3A_248 = arith.constant 0 : i32
    %dma_wait3A_249 = tpu.memref_slice %arg3[%dma_wait3A_247, %dma_wait3A_248] : memref<320000x128xf32, #tpu.memory_space<hbm>> -> memref<80x128xf32, #tpu.memory_space<hbm>>
    tpu.wait_dma2 semaphore(%dma_wait3A_242 : memref<!tpu.dma_semaphore, #tpu.memory_space<semaphore_mem>>) src(%dma_wait3A_249 : memref<80x128xf32, #tpu.memory_space<hbm>>) dst(%dma_wait3A_246 : memref<80x128xf32, #tpu.memory_space<vmem>>)
    %dma_start3A_250 = arith.constant 1 : i32
    %dma_start3A_251 = arith.constant 1 : i32
    %dma_start3A_252 = arith.constant 1 : i32
    %dma_start3A_253 = arith.constant 1 : i32
    %dma_start3A_254 = arith.constant 0 : i32
    %dma_start3A_255 = arith.constant 0 : i32
    %dma_start3A_256 = tpu.memref_slice %arg8[%dma_start3A_250, %dma_start3A_254, %dma_start3A_255] : memref<2x80x128xf32, #tpu.memory_space<vmem>> -> memref<1x80x128xf32, #tpu.memory_space<vmem>>
    %dma_start3A_257 = tpu.memref_squeeze %dma_start3A_256 : memref<1x80x128xf32, #tpu.memory_space<vmem>> -> memref<80x128xf32, #tpu.memory_space<vmem>>
    %dma_start3A_258 = arith.constant 0 : i32
    %dma_start3A_259 = tpu.memref_slice %arg7[%dma_start3A_251, %dma_start3A_252, %dma_start3A_258] : memref<2x2x80xi32, #tpu.memory_space<vmem>> -> memref<1x1x80xi32, #tpu.memory_space<vmem>>
    %dma_start3A_260 = tpu.memref_squeeze %dma_start3A_259 : memref<1x1x80xi32, #tpu.memory_space<vmem>> -> memref<80xi32, #tpu.memory_space<vmem>>
    %dma_start3A_261 = arith.constant 0 : i32
    %dma_start3A_262 = arith.constant 0 : i32
    %dma_start3A_263 = tpu.memref_slice %arg10[%dma_start3A_261, %dma_start3A_262] : memref<10112x128xf32, #tpu.memory_space<vmem_shared>> -> memref<10112x128xf32, #tpu.memory_space<vmem_shared>>
    %dma_start3A_264 = tpu.memref_slice %arg13[%dma_start3A_253] : memref<2x!tpu.dma_semaphore, #tpu.memory_space<semaphore_mem>> -> memref<1x!tpu.dma_semaphore, #tpu.memory_space<semaphore_mem>>
    %dma_start3A_265 = tpu.memref_squeeze %dma_start3A_264 : memref<1x!tpu.dma_semaphore, #tpu.memory_space<semaphore_mem>> -> memref<!tpu.dma_semaphore, #tpu.memory_space<semaphore_mem>>
    tpu.enqueue_indirect_dma source(%dma_start3A_257 : memref<80x128xf32, #tpu.memory_space<vmem>>) target(%dma_start3A_263 : memref<10112x128xf32, #tpu.memory_space<vmem_shared>>) offsets(%dma_start3A_260 : memref<80xi32, #tpu.memory_space<vmem>>) semaphore(%dma_start3A_265 : memref<!tpu.dma_semaphore, #tpu.memory_space<semaphore_mem>>) {add = true}
    %dma_start3A_266 = arith.constant 1 : i32
    %dma_start3A_267 = arith.constant 1 : i32
    %dma_start3A_268 = arith.constant 1 : i32
    %dma_start3A_269 = arith.constant 1 : i32
    %dma_start3A_270 = arith.constant 0 : i32
    %dma_start3A_271 = arith.constant 0 : i32
    %dma_start3A_272 = tpu.memref_slice %arg9[%dma_start3A_266, %dma_start3A_270, %dma_start3A_271] : memref<2x80x128xf32, #tpu.memory_space<vmem>> -> memref<1x80x128xf32, #tpu.memory_space<vmem>>
    %dma_start3A_273 = tpu.memref_squeeze %dma_start3A_272 : memref<1x80x128xf32, #tpu.memory_space<vmem>> -> memref<80x128xf32, #tpu.memory_space<vmem>>
    %dma_start3A_274 = arith.constant 0 : i32
    %dma_start3A_275 = tpu.memref_slice %arg7[%dma_start3A_267, %dma_start3A_268, %dma_start3A_274] : memref<2x2x80xi32, #tpu.memory_space<vmem>> -> memref<1x1x80xi32, #tpu.memory_space<vmem>>
    %dma_start3A_276 = tpu.memref_squeeze %dma_start3A_275 : memref<1x1x80xi32, #tpu.memory_space<vmem>> -> memref<80xi32, #tpu.memory_space<vmem>>
    %dma_start3A_277 = arith.constant 0 : i32
    %dma_start3A_278 = arith.constant 0 : i32
    %dma_start3A_279 = tpu.memref_slice %arg10[%dma_start3A_277, %dma_start3A_278] : memref<10112x128xf32, #tpu.memory_space<vmem_shared>> -> memref<10112x128xf32, #tpu.memory_space<vmem_shared>>
    %dma_start3A_280 = tpu.memref_slice %arg13[%dma_start3A_269] : memref<2x!tpu.dma_semaphore, #tpu.memory_space<semaphore_mem>> -> memref<1x!tpu.dma_semaphore, #tpu.memory_space<semaphore_mem>>
    %dma_start3A_281 = tpu.memref_squeeze %dma_start3A_280 : memref<1x!tpu.dma_semaphore, #tpu.memory_space<semaphore_mem>> -> memref<!tpu.dma_semaphore, #tpu.memory_space<semaphore_mem>>
    tpu.enqueue_indirect_dma source(%dma_start3A_273 : memref<80x128xf32, #tpu.memory_space<vmem>>) target(%dma_start3A_279 : memref<10112x128xf32, #tpu.memory_space<vmem_shared>>) offsets(%dma_start3A_276 : memref<80xi32, #tpu.memory_space<vmem>>) semaphore(%dma_start3A_281 : memref<!tpu.dma_semaphore, #tpu.memory_space<semaphore_mem>>) {add = true}
    %dma_wait3A_282 = arith.constant 0 : i32
    %dma_wait3A_283 = arith.constant 0 : i32
    %dma_wait3A_284 = arith.constant 0 : i32
    %dma_wait3A_285 = arith.constant 0 : i32
    %dma_wait3A_286 = arith.constant 0 : i32
    %dma_wait3A_287 = arith.constant 0 : i32
    %dma_wait3A_288 = tpu.memref_slice %arg8[%dma_wait3A_284, %dma_wait3A_286, %dma_wait3A_287] : memref<2x80x128xf32, #tpu.memory_space<vmem>> -> memref<1x80x128xf32, #tpu.memory_space<vmem>>
    %dma_wait3A_289 = tpu.memref_squeeze %dma_wait3A_288 : memref<1x80x128xf32, #tpu.memory_space<vmem>> -> memref<80x128xf32, #tpu.memory_space<vmem>>
    %dma_wait3A_290 = arith.constant 0 : i32
    %dma_wait3A_291 = tpu.memref_slice %arg7[%dma_wait3A_282, %dma_wait3A_283, %dma_wait3A_290] : memref<2x2x80xi32, #tpu.memory_space<vmem>> -> memref<1x1x80xi32, #tpu.memory_space<vmem>>
    %dma_wait3A_292 = tpu.memref_squeeze %dma_wait3A_291 : memref<1x1x80xi32, #tpu.memory_space<vmem>> -> memref<80xi32, #tpu.memory_space<vmem>>
    %dma_wait3A_293 = arith.constant 0 : i32
    %dma_wait3A_294 = arith.constant 0 : i32
    %dma_wait3A_295 = tpu.memref_slice %arg2[%dma_wait3A_293, %dma_wait3A_294] : memref<10000x128xf32, #tpu.memory_space<hbm>> -> memref<10000x128xf32, #tpu.memory_space<hbm>>
    %dma_wait3A_296 = tpu.memref_slice %arg11[%dma_wait3A_285] : memref<2x!tpu.dma_semaphore, #tpu.memory_space<semaphore_mem>> -> memref<1x!tpu.dma_semaphore, #tpu.memory_space<semaphore_mem>>
    %dma_wait3A_297 = tpu.memref_squeeze %dma_wait3A_296 : memref<1x!tpu.dma_semaphore, #tpu.memory_space<semaphore_mem>> -> memref<!tpu.dma_semaphore, #tpu.memory_space<semaphore_mem>>
    tpu.wait_indirect_dma semaphore(%dma_wait3A_297 : memref<!tpu.dma_semaphore, #tpu.memory_space<semaphore_mem>>) src(%dma_wait3A_295 : memref<10000x128xf32, #tpu.memory_space<hbm>>) dst(%dma_wait3A_289 : memref<80x128xf32, #tpu.memory_space<vmem>>)
    %dma_wait3A_298 = arith.constant 0 : i32
    %dma_wait3A_299 = arith.constant 0 : i32
    %dma_wait3A_300 = arith.constant 0 : i32
    %dma_wait3A_301 = arith.constant 0 : i32
    %dma_wait3A_302 = tpu.memref_slice %arg9[%dma_wait3A_298, %dma_wait3A_300, %dma_wait3A_301] : memref<2x80x128xf32, #tpu.memory_space<vmem>> -> memref<1x80x128xf32, #tpu.memory_space<vmem>>
    %dma_wait3A_303 = tpu.memref_squeeze %dma_wait3A_302 : memref<1x80x128xf32, #tpu.memory_space<vmem>> -> memref<80x128xf32, #tpu.memory_space<vmem>>
    %dma_wait3A_304 = arith.constant 0 : i32
    %dma_wait3A_305 = arith.constant 0 : i32
    %dma_wait3A_306 = tpu.memref_slice %arg3[%dma_wait3A_304, %dma_wait3A_305] : memref<320000x128xf32, #tpu.memory_space<hbm>> -> memref<80x128xf32, #tpu.memory_space<hbm>>
    %dma_wait3A_307 = tpu.memref_slice %arg12[%dma_wait3A_299] : memref<2x!tpu.dma_semaphore, #tpu.memory_space<semaphore_mem>> -> memref<1x!tpu.dma_semaphore, #tpu.memory_space<semaphore_mem>>
    %dma_wait3A_308 = tpu.memref_squeeze %dma_wait3A_307 : memref<1x!tpu.dma_semaphore, #tpu.memory_space<semaphore_mem>> -> memref<!tpu.dma_semaphore, #tpu.memory_space<semaphore_mem>>
    %dma_wait3A_309 = arith.constant 0 : i32
    %dma_wait3A_310 = arith.constant 0 : i32
    %dma_wait3A_311 = tpu.memref_slice %arg9[%dma_wait3A_298, %dma_wait3A_309, %dma_wait3A_310] : memref<2x80x128xf32, #tpu.memory_space<vmem>> -> memref<1x80x128xf32, #tpu.memory_space<vmem>>
    %dma_wait3A_312 = tpu.memref_squeeze %dma_wait3A_311 : memref<1x80x128xf32, #tpu.memory_space<vmem>> -> memref<80x128xf32, #tpu.memory_space<vmem>>
    %dma_wait3A_313 = arith.constant 0 : i32
    %dma_wait3A_314 = arith.constant 0 : i32
    %dma_wait3A_315 = tpu.memref_slice %arg3[%dma_wait3A_313, %dma_wait3A_314] : memref<320000x128xf32, #tpu.memory_space<hbm>> -> memref<80x128xf32, #tpu.memory_space<hbm>>
    tpu.wait_dma2 semaphore(%dma_wait3A_308 : memref<!tpu.dma_semaphore, #tpu.memory_space<semaphore_mem>>) src(%dma_wait3A_315 : memref<80x128xf32, #tpu.memory_space<hbm>>) dst(%dma_wait3A_312 : memref<80x128xf32, #tpu.memory_space<vmem>>)
    %dma_start3A_316 = arith.constant 0 : i32
    %dma_start3A_317 = arith.constant 0 : i32
    %dma_start3A_318 = arith.constant 1 : i32
    %dma_start3A_319 = arith.constant 0 : i32
    %dma_start3A_320 = arith.constant 0 : i32
    %dma_start3A_321 = arith.constant 0 : i32
    %dma_start3A_322 = tpu.memref_slice %arg8[%dma_start3A_316, %dma_start3A_320, %dma_start3A_321] : memref<2x80x128xf32, #tpu.memory_space<vmem>> -> memref<1x80x128xf32, #tpu.memory_space<vmem>>
    %dma_start3A_323 = tpu.memref_squeeze %dma_start3A_322 : memref<1x80x128xf32, #tpu.memory_space<vmem>> -> memref<80x128xf32, #tpu.memory_space<vmem>>
    %dma_start3A_324 = arith.constant 0 : i32
    %dma_start3A_325 = tpu.memref_slice %arg7[%dma_start3A_317, %dma_start3A_318, %dma_start3A_324] : memref<2x2x80xi32, #tpu.memory_space<vmem>> -> memref<1x1x80xi32, #tpu.memory_space<vmem>>
    %dma_start3A_326 = tpu.memref_squeeze %dma_start3A_325 : memref<1x1x80xi32, #tpu.memory_space<vmem>> -> memref<80xi32, #tpu.memory_space<vmem>>
    %dma_start3A_327 = arith.constant 0 : i32
    %dma_start3A_328 = arith.constant 0 : i32
    %dma_start3A_329 = tpu.memref_slice %arg10[%dma_start3A_327, %dma_start3A_328] : memref<10112x128xf32, #tpu.memory_space<vmem_shared>> -> memref<10112x128xf32, #tpu.memory_space<vmem_shared>>
    %dma_start3A_330 = tpu.memref_slice %arg13[%dma_start3A_319] : memref<2x!tpu.dma_semaphore, #tpu.memory_space<semaphore_mem>> -> memref<1x!tpu.dma_semaphore, #tpu.memory_space<semaphore_mem>>
    %dma_start3A_331 = tpu.memref_squeeze %dma_start3A_330 : memref<1x!tpu.dma_semaphore, #tpu.memory_space<semaphore_mem>> -> memref<!tpu.dma_semaphore, #tpu.memory_space<semaphore_mem>>
    tpu.enqueue_indirect_dma source(%dma_start3A_323 : memref<80x128xf32, #tpu.memory_space<vmem>>) target(%dma_start3A_329 : memref<10112x128xf32, #tpu.memory_space<vmem_shared>>) offsets(%dma_start3A_326 : memref<80xi32, #tpu.memory_space<vmem>>) semaphore(%dma_start3A_331 : memref<!tpu.dma_semaphore, #tpu.memory_space<semaphore_mem>>) {add = true}
    %dma_start3A_332 = arith.constant 0 : i32
    %dma_start3A_333 = arith.constant 0 : i32
    %dma_start3A_334 = arith.constant 1 : i32
    %dma_start3A_335 = arith.constant 0 : i32
    %dma_start3A_336 = arith.constant 0 : i32
    %dma_start3A_337 = arith.constant 0 : i32
    %dma_start3A_338 = tpu.memref_slice %arg9[%dma_start3A_332, %dma_start3A_336, %dma_start3A_337] : memref<2x80x128xf32, #tpu.memory_space<vmem>> -> memref<1x80x128xf32, #tpu.memory_space<vmem>>
    %dma_start3A_339 = tpu.memref_squeeze %dma_start3A_338 : memref<1x80x128xf32, #tpu.memory_space<vmem>> -> memref<80x128xf32, #tpu.memory_space<vmem>>
    %dma_start3A_340 = arith.constant 0 : i32
    %dma_start3A_341 = tpu.memref_slice %arg7[%dma_start3A_333, %dma_start3A_334, %dma_start3A_340] : memref<2x2x80xi32, #tpu.memory_space<vmem>> -> memref<1x1x80xi32, #tpu.memory_space<vmem>>
    %dma_start3A_342 = tpu.memref_squeeze %dma_start3A_341 : memref<1x1x80xi32, #tpu.memory_space<vmem>> -> memref<80xi32, #tpu.memory_space<vmem>>
    %dma_start3A_343 = arith.constant 0 : i32
    %dma_start3A_344 = arith.constant 0 : i32
    %dma_start3A_345 = tpu.memref_slice %arg10[%dma_start3A_343, %dma_start3A_344] : memref<10112x128xf32, #tpu.memory_space<vmem_shared>> -> memref<10112x128xf32, #tpu.memory_space<vmem_shared>>
    %dma_start3A_346 = tpu.memref_slice %arg13[%dma_start3A_335] : memref<2x!tpu.dma_semaphore, #tpu.memory_space<semaphore_mem>> -> memref<1x!tpu.dma_semaphore, #tpu.memory_space<semaphore_mem>>
    %dma_start3A_347 = tpu.memref_squeeze %dma_start3A_346 : memref<1x!tpu.dma_semaphore, #tpu.memory_space<semaphore_mem>> -> memref<!tpu.dma_semaphore, #tpu.memory_space<semaphore_mem>>
    tpu.enqueue_indirect_dma source(%dma_start3A_339 : memref<80x128xf32, #tpu.memory_space<vmem>>) target(%dma_start3A_345 : memref<10112x128xf32, #tpu.memory_space<vmem_shared>>) offsets(%dma_start3A_342 : memref<80xi32, #tpu.memory_space<vmem>>) semaphore(%dma_start3A_347 : memref<!tpu.dma_semaphore, #tpu.memory_space<semaphore_mem>>) {add = true}
    %dma_wait3A_348 = arith.constant 1 : i32
    %dma_wait3A_349 = arith.constant 1 : i32
    %dma_wait3A_350 = arith.constant 1 : i32
    %dma_wait3A_351 = arith.constant 1 : i32
    %dma_wait3A_352 = arith.constant 0 : i32
    %dma_wait3A_353 = arith.constant 0 : i32
    %dma_wait3A_354 = tpu.memref_slice %arg8[%dma_wait3A_348, %dma_wait3A_352, %dma_wait3A_353] : memref<2x80x128xf32, #tpu.memory_space<vmem>> -> memref<1x80x128xf32, #tpu.memory_space<vmem>>
    %dma_wait3A_355 = tpu.memref_squeeze %dma_wait3A_354 : memref<1x80x128xf32, #tpu.memory_space<vmem>> -> memref<80x128xf32, #tpu.memory_space<vmem>>
    %dma_wait3A_356 = arith.constant 0 : i32
    %dma_wait3A_357 = tpu.memref_slice %arg7[%dma_wait3A_349, %dma_wait3A_350, %dma_wait3A_356] : memref<2x2x80xi32, #tpu.memory_space<vmem>> -> memref<1x1x80xi32, #tpu.memory_space<vmem>>
    %dma_wait3A_358 = tpu.memref_squeeze %dma_wait3A_357 : memref<1x1x80xi32, #tpu.memory_space<vmem>> -> memref<80xi32, #tpu.memory_space<vmem>>
    %dma_wait3A_359 = arith.constant 0 : i32
    %dma_wait3A_360 = arith.constant 0 : i32
    %dma_wait3A_361 = tpu.memref_slice %arg10[%dma_wait3A_359, %dma_wait3A_360] : memref<10112x128xf32, #tpu.memory_space<vmem_shared>> -> memref<10112x128xf32, #tpu.memory_space<vmem_shared>>
    %dma_wait3A_362 = tpu.memref_slice %arg13[%dma_wait3A_351] : memref<2x!tpu.dma_semaphore, #tpu.memory_space<semaphore_mem>> -> memref<1x!tpu.dma_semaphore, #tpu.memory_space<semaphore_mem>>
    %dma_wait3A_363 = tpu.memref_squeeze %dma_wait3A_362 : memref<1x!tpu.dma_semaphore, #tpu.memory_space<semaphore_mem>> -> memref<!tpu.dma_semaphore, #tpu.memory_space<semaphore_mem>>
    tpu.wait_indirect_dma semaphore(%dma_wait3A_363 : memref<!tpu.dma_semaphore, #tpu.memory_space<semaphore_mem>>) src(%dma_wait3A_355 : memref<80x128xf32, #tpu.memory_space<vmem>>) dst(%dma_wait3A_361 : memref<10112x128xf32, #tpu.memory_space<vmem_shared>>)
    %dma_wait3A_364 = arith.constant 1 : i32
    %dma_wait3A_365 = arith.constant 1 : i32
    %dma_wait3A_366 = arith.constant 1 : i32
    %dma_wait3A_367 = arith.constant 1 : i32
    %dma_wait3A_368 = arith.constant 0 : i32
    %dma_wait3A_369 = arith.constant 0 : i32
    %dma_wait3A_370 = tpu.memref_slice %arg9[%dma_wait3A_364, %dma_wait3A_368, %dma_wait3A_369] : memref<2x80x128xf32, #tpu.memory_space<vmem>> -> memref<1x80x128xf32, #tpu.memory_space<vmem>>
    %dma_wait3A_371 = tpu.memref_squeeze %dma_wait3A_370 : memref<1x80x128xf32, #tpu.memory_space<vmem>> -> memref<80x128xf32, #tpu.memory_space<vmem>>
    %dma_wait3A_372 = arith.constant 0 : i32
    %dma_wait3A_373 = tpu.memref_slice %arg7[%dma_wait3A_365, %dma_wait3A_366, %dma_wait3A_372] : memref<2x2x80xi32, #tpu.memory_space<vmem>> -> memref<1x1x80xi32, #tpu.memory_space<vmem>>
    %dma_wait3A_374 = tpu.memref_squeeze %dma_wait3A_373 : memref<1x1x80xi32, #tpu.memory_space<vmem>> -> memref<80xi32, #tpu.memory_space<vmem>>
    %dma_wait3A_375 = arith.constant 0 : i32
    %dma_wait3A_376 = arith.constant 0 : i32
    %dma_wait3A_377 = tpu.memref_slice %arg10[%dma_wait3A_375, %dma_wait3A_376] : memref<10112x128xf32, #tpu.memory_space<vmem_shared>> -> memref<10112x128xf32, #tpu.memory_space<vmem_shared>>
    %dma_wait3A_378 = tpu.memref_slice %arg13[%dma_wait3A_367] : memref<2x!tpu.dma_semaphore, #tpu.memory_space<semaphore_mem>> -> memref<1x!tpu.dma_semaphore, #tpu.memory_space<semaphore_mem>>
    %dma_wait3A_379 = tpu.memref_squeeze %dma_wait3A_378 : memref<1x!tpu.dma_semaphore, #tpu.memory_space<semaphore_mem>> -> memref<!tpu.dma_semaphore, #tpu.memory_space<semaphore_mem>>
    tpu.wait_indirect_dma semaphore(%dma_wait3A_379 : memref<!tpu.dma_semaphore, #tpu.memory_space<semaphore_mem>>) src(%dma_wait3A_371 : memref<80x128xf32, #tpu.memory_space<vmem>>) dst(%dma_wait3A_377 : memref<10112x128xf32, #tpu.memory_space<vmem_shared>>)
    %dma_wait3A_380 = arith.constant 0 : i32
    %dma_wait3A_381 = arith.constant 0 : i32
    %dma_wait3A_382 = arith.constant 1 : i32
    %dma_wait3A_383 = arith.constant 0 : i32
    %dma_wait3A_384 = arith.constant 0 : i32
    %dma_wait3A_385 = arith.constant 0 : i32
    %dma_wait3A_386 = tpu.memref_slice %arg8[%dma_wait3A_380, %dma_wait3A_384, %dma_wait3A_385] : memref<2x80x128xf32, #tpu.memory_space<vmem>> -> memref<1x80x128xf32, #tpu.memory_space<vmem>>
    %dma_wait3A_387 = tpu.memref_squeeze %dma_wait3A_386 : memref<1x80x128xf32, #tpu.memory_space<vmem>> -> memref<80x128xf32, #tpu.memory_space<vmem>>
    %dma_wait3A_388 = arith.constant 0 : i32
    %dma_wait3A_389 = tpu.memref_slice %arg7[%dma_wait3A_381, %dma_wait3A_382, %dma_wait3A_388] : memref<2x2x80xi32, #tpu.memory_space<vmem>> -> memref<1x1x80xi32, #tpu.memory_space<vmem>>
    %dma_wait3A_390 = tpu.memref_squeeze %dma_wait3A_389 : memref<1x1x80xi32, #tpu.memory_space<vmem>> -> memref<80xi32, #tpu.memory_space<vmem>>
    %dma_wait3A_391 = arith.constant 0 : i32
    %dma_wait3A_392 = arith.constant 0 : i32
    %dma_wait3A_393 = tpu.memref_slice %arg10[%dma_wait3A_391, %dma_wait3A_392] : memref<10112x128xf32, #tpu.memory_space<vmem_shared>> -> memref<10112x128xf32, #tpu.memory_space<vmem_shared>>
    %dma_wait3A_394 = tpu.memref_slice %arg13[%dma_wait3A_383] : memref<2x!tpu.dma_semaphore, #tpu.memory_space<semaphore_mem>> -> memref<1x!tpu.dma_semaphore, #tpu.memory_space<semaphore_mem>>
    %dma_wait3A_395 = tpu.memref_squeeze %dma_wait3A_394 : memref<1x!tpu.dma_semaphore, #tpu.memory_space<semaphore_mem>> -> memref<!tpu.dma_semaphore, #tpu.memory_space<semaphore_mem>>
    tpu.wait_indirect_dma semaphore(%dma_wait3A_395 : memref<!tpu.dma_semaphore, #tpu.memory_space<semaphore_mem>>) src(%dma_wait3A_387 : memref<80x128xf32, #tpu.memory_space<vmem>>) dst(%dma_wait3A_393 : memref<10112x128xf32, #tpu.memory_space<vmem_shared>>)
    %dma_wait3A_396 = arith.constant 0 : i32
    %dma_wait3A_397 = arith.constant 0 : i32
    %dma_wait3A_398 = arith.constant 1 : i32
    %dma_wait3A_399 = arith.constant 0 : i32
    %dma_wait3A_400 = arith.constant 0 : i32
    %dma_wait3A_401 = arith.constant 0 : i32
    %dma_wait3A_402 = tpu.memref_slice %arg9[%dma_wait3A_396, %dma_wait3A_400, %dma_wait3A_401] : memref<2x80x128xf32, #tpu.memory_space<vmem>> -> memref<1x80x128xf32, #tpu.memory_space<vmem>>
    %dma_wait3A_403 = tpu.memref_squeeze %dma_wait3A_402 : memref<1x80x128xf32, #tpu.memory_space<vmem>> -> memref<80x128xf32, #tpu.memory_space<vmem>>
    %dma_wait3A_404 = arith.constant 0 : i32
    %dma_wait3A_405 = tpu.memref_slice %arg7[%dma_wait3A_397, %dma_wait3A_398, %dma_wait3A_404] : memref<2x2x80xi32, #tpu.memory_space<vmem>> -> memref<1x1x80xi32, #tpu.memory_space<vmem>>
    %dma_wait3A_406 = tpu.memref_squeeze %dma_wait3A_405 : memref<1x1x80xi32, #tpu.memory_space<vmem>> -> memref<80xi32, #tpu.memory_space<vmem>>
    %dma_wait3A_407 = arith.constant 0 : i32
    %dma_wait3A_408 = arith.constant 0 : i32
    %dma_wait3A_409 = tpu.memref_slice %arg10[%dma_wait3A_407, %dma_wait3A_408] : memref<10112x128xf32, #tpu.memory_space<vmem_shared>> -> memref<10112x128xf32, #tpu.memory_space<vmem_shared>>
    %dma_wait3A_410 = tpu.memref_slice %arg13[%dma_wait3A_399] : memref<2x!tpu.dma_semaphore, #tpu.memory_space<semaphore_mem>> -> memref<1x!tpu.dma_semaphore, #tpu.memory_space<semaphore_mem>>
    %dma_wait3A_411 = tpu.memref_squeeze %dma_wait3A_410 : memref<1x!tpu.dma_semaphore, #tpu.memory_space<semaphore_mem>> -> memref<!tpu.dma_semaphore, #tpu.memory_space<semaphore_mem>>
    tpu.wait_indirect_dma semaphore(%dma_wait3A_411 : memref<!tpu.dma_semaphore, #tpu.memory_space<semaphore_mem>>) src(%dma_wait3A_403 : memref<80x128xf32, #tpu.memory_space<vmem>>) dst(%dma_wait3A_409 : memref<10112x128xf32, #tpu.memory_space<vmem_shared>>)
    %barrier3A_412 = arith.constant 0 : index
    tpu.barrier barrier_id(%barrier3A_412)
    %mul3A_413 = arith.constant 632 : i32
    %mul3A_414 = arith.muli %arg1, %mul3A_413 : i32
    %mul3A_415 = arith.constant 632 : i32
    %mul3A_416 = arith.muli %arg1, %mul3A_415 : i32
    "tpu.region"() ({
      %run_scoped3A_417 = tpu.sem_alloc : memref<!tpu.dma_semaphore, #tpu.memory_space<semaphore_mem>>
      %dma_start3A_418 = arith.constant 0 : i32
      %dma_start3A_419 = arith.constant 0 : i32
      %dma_start3A_420 = tpu.memref_slice %arg6[%arg0, %dma_start3A_418, %dma_start3A_419] : memref<2x10112x128xf32, #tpu.memory_space<hbm>> -> memref<1x10112x128xf32, #tpu.memory_space<hbm>>
      %dma_start3A_421 = tpu.memref_squeeze %dma_start3A_420 : memref<1x10112x128xf32, #tpu.memory_space<hbm>> -> memref<10112x128xf32, #tpu.memory_space<hbm>>
      %dma_start3A_422 = arith.constant 0 : i32
      %dma_start3A_423 = tpu.memref_slice %dma_start3A_421[%mul3A_416, %dma_start3A_422] : memref<10112x128xf32, #tpu.memory_space<hbm>> -> memref<632x128xf32, #tpu.memory_space<hbm>>
      %dma_start3A_424 = arith.constant 0 : i32
      %dma_start3A_425 = tpu.memref_slice %arg10[%mul3A_414, %dma_start3A_424] : memref<10112x128xf32, #tpu.memory_space<vmem_shared>> -> memref<632x128xf32, #tpu.memory_space<vmem_shared>>
      tpu.enqueue_dma source(%dma_start3A_425 : memref<632x128xf32, #tpu.memory_space<vmem_shared>>) target(%dma_start3A_423 : memref<632x128xf32, #tpu.memory_space<hbm>>) target_semaphore(%run_scoped3A_417 : memref<!tpu.dma_semaphore, #tpu.memory_space<semaphore_mem>>)
      %dma_wait3A_426 = arith.constant 0 : i32
      %dma_wait3A_427 = arith.constant 0 : i32
      %dma_wait3A_428 = tpu.memref_slice %arg6[%arg0, %dma_wait3A_426, %dma_wait3A_427] : memref<2x10112x128xf32, #tpu.memory_space<hbm>> -> memref<1x10112x128xf32, #tpu.memory_space<hbm>>
      %dma_wait3A_429 = tpu.memref_squeeze %dma_wait3A_428 : memref<1x10112x128xf32, #tpu.memory_space<hbm>> -> memref<10112x128xf32, #tpu.memory_space<hbm>>
      %dma_wait3A_430 = arith.constant 0 : i32
      %dma_wait3A_431 = tpu.memref_slice %dma_wait3A_429[%mul3A_416, %dma_wait3A_430] : memref<10112x128xf32, #tpu.memory_space<hbm>> -> memref<632x128xf32, #tpu.memory_space<hbm>>
      %dma_wait3A_432 = arith.constant 0 : i32
      %dma_wait3A_433 = tpu.memref_slice %arg10[%mul3A_414, %dma_wait3A_432] : memref<10112x128xf32, #tpu.memory_space<vmem_shared>> -> memref<632x128xf32, #tpu.memory_space<vmem_shared>>
      tpu.wait_dma2 semaphore(%run_scoped3A_417 : memref<!tpu.dma_semaphore, #tpu.memory_space<semaphore_mem>>) src(%dma_wait3A_433 : memref<632x128xf32, #tpu.memory_space<vmem_shared>>) dst(%dma_wait3A_431 : memref<632x128xf32, #tpu.memory_space<hbm>>)
      tpu.yield
    }) : () -> ()
    return
  }
}

#map = affine_map<(d0, d1) -> (0)>
module attributes {stable_mosaic.version = 14 : i64} {
  func.func @sc(%arg0: i32, %arg1: i32, %arg2: memref<400000xi32, #tpu.memory_space<hbm>>, %arg3: memref<10000xi32, #tpu.memory_space<hbm>>, %arg4: memref<320000xi32, #tpu.memory_space<hbm>>, %arg5: memref<4000xi32, #tpu.memory_space<vmem>>, %arg6: memref<4000xi32, #tpu.memory_space<vmem>>, %arg7: memref<10000xi32, #tpu.memory_space<vmem>>, %arg8: memref<2x!tpu.dma_semaphore, #tpu.memory_space<semaphore_mem>>) attributes {dimension_semantics = [#tpu.dimension_semantics<core_parallel>, #tpu.dimension_semantics<subcore_parallel>], iteration_bounds = array<i64: 2, 16>, scalar_prefetch = 0 : i64, scratch_operands = 4 : i64, tpu.core_type = #tpu.core_type<sc_vector_subcore>, window_params = [{transform_indices = #map}, {transform_indices = #map}, {transform_indices = #map}]} {
    %mul3A = arith.constant 16 : i32
    %mul3A_0 = arith.muli %arg0, %mul3A : i32
    %add3A = arith.addi %mul3A_0, %arg1 : i32
    %mul3A_1 = arith.constant 10000 : i32
    %mul3A_2 = arith.muli %add3A, %mul3A_1 : i32
    %max3A = arith.constant 1 : i32
    %max3A_3 = arith.maxsi %mul3A_2, %max3A : i32
    %add3A_4 = arith.constant 10000 : i32
    %add3A_5 = arith.addi %mul3A_2, %add3A_4 : i32
    %iota3A = tpu.iota {dimensions = array<i32: 0>} : vector<16xi32>
    %min3A = arith.constant 0 : i32
    %min3A_6 = arith.minsi %arg1, %min3A : i32
    %ge3A = vector.broadcast %min3A_6 : i32 to vector<16xi32>
    %ge3A_7 = arith.cmpi sge, %iota3A, %ge3A : vector<16xi32>
    "tpu.region"() ({
      %run_scoped3A = tpu.sem_alloc : memref<!tpu.dma_semaphore, #tpu.memory_space<semaphore_mem>>
      tpu.enqueue_dma source(%arg3 : memref<10000xi32, #tpu.memory_space<hbm>>) target(%arg7 : memref<10000xi32, #tpu.memory_space<vmem>>) target_semaphore(%run_scoped3A : memref<!tpu.dma_semaphore, #tpu.memory_space<semaphore_mem>>)
      tpu.wait_dma2 semaphore(%run_scoped3A : memref<!tpu.dma_semaphore, #tpu.memory_space<semaphore_mem>>) src(%arg3 : memref<10000xi32, #tpu.memory_space<hbm>>) dst(%arg7 : memref<10000xi32, #tpu.memory_space<vmem>>)
      tpu.yield
    }) : () -> ()
    %dma_start3A = arith.constant 0 : i32
    %dma_start3A_8 = arith.constant 0 : i32
    %dma_start3A_9 = tpu.memref_slice %arg2[%dma_start3A_8] : memref<400000xi32, #tpu.memory_space<hbm>> -> memref<4000xi32, #tpu.memory_space<hbm>>
    %dma_start3A_10 = tpu.memref_slice %arg8[%dma_start3A] : memref<2x!tpu.dma_semaphore, #tpu.memory_space<semaphore_mem>> -> memref<1x!tpu.dma_semaphore, #tpu.memory_space<semaphore_mem>>
    %dma_start3A_11 = tpu.memref_squeeze %dma_start3A_10 : memref<1x!tpu.dma_semaphore, #tpu.memory_space<semaphore_mem>> -> memref<!tpu.dma_semaphore, #tpu.memory_space<semaphore_mem>>
    %dma_start3A_12 = arith.constant 0 : i32
    %dma_start3A_13 = tpu.memref_slice %arg2[%dma_start3A_12] : memref<400000xi32, #tpu.memory_space<hbm>> -> memref<4000xi32, #tpu.memory_space<hbm>>
    tpu.enqueue_dma source(%dma_start3A_13 : memref<4000xi32, #tpu.memory_space<hbm>>) target(%arg5 : memref<4000xi32, #tpu.memory_space<vmem>>) target_semaphore(%dma_start3A_11 : memref<!tpu.dma_semaphore, #tpu.memory_space<semaphore_mem>>)
    %scan3A = arith.constant 0 : i32
    %scan3A_14 = arith.constant 0 : i32
    %scan3A_15 = arith.constant 50 : i32
    %scan3A_16 = arith.addi %scan3A_14, %scan3A_15 : i32
    %scan3A_17 = arith.constant 1 : i32
    scf.for %scan3A_19 = %scan3A_14 to %scan3A_16 step %scan3A_17  : i32 {
      %mul3A_20 = arith.constant 2 : i32
      %mul3A_21 = arith.muli %mul3A_20, %scan3A_19 : i32
      %add3A_22 = arith.constant 0 : i32
      %add3A_23 = arith.addi %mul3A_21, %add3A_22 : i32
      %mul3A_24 = arith.constant 4000 : i32
      %mul3A_25 = arith.muli %add3A_23, %mul3A_24 : i32
      %dma_wait3A = arith.constant 0 : i32
      %dma_wait3A_26 = tpu.memref_slice %arg2[%mul3A_25] : memref<400000xi32, #tpu.memory_space<hbm>> -> memref<4000xi32, #tpu.memory_space<hbm>>
      %dma_wait3A_27 = tpu.memref_slice %arg8[%dma_wait3A] : memref<2x!tpu.dma_semaphore, #tpu.memory_space<semaphore_mem>> -> memref<1x!tpu.dma_semaphore, #tpu.memory_space<semaphore_mem>>
      %dma_wait3A_28 = tpu.memref_squeeze %dma_wait3A_27 : memref<1x!tpu.dma_semaphore, #tpu.memory_space<semaphore_mem>> -> memref<!tpu.dma_semaphore, #tpu.memory_space<semaphore_mem>>
      %dma_wait3A_29 = tpu.memref_slice %arg2[%mul3A_25] : memref<400000xi32, #tpu.memory_space<hbm>> -> memref<4000xi32, #tpu.memory_space<hbm>>
      tpu.wait_dma2 semaphore(%dma_wait3A_28 : memref<!tpu.dma_semaphore, #tpu.memory_space<semaphore_mem>>) src(%dma_wait3A_29 : memref<4000xi32, #tpu.memory_space<hbm>>) dst(%arg5 : memref<4000xi32, #tpu.memory_space<vmem>>)
      %add3A_30 = arith.constant 1 : i32
      %add3A_31 = arith.addi %add3A_23, %add3A_30 : i32
      %lt3A = arith.constant 100 : i32
      %lt3A_32 = arith.cmpi slt, %add3A_31, %lt3A : i32
      %convert_element_type3A = arith.extui %lt3A_32 : i1 to i32
      %cond3A = arith.constant 0 : i32
      %cond3A_33 = arith.cmpi ne, %convert_element_type3A, %cond3A : i32
      scf.if %cond3A_33 {
        %add3A_68 = arith.constant 1 : i32
        %add3A_69 = arith.addi %add3A_23, %add3A_68 : i32
        %mul3A_70 = arith.constant 4000 : i32
        %mul3A_71 = arith.muli %add3A_69, %mul3A_70 : i32
        %dma_start3A_72 = arith.constant 1 : i32
        %dma_start3A_73 = tpu.memref_slice %arg2[%mul3A_71] : memref<400000xi32, #tpu.memory_space<hbm>> -> memref<4000xi32, #tpu.memory_space<hbm>>
        %dma_start3A_74 = tpu.memref_slice %arg8[%dma_start3A_72] : memref<2x!tpu.dma_semaphore, #tpu.memory_space<semaphore_mem>> -> memref<1x!tpu.dma_semaphore, #tpu.memory_space<semaphore_mem>>
        %dma_start3A_75 = tpu.memref_squeeze %dma_start3A_74 : memref<1x!tpu.dma_semaphore, #tpu.memory_space<semaphore_mem>> -> memref<!tpu.dma_semaphore, #tpu.memory_space<semaphore_mem>>
        %dma_start3A_76 = tpu.memref_slice %arg2[%mul3A_71] : memref<400000xi32, #tpu.memory_space<hbm>> -> memref<4000xi32, #tpu.memory_space<hbm>>
        tpu.enqueue_dma source(%dma_start3A_76 : memref<4000xi32, #tpu.memory_space<hbm>>) target(%arg6 : memref<4000xi32, #tpu.memory_space<vmem>>) target_semaphore(%dma_start3A_75 : memref<!tpu.dma_semaphore, #tpu.memory_space<semaphore_mem>>)
      } else {
      }
      %mul3A_34 = arith.constant 4000 : i32
      %mul3A_35 = arith.muli %add3A_23, %mul3A_34 : i32
      %scan3A_36 = arith.constant 0 : i32
      %scan3A_37 = arith.constant 0 : i32
      %scan3A_38 = arith.constant 250 : i32
      %scan3A_39 = arith.addi %scan3A_37, %scan3A_38 : i32
      %scan3A_40 = arith.constant 1 : i32
      scf.for %scan3A_68 = %scan3A_37 to %scan3A_39 step %scan3A_40  : i32 {
        %mul3A_69 = arith.constant 16 : i32
        %mul3A_70 = arith.muli %scan3A_68, %mul3A_69 : i32
        %add3A_71 = vector.broadcast %mul3A_70 : i32 to vector<16xi32>
        %add3A_72 = arith.addi %add3A_71, %iota3A : vector<16xi32>
        %gather3A = tpu.vector_load_idx %arg5[%add3A_72] masked %ge3A_7 : memref<4000xi32, #tpu.memory_space<vmem>>[vector<16xi32>], vector<16xi32>, vector<16xi1>
        %ge3A_73 = vector.broadcast %max3A_3 : i32 to vector<16xi32>
        %ge3A_74 = arith.cmpi sge, %gather3A, %ge3A_73 : vector<16xi32>
        %lt3A_75 = vector.broadcast %add3A_5 : i32 to vector<16xi32>
        %lt3A_76 = arith.cmpi slt, %gather3A, %lt3A_75 : vector<16xi32>
        %and3A = arith.andi %ge3A_74, %lt3A_76 : vector<16xi1>
        %unique3A, %unique3A_77 = tpu.scan_count mask(%and3A : vector<16xi1>) value(%gather3A : vector<16xi32>) : vector<16xi1>, vector<16xi32>
        %add3A_78 = vector.broadcast %mul3A_35 : i32 to vector<16xi32>
        %add3A_79 = arith.addi %add3A_78, %add3A_72 : vector<16xi32>
        %div3A = arith.constant 40 : i32
        %div3A_80 = vector.broadcast %div3A : i32 to vector<16xi32>
        %div3A_81 = arith.divsi %add3A_79, %div3A_80 : vector<16xi32>
        %sub3A = vector.broadcast %mul3A_2 : i32 to vector<16xi32>
        %sub3A_82 = arith.subi %gather3A, %sub3A : vector<16xi32>
        tpu.vector_store_idx %arg7[%sub3A_82], %div3A_81 masked %unique3A : memref<10000xi32, #tpu.memory_space<vmem>>[vector<16xi32>], vector<16xi32>, vector<16xi1>
      }
      %scan3A_41 = arith.constant 250 : i32
      %mul3A_42 = arith.constant 2 : i32
      %mul3A_43 = arith.muli %mul3A_42, %scan3A_19 : i32
      %add3A_44 = arith.constant 1 : i32
      %add3A_45 = arith.addi %mul3A_43, %add3A_44 : i32
      %mul3A_46 = arith.constant 4000 : i32
      %mul3A_47 = arith.muli %add3A_45, %mul3A_46 : i32
      %dma_wait3A_48 = arith.constant 1 : i32
      %dma_wait3A_49 = tpu.memref_slice %arg2[%mul3A_47] : memref<400000xi32, #tpu.memory_space<hbm>> -> memref<4000xi32, #tpu.memory_space<hbm>>
      %dma_wait3A_50 = tpu.memref_slice %arg8[%dma_wait3A_48] : memref<2x!tpu.dma_semaphore, #tpu.memory_space<semaphore_mem>> -> memref<1x!tpu.dma_semaphore, #tpu.memory_space<semaphore_mem>>
      %dma_wait3A_51 = tpu.memref_squeeze %dma_wait3A_50 : memref<1x!tpu.dma_semaphore, #tpu.memory_space<semaphore_mem>> -> memref<!tpu.dma_semaphore, #tpu.memory_space<semaphore_mem>>
      %dma_wait3A_52 = tpu.memref_slice %arg2[%mul3A_47] : memref<400000xi32, #tpu.memory_space<hbm>> -> memref<4000xi32, #tpu.memory_space<hbm>>
      tpu.wait_dma2 semaphore(%dma_wait3A_51 : memref<!tpu.dma_semaphore, #tpu.memory_space<semaphore_mem>>) src(%dma_wait3A_52 : memref<4000xi32, #tpu.memory_space<hbm>>) dst(%arg6 : memref<4000xi32, #tpu.memory_space<vmem>>)
      %add3A_53 = arith.constant 1 : i32
      %add3A_54 = arith.addi %add3A_45, %add3A_53 : i32
      %lt3A_55 = arith.constant 100 : i32
      %lt3A_56 = arith.cmpi slt, %add3A_54, %lt3A_55 : i32
      %convert_element_type3A_57 = arith.extui %lt3A_56 : i1 to i32
      %cond3A_58 = arith.constant 0 : i32
      %cond3A_59 = arith.cmpi ne, %convert_element_type3A_57, %cond3A_58 : i32
      scf.if %cond3A_59 {
        %add3A_68 = arith.constant 1 : i32
        %add3A_69 = arith.addi %add3A_45, %add3A_68 : i32
        %mul3A_70 = arith.constant 4000 : i32
        %mul3A_71 = arith.muli %add3A_69, %mul3A_70 : i32
        %dma_start3A_72 = arith.constant 0 : i32
        %dma_start3A_73 = tpu.memref_slice %arg2[%mul3A_71] : memref<400000xi32, #tpu.memory_space<hbm>> -> memref<4000xi32, #tpu.memory_space<hbm>>
        %dma_start3A_74 = tpu.memref_slice %arg8[%dma_start3A_72] : memref<2x!tpu.dma_semaphore, #tpu.memory_space<semaphore_mem>> -> memref<1x!tpu.dma_semaphore, #tpu.memory_space<semaphore_mem>>
        %dma_start3A_75 = tpu.memref_squeeze %dma_start3A_74 : memref<1x!tpu.dma_semaphore, #tpu.memory_space<semaphore_mem>> -> memref<!tpu.dma_semaphore, #tpu.memory_space<semaphore_mem>>
        %dma_start3A_76 = tpu.memref_slice %arg2[%mul3A_71] : memref<400000xi32, #tpu.memory_space<hbm>> -> memref<4000xi32, #tpu.memory_space<hbm>>
        tpu.enqueue_dma source(%dma_start3A_76 : memref<4000xi32, #tpu.memory_space<hbm>>) target(%arg5 : memref<4000xi32, #tpu.memory_space<vmem>>) target_semaphore(%dma_start3A_75 : memref<!tpu.dma_semaphore, #tpu.memory_space<semaphore_mem>>)
      } else {
      }
      %mul3A_60 = arith.constant 4000 : i32
      %mul3A_61 = arith.muli %add3A_45, %mul3A_60 : i32
      %scan3A_62 = arith.constant 0 : i32
      %scan3A_63 = arith.constant 0 : i32
      %scan3A_64 = arith.constant 250 : i32
      %scan3A_65 = arith.addi %scan3A_63, %scan3A_64 : i32
      %scan3A_66 = arith.constant 1 : i32
      scf.for %scan3A_68 = %scan3A_63 to %scan3A_65 step %scan3A_66  : i32 {
        %mul3A_69 = arith.constant 16 : i32
        %mul3A_70 = arith.muli %scan3A_68, %mul3A_69 : i32
        %add3A_71 = vector.broadcast %mul3A_70 : i32 to vector<16xi32>
        %add3A_72 = arith.addi %add3A_71, %iota3A : vector<16xi32>
        %gather3A = tpu.vector_load_idx %arg6[%add3A_72] masked %ge3A_7 : memref<4000xi32, #tpu.memory_space<vmem>>[vector<16xi32>], vector<16xi32>, vector<16xi1>
        %ge3A_73 = vector.broadcast %max3A_3 : i32 to vector<16xi32>
        %ge3A_74 = arith.cmpi sge, %gather3A, %ge3A_73 : vector<16xi32>
        %lt3A_75 = vector.broadcast %add3A_5 : i32 to vector<16xi32>
        %lt3A_76 = arith.cmpi slt, %gather3A, %lt3A_75 : vector<16xi32>
        %and3A = arith.andi %ge3A_74, %lt3A_76 : vector<16xi1>
        %unique3A, %unique3A_77 = tpu.scan_count mask(%and3A : vector<16xi1>) value(%gather3A : vector<16xi32>) : vector<16xi1>, vector<16xi32>
        %add3A_78 = vector.broadcast %mul3A_61 : i32 to vector<16xi32>
        %add3A_79 = arith.addi %add3A_78, %add3A_72 : vector<16xi32>
        %div3A = arith.constant 40 : i32
        %div3A_80 = vector.broadcast %div3A : i32 to vector<16xi32>
        %div3A_81 = arith.divsi %add3A_79, %div3A_80 : vector<16xi32>
        %sub3A = vector.broadcast %mul3A_2 : i32 to vector<16xi32>
        %sub3A_82 = arith.subi %gather3A, %sub3A : vector<16xi32>
        tpu.vector_store_idx %arg7[%sub3A_82], %div3A_81 masked %unique3A : memref<10000xi32, #tpu.memory_space<vmem>>[vector<16xi32>], vector<16xi32>, vector<16xi1>
      }
      %scan3A_67 = arith.constant 250 : i32
    }
    %scan3A_18 = arith.constant 50 : i32
    "tpu.region"() ({
      %run_scoped3A = tpu.sem_alloc : memref<!tpu.dma_semaphore, #tpu.memory_space<semaphore_mem>>
      %dma_start3A_19 = tpu.memref_slice %arg4[%mul3A_2] : memref<320000xi32, #tpu.memory_space<hbm>> -> memref<10000xi32, #tpu.memory_space<hbm>>
      %dma_start3A_20 = tpu.memref_slice %arg4[%mul3A_2] : memref<320000xi32, #tpu.memory_space<hbm>> -> memref<10000xi32, #tpu.memory_space<hbm>>
      tpu.enqueue_dma source(%arg7 : memref<10000xi32, #tpu.memory_space<vmem>>) target(%dma_start3A_20 : memref<10000xi32, #tpu.memory_space<hbm>>) target_semaphore(%run_scoped3A : memref<!tpu.dma_semaphore, #tpu.memory_space<semaphore_mem>>)
      %dma_wait3A = tpu.memref_slice %arg4[%mul3A_2] : memref<320000xi32, #tpu.memory_space<hbm>> -> memref<10000xi32, #tpu.memory_space<hbm>>
      %dma_wait3A_21 = tpu.memref_slice %arg4[%mul3A_2] : memref<320000xi32, #tpu.memory_space<hbm>> -> memref<10000xi32, #tpu.memory_space<hbm>>
      tpu.wait_dma2 semaphore(%run_scoped3A : memref<!tpu.dma_semaphore, #tpu.memory_space<semaphore_mem>>) src(%arg7 : memref<10000xi32, #tpu.memory_space<vmem>>) dst(%dma_wait3A_21 : memref<10000xi32, #tpu.memory_space<hbm>>)
      tpu.yield
    }) : () -> ()
    return
  }
}

module attributes {stable_mosaic.version = 14 : i64} {
  func.func @_h0_body(%arg0: i32, %arg1: memref<2000x128xf32, #tpu.memory_space<vmem>>, %arg2: memref<128x128xf32, #tpu.memory_space<vmem>>, %arg3: memref<2000x128xf32, #tpu.memory_space<vmem>>) attributes {dimension_semantics = [#tpu.dimension_semantics<arbitrary>], iteration_bounds = array<i64: 5>, scalar_prefetch = 0 : i64, scratch_operands = 0 : i64, tpu.core_type = #tpu.core_type<tc>, window_params = [{transform_indices = @transform_0, window_bounds = array<i64: 2000, 128>}, {pipeline_mode = #tpu.pipeline_mode<synchronous>, transform_indices = @transform_1, window_bounds = array<i64: 128, 128>}, {transform_indices = @transform_2, window_bounds = array<i64: 2000, 128>}]} {
    %get3A = arith.constant 0 : index
    %get3A_0 = arith.constant 0 : index
    %get3A_1 = vector.load %arg1[%get3A, %get3A_0] : memref<2000x128xf32, #tpu.memory_space<vmem>>, vector<2000x128xf32>
    %get3A_2 = arith.constant 0 : index
    %get3A_3 = arith.constant 0 : index
    %get3A_4 = vector.load %arg2[%get3A_2, %get3A_3] : memref<128x128xf32, #tpu.memory_space<vmem>>, vector<128x128xf32>
    %dot_general3A = arith.constant dense<0.000000e+00> : vector<2000x128xf32>
    %dot_general3A_5 = tpu.matmul %get3A_1, %get3A_4, %dot_general3A {dimension_numbers = #tpu.dot_dimension_numbers<[1], [0], [0], [1], [0, 0, 1, 1], [], []>, transpose_lhs_hint = false} : vector<2000x128xf32>, vector<128x128xf32>, vector<2000x128xf32> -> vector<2000x128xf32>
    %swap3A = arith.constant 0 : index
    %swap3A_6 = arith.constant 0 : index
    %swap3A_7 = vector.load %arg3[%swap3A, %swap3A_6] : memref<2000x128xf32, #tpu.memory_space<vmem>>, vector<2000x128xf32>
    tpu.vector_store %arg3[%swap3A, %swap3A_6], %dot_general3A_5 {strides = array<i32>} : memref<2000x128xf32, #tpu.memory_space<vmem>>, vector<2000x128xf32>,
    return
  }
  func.func @transform_0(%arg0: i32) -> (i32, i32) {
    %c0_i32 = arith.constant 0 : i32
    %c0_i32_0 = arith.constant 0 : i32
    return %arg0, %c0_i32 : i32, i32
  }
  func.func @transform_1(%arg0: i32) -> (i32, i32) {
    %c0_i32 = arith.constant 0 : i32
    %c0_i32_0 = arith.constant 0 : i32
    %c0_i32_1 = arith.constant 0 : i32
    return %c0_i32, %c0_i32_0 : i32, i32
  }
  func.func @transform_2(%arg0: i32) -> (i32, i32) {
    %c0_i32 = arith.constant 0 : i32
    %c0_i32_0 = arith.constant 0 : i32
    return %arg0, %c0_i32 : i32, i32
  }
}

module attributes {stable_mosaic.version = 14 : i64} {
  func.func @_edge_body(%arg0: i32, %arg1: memref<2000x16xf32, #tpu.memory_space<vmem>>, %arg2: memref<16x128xf32, #tpu.memory_space<vmem>>, %arg3: memref<1x128xf32, #tpu.memory_space<vmem>>, %arg4: memref<128x128xf32, #tpu.memory_space<vmem>>, %arg5: memref<1x128xf32, #tpu.memory_space<vmem>>, %arg6: memref<2000x128xf32, #tpu.memory_space<vmem>>) attributes {dimension_semantics = [#tpu.dimension_semantics<arbitrary>], iteration_bounds = array<i64: 160>, scalar_prefetch = 0 : i64, scratch_operands = 0 : i64, tpu.core_type = #tpu.core_type<tc>, window_params = [{transform_indices = @transform_0, window_bounds = array<i64: 2000, 16>}, {pipeline_mode = #tpu.pipeline_mode<synchronous>, transform_indices = @transform_1, window_bounds = array<i64: 16, 128>}, {pipeline_mode = #tpu.pipeline_mode<synchronous>, transform_indices = @transform_2, window_bounds = array<i64: 1, 128>}, {pipeline_mode = #tpu.pipeline_mode<synchronous>, transform_indices = @transform_3, window_bounds = array<i64: 128, 128>}, {pipeline_mode = #tpu.pipeline_mode<synchronous>, transform_indices = @transform_4, window_bounds = array<i64: 1, 128>}, {transform_indices = @transform_5, window_bounds = array<i64: 2000, 128>}]} {
    %get3A = arith.constant 0 : index
    %get3A_0 = arith.constant 0 : index
    %get3A_1 = vector.load %arg1[%get3A, %get3A_0] : memref<2000x16xf32, #tpu.memory_space<vmem>>, vector<2000x16xf32>
    %get3A_2 = arith.constant 0 : index
    %get3A_3 = arith.constant 0 : index
    %get3A_4 = vector.load %arg2[%get3A_2, %get3A_3] : memref<16x128xf32, #tpu.memory_space<vmem>>, vector<16x128xf32>
    %dot_general3A = arith.constant dense<0.000000e+00> : vector<2000x128xf32>
    %dot_general3A_5 = tpu.matmul %get3A_1, %get3A_4, %dot_general3A {dimension_numbers = #tpu.dot_dimension_numbers<[1], [0], [0], [1], [0, 0, 1, 1], [], []>, transpose_lhs_hint = false} : vector<2000x16xf32>, vector<16x128xf32>, vector<2000x128xf32> -> vector<2000x128xf32>
    %get3A_6 = arith.constant 0 : index
    %get3A_7 = arith.constant 0 : index
    %get3A_8 = vector.load %arg3[%get3A_6, %get3A_7] : memref<1x128xf32, #tpu.memory_space<vmem>>, vector<1x128xf32>
    %add3A = vector.broadcast %get3A_8 : vector<1x128xf32> to vector<2000x128xf32>
    %add3A_9 = arith.addf %dot_general3A_5, %add3A : vector<2000x128xf32>
    %max3A = arith.constant 0.000000e+00 : f32
    %max3A_10 = vector.broadcast %max3A : f32 to vector<2000x128xf32>
    %max3A_11 = arith.maximumf %add3A_9, %max3A_10 : vector<2000x128xf32>
    %get3A_12 = arith.constant 0 : index
    %get3A_13 = arith.constant 0 : index
    %get3A_14 = vector.load %arg4[%get3A_12, %get3A_13] : memref<128x128xf32, #tpu.memory_space<vmem>>, vector<128x128xf32>
    %dot_general3A_15 = arith.constant dense<0.000000e+00> : vector<2000x128xf32>
    %dot_general3A_16 = tpu.matmul %max3A_11, %get3A_14, %dot_general3A_15 {dimension_numbers = #tpu.dot_dimension_numbers<[1], [0], [0], [1], [0, 0, 1, 1], [], []>, transpose_lhs_hint = false} : vector<2000x128xf32>, vector<128x128xf32>, vector<2000x128xf32> -> vector<2000x128xf32>
    %get3A_17 = arith.constant 0 : index
    %get3A_18 = arith.constant 0 : index
    %get3A_19 = vector.load %arg5[%get3A_17, %get3A_18] : memref<1x128xf32, #tpu.memory_space<vmem>>, vector<1x128xf32>
    %add3A_20 = vector.broadcast %get3A_19 : vector<1x128xf32> to vector<2000x128xf32>
    %add3A_21 = arith.addf %dot_general3A_16, %add3A_20 : vector<2000x128xf32>
    %swap3A = arith.constant 0 : index
    %swap3A_22 = arith.constant 0 : index
    %swap3A_23 = vector.load %arg6[%swap3A, %swap3A_22] : memref<2000x128xf32, #tpu.memory_space<vmem>>, vector<2000x128xf32>
    tpu.vector_store %arg6[%swap3A, %swap3A_22], %add3A_21 {strides = array<i32>} : memref<2000x128xf32, #tpu.memory_space<vmem>>, vector<2000x128xf32>,
    return
  }
  func.func @transform_0(%arg0: i32) -> (i32, i32) {
    %c0_i32 = arith.constant 0 : i32
    %c0_i32_0 = arith.constant 0 : i32
    return %arg0, %c0_i32 : i32, i32
  }
  func.func @transform_1(%arg0: i32) -> (i32, i32) {
    %c0_i32 = arith.constant 0 : i32
    %c0_i32_0 = arith.constant 0 : i32
    %c0_i32_1 = arith.constant 0 : i32
    return %c0_i32, %c0_i32_0 : i32, i32
  }
  func.func @transform_2(%arg0: i32) -> (i32, i32) {
    %c0_i32 = arith.constant 0 : i32
    %c0_i32_0 = arith.constant 0 : i32
    %c0_i32_1 = arith.constant 0 : i32
    return %c0_i32, %c0_i32_0 : i32, i32
  }
  func.func @transform_3(%arg0: i32) -> (i32, i32) {
    %c0_i32 = arith.constant 0 : i32
    %c0_i32_0 = arith.constant 0 : i32
    %c0_i32_1 = arith.constant 0 : i32
    return %c0_i32, %c0_i32_0 : i32, i32
  }
  func.func @transform_4(%arg0: i32) -> (i32, i32) {
    %c0_i32 = arith.constant 0 : i32
    %c0_i32_0 = arith.constant 0 : i32
    %c0_i32_1 = arith.constant 0 : i32
    return %c0_i32, %c0_i32_0 : i32, i32
  }
  func.func @transform_5(%arg0: i32) -> (i32, i32) {
    %c0_i32 = arith.constant 0 : i32
    %c0_i32_0 = arith.constant 0 : i32
    return %arg0, %c0_i32 : i32, i32
  }
}

module attributes {stable_mosaic.version = 14 : i64} {
  func.func @_node_body(%arg0: i32, %arg1: memref<2000x128xf32, #tpu.memory_space<vmem>>, %arg2: memref<2000x128xf32, #tpu.memory_space<vmem>>, %arg3: memref<2000x128xf32, #tpu.memory_space<vmem>>, %arg4: memref<1x128xf32, #tpu.memory_space<vmem>>, %arg5: memref<1x128xf32, #tpu.memory_space<vmem>>, %arg6: memref<128x128xf32, #tpu.memory_space<vmem>>, %arg7: memref<1x128xf32, #tpu.memory_space<vmem>>, %arg8: memref<128x256xf32, #tpu.memory_space<vmem>>, %arg9: memref<1x256xf32, #tpu.memory_space<vmem>>, %arg10: memref<256x128xf32, #tpu.memory_space<vmem>>, %arg11: memref<1x128xf32, #tpu.memory_space<vmem>>, %arg12: memref<1x128xf32, #tpu.memory_space<vmem>>, %arg13: memref<1x128xf32, #tpu.memory_space<vmem>>, %arg14: memref<2000x128xf32, #tpu.memory_space<vmem>>) attributes {dimension_semantics = [#tpu.dimension_semantics<arbitrary>], iteration_bounds = array<i64: 5>, scalar_prefetch = 0 : i64, scratch_operands = 0 : i64, tpu.core_type = #tpu.core_type<tc>, window_params = [{transform_indices = @transform_0, window_bounds = array<i64: 2000, 128>}, {transform_indices = @transform_1, window_bounds = array<i64: 2000, 128>}, {transform_indices = @transform_2, window_bounds = array<i64: 2000, 128>}, {pipeline_mode = #tpu.pipeline_mode<synchronous>, transform_indices = @transform_3, window_bounds = array<i64: 1, 128>}, {pipeline_mode = #tpu.pipeline_mode<synchronous>, transform_indices = @transform_4, window_bounds = array<i64: 1, 128>}, {pipeline_mode = #tpu.pipeline_mode<synchronous>, transform_indices = @transform_5, window_bounds = array<i64: 128, 128>}, {pipeline_mode = #tpu.pipeline_mode<synchronous>, transform_indices = @transform_6, window_bounds = array<i64: 1, 128>}, {pipeline_mode = #tpu.pipeline_mode<synchronous>, transform_indices = @transform_7, window_bounds = array<i64: 128, 256>}, {pipeline_mode = #tpu.pipeline_mode<synchronous>, transform_indices = @transform_8, window_bounds = array<i64: 1, 256>}, {pipeline_mode = #tpu.pipeline_mode<synchronous>, transform_indices = @transform_9, window_bounds = array<i64: 256, 128>}, {pipeline_mode = #tpu.pipeline_mode<synchronous>, transform_indices = @transform_10, window_bounds = array<i64: 1, 128>}, {pipeline_mode = #tpu.pipeline_mode<synchronous>, transform_indices = @transform_11, window_bounds = array<i64: 1, 128>}, {pipeline_mode = #tpu.pipeline_mode<synchronous>, transform_indices = @transform_12, window_bounds = array<i64: 1, 128>}, {transform_indices = @transform_13, window_bounds = array<i64: 2000, 128>}]} {
    %get3A = arith.constant 0 : index
    %get3A_0 = arith.constant 0 : index
    %get3A_1 = vector.load %arg4[%get3A, %get3A_0] : memref<1x128xf32, #tpu.memory_space<vmem>>, vector<1x128xf32>
    %get3A_2 = arith.constant 0 : index
    %get3A_3 = arith.constant 0 : index
    %get3A_4 = vector.load %arg5[%get3A_2, %get3A_3] : memref<1x128xf32, #tpu.memory_space<vmem>>, vector<1x128xf32>
    %add3A = arith.addf %get3A_1, %get3A_4 : vector<1x128xf32>
    %max3A = arith.constant 0.000000e+00 : f32
    %max3A_5 = vector.broadcast %max3A : f32 to vector<1x128xf32>
    %max3A_6 = arith.maximumf %add3A, %max3A_5 : vector<1x128xf32>
    %get3A_7 = arith.constant 0 : index
    %get3A_8 = arith.constant 0 : index
    %get3A_9 = vector.load %arg6[%get3A_7, %get3A_8] : memref<128x128xf32, #tpu.memory_space<vmem>>, vector<128x128xf32>
    %dot_general3A = arith.constant dense<0.000000e+00> : vector<1x128xf32>
    %dot_general3A_10 = tpu.matmul %max3A_6, %get3A_9, %dot_general3A {dimension_numbers = #tpu.dot_dimension_numbers<[1], [0], [0], [1], [0, 0, 1, 1], [], []>, transpose_lhs_hint = false} : vector<1x128xf32>, vector<128x128xf32>, vector<1x128xf32> -> vector<1x128xf32>
    %get3A_11 = arith.constant 0 : index
    %get3A_12 = arith.constant 0 : index
    %get3A_13 = vector.load %arg7[%get3A_11, %get3A_12] : memref<1x128xf32, #tpu.memory_space<vmem>>, vector<1x128xf32>
    %add3A_14 = arith.addf %dot_general3A_10, %get3A_13 : vector<1x128xf32>
    %get3A_15 = arith.constant 0 : index
    %get3A_16 = arith.constant 0 : index
    %get3A_17 = vector.load %arg1[%get3A_15, %get3A_16] : memref<2000x128xf32, #tpu.memory_space<vmem>>, vector<2000x128xf32>
    %get3A_18 = arith.constant 0 : index
    %get3A_19 = arith.constant 0 : index
    %get3A_20 = vector.load %arg2[%get3A_18, %get3A_19] : memref<2000x128xf32, #tpu.memory_space<vmem>>, vector<2000x128xf32>
    %add3A_21 = arith.addf %get3A_17, %get3A_20 : vector<2000x128xf32>
    %get3A_22 = arith.constant 0 : index
    %get3A_23 = arith.constant 0 : index
    %get3A_24 = vector.load %arg3[%get3A_22, %get3A_23] : memref<2000x128xf32, #tpu.memory_space<vmem>>, vector<2000x128xf32>
    %add3A_25 = arith.addf %add3A_21, %get3A_24 : vector<2000x128xf32>
    %add3A_26 = vector.broadcast %add3A_14 : vector<1x128xf32> to vector<2000x128xf32>
    %add3A_27 = arith.addf %add3A_25, %add3A_26 : vector<2000x128xf32>
    %get3A_28 = arith.constant 0 : index
    %get3A_29 = arith.constant 0 : index
    %get3A_30 = vector.load %arg8[%get3A_28, %get3A_29] : memref<128x256xf32, #tpu.memory_space<vmem>>, vector<128x256xf32>
    %dot_general3A_31 = arith.constant dense<0.000000e+00> : vector<2000x256xf32>
    %dot_general3A_32 = tpu.matmul %add3A_27, %get3A_30, %dot_general3A_31 {dimension_numbers = #tpu.dot_dimension_numbers<[1], [0], [0], [1], [0, 0, 1, 1], [], []>, transpose_lhs_hint = false} : vector<2000x128xf32>, vector<128x256xf32>, vector<2000x256xf32> -> vector<2000x256xf32>
    %get3A_33 = arith.constant 0 : index
    %get3A_34 = arith.constant 0 : index
    %get3A_35 = vector.load %arg9[%get3A_33, %get3A_34] : memref<1x256xf32, #tpu.memory_space<vmem>>, vector<1x256xf32>
    %add3A_36 = vector.broadcast %get3A_35 : vector<1x256xf32> to vector<2000x256xf32>
    %add3A_37 = arith.addf %dot_general3A_32, %add3A_36 : vector<2000x256xf32>
    %max3A_38 = arith.constant 0.000000e+00 : f32
    %max3A_39 = vector.broadcast %max3A_38 : f32 to vector<2000x256xf32>
    %max3A_40 = arith.maximumf %add3A_37, %max3A_39 : vector<2000x256xf32>
    %get3A_41 = arith.constant 0 : index
    %get3A_42 = arith.constant 0 : index
    %get3A_43 = vector.load %arg10[%get3A_41, %get3A_42] : memref<256x128xf32, #tpu.memory_space<vmem>>, vector<256x128xf32>
    %dot_general3A_44 = arith.constant dense<0.000000e+00> : vector<2000x128xf32>
    %dot_general3A_45 = tpu.matmul %max3A_40, %get3A_43, %dot_general3A_44 {dimension_numbers = #tpu.dot_dimension_numbers<[1], [0], [0], [1], [0, 0, 1, 1], [], []>, transpose_lhs_hint = false} : vector<2000x256xf32>, vector<256x128xf32>, vector<2000x128xf32> -> vector<2000x128xf32>
    %get3A_46 = arith.constant 0 : index
    %get3A_47 = arith.constant 0 : index
    %get3A_48 = vector.load %arg11[%get3A_46, %get3A_47] : memref<1x128xf32, #tpu.memory_space<vmem>>, vector<1x128xf32>
    %add3A_49 = vector.broadcast %get3A_48 : vector<1x128xf32> to vector<2000x128xf32>
    %add3A_50 = arith.addf %dot_general3A_45, %add3A_49 : vector<2000x128xf32>
    %sqrt3A = arith.constant 1.000010e+00 : f32
    %sqrt3A_51 = math.sqrt %sqrt3A : f32
    %div3A = arith.constant 1.000000e+00 : f32
    %div3A_52 = arith.divf %div3A, %sqrt3A_51 : f32
    %get3A_53 = arith.constant 0 : index
    %get3A_54 = arith.constant 0 : index
    %get3A_55 = vector.load %arg12[%get3A_53, %get3A_54] : memref<1x128xf32, #tpu.memory_space<vmem>>, vector<1x128xf32>
    %mul3A = vector.broadcast %div3A_52 : f32 to vector<1x128xf32>
    %mul3A_56 = arith.mulf %get3A_55, %mul3A : vector<1x128xf32>
    %mul3A_57 = vector.broadcast %mul3A_56 : vector<1x128xf32> to vector<2000x128xf32>
    %mul3A_58 = arith.mulf %add3A_50, %mul3A_57 : vector<2000x128xf32>
    %get3A_59 = arith.constant 0 : index
    %get3A_60 = arith.constant 0 : index
    %get3A_61 = vector.load %arg13[%get3A_59, %get3A_60] : memref<1x128xf32, #tpu.memory_space<vmem>>, vector<1x128xf32>
    %add3A_62 = vector.broadcast %get3A_61 : vector<1x128xf32> to vector<2000x128xf32>
    %add3A_63 = arith.addf %mul3A_58, %add3A_62 : vector<2000x128xf32>
    %max3A_64 = arith.constant 0.000000e+00 : f32
    %max3A_65 = vector.broadcast %max3A_64 : f32 to vector<2000x128xf32>
    %max3A_66 = arith.maximumf %add3A_63, %max3A_65 : vector<2000x128xf32>
    %swap3A = arith.constant 0 : index
    %swap3A_67 = arith.constant 0 : index
    %swap3A_68 = vector.load %arg14[%swap3A, %swap3A_67] : memref<2000x128xf32, #tpu.memory_space<vmem>>, vector<2000x128xf32>
    tpu.vector_store %arg14[%swap3A, %swap3A_67], %max3A_66 {strides = array<i32>} : memref<2000x128xf32, #tpu.memory_space<vmem>>, vector<2000x128xf32>,
    return
  }
  func.func @transform_0(%arg0: i32) -> (i32, i32) {
    %c0_i32 = arith.constant 0 : i32
    %c0_i32_0 = arith.constant 0 : i32
    return %arg0, %c0_i32 : i32, i32
  }
  func.func @transform_1(%arg0: i32) -> (i32, i32) {
    %c0_i32 = arith.constant 0 : i32
    %c0_i32_0 = arith.constant 0 : i32
    return %arg0, %c0_i32 : i32, i32
  }
  func.func @transform_2(%arg0: i32) -> (i32, i32) {
    %c0_i32 = arith.constant 0 : i32
    %c0_i32_0 = arith.constant 0 : i32
    return %arg0, %c0_i32 : i32, i32
  }
  func.func @transform_3(%arg0: i32) -> (i32, i32) {
    %c0_i32 = arith.constant 0 : i32
    %c0_i32_0 = arith.constant 0 : i32
    %c0_i32_1 = arith.constant 0 : i32
    return %c0_i32, %c0_i32_0 : i32, i32
  }
  func.func @transform_4(%arg0: i32) -> (i32, i32) {
    %c0_i32 = arith.constant 0 : i32
    %c0_i32_0 = arith.constant 0 : i32
    %c0_i32_1 = arith.constant 0 : i32
    return %c0_i32, %c0_i32_0 : i32, i32
  }
  func.func @transform_5(%arg0: i32) -> (i32, i32) {
    %c0_i32 = arith.constant 0 : i32
    %c0_i32_0 = arith.constant 0 : i32
    %c0_i32_1 = arith.constant 0 : i32
    return %c0_i32, %c0_i32_0 : i32, i32
  }
  func.func @transform_6(%arg0: i32) -> (i32, i32) {
    %c0_i32 = arith.constant 0 : i32
    %c0_i32_0 = arith.constant 0 : i32
    %c0_i32_1 = arith.constant 0 : i32
    return %c0_i32, %c0_i32_0 : i32, i32
  }
  func.func @transform_7(%arg0: i32) -> (i32, i32) {
    %c0_i32 = arith.constant 0 : i32
    %c0_i32_0 = arith.constant 0 : i32
    %c0_i32_1 = arith.constant 0 : i32
    return %c0_i32, %c0_i32_0 : i32, i32
  }
  func.func @transform_8(%arg0: i32) -> (i32, i32) {
    %c0_i32 = arith.constant 0 : i32
    %c0_i32_0 = arith.constant 0 : i32
    %c0_i32_1 = arith.constant 0 : i32
    return %c0_i32, %c0_i32_0 : i32, i32
  }
  func.func @transform_9(%arg0: i32) -> (i32, i32) {
    %c0_i32 = arith.constant 0 : i32
    %c0_i32_0 = arith.constant 0 : i32
    %c0_i32_1 = arith.constant 0 : i32
    return %c0_i32, %c0_i32_0 : i32, i32
  }
  func.func @transform_10(%arg0: i32) -> (i32, i32) {
    %c0_i32 = arith.constant 0 : i32
    %c0_i32_0 = arith.constant 0 : i32
    %c0_i32_1 = arith.constant 0 : i32
    return %c0_i32, %c0_i32_0 : i32, i32
  }
  func.func @transform_11(%arg0: i32) -> (i32, i32) {
    %c0_i32 = arith.constant 0 : i32
    %c0_i32_0 = arith.constant 0 : i32
    %c0_i32_1 = arith.constant 0 : i32
    return %c0_i32, %c0_i32_0 : i32, i32
  }
  func.func @transform_12(%arg0: i32) -> (i32, i32) {
    %c0_i32 = arith.constant 0 : i32
    %c0_i32_0 = arith.constant 0 : i32
    %c0_i32_1 = arith.constant 0 : i32
    return %c0_i32, %c0_i32_0 : i32, i32
  }
  func.func @transform_13(%arg0: i32) -> (i32, i32) {
    %c0_i32 = arith.constant 0 : i32
    %c0_i32_0 = arith.constant 0 : i32
    return %arg0, %c0_i32 : i32, i32
  }
}

module attributes {stable_mosaic.version = 14 : i64} {
  func.func @_node_body(%arg0: i32, %arg1: memref<2000x128xf32, #tpu.memory_space<vmem>>, %arg2: memref<2000x128xf32, #tpu.memory_space<vmem>>, %arg3: memref<2000x128xf32, #tpu.memory_space<vmem>>, %arg4: memref<1x128xf32, #tpu.memory_space<vmem>>, %arg5: memref<1x128xf32, #tpu.memory_space<vmem>>, %arg6: memref<128x128xf32, #tpu.memory_space<vmem>>, %arg7: memref<1x128xf32, #tpu.memory_space<vmem>>, %arg8: memref<128x256xf32, #tpu.memory_space<vmem>>, %arg9: memref<1x256xf32, #tpu.memory_space<vmem>>, %arg10: memref<256x128xf32, #tpu.memory_space<vmem>>, %arg11: memref<1x128xf32, #tpu.memory_space<vmem>>, %arg12: memref<1x128xf32, #tpu.memory_space<vmem>>, %arg13: memref<1x128xf32, #tpu.memory_space<vmem>>, %arg14: memref<2000x128xf32, #tpu.memory_space<vmem>>) attributes {dimension_semantics = [#tpu.dimension_semantics<arbitrary>], iteration_bounds = array<i64: 5>, scalar_prefetch = 0 : i64, scratch_operands = 0 : i64, tpu.core_type = #tpu.core_type<tc>, window_params = [{transform_indices = @transform_0, window_bounds = array<i64: 2000, 128>}, {transform_indices = @transform_1, window_bounds = array<i64: 2000, 128>}, {transform_indices = @transform_2, window_bounds = array<i64: 2000, 128>}, {pipeline_mode = #tpu.pipeline_mode<synchronous>, transform_indices = @transform_3, window_bounds = array<i64: 1, 128>}, {pipeline_mode = #tpu.pipeline_mode<synchronous>, transform_indices = @transform_4, window_bounds = array<i64: 1, 128>}, {pipeline_mode = #tpu.pipeline_mode<synchronous>, transform_indices = @transform_5, window_bounds = array<i64: 128, 128>}, {pipeline_mode = #tpu.pipeline_mode<synchronous>, transform_indices = @transform_6, window_bounds = array<i64: 1, 128>}, {pipeline_mode = #tpu.pipeline_mode<synchronous>, transform_indices = @transform_7, window_bounds = array<i64: 128, 256>}, {pipeline_mode = #tpu.pipeline_mode<synchronous>, transform_indices = @transform_8, window_bounds = array<i64: 1, 256>}, {pipeline_mode = #tpu.pipeline_mode<synchronous>, transform_indices = @transform_9, window_bounds = array<i64: 256, 128>}, {pipeline_mode = #tpu.pipeline_mode<synchronous>, transform_indices = @transform_10, window_bounds = array<i64: 1, 128>}, {pipeline_mode = #tpu.pipeline_mode<synchronous>, transform_indices = @transform_11, window_bounds = array<i64: 1, 128>}, {pipeline_mode = #tpu.pipeline_mode<synchronous>, transform_indices = @transform_12, window_bounds = array<i64: 1, 128>}, {transform_indices = @transform_13, window_bounds = array<i64: 2000, 128>}]} {
    %get3A = arith.constant 0 : index
    %get3A_0 = arith.constant 0 : index
    %get3A_1 = vector.load %arg4[%get3A, %get3A_0] : memref<1x128xf32, #tpu.memory_space<vmem>>, vector<1x128xf32>
    %get3A_2 = arith.constant 0 : index
    %get3A_3 = arith.constant 0 : index
    %get3A_4 = vector.load %arg5[%get3A_2, %get3A_3] : memref<1x128xf32, #tpu.memory_space<vmem>>, vector<1x128xf32>
    %add3A = arith.addf %get3A_1, %get3A_4 : vector<1x128xf32>
    %max3A = arith.constant 0.000000e+00 : f32
    %max3A_5 = vector.broadcast %max3A : f32 to vector<1x128xf32>
    %max3A_6 = arith.maximumf %add3A, %max3A_5 : vector<1x128xf32>
    %get3A_7 = arith.constant 0 : index
    %get3A_8 = arith.constant 0 : index
    %get3A_9 = vector.load %arg6[%get3A_7, %get3A_8] : memref<128x128xf32, #tpu.memory_space<vmem>>, vector<128x128xf32>
    %dot_general3A = arith.constant dense<0.000000e+00> : vector<1x128xf32>
    %dot_general3A_10 = tpu.matmul %max3A_6, %get3A_9, %dot_general3A {dimension_numbers = #tpu.dot_dimension_numbers<[1], [0], [0], [1], [0, 0, 1, 1], [], []>, transpose_lhs_hint = false} : vector<1x128xf32>, vector<128x128xf32>, vector<1x128xf32> -> vector<1x128xf32>
    %get3A_11 = arith.constant 0 : index
    %get3A_12 = arith.constant 0 : index
    %get3A_13 = vector.load %arg7[%get3A_11, %get3A_12] : memref<1x128xf32, #tpu.memory_space<vmem>>, vector<1x128xf32>
    %add3A_14 = arith.addf %dot_general3A_10, %get3A_13 : vector<1x128xf32>
    %get3A_15 = arith.constant 0 : index
    %get3A_16 = arith.constant 0 : index
    %get3A_17 = vector.load %arg1[%get3A_15, %get3A_16] : memref<2000x128xf32, #tpu.memory_space<vmem>>, vector<2000x128xf32>
    %get3A_18 = arith.constant 0 : index
    %get3A_19 = arith.constant 0 : index
    %get3A_20 = vector.load %arg2[%get3A_18, %get3A_19] : memref<2000x128xf32, #tpu.memory_space<vmem>>, vector<2000x128xf32>
    %add3A_21 = arith.addf %get3A_17, %get3A_20 : vector<2000x128xf32>
    %get3A_22 = arith.constant 0 : index
    %get3A_23 = arith.constant 0 : index
    %get3A_24 = vector.load %arg3[%get3A_22, %get3A_23] : memref<2000x128xf32, #tpu.memory_space<vmem>>, vector<2000x128xf32>
    %add3A_25 = arith.addf %add3A_21, %get3A_24 : vector<2000x128xf32>
    %add3A_26 = vector.broadcast %add3A_14 : vector<1x128xf32> to vector<2000x128xf32>
    %add3A_27 = arith.addf %add3A_25, %add3A_26 : vector<2000x128xf32>
    %get3A_28 = arith.constant 0 : index
    %get3A_29 = arith.constant 0 : index
    %get3A_30 = vector.load %arg8[%get3A_28, %get3A_29] : memref<128x256xf32, #tpu.memory_space<vmem>>, vector<128x256xf32>
    %dot_general3A_31 = arith.constant dense<0.000000e+00> : vector<2000x256xf32>
    %dot_general3A_32 = tpu.matmul %add3A_27, %get3A_30, %dot_general3A_31 {dimension_numbers = #tpu.dot_dimension_numbers<[1], [0], [0], [1], [0, 0, 1, 1], [], []>, transpose_lhs_hint = false} : vector<2000x128xf32>, vector<128x256xf32>, vector<2000x256xf32> -> vector<2000x256xf32>
    %get3A_33 = arith.constant 0 : index
    %get3A_34 = arith.constant 0 : index
    %get3A_35 = vector.load %arg9[%get3A_33, %get3A_34] : memref<1x256xf32, #tpu.memory_space<vmem>>, vector<1x256xf32>
    %add3A_36 = vector.broadcast %get3A_35 : vector<1x256xf32> to vector<2000x256xf32>
    %add3A_37 = arith.addf %dot_general3A_32, %add3A_36 : vector<2000x256xf32>
    %max3A_38 = arith.constant 0.000000e+00 : f32
    %max3A_39 = vector.broadcast %max3A_38 : f32 to vector<2000x256xf32>
    %max3A_40 = arith.maximumf %add3A_37, %max3A_39 : vector<2000x256xf32>
    %get3A_41 = arith.constant 0 : index
    %get3A_42 = arith.constant 0 : index
    %get3A_43 = vector.load %arg10[%get3A_41, %get3A_42] : memref<256x128xf32, #tpu.memory_space<vmem>>, vector<256x128xf32>
    %dot_general3A_44 = arith.constant dense<0.000000e+00> : vector<2000x128xf32>
    %dot_general3A_45 = tpu.matmul %max3A_40, %get3A_43, %dot_general3A_44 {dimension_numbers = #tpu.dot_dimension_numbers<[1], [0], [0], [1], [0, 0, 1, 1], [], []>, transpose_lhs_hint = false} : vector<2000x256xf32>, vector<256x128xf32>, vector<2000x128xf32> -> vector<2000x128xf32>
    %get3A_46 = arith.constant 0 : index
    %get3A_47 = arith.constant 0 : index
    %get3A_48 = vector.load %arg11[%get3A_46, %get3A_47] : memref<1x128xf32, #tpu.memory_space<vmem>>, vector<1x128xf32>
    %add3A_49 = vector.broadcast %get3A_48 : vector<1x128xf32> to vector<2000x128xf32>
    %add3A_50 = arith.addf %dot_general3A_45, %add3A_49 : vector<2000x128xf32>
    %sqrt3A = arith.constant 1.000010e+00 : f32
    %sqrt3A_51 = math.sqrt %sqrt3A : f32
    %div3A = arith.constant 1.000000e+00 : f32
    %div3A_52 = arith.divf %div3A, %sqrt3A_51 : f32
    %get3A_53 = arith.constant 0 : index
    %get3A_54 = arith.constant 0 : index
    %get3A_55 = vector.load %arg12[%get3A_53, %get3A_54] : memref<1x128xf32, #tpu.memory_space<vmem>>, vector<1x128xf32>
    %mul3A = vector.broadcast %div3A_52 : f32 to vector<1x128xf32>
    %mul3A_56 = arith.mulf %get3A_55, %mul3A : vector<1x128xf32>
    %mul3A_57 = vector.broadcast %mul3A_56 : vector<1x128xf32> to vector<2000x128xf32>
    %mul3A_58 = arith.mulf %add3A_50, %mul3A_57 : vector<2000x128xf32>
    %get3A_59 = arith.constant 0 : index
    %get3A_60 = arith.constant 0 : index
    %get3A_61 = vector.load %arg13[%get3A_59, %get3A_60] : memref<1x128xf32, #tpu.memory_space<vmem>>, vector<1x128xf32>
    %add3A_62 = vector.broadcast %get3A_61 : vector<1x128xf32> to vector<2000x128xf32>
    %add3A_63 = arith.addf %mul3A_58, %add3A_62 : vector<2000x128xf32>
    %swap3A = arith.constant 0 : index
    %swap3A_64 = arith.constant 0 : index
    %swap3A_65 = vector.load %arg14[%swap3A, %swap3A_64] : memref<2000x128xf32, #tpu.memory_space<vmem>>, vector<2000x128xf32>
    tpu.vector_store %arg14[%swap3A, %swap3A_64], %add3A_63 {strides = array<i32>} : memref<2000x128xf32, #tpu.memory_space<vmem>>, vector<2000x128xf32>,
    return
  }
  func.func @transform_0(%arg0: i32) -> (i32, i32) {
    %c0_i32 = arith.constant 0 : i32
    %c0_i32_0 = arith.constant 0 : i32
    return %arg0, %c0_i32 : i32, i32
  }
  func.func @transform_1(%arg0: i32) -> (i32, i32) {
    %c0_i32 = arith.constant 0 : i32
    %c0_i32_0 = arith.constant 0 : i32
    return %arg0, %c0_i32 : i32, i32
  }
  func.func @transform_2(%arg0: i32) -> (i32, i32) {
    %c0_i32 = arith.constant 0 : i32
    %c0_i32_0 = arith.constant 0 : i32
    return %arg0, %c0_i32 : i32, i32
  }
  func.func @transform_3(%arg0: i32) -> (i32, i32) {
    %c0_i32 = arith.constant 0 : i32
    %c0_i32_0 = arith.constant 0 : i32
    %c0_i32_1 = arith.constant 0 : i32
    return %c0_i32, %c0_i32_0 : i32, i32
  }
  func.func @transform_4(%arg0: i32) -> (i32, i32) {
    %c0_i32 = arith.constant 0 : i32
    %c0_i32_0 = arith.constant 0 : i32
    %c0_i32_1 = arith.constant 0 : i32
    return %c0_i32, %c0_i32_0 : i32, i32
  }
  func.func @transform_5(%arg0: i32) -> (i32, i32) {
    %c0_i32 = arith.constant 0 : i32
    %c0_i32_0 = arith.constant 0 : i32
    %c0_i32_1 = arith.constant 0 : i32
    return %c0_i32, %c0_i32_0 : i32, i32
  }
  func.func @transform_6(%arg0: i32) -> (i32, i32) {
    %c0_i32 = arith.constant 0 : i32
    %c0_i32_0 = arith.constant 0 : i32
    %c0_i32_1 = arith.constant 0 : i32
    return %c0_i32, %c0_i32_0 : i32, i32
  }
  func.func @transform_7(%arg0: i32) -> (i32, i32) {
    %c0_i32 = arith.constant 0 : i32
    %c0_i32_0 = arith.constant 0 : i32
    %c0_i32_1 = arith.constant 0 : i32
    return %c0_i32, %c0_i32_0 : i32, i32
  }
  func.func @transform_8(%arg0: i32) -> (i32, i32) {
    %c0_i32 = arith.constant 0 : i32
    %c0_i32_0 = arith.constant 0 : i32
    %c0_i32_1 = arith.constant 0 : i32
    return %c0_i32, %c0_i32_0 : i32, i32
  }
  func.func @transform_9(%arg0: i32) -> (i32, i32) {
    %c0_i32 = arith.constant 0 : i32
    %c0_i32_0 = arith.constant 0 : i32
    %c0_i32_1 = arith.constant 0 : i32
    return %c0_i32, %c0_i32_0 : i32, i32
  }
  func.func @transform_10(%arg0: i32) -> (i32, i32) {
    %c0_i32 = arith.constant 0 : i32
    %c0_i32_0 = arith.constant 0 : i32
    %c0_i32_1 = arith.constant 0 : i32
    return %c0_i32, %c0_i32_0 : i32, i32
  }
  func.func @transform_11(%arg0: i32) -> (i32, i32) {
    %c0_i32 = arith.constant 0 : i32
    %c0_i32_0 = arith.constant 0 : i32
    %c0_i32_1 = arith.constant 0 : i32
    return %c0_i32, %c0_i32_0 : i32, i32
  }
  func.func @transform_12(%arg0: i32) -> (i32, i32) {
    %c0_i32 = arith.constant 0 : i32
    %c0_i32_0 = arith.constant 0 : i32
    %c0_i32_1 = arith.constant 0 : i32
    return %c0_i32, %c0_i32_0 : i32, i32
  }
  func.func @transform_13(%arg0: i32) -> (i32, i32) {
    %c0_i32 = arith.constant 0 : i32
    %c0_i32_0 = arith.constant 0 : i32
    return %arg0, %c0_i32 : i32, i32
  }
}

</mosaic_0001>

<sc_bundles>
// kernel: kernel.13.cloned.1.call-start
scs
__scs_entry_jumppad:
0x0: {  	(pc) =	sbr.rel $0x88, $3  }
0x1: {  	(tag) =	ssettag $0x0;
	lr =	simm.s32 $0x1  }
0x2: {  	[smem:$0x3F92] =	sst lr;
	_ =	strace $0xD0000000  }
0x3: {  	_ = 	snop  }
0x4: {  	_ = 	snop  }
0x5: {  	_ = 	snop  }
0x6: {  	_ = 	snop  }
0x7: {  	_ = 	snop  }
__scs_overlays_trampoline_lowered:
0x8: {  	[smem:$0x3FA1] =	sst s0  }
0x9: {  	[smem:$0x3FA2] =	sst s1  }
0xa: {  	[smem:$0x3FA3] =	sst s2  }
0xb: {  	[smem:$0x3FA4] =	sst s3  }
0xc: {  	[smem:$0x3FA5] =	sst s4  }
0xd: {  	[smem:$0x3FA6] =	sst s5  }
0xe: {  	[smem:$0x3FA7] =	sst s6  }
0xf: {  	[smem:$0x3FA8] =	sst s7  }
0x10: {  	[smem:$0x3FA9] =	sst s8  }
0x11: {  	[smem:$0x3FAA] =	sst s9;
	s0 =	simm.s32 @!p0 $0x0  }
0x12: {  	s1 =	sld [smem:$0x3F90];
	s0 =	simm.s32 @p0 $0x1  }
0x13: {  	[smem:$0x3FAB] =	sst s0;
	s0 =	simm.s32 @!p1 $0x0  }
0x14: {  	s2 =	sld [smem:$0x3F8F];
	s0 =	simm.s32 @p1 $0x1  }
0x15: {  	[smem:$0x3FAC] =	sst s0;
	s0 =	simm.s32 @!p2 $0x0  }
0x16: {  	s3 =	sld [smem:$0x3FDB];
	s0 =	simm.s32 @p2 $0x1  }
0x17: {  	s4 =	simm.s32 $0x1BF5;
	[smem:$0x3FAE] =	sst s0  }
0x18: {  	s0 =	sld [smem:$0x3F91];
	_ =	swait.ge [sflag:s4], $0x0  }
0x19: {  	s7 =	sld [smem:$0x3F92]  }
0x1a: {  	s8 =	sadd.s32 $0xFFFFE003, lr  }
0x1b: {  	s9 =	sadd.s32 $0xFFFFFEF7, lr;
	s5 =	simm.s32 $0xFFFFFFFF;
	p2 =	slt.u32 s8, $0xFFFFF086  }
0x1c: {  	p1 =	slt.u32 s9, $0xF7A;
	s5 =	simm.s32 @!p2 $0x0  }
0x1d: {  	s5 =	simm.s32 @p1 $0x1;
	p0 =	seq.s32 s7, s2  }
0x1e: {  	s7 =	smul.u32 @!p0 $0xF7A, s2;
	p2 =	seq.s32 @!p0 s5, $0x0  }
0x1f: {  	s9 =	smul.u32 $0xF7A, s1;
	s8 =	simm.s32 @!p0 $0x1BF5;
	p2 =	por !p2, p0  }
0x20: {  	[sflag:s8] =	ssyncset.s32 @!p0 $0xFFFFF086;
	s6 =	sadd.s32 @!p0 s3, s7;
	s7 =	simm.s32 @!p0 $0x108  }
0x21: {  	s3 =	sadd.s32 s3, s9;
	s6 =	sadd.s32 @!p0 $0x88, s6;
	s7 =	simm.s32 @p2 $0x1082  }
0x22: {  	[simem:s7], [sflag:s8] =	dma.local @!p0 [hbm:s6], $0xF7A  }
0x23: {  	s9 =	sor.u32 $0xD0000000, s2;
	s6 =	simm.s32 $0x108;
	_ =	swait.ge @!p0 [sflag:s8], $0x0  }
0x24: {  	s3 =	sadd.s32 $0x88, s3;
	s6 =	simm.s32 @!p1 $0x1082;
	[sflag:s4] =	ssyncset.s32 $0xFFFFF086  }
0x25: {  	[simem:s6], [sflag:s4] =	dma.local [hbm:s3], $0xF7A  }
0x26: {  	[smem:$0x3F92] =	sst s1;
	(tag) =	ssettag s2;
	_ =	strace s9  }
0x27: {  	s1 =	sld [smem:$0x3FA2]  }
0x28: {  	s2 =	sld [smem:$0x3FA3]  }
0x29: {  	s4 =	sld [smem:$0x3FA5]  }
0x2a: {  	p0 =	seq.s32 s5, $0x0;
	s5 =	sld [smem:$0x3FA6]  }
0x2b: {  	s6 =	sld [smem:$0x3FA7]  }
0x2c: {  	s7 =	sld [smem:$0x3FA8]  }
0x2d: {  	s3 =	simm.s32 $0x108;
	s8 =	sld [smem:$0x3FA9]  }
0x2e: {  	s3 =	simm.s32 @!p0 $0x1082;
	s9 =	sld [smem:$0x3FAA]  }
0x2f: {  	lr =	sadd.s32 s0, s3;
	s0 =	sld [smem:$0x3FA1]  }
0x30: {  	s3 =	sld [smem:$0x3FA4]  }
0x31: {  	[smem:$0x3FAD] =	sst s10  }
0x32: {  	s10 =	sld [smem:$0x3FAB];
	_ =	sdelay $0x3  }
0x33: {  	p0 =	seq.s32 s10, $0x1;
	s10 =	sld [smem:$0x3FAD];
	_ =	sdelay $0x3  }
0x34: {  	[smem:$0x3FAD] =	sst s10  }
0x35: {  	s10 =	sld [smem:$0x3FAC];
	_ =	sdelay $0x3  }
0x36: {  	p1 =	seq.s32 s10, $0x1;
	s10 =	sld [smem:$0x3FAD];
	_ =	sdelay $0x3  }
0x37: {  	[smem:$0x3FAD] =	sst s10  }
0x38: {  	s10 =	sld [smem:$0x3FAE]  }
0x39: {  	_ = 	snop;
	(pc) =	sbr.ind lr, $3  }
0x3a: {  	_ = 	snop  }
0x3b: {  	_ = 	snop  }
0x3c: {  	p2 =	seq.s32 s10, $0x1;
	s10 =	sld [smem:$0x3FAD]  }
0x3d: {  	_ =	shalt  }
0x3e: {  	_ =	shalt  }
0x3f: {  	_ =	shalt  }
0x40: {  	_ =	shalt  }
0x41: {  	_ =	shalt  }
0x42: {  	_ =	shalt  }
0x43: {  	_ =	shalt  }
0x44: {  	_ =	shalt  }
0x45: {  	_ =	shalt  }
0x46: {  	_ =	shalt  }
0x47: {  	_ =	shalt  }
0x48: {  	_ =	shalt  }
0x49: {  	_ =	shalt  }
0x4a: {  	_ =	shalt  }
0x4b: {  	_ =	shalt  }
0x4c: {  	_ =	shalt  }
0x4d: {  	_ =	shalt  }
0x4e: {  	_ =	shalt  }
0x4f: {  	_ =	shalt  }
0x50: {  	_ =	shalt  }
0x51: {  	_ =	shalt  }
0x52: {  	_ =	shalt  }
0x53: {  	_ =	shalt  }
0x54: {  	_ =	shalt  }
0x55: {  	_ =	shalt  }
0x56: {  	_ =	shalt  }
0x57: {  	_ =	shalt  }
0x58: {  	_ =	shalt  }
0x59: {  	_ =	shalt  }
0x5a: {  	_ =	shalt  }
0x5b: {  	_ =	shalt  }
0x5c: {  	_ =	shalt  }
0x5d: {  	_ =	shalt  }
0x5e: {  	_ =	shalt  }
0x5f: {  	_ =	shalt  }
0x60: {  	_ =	shalt  }
0x61: {  	_ =	shalt  }
0x62: {  	_ =	shalt  }
0x63: {  	_ =	shalt  }
0x64: {  	_ =	shalt  }
0x65: {  	_ =	shalt  }
0x66: {  	_ =	shalt  }
0x67: {  	_ =	shalt  }
0x68: {  	_ =	shalt  }
0x69: {  	_ =	shalt  }
0x6a: {  	_ =	shalt  }
0x6b: {  	_ =	shalt  }
0x6c: {  	_ =	shalt  }
0x6d: {  	_ =	shalt  }
0x6e: {  	_ =	shalt  }
0x6f: {  	_ =	shalt  }
0x70: {  	_ =	shalt  }
0x71: {  	_ =	shalt  }
0x72: {  	_ =	shalt  }
0x73: {  	_ =	shalt  }
0x74: {  	_ =	shalt  }
0x75: {  	_ =	shalt  }
0x76: {  	_ =	shalt  }
0x77: {  	_ =	shalt  }
0x78: {  	_ =	shalt  }
0x79: {  	_ =	shalt  }
0x7a: {  	_ =	shalt  }
0x7b: {  	_ =	shalt  }
0x7c: {  	_ =	shalt  }
0x7d: {  	_ =	shalt  }
0x7e: {  	_ =	shalt  }
0x7f: {  	_ =	shalt  }
0x80: {  	_ =	shalt  }
0x81: {  	_ =	shalt  }
0x82: {  	_ =	shalt  }
0x83: {  	_ =	shalt  }
0x84: {  	_ =	shalt  }
0x85: {  	_ =	shalt  }
0x86: {  	_ =	shalt  }
0x87: {  	_ =	shalt  }
.Lfunc_end0:
.L_simem_size_0:
called_computation_lowered:
.L_overlay_start_0:
0x88: {  	s2 =	sld [smem:$0x3FD9]  }
0x89: {  	s3 =	sld [smem:$0x3FFE];
	_ =	sdelay $0x1  }
0x8a: {  	s1 =	srdreg.scid  }
0x8b: {  	s0 =	sand.u32 $0x1, s1  }
0x8c: {  	s16 =	sshll.u32 s0, $0xA;
	s2 =	sadd.s32 s3, s2  }
0x8d: {  	s2 =	sadd.s32 s2, s16  }
0x8e: {  	[smem:$0x3FB9] =	sst s2  }
0x8f: {  	_ = 	snop  }
0x90: {  	(tm) =	ssettm $0x1  }
0x91: {  	s17 =	sld [smem:$0x3FFB];
	_ =	sdelay $0x3  }
0x92: {  	_ =	strace s17  }
0x93: {  	s2 =	sld [smem:$0x3FFC];
	_ =	sdelay $0x3  }
0x94: {  	_ =	strace s2  }
0x95: {  	s2 =	sld [smem:$0x3FFD];
	_ =	sdelay $0x3  }
0x96: {  	_ =	strace s2  }
0x97: {  	_ =	strace $0x8FFFFFFF  }
0x98: {  	s18 =	sld [smem:$0x3FDB];
	_ =	sdelay $0x1  }
0x99: {  	s19 =	simm.s32 $_scs_section_size  }
0x9a: {  	s4 =	simm.s32 $_size__tile_overlayer_lowered;
	s5 =	simm.s32 $_tile_overlayer_lowered  }
0x9b: {  	s22 =	simm.s32 $0x1BFF;
	s21 =	sshll.u32 s5, $0x1;
	s2 =	sadd.s32 s19, s18  }
0x9c: {  	s6 =	simm.s32 $0x0;
	s20 =	sshll.u32 s4, $0x1;
	s4 =	sadd.s32 s21, s2  }
0x9d: {  	[timem:s6], [sflag:s22] =	dma.local [hbm:s4], s20  }
0x9e: {  	_ =	swait.ge [sflag:s22], s20  }
0x9f: {  	s3 =	ssub.s32 $0x0, s20;
	[sflag:s22] =	ssyncset.done $0x0  }
0xa0: {  	[sflag:s22] =	ssyncadd.s32 s3;
	_ =	sdelay $0x1  }
0xa1: {  	s23 =	simm.s32 $0x1B8B  }
0xa2: {  	_ =	swait.ge [sflag:s23], $0x1  }
0xa3: {  	[sflag:s23] =	ssyncset.done $0x0  }
0xa4: {  	s25 =	simm.s32 $0x1B8E;
	s24 =	sld [smem:$0x3FFE];
	[sflag:s23] =	ssyncadd.s32 $0xFFFFFFFF  }
0xa5: {  	s26 =	simm.s32 $execute0_lowered;
	[smem:$0x3FD2] =	sst s25  }
0xa6: {  	s4 =	sshll.u32 s26, $0x1;
	_ =	strace $0x80000046;
	[dreg:$0x1] =	wrdreg $0xFFFFFFFF  }
0xa7: {  	s28 =	simm.s32 $_size_execute0_lowered;
	s2 =	sadd.s32 s2, s4;
	[dreg:$0x0] =	wrdreg $0x0  }
0xa8: {  	s4 =	sshll.u32 s28, $0x1;
	[dreg:$0x2] =	wrdreg s2  }
0xa9: {  	[dreg:$0x3] =	wrdreg s4  }
0xaa: {  	[dreg:$0x4] =	wrdreg $0xC0  }
0xab: {  	_ =	task [dreg:s6], $0x5FFFF  }
0xac: {  	[dreg:$0x1] =	wrdreg $0xFFFFFFFF  }
0xad: {  	[dreg:$0x0] =	wrdreg $0x60  }
0xae: {  	[dreg:$0x2] =	wrdreg s24  }
0xaf: {  	[dreg:$0x3] =	wrdreg $0x9  }
0xb0: {  	_ =	task.clear_ibuf [dreg:s6], $0x4FFFF;
	_ =	strace $0x90000046  }
0xb1: {  	s29 =	simm.s32 $0x9;
	_ =	strace $0x80000048  }
0xb2: {  	_ =	swait.ge [sflag:s29], $0x1  }
0xb3: {  	[sflag:s29] =	ssyncadd.s32 $0xFFFFFFFF  }
0xb4: {  	_ =	strace $0x90000048  }
0xb5: {  	_ =	sfence  }
0xb6: {  	s30 =	sld [smem:$0x0];
	_ =	sdelay $0x2  }
0xb7: {  	s31 =	sshll.u32 s1, $0xD;
	s1 =	sshrl.u32 s1, $0x2  }
0xb8: {  	s3 =	sand.u32 $0x4000, s31;
	s1 =	sadd.s32 s1, s30  }
0xb9: {  	s0 =	sor.u32 s3, s0;
	s1 =	sshll.u32 s1, $0x11  }
0xba: {  	s0 =	sor.u32 s1, s0  }
0xbb: {  	s0 =	sadd.s32 $0x8F2B, s0  }
0xbc: {  	[sflag:s0] =	ssyncadd.remote.s32 $0x1  }
0xbd: {  	_ =	sfence.sel $0xFFFF  }
0xbe: {  	[dreg:$0x0] =	wrdreg $0xFFFFFFFF;
	(pc) =	sbr.abs _section_cstart, $3  }
0xbf: {  	[dreg:$0x1] =	wrdreg $0xFFFFFFFF  }
0xc0: {  	_ =	task.clear_ibuf [dreg:s6], $0x2FFFF;
	_ =	strace $0x9FFFFFFF  }
0xc1: {  	(tm) =	ssettm $0x7FFFFFFF  }
tec
execute0_lowered:
.L_overlay_start_1:
0x0: {  	(tag) =	ssettag $0x1  }
0x1: {  	s0 =	srdreg.scid  }
0x2: {  	s5 =	rddreg [dreg:$0x0];
	s1 =	stileid.u32;
	s2 =	simm.s32 $0x0  }
0x3: {  	s9 =	simm.s32 $0x1;
	s4 =	sand.u32 $0x1, s0;
	s0 =	rddreg [dreg:$0x1]  }
0x4: {  	s12 =	simm.s32 $0x0;
	[smem:$0x7FF] =	sst s2;
	s3 =	sshll.u32 s4, $0x4  }
0x5: {  	_ =	strace $0x80000047;
	s6 =	ssub.s32 $0x2, s4;
	s3 =	sor.u32 s1, s3  }
0x6: {  	s4 =	sadd.s32 $0x17600, s5;
	s8 =	sshrl.u32 s6, $0x1;
	s10 =	smul.u32 $0x2710, s3  }
0x7: {  	s3 =	sadd.s32 $0xB200, s5;
	s6 =	ssub.s32 s6, s8;
	s8 =	simm.s32 $0x3  }
0x8: {  	s6 =	smax.u32 s6, $0x1;
	s7 =	sshrl.u32 s10, $0x3;
	s31 =	smax.u32 s10, $0x1  }
0x9: {  	s11 =	sadd.s32 $0x2710, s10;
	v2 =	vmov s10;
	s10 =	simm.s32 $0x1000;
	s5 =	sadd.s32 s7, s5  }
0xa: {  	v3 =	vlaneseq.u32;
	v0 =	vmov s31;
	s7 =	simm.s32 $0x2000;
	v1 =	vmov s11;
	s11 =	simm.s32 $0x2;
	s5 =	sadd.s32 $0x17C00, s5  }
.LBB2_1:
0xb: {  	[tilespmem:s7], [sflag:$0x3] =	stream.linear.gather [hbm4b:s4+s2], $0x2780, $0x38;
	[tilespmem:$0x4780] =	vst v63  }
0xc: {  	_ =	swait.ge [sflag:s8], $0x2780  }
0xd: {  	[sflag:s8] =	ssyncset.done $0x0  }
0xe: {  	s13 =	simm.s32 $0x0;
	[sflag:s8] =	ssyncadd.s32 $0xFFFFD880  }
0xf: {  	[tilespmem:s2], [sflag:$0x1] =	stream.linear.gather [hbm4b:s3+s2], $0xFA0, $0x38;
	[tilespmem:$0x4780] =	vst v63  }
.LBB2_2:
0x10: {  	s15 =	simm.s32 $0x0  }
0x11: {  	s14 =	sshllo.u32 s13, $0x1;
	v7 =	vor.u32 s15, v3  }
0x12: {  	_ =	swait.ge [sflag:s9], $0xFA0;
	s16 =	smul.u32 $0x1F4, s14  }
0x13: {  	[sflag:s9] =	ssyncset.done $0x0  }
0x14: {  	[sflag:s9] =	ssyncadd.s32 $0xFFFFF060;
	s16 =	sadd.s32 s3, s16  }
0x15: {  	[tilespmem:s10], [sflag:$0x2] =	stream.linear.gather [hbm4b:s16+s15], $0xFA0, $0x38;
	[tilespmem:$0x4780] =	vst v63  }
0x16: {  	v5 =	vld.idx.msk [tilespmem:v7+s2+$0x0], $0xffff;
	_ =	sdelay $0x4  }
0x17: {  	vm0 =	vge.s32 v5, v0;
	vm1 =	vlt.s32 v5, v1  }
0x18: {  	vm0 =	vmand vm0, vm1  }
0x19: {  	(xrf1) =	vunique.msk.u32 vm0, v5;
	_ =	sdelay $0xc  }
0x1a: {  	s15 =	smul.u32 $0x1F40, s13  }
0x1b: {  	_, v6, vm0 =	vpop (xrf1)  }
0x1c: {  	s31 =	simm.s32 $0x10;
	v4 =	vmov s15;
	v6 =	vsub.s32 v5, v2  }
0x1d: {  	s16 =	simm.s32 $0x20;
	v7 =	vadd.s32 v4, v7;
	v5 =	vor.u32 s31, v3  }
.LBB2_3:
0x1e: {  	p0 =	sne.s32 s16, $0xF90;
	v7 =	vmulhi.u32 $0xCCCCCCCD, v7;
	_ =	sdelay $0x1  }
0x1f: {  	v7 =	vshrl.u32 v7, $0x5  }
0x20: {  	[tilespmem:v6+s7+$0x0] =	vst.idx.msk vm0, v7  }
0x21: {  	v6 =	vld.idx.msk [tilespmem:v5+s2+$0x0], $0xffff;
	_ =	sdelay $0x5  }
0x22: {  	vm0 =	vge.s32 v6, v0;
	vm1 =	vlt.s32 v6, v1  }
0x23: {  	vm0 =	vmand vm0, vm1  }
0x24: {  	(xrf1) =	vunique.msk.u32 vm0, v6;
	_ =	sdelay $0xb  }
.Ltmp0:
0x25: {  	(pc) =	sbr.rel @p0 .LBB2_3-.Ltmp0, $4  }
0x26: {  	_ = 	snop  }
0x27: {  	_, v7, vm0 =	vpop (xrf1)  }
0x28: {  	v6 =	vsub.s32 v6, v2  }
0x29: {  	v7 =	vadd.s32 v4, v5;
	v5 =	vor.u32 s16, v3;
	s16 =	sadd.s32 $0x10, s16  }
0x2a: {  	_ =	sdelay $0x1  }
0x2b: {  	v7 =	vmulhi.u32 $0xCCCCCCCD, v7;
	_ =	sdelay $0x1  }
0x2c: {  	v7 =	vshrl.u32 v7, $0x5  }
0x2d: {  	[tilespmem:v6+s7+$0x0] =	vst.idx.msk vm0, v7  }
0x2e: {  	v6 =	vld.idx.msk [tilespmem:v5+s2+$0x0], $0xffff;
	_ =	sdelay $0x4  }
0x2f: {  	vm0 =	vge.s32 v6, v0;
	vm1 =	vlt.s32 v6, v1  }
0x30: {  	vm0 =	vmand vm0, vm1  }
0x31: {  	(xrf1) =	vunique.msk.u32 vm0, v6;
	_ =	sdelay $0xd  }
0x32: {  	_, v7, vm0 =	vpop (xrf1)  }
0x33: {  	v6 =	vsub.s32 v6, v2  }
0x34: {  	v4 =	vadd.s32 v4, v5  }
0x35: {  	v4 =	vmulhi.u32 $0xCCCCCCCD, v4;
	_ =	sdelay $0x1  }
0x36: {  	s16 =	simm.s32 $0x0;
	v4 =	vshrl.u32 v4, $0x5  }
0x37: {  	p0 =	seq.s32 s13, $0x31;
	v7 =	vor.u32 s16, v3;
	[tilespmem:v6+s7+$0x0] =	vst.idx.msk vm0, v4  }
0x38: {  	s15 =	sshrl.u32 @!p0 s15, $0x3;
	_ =	swait.ge [sflag:s11], $0xFA0  }
0x39: {  	s15 =	sadd.s32 @!p0 s3, s15;
	[sflag:s11] =	ssyncset.done $0x0  }
0x3a: {  	s15 =	sadd.s32 @!p0 $0x3E8, s15;
	s16 =	simm.s32 @!p0 $0x0;
	[sflag:s11] =	ssyncadd.s32 $0xFFFFF060  }
0x3b: {  	[tilespmem:s16], [sflag:$0x1] =	stream.linear.gather @!p0 [hbm4b:s15+s16], $0xFA0, $0x38;
	[tilespmem:$0x4780] =	vst v63  }
0x3c: {  	v5 =	vld.idx.msk [tilespmem:v7+s10+$0x0], $0xffff;
	_ =	sdelay $0x4  }
0x3d: {  	vm0 =	vge.s32 v5, v0;
	vm1 =	vlt.s32 v5, v1  }
0x3e: {  	vm0 =	vmand vm0, vm1  }
0x3f: {  	(xrf1) =	vunique.msk.u32 vm0, v5;
	_ =	sdelay $0xc  }
0x40: {  	s14 =	smul.u32 $0xFA0, s14  }
0x41: {  	_, v6, vm0 =	vpop (xrf1)  }
0x42: {  	s31 =	simm.s32 $0x10;
	v4 =	vmov s14;
	v6 =	vsub.s32 v5, v2  }
0x43: {  	s14 =	simm.s32 $0x20;
	v7 =	vadd.s32 v4, v7;
	v5 =	vor.u32 s31, v3  }
.LBB2_5:
0x44: {  	p0 =	sne.s32 s14, $0xF90;
	v7 =	vmulhi.u32 $0xCCCCCCCD, v7;
	_ =	sdelay $0x1  }
0x45: {  	v7 =	vshrl.u32 v7, $0x5  }
0x46: {  	[tilespmem:v6+s7+$0x0] =	vst.idx.msk vm0, v7  }
0x47: {  	v6 =	vld.idx.msk [tilespmem:v5+s10+$0x0], $0xffff;
	_ =	sdelay $0x5  }
0x48: {  	vm0 =	vge.s32 v6, v0;
	vm1 =	vlt.s32 v6, v1  }
0x49: {  	vm0 =	vmand vm0, vm1  }
0x4a: {  	(xrf1) =	vunique.msk.u32 vm0, v6;
	_ =	sdelay $0xb  }
.Ltmp1:
0x4b: {  	(pc) =	sbr.rel @p0 .LBB2_5-.Ltmp1, $4  }
0x4c: {  	_ = 	snop  }
0x4d: {  	_, v7, vm0 =	vpop (xrf1)  }
0x4e: {  	v6 =	vsub.s32 v6, v2  }
0x4f: {  	v7 =	vadd.s32 v4, v5;
	v5 =	vor.u32 s14, v3;
	s14 =	sadd.s32 $0x10, s14  }
0x50: {  	_ =	sdelay $0x1  }
0x51: {  	v7 =	vmulhi.u32 $0xCCCCCCCD, v7;
	_ =	sdelay $0x1  }
0x52: {  	v7 =	vshrl.u32 v7, $0x5  }
0x53: {  	[tilespmem:v6+s7+$0x0] =	vst.idx.msk vm0, v7  }
0x54: {  	v6 =	vld.idx.msk [tilespmem:v5+s10+$0x0], $0xffff;
	_ =	sdelay $0x4  }
0x55: {  	vm15 =	vge.s32 v6, v0;
	vm1 =	vlt.s32 v6, v1  }
0x56: {  	vm0 =	vmand vm15, vm1  }
0x57: {  	(xrf1) =	vunique.msk.u32 vm0, v6;
	_ =	sdelay $0xd  }
0x58: {  	s13 =	sadd.s32 $0x1, s13;
	_, v63, vm0 =	vpop (xrf1)  }
0x59: {  	p0 =	sne.s32 s13, $0x32;
	v6 =	vsub.s32 v6, v2  }
.Ltmp2:
0x5a: {  	v4 =	vadd.s32 v4, v5;
	(pc) =	sbr.rel @p0 .LBB2_2-.Ltmp2, $3  }
0x5b: {  	v4 =	vmulhi.u32 $0xCCCCCCCD, v4;
	_ =	sdelay $0x1  }
0x5c: {  	v4 =	vshrl.u32 v4, $0x5  }
0x5d: {  	[tilespmem:v6+s7+$0x0] =	vst.idx.msk vm0, v4  }
0x5e: {  	s12 =	sadd.s32 $0x1, s12  }
0x5f: {  	p0 =	sne.s32 s12, s6  }
.Ltmp3:
0x60: {  	_ = 	snop;
	(pc) =	sbr.rel @p0 .LBB2_1-.Ltmp3, $4  }
0x61: {  	[hbm4b:s5+s2] =	stream.linear.scatter [tilespmem:s7], [sflag:$0x3], $0x2710, $0x38;
	[tilespmem:$0x4780] =	vst v63  }
0x62: {  	_ =	swait.ge [sflag:s8], $0x2710  }
0x63: {  	[sflag:s8] =	ssyncset.done $0x0  }
0x64: {  	[sflag:s8] =	ssyncadd.s32 $0xFFFFD8F0  }
0x65: {  	_ =	sfence.sel $0x180000  }
0x66: {  	[bflag:$0x0] =	sbarrier.arrive $0xFFFF  }
0x67: {  	p0 =	sne.s32 s1, $0x0;
	_ =	strace $0x90000047  }
0x68: {  	s0 =	sadd.s32 @!p0 $0x100000, s0;
	[bflag:$0x2] =	sbarrier.arrive $0xFFFF  }
0x69: {  	[sflag:s0] =	ssyncadd.tile.s32 @!p0 $0x1;
	_ =	shalt  }
.Lfunc_end2:
_tile_overlayer_lowered:
.L_overlay_start_2:
0x6a: {  	(tag) =	ssettag $0x2  }
0x6b: {  	s0 =	rddreg [dreg:$0x0];
	s2 =	stileid.u32  }
0x6c: {  	s1 =	rddreg [dreg:$0x1];
	p0 =	sne.s32 s2, $0x0  }
0x6d: {  	s3 =	rddreg [dreg:$0x2];
	[bflag:$0x3] =	sbarrier.arrive $0xFFFF;
	s2 =	simm.s32 @!p0 $0x1C03  }
0x6e: {  	[timem:s3], [sflag:s2] =	dma.local @!p0 [hbm:s0], s1  }
0x6f: {  	s0 =	simm.s32 @!p0 $0x3  }
0x70: {  	_ =	swait.ge @!p0 [sflag:s0], s1  }
0x71: {  	s1 =	ssub.s32 @!p0 $0x0, s1;
	[sflag:s0] =	ssyncset.done @!p0 $0x0  }
0x72: {  	[sflag:s0] =	ssyncadd.s32 @!p0 s1  }
0x73: {  	[bflag:$0x3] =	sbarrier.arrive $0xFFFF  }
0x74: {  	_ =	shalt  }

// kernel: kernel.16.cloned.1.call-start
scs
__scs_entry_jumppad:
0x0: {  	(pc) =	sbr.rel $0x88, $3  }
0x1: {  	(tag) =	ssettag $0x0;
	lr =	simm.s32 $0x1  }
0x2: {  	[smem:$0x3F92] =	sst lr;
	_ =	strace $0xD0000000  }
0x3: {  	_ = 	snop  }
0x4: {  	_ = 	snop  }
0x5: {  	_ = 	snop  }
0x6: {  	_ = 	snop  }
0x7: {  	_ = 	snop  }
__scs_overlays_trampoline_lowered:
0x8: {  	[smem:$0x3FA1] =	sst s0  }
0x9: {  	[smem:$0x3FA2] =	sst s1  }
0xa: {  	[smem:$0x3FA3] =	sst s2  }
0xb: {  	[smem:$0x3FA4] =	sst s3  }
0xc: {  	[smem:$0x3FA5] =	sst s4  }
0xd: {  	[smem:$0x3FA6] =	sst s5  }
0xe: {  	[smem:$0x3FA7] =	sst s6  }
0xf: {  	[smem:$0x3FA8] =	sst s7  }
0x10: {  	[smem:$0x3FA9] =	sst s8  }
0x11: {  	[smem:$0x3FAA] =	sst s9;
	s0 =	simm.s32 @!p0 $0x0  }
0x12: {  	s1 =	sld [smem:$0x3F90];
	s0 =	simm.s32 @p0 $0x1  }
0x13: {  	[smem:$0x3FAB] =	sst s0;
	s0 =	simm.s32 @!p1 $0x0  }
0x14: {  	s2 =	sld [smem:$0x3F8F];
	s0 =	simm.s32 @p1 $0x1  }
0x15: {  	[smem:$0x3FAC] =	sst s0;
	s0 =	simm.s32 @!p2 $0x0  }
0x16: {  	s3 =	sld [smem:$0x3FDB];
	s0 =	simm.s32 @p2 $0x1  }
0x17: {  	s4 =	simm.s32 $0x1BF5;
	[smem:$0x3FAE] =	sst s0  }
0x18: {  	s0 =	sld [smem:$0x3F91];
	_ =	swait.ge [sflag:s4], $0x0  }
0x19: {  	s7 =	sld [smem:$0x3F92]  }
0x1a: {  	s8 =	sadd.s32 $0xFFFFE003, lr  }
0x1b: {  	s9 =	sadd.s32 $0xFFFFFEF7, lr;
	s5 =	simm.s32 $0xFFFFFFFF;
	p2 =	slt.u32 s8, $0xFFFFF086  }
0x1c: {  	p1 =	slt.u32 s9, $0xF7A;
	s5 =	simm.s32 @!p2 $0x0  }
0x1d: {  	s5 =	simm.s32 @p1 $0x1;
	p0 =	seq.s32 s7, s2  }
0x1e: {  	s7 =	smul.u32 @!p0 $0xF7A, s2;
	p2 =	seq.s32 @!p0 s5, $0x0  }
0x1f: {  	s9 =	smul.u32 $0xF7A, s1;
	s8 =	simm.s32 @!p0 $0x1BF5;
	p2 =	por !p2, p0  }
0x20: {  	[sflag:s8] =	ssyncset.s32 @!p0 $0xFFFFF086;
	s6 =	sadd.s32 @!p0 s3, s7;
	s7 =	simm.s32 @!p0 $0x108  }
0x21: {  	s3 =	sadd.s32 s3, s9;
	s6 =	sadd.s32 @!p0 $0x88, s6;
	s7 =	simm.s32 @p2 $0x1082  }
0x22: {  	[simem:s7], [sflag:s8] =	dma.local @!p0 [hbm:s6], $0xF7A  }
0x23: {  	s9 =	sor.u32 $0xD0000000, s2;
	s6 =	simm.s32 $0x108;
	_ =	swait.ge @!p0 [sflag:s8], $0x0  }
0x24: {  	s3 =	sadd.s32 $0x88, s3;
	s6 =	simm.s32 @!p1 $0x1082;
	[sflag:s4] =	ssyncset.s32 $0xFFFFF086  }
0x25: {  	[simem:s6], [sflag:s4] =	dma.local [hbm:s3], $0xF7A  }
0x26: {  	[smem:$0x3F92] =	sst s1;
	(tag) =	ssettag s2;
	_ =	strace s9  }
0x27: {  	s1 =	sld [smem:$0x3FA2]  }
0x28: {  	s2 =	sld [smem:$0x3FA3]  }
0x29: {  	s4 =	sld [smem:$0x3FA5]  }
0x2a: {  	p0 =	seq.s32 s5, $0x0;
	s5 =	sld [smem:$0x3FA6]  }
0x2b: {  	s6 =	sld [smem:$0x3FA7]  }
0x2c: {  	s7 =	sld [smem:$0x3FA8]  }
0x2d: {  	s3 =	simm.s32 $0x108;
	s8 =	sld [smem:$0x3FA9]  }
0x2e: {  	s3 =	simm.s32 @!p0 $0x1082;
	s9 =	sld [smem:$0x3FAA]  }
0x2f: {  	lr =	sadd.s32 s0, s3;
	s0 =	sld [smem:$0x3FA1]  }
0x30: {  	s3 =	sld [smem:$0x3FA4]  }
0x31: {  	[smem:$0x3FAD] =	sst s10  }
0x32: {  	s10 =	sld [smem:$0x3FAB];
	_ =	sdelay $0x3  }
0x33: {  	p0 =	seq.s32 s10, $0x1;
	s10 =	sld [smem:$0x3FAD];
	_ =	sdelay $0x3  }
0x34: {  	[smem:$0x3FAD] =	sst s10  }
0x35: {  	s10 =	sld [smem:$0x3FAC];
	_ =	sdelay $0x3  }
0x36: {  	p1 =	seq.s32 s10, $0x1;
	s10 =	sld [smem:$0x3FAD];
	_ =	sdelay $0x3  }
0x37: {  	[smem:$0x3FAD] =	sst s10  }
0x38: {  	s10 =	sld [smem:$0x3FAE]  }
0x39: {  	_ = 	snop;
	(pc) =	sbr.ind lr, $3  }
0x3a: {  	_ = 	snop  }
0x3b: {  	_ = 	snop  }
0x3c: {  	p2 =	seq.s32 s10, $0x1;
	s10 =	sld [smem:$0x3FAD]  }
0x3d: {  	_ =	shalt  }
0x3e: {  	_ =	shalt  }
0x3f: {  	_ =	shalt  }
0x40: {  	_ =	shalt  }
0x41: {  	_ =	shalt  }
0x42: {  	_ =	shalt  }
0x43: {  	_ =	shalt  }
0x44: {  	_ =	shalt  }
0x45: {  	_ =	shalt  }
0x46: {  	_ =	shalt  }
0x47: {  	_ =	shalt  }
0x48: {  	_ =	shalt  }
0x49: {  	_ =	shalt  }
0x4a: {  	_ =	shalt  }
0x4b: {  	_ =	shalt  }
0x4c: {  	_ =	shalt  }
0x4d: {  	_ =	shalt  }
0x4e: {  	_ =	shalt  }
0x4f: {  	_ =	shalt  }
0x50: {  	_ =	shalt  }
0x51: {  	_ =	shalt  }
0x52: {  	_ =	shalt  }
0x53: {  	_ =	shalt  }
0x54: {  	_ =	shalt  }
0x55: {  	_ =	shalt  }
0x56: {  	_ =	shalt  }
0x57: {  	_ =	shalt  }
0x58: {  	_ =	shalt  }
0x59: {  	_ =	shalt  }
0x5a: {  	_ =	shalt  }
0x5b: {  	_ =	shalt  }
0x5c: {  	_ =	shalt  }
0x5d: {  	_ =	shalt  }
0x5e: {  	_ =	shalt  }
0x5f: {  	_ =	shalt  }
0x60: {  	_ =	shalt  }
0x61: {  	_ =	shalt  }
0x62: {  	_ =	shalt  }
0x63: {  	_ =	shalt  }
0x64: {  	_ =	shalt  }
0x65: {  	_ =	shalt  }
0x66: {  	_ =	shalt  }
0x67: {  	_ =	shalt  }
0x68: {  	_ =	shalt  }
0x69: {  	_ =	shalt  }
0x6a: {  	_ =	shalt  }
0x6b: {  	_ =	shalt  }
0x6c: {  	_ =	shalt  }
0x6d: {  	_ =	shalt  }
0x6e: {  	_ =	shalt  }
0x6f: {  	_ =	shalt  }
0x70: {  	_ =	shalt  }
0x71: {  	_ =	shalt  }
0x72: {  	_ =	shalt  }
0x73: {  	_ =	shalt  }
0x74: {  	_ =	shalt  }
0x75: {  	_ =	shalt  }
0x76: {  	_ =	shalt  }
0x77: {  	_ =	shalt  }
0x78: {  	_ =	shalt  }
0x79: {  	_ =	shalt  }
0x7a: {  	_ =	shalt  }
0x7b: {  	_ =	shalt  }
0x7c: {  	_ =	shalt  }
0x7d: {  	_ =	shalt  }
0x7e: {  	_ =	shalt  }
0x7f: {  	_ =	shalt  }
0x80: {  	_ =	shalt  }
0x81: {  	_ =	shalt  }
0x82: {  	_ =	shalt  }
0x83: {  	_ =	shalt  }
0x84: {  	_ =	shalt  }
0x85: {  	_ =	shalt  }
0x86: {  	_ =	shalt  }
0x87: {  	_ =	shalt  }
.Lfunc_end0:
.L_simem_size_0:
called_computation.1_lowered:
.L_overlay_start_0:
0x88: {  	s2 =	sld [smem:$0x3FD9]  }
0x89: {  	s3 =	sld [smem:$0x3FFE];
	_ =	sdelay $0x1  }
0x8a: {  	s1 =	srdreg.scid  }
0x8b: {  	s0 =	sand.u32 $0x1, s1  }
0x8c: {  	s17 =	sshll.u32 s0, $0xA;
	s2 =	sadd.s32 s3, s2  }
0x8d: {  	s2 =	sadd.s32 s2, s17  }
0x8e: {  	[smem:$0x3FB9] =	sst s2  }
0x8f: {  	_ = 	snop  }
0x90: {  	s2 =	sld [smem:$0x3FD0];
	(tm) =	ssettm $0x1  }
0x91: {  	s18 =	sld [smem:$0x3FFB];
	_ =	sdelay $0x3  }
0x92: {  	_ =	strace s18  }
0x93: {  	s3 =	sld [smem:$0x3FFC];
	_ =	sdelay $0x3  }
0x94: {  	_ =	strace s3  }
0x95: {  	s3 =	sld [smem:$0x3FFD];
	_ =	sdelay $0x3  }
0x96: {  	_ =	strace s3  }
0x97: {  	_ =	strace $0x8FFFFFFF  }
0x98: {  	s19 =	sld [smem:$0x3FDB];
	_ =	sdelay $0x1  }
0x99: {  	s4 =	simm.s32 $_scs_section_size  }
0x9a: {  	s5 =	simm.s32 $_size__tile_overlayer_lowered;
	s6 =	simm.s32 $_tile_overlayer_lowered  }
0x9b: {  	s22 =	simm.s32 $0x1BFF;
	s21 =	sshll.u32 s6, $0x1;
	s3 =	sadd.s32 s4, s19  }
0x9c: {  	s7 =	simm.s32 $0x0;
	s20 =	sshll.u32 s5, $0x1;
	s5 =	sadd.s32 s21, s3  }
0x9d: {  	[timem:s7], [sflag:s22] =	dma.local [hbm:s5], s20  }
0x9e: {  	_ =	swait.ge [sflag:s22], s20  }
0x9f: {  	s4 =	ssub.s32 $0x0, s20;
	[sflag:s22] =	ssyncset.done $0x0  }
0xa0: {  	[sflag:s22] =	ssyncadd.s32 s4;
	_ =	sdelay $0x1  }
0xa1: {  	s23 =	simm.s32 $0x1B8B  }
0xa2: {  	_ =	swait.ge [sflag:s23], $0x1  }
0xa3: {  	[sflag:s23] =	ssyncset.done $0x0  }
0xa4: {  	s25 =	simm.s32 $0x1B8E;
	s24 =	sld [smem:$0x3FFE];
	[sflag:s23] =	ssyncadd.s32 $0xFFFFFFFF  }
0xa5: {  	s26 =	simm.s32 $execute0_lowered;
	[smem:$0x3FD2] =	sst s25  }
0xa6: {  	s5 =	sshll.u32 s26, $0x1;
	_ =	strace $0x80000049;
	[dreg:$0x1] =	wrdreg $0xFFFFFFFF  }
0xa7: {  	s28 =	simm.s32 $_size_execute0_lowered;
	s3 =	sadd.s32 s3, s5;
	[dreg:$0x0] =	wrdreg $0x0  }
0xa8: {  	s5 =	sshll.u32 s28, $0x1;
	[dreg:$0x2] =	wrdreg s3  }
0xa9: {  	[dreg:$0x3] =	wrdreg s5  }
0xaa: {  	[dreg:$0x4] =	wrdreg $0xC0  }
0xab: {  	_ =	task [dreg:s7], $0x5FFFF  }
0xac: {  	[dreg:$0x1] =	wrdreg $0xFFFFFFFF  }
0xad: {  	[dreg:$0x0] =	wrdreg $0x60  }
0xae: {  	[dreg:$0x2] =	wrdreg s2  }
0xaf: {  	[dreg:$0x3] =	wrdreg s24  }
0xb0: {  	[dreg:$0x4] =	wrdreg $0xA2000  }
0xb1: {  	[dreg:$0x5] =	wrdreg $0x9  }
0xb2: {  	_ =	task.clear_ibuf [dreg:s7], $0x6FFFF;
	_ =	strace $0x90000049  }
0xb3: {  	s29 =	simm.s32 $0x9;
	_ =	strace $0x8000004B  }
0xb4: {  	_ =	swait.ge [sflag:s29], $0x1  }
0xb5: {  	[sflag:s29] =	ssyncadd.s32 $0xFFFFFFFF  }
0xb6: {  	_ =	strace $0x9000004B  }
0xb7: {  	_ =	sfence  }
0xb8: {  	s30 =	sld [smem:$0x0];
	_ =	sdelay $0x2  }
0xb9: {  	s31 =	sshll.u32 s1, $0xD;
	s1 =	sshrl.u32 s1, $0x2  }
0xba: {  	s3 =	sand.u32 $0x4000, s31;
	s1 =	sadd.s32 s1, s30  }
0xbb: {  	s0 =	sor.u32 s3, s0;
	s1 =	sshll.u32 s1, $0x11  }
0xbc: {  	s0 =	sor.u32 s1, s0  }
0xbd: {  	s0 =	sadd.s32 $0x8F2B, s0  }
0xbe: {  	[sflag:s0] =	ssyncadd.remote.s32 $0x1  }
0xbf: {  	_ =	sfence.sel $0xFFFF  }
0xc0: {  	[dreg:$0x0] =	wrdreg $0xFFFFFFFF;
	(pc) =	sbr.abs _section_cstart, $3  }
0xc1: {  	[dreg:$0x1] =	wrdreg $0xFFFFFFFF  }
0xc2: {  	_ =	task.clear_ibuf [dreg:s7], $0x2FFFF;
	_ =	strace $0x9FFFFFFF  }
0xc3: {  	(tm) =	ssettm $0x7FFFFFFF  }
tec
execute0_lowered:
.L_overlay_start_1:
0x0: {  	(tag) =	ssettag $0x1  }
0x1: {  	s1 =	rddreg [dreg:$0x0]  }
0x2: {  	s0 =	rddreg [dreg:$0x1]  }
0x3: {  	s3 =	rddreg [dreg:$0x2];
	s4 =	simm.s32 $0x0;
	s17 =	stileid.u32  }
0x4: {  	s2 =	srdreg.scid;
	s28 =	simm.s32 $0x80;
	s29 =	simm.s32 $0x5  }
0x5: {  	s30 =	simm.s32 $0x2;
	s31 =	simm.s32 $0x4;
	[smem:$0x7FF] =	sst s4  }
0x6: {  	s5 =	smul.u32 $0x2780, s17;
	s2 =	sand.u32 $0x1, s2;
	s7 =	sadd.s32 $0x506400, s0  }
0x7: {  	s8 =	sadd.s32 $0x9E8400, s0;
	s10 =	smul.u32 $0x4F000, s17;
	s14 =	sshll.u32 s17, $0x6  }
0x8: {  	_ =	strace $0x8000004A;
	s6 =	smul.u32 $0x27800, s2;
	s9 =	ssub.s32 $0x2, s2  }
0x9: {  	s24 =	sshll.u32 s2, $0x4;
	s11 =	sadd.s32 s5, s0;
	s23 =	sshrl.u32 s9, $0x1  }
0xa: {  	s25 =	sshrl.u32 s10, $0x2;
	s26 =	sor.u32 s17, s24;
	s0 =	sadd.s32 s6, s0  }
0xb: {  	s13 =	ssub.s32 s9, s23;
	s16 =	sadd.s32 s25, s3;
	s15 =	sadd.s32 $0xA07800, s11  }
0xc: {  	s6 =	sor.u32 $0x1C07, s14;
	s18 =	sshll.u32 s26, $0x5;
	s19 =	smul.u32 $0x500, s26  }
0xd: {  	s20 =	sor.u32 $0x20, s26;
	s14 =	sor.u32 $0xF80, s26;
	s25 =	smul.u32 $0x5000, s2  }
0xe: {  	s2 =	sshll.u32 s2, $0x9;
	s26 =	sshll.u32 s17, $0x5;
	s11 =	smul.u32 $0x500, s20  }
0xf: {  	[dreg:$0x4] =	wrdreg s15;
	s9 =	sadd.s32 s8, s18;
	s22 =	smul.u32 $0x500, s14  }
0x10: {  	s12 =	sshll.u32 s20, $0x5;
	s24 =	sshll.u32 s14, $0x5;
	s15 =	smul.u32 $0x500, s17  }
0x11: {  	s0 =	sadd.s32 $0xA2F000, s0;
	s2 =	sadd.s32 s2, s8;
	s13 =	smax.u32 s13, $0x1  }
0x12: {  	s16 =	sshrl.u32 s16, $0x3;
	s17 =	simm.s32 $0x7;
	s18 =	simm.s32 $0x50  }
0x13: {  	s20 =	simm.s32 $0x5200;
	[dreg:$0x5] =	wrdreg s9;
	s9 =	sadd.s32 s7, s19  }
0x14: {  	s21 =	sadd.s32 s8, s12;
	s14 =	sadd.s32 s26, s2;
	s19 =	simm.s32 $0x200  }
0x15: {  	s26 =	simm.s32 $0x3;
	s2 =	simm.s32 $0x6;
	[dreg:$0x6] =	wrdreg s9  }
0x16: {  	[dreg:$0x7] =	wrdreg s21;
	s23 =	sadd.s32 s7, s11;
	s11 =	sadd.s32 s8, s24  }
0x17: {  	s12 =	sadd.s32 s7, s22;
	s7 =	sadd.s32 s25, s7;
	s21 =	simm.s32 $0x100  }
0x18: {  	s22 =	simm.s32 $0x2A00;
	s24 =	sadd.s32 s5, s0;
	s25 =	simm.s32 $0x1  }
0x19: {  	s0 =	simm.s32 $0x180;
	s5 =	simm.s32 $0x0;
	s7 =	sadd.s32 s15, s7  }
0x1a: {  	[dreg:$0x8] =	wrdreg s23;
	s23 =	simm.s32 $0x7A00;
	s15 =	sadd.s32 $0x1E000, s7  }
.LBB2_1:
0x1b: {  	s7 =	rddreg [dreg:$0x4]  }
0x1c: {  	[spmem:s16], [sflag:s6] =	dma.local [hbm:s7], $0x2780  }
0x1d: {  	_ =	swait.ge [sflag:s17], $0x2780  }
0x1e: {  	[sflag:s17] =	ssyncset.done $0x0  }
0x1f: {  	[sflag:s17] =	ssyncadd.s32 $0xFFFFD880  }
0x20: {  	[bflag:$0x0] =	sbarrier.arrive $0xFFFF  }
0x21: {  	s8 =	rddreg [dreg:$0x5]  }
0x22: {  	[tilespmem:s4], [sflag:$0x7] =	stream.linear.gather [hbm4b:s8+s4], $0x100, $0x38;
	[tilespmem:$0x1DE00] =	vst v63  }
0x23: {  	_ =	swait.ge [sflag:s17], $0x100  }
0x24: {  	[sflag:s17] =	ssyncset.done $0x0  }
0x25: {  	[sflag:s17] =	ssyncadd.s32 $0xFFFFFF00  }
0x26: {  	[tilespmem:s19], [sflag:$0x1] =	stream.indirect.gather [hbm4b:s1+s18], $0x80, s4, s18, $0xb8;
	[tilespmem:$0x1DE00] =	vst v63  }
0x27: {  	s9 =	rddreg [dreg:$0x6]  }
0x28: {  	[tilespmem:s20], [sflag:$0x3] =	stream.linear.gather [hbm4b:s9+s4], $0x2800, $0x38;
	[tilespmem:$0x1DE00] =	vst v63  }
0x29: {  	s10 =	rddreg [dreg:$0x7]  }
0x2a: {  	[tilespmem:s21], [sflag:$0x7] =	stream.linear.gather [hbm4b:s10+s4], $0x100, $0x38;
	[tilespmem:$0x1DE00] =	vst v63  }
0x2b: {  	_ =	swait.ge [sflag:s17], $0x100  }
0x2c: {  	[sflag:s17] =	ssyncset.done $0x0  }
0x2d: {  	[sflag:s17] =	ssyncadd.s32 $0xFFFFFF00  }
0x2e: {  	[tilespmem:s22], [sflag:$0x2] =	stream.indirect.gather [hbm4b:s1+s18], $0x80, s21, s18, $0xb8;
	[tilespmem:$0x1DE00] =	vst v63  }
0x2f: {  	s8 =	rddreg [dreg:$0x8]  }
0x30: {  	[tilespmem:s23], [sflag:$0x4] =	stream.linear.gather [hbm4b:s8+s4], $0x2800, $0x38;
	[tilespmem:$0x1DE00] =	vst v63  }
0x31: {  	_ =	swait.ge [sflag:s25], $0x2800  }
0x32: {  	[sflag:s25] =	ssyncset.done $0x0  }
0x33: {  	[sflag:s25] =	ssyncadd.s32 $0xFFFFD800  }
0x34: {  	_ =	swait.ge [sflag:s26], $0x2800  }
0x35: {  	[sflag:s26] =	ssyncset.done $0x0  }
0x36: {  	[sflag:s26] =	ssyncadd.s32 $0xFFFFD800  }
0x37: {  	[spmem:s3] =	stream.indirect.scatter.add.f32 [tilespmem:s19], [sflag:$0x5], $0x80, s28, s18, $0xb8;
	[tilespmem:$0x1DE00] =	vst v63  }
0x38: {  	_ = 	snop  }
0x39: {  	[spmem:s3] =	stream.indirect.scatter.add.f32 [tilespmem:s20], [sflag:$0x5], $0x80, s28, s18, $0xb8;
	[tilespmem:$0x1DE00] =	vst v63  }
0x3a: {  	_ =	swait.ge [sflag:s29], $0x2800  }
0x3b: {  	[sflag:s29] =	ssyncset.done $0x0  }
0x3c: {  	[sflag:s29] =	ssyncadd.s32 $0xFFFFD800  }
0x3d: {  	_ =	swait.ge [sflag:s29], $0x2800  }
0x3e: {  	s9 =	sadd.s32 $0x0, s14;
	[sflag:s29] =	ssyncset.done $0x0  }
0x3f: {  	s8 =	sadd.s32 $0x800, s9;
	[sflag:s29] =	ssyncadd.s32 $0xFFFFD800  }
0x40: {  	[tilespmem:s4], [sflag:$0x7] =	stream.linear.gather [hbm4b:s8+s4], $0x100, $0x38;
	[tilespmem:$0x1DE00] =	vst v63  }
0x41: {  	_ =	swait.ge [sflag:s17], $0x100  }
0x42: {  	[sflag:s17] =	ssyncset.done $0x0  }
0x43: {  	[sflag:s17] =	ssyncadd.s32 $0xFFFFFF00  }
0x44: {  	[tilespmem:s19], [sflag:$0x1] =	stream.indirect.gather [hbm4b:s1+s18], $0x80, s4, s18, $0xb8;
	[tilespmem:$0x1DE00] =	vst v63  }
0x45: {  	s10 =	sadd.s32 $0xFFFF6000, s15  }
0x46: {  	[tilespmem:s20], [sflag:$0x3] =	stream.linear.gather [hbm4b:s10+s4], $0x2800, $0x38;
	[tilespmem:$0x1DE00] =	vst v63  }
0x47: {  	_ =	swait.ge [sflag:s30], $0x2800  }
0x48: {  	[sflag:s30] =	ssyncset.done $0x0  }
0x49: {  	[sflag:s30] =	ssyncadd.s32 $0xFFFFD800  }
0x4a: {  	_ =	swait.ge [sflag:s31], $0x2800  }
0x4b: {  	[sflag:s31] =	ssyncset.done $0x0  }
0x4c: {  	[sflag:s31] =	ssyncadd.s32 $0xFFFFD800  }
0x4d: {  	[spmem:s3] =	stream.indirect.scatter.add.f32 [tilespmem:s22], [sflag:$0x6], $0x80, s0, s18, $0xb8;
	[tilespmem:$0x1DE00] =	vst v63  }
0x4e: {  	_ = 	snop  }
0x4f: {  	[spmem:s3] =	stream.indirect.scatter.add.f32 [tilespmem:s23], [sflag:$0x6], $0x80, s0, s18, $0xb8;
	[tilespmem:$0x1DE00] =	vst v63  }
0x50: {  	_ =	swait.ge [sflag:s2], $0x2800  }
0x51: {  	[sflag:s2] =	ssyncset.done $0x0  }
0x52: {  	[sflag:s2] =	ssyncadd.s32 $0xFFFFD800  }
0x53: {  	_ =	swait.ge [sflag:s2], $0x2800  }
0x54: {  	[sflag:s2] =	ssyncset.done $0x0  }
0x55: {  	s7 =	sadd.s32 $0xC00, s9;
	[sflag:s2] =	ssyncadd.s32 $0xFFFFD800  }
0x56: {  	[tilespmem:s21], [sflag:$0x7] =	stream.linear.gather [hbm4b:s7+s4], $0x100, $0x38;
	[tilespmem:$0x1DE00] =	vst v63  }
0x57: {  	_ =	swait.ge [sflag:s17], $0x100  }
0x58: {  	[sflag:s17] =	ssyncset.done $0x0  }
0x59: {  	[sflag:s17] =	ssyncadd.s32 $0xFFFFFF00  }
0x5a: {  	[tilespmem:s22], [sflag:$0x2] =	stream.indirect.gather [hbm4b:s1+s18], $0x80, s21, s18, $0xb8;
	[tilespmem:$0x1DE00] =	vst v63  }
0x5b: {  	_ = 	snop  }
0x5c: {  	[tilespmem:s23], [sflag:$0x4] =	stream.linear.gather [hbm4b:s15+s4], $0x2800, $0x38;
	[tilespmem:$0x1DE00] =	vst v63  }
0x5d: {  	_ =	swait.ge [sflag:s25], $0x2800  }
0x5e: {  	[sflag:s25] =	ssyncset.done $0x0  }
0x5f: {  	[sflag:s25] =	ssyncadd.s32 $0xFFFFD800  }
0x60: {  	_ =	swait.ge [sflag:s26], $0x2800  }
0x61: {  	[sflag:s26] =	ssyncset.done $0x0  }
0x62: {  	s8 =	sadd.s32 $0x14000, s15;
	s7 =	simm.s32 $0x800;
	[sflag:s26] =	ssyncadd.s32 $0xFFFFD800  }
0x63: {  	[spmem:s3] =	stream.indirect.scatter.add.f32 [tilespmem:s19], [sflag:$0x5], $0x80, s28, s18, $0xb8;
	[tilespmem:$0x1DE00] =	vst v63  }
.LBB2_2:
0x64: {  	[spmem:s3] =	stream.indirect.scatter.add.f32 [tilespmem:s20], [sflag:$0x5], $0x80, s28, s18, $0xb8;
	[tilespmem:$0x1DE00] =	vst v63  }
0x65: {  	s9 =	smov.u32 s7  }
0x66: {  	p0 =	sne.s32 s7, $0x1E000;
	s7 =	sadd.s32 $0x800, s7;
	_ =	swait.ge [sflag:s29], $0x2800  }
0x67: {  	[sflag:s29] =	ssyncset.done $0x0  }
0x68: {  	[sflag:s29] =	ssyncadd.s32 $0xFFFFD800  }
0x69: {  	_ =	swait.ge [sflag:s29], $0x2800  }
0x6a: {  	s9 =	sadd.s32 s9, s14;
	[sflag:s29] =	ssyncset.done $0x0  }
0x6b: {  	s10 =	sadd.s32 $0x800, s9;
	[sflag:s29] =	ssyncadd.s32 $0xFFFFD800  }
0x6c: {  	[tilespmem:s4], [sflag:$0x7] =	stream.linear.gather [hbm4b:s10+s4], $0x100, $0x38;
	[tilespmem:$0x1DE00] =	vst v63  }
0x6d: {  	_ =	swait.ge [sflag:s17], $0x100  }
0x6e: {  	[sflag:s17] =	ssyncset.done $0x0  }
0x6f: {  	[sflag:s17] =	ssyncadd.s32 $0xFFFFFF00  }
0x70: {  	[tilespmem:s19], [sflag:$0x1] =	stream.indirect.gather [hbm4b:s1+s18], $0x80, s4, s18, $0xb8;
	[tilespmem:$0x1DE00] =	vst v63  }
0x71: {  	s10 =	sadd.s32 $0xFFFF6000, s8  }
0x72: {  	[tilespmem:s20], [sflag:$0x3] =	stream.linear.gather [hbm4b:s10+s4], $0x2800, $0x38;
	[tilespmem:$0x1DE00] =	vst v63  }
0x73: {  	_ =	swait.ge [sflag:s30], $0x2800  }
0x74: {  	[sflag:s30] =	ssyncset.done $0x0  }
0x75: {  	[sflag:s30] =	ssyncadd.s32 $0xFFFFD800  }
0x76: {  	_ =	swait.ge [sflag:s31], $0x2800  }
0x77: {  	[sflag:s31] =	ssyncset.done $0x0  }
0x78: {  	[sflag:s31] =	ssyncadd.s32 $0xFFFFD800  }
0x79: {  	[spmem:s3] =	stream.indirect.scatter.add.f32 [tilespmem:s22], [sflag:$0x6], $0x80, s0, s18, $0xb8;
	[tilespmem:$0x1DE00] =	vst v63  }
0x7a: {  	_ = 	snop  }
0x7b: {  	[spmem:s3] =	stream.indirect.scatter.add.f32 [tilespmem:s23], [sflag:$0x6], $0x80, s0, s18, $0xb8;
	[tilespmem:$0x1DE00] =	vst v63  }
0x7c: {  	_ =	swait.ge [sflag:s2], $0x2800  }
0x7d: {  	[sflag:s2] =	ssyncset.done $0x0  }
0x7e: {  	[sflag:s2] =	ssyncadd.s32 $0xFFFFD800  }
0x7f: {  	_ =	swait.ge [sflag:s2], $0x2800  }
0x80: {  	[sflag:s2] =	ssyncset.done $0x0  }
0x81: {  	s9 =	sadd.s32 $0xC00, s9;
	[sflag:s2] =	ssyncadd.s32 $0xFFFFD800  }
0x82: {  	[tilespmem:s21], [sflag:$0x7] =	stream.linear.gather [hbm4b:s9+s4], $0x100, $0x38;
	[tilespmem:$0x1DE00] =	vst v63  }
0x83: {  	_ =	swait.ge [sflag:s17], $0x100  }
0x84: {  	[sflag:s17] =	ssyncset.done $0x0  }
0x85: {  	[sflag:s17] =	ssyncadd.s32 $0xFFFFFF00  }
0x86: {  	[tilespmem:s22], [sflag:$0x2] =	stream.indirect.gather [hbm4b:s1+s18], $0x80, s21, s18, $0xb8;
	[tilespmem:$0x1DE00] =	vst v63  }
0x87: {  	_ = 	snop  }
0x88: {  	[tilespmem:s23], [sflag:$0x4] =	stream.linear.gather [hbm4b:s8+s4], $0x2800, $0x38;
	[tilespmem:$0x1DE00] =	vst v63  }
0x89: {  	_ =	swait.ge [sflag:s25], $0x2800  }
0x8a: {  	[sflag:s25] =	ssyncset.done $0x0  }
0x8b: {  	[sflag:s25] =	ssyncadd.s32 $0xFFFFD800  }
.Ltmp0:
0x8c: {  	_ =	swait.ge [sflag:s26], $0x2800;
	(pc) =	sbr.rel @p0 .LBB2_2-.Ltmp0, $4  }
0x8d: {  	[sflag:s26] =	ssyncset.done $0x0  }
0x8e: {  	[sflag:s26] =	ssyncadd.s32 $0xFFFFD800  }
0x8f: {  	[spmem:s3] =	stream.indirect.scatter.add.f32 [tilespmem:s19], [sflag:$0x5], $0x80, s28, s18, $0xb8;
	[tilespmem:$0x1DE00] =	vst v63  }
0x90: {  	s8 =	sadd.s32 $0x14000, s8  }
0x91: {  	[spmem:s3] =	stream.indirect.scatter.add.f32 [tilespmem:s20], [sflag:$0x5], $0x80, s28, s18, $0xb8;
	[tilespmem:$0x1DE00] =	vst v63  }
0x92: {  	_ =	swait.ge [sflag:s29], $0x2800  }
0x93: {  	[sflag:s29] =	ssyncset.done $0x0  }
0x94: {  	[sflag:s29] =	ssyncadd.s32 $0xFFFFD800  }
0x95: {  	_ =	swait.ge [sflag:s29], $0x2800  }
0x96: {  	[sflag:s29] =	ssyncset.done $0x0  }
0x97: {  	[sflag:s29] =	ssyncadd.s32 $0xFFFFD800  }
0x98: {  	[tilespmem:s4], [sflag:$0x7] =	stream.linear.gather [hbm4b:s11+s4], $0x100, $0x38;
	[tilespmem:$0x1DE00] =	vst v63  }
0x99: {  	_ =	swait.ge [sflag:s17], $0x100  }
0x9a: {  	[sflag:s17] =	ssyncset.done $0x0  }
0x9b: {  	[sflag:s17] =	ssyncadd.s32 $0xFFFFFF00  }
0x9c: {  	[tilespmem:s19], [sflag:$0x1] =	stream.indirect.gather [hbm4b:s1+s18], $0x80, s4, s18, $0xb8;
	[tilespmem:$0x1DE00] =	vst v63  }
0x9d: {  	_ = 	snop  }
0x9e: {  	[tilespmem:s20], [sflag:$0x3] =	stream.linear.gather [hbm4b:s12+s4], $0x2800, $0x38;
	[tilespmem:$0x1DE00] =	vst v63  }
0x9f: {  	_ =	swait.ge [sflag:s30], $0x2800  }
0xa0: {  	[sflag:s30] =	ssyncset.done $0x0  }
0xa1: {  	[sflag:s30] =	ssyncadd.s32 $0xFFFFD800  }
0xa2: {  	_ =	swait.ge [sflag:s31], $0x2800  }
0xa3: {  	[sflag:s31] =	ssyncset.done $0x0  }
0xa4: {  	[sflag:s31] =	ssyncadd.s32 $0xFFFFD800  }
0xa5: {  	[spmem:s3] =	stream.indirect.scatter.add.f32 [tilespmem:s22], [sflag:$0x6], $0x80, s0, s18, $0xb8;
	[tilespmem:$0x1DE00] =	vst v63  }
0xa6: {  	_ = 	snop  }
0xa7: {  	[spmem:s3] =	stream.indirect.scatter.add.f32 [tilespmem:s23], [sflag:$0x6], $0x80, s0, s18, $0xb8;
	[tilespmem:$0x1DE00] =	vst v63  }
0xa8: {  	_ =	swait.ge [sflag:s25], $0x2800  }
0xa9: {  	[sflag:s25] =	ssyncset.done $0x0  }
0xaa: {  	[sflag:s25] =	ssyncadd.s32 $0xFFFFD800  }
0xab: {  	_ =	swait.ge [sflag:s26], $0x2800  }
0xac: {  	[sflag:s26] =	ssyncset.done $0x0  }
0xad: {  	[sflag:s26] =	ssyncadd.s32 $0xFFFFD800  }
0xae: {  	[spmem:s3] =	stream.indirect.scatter.add.f32 [tilespmem:s19], [sflag:$0x5], $0x80, s28, s18, $0xb8;
	[tilespmem:$0x1DE00] =	vst v63  }
0xaf: {  	_ = 	snop  }
0xb0: {  	[spmem:s3] =	stream.indirect.scatter.add.f32 [tilespmem:s20], [sflag:$0x5], $0x80, s28, s18, $0xb8;
	[tilespmem:$0x1DE00] =	vst v63  }
0xb1: {  	_ =	swait.ge [sflag:s2], $0x2800  }
0xb2: {  	[sflag:s2] =	ssyncset.done $0x0  }
0xb3: {  	[sflag:s2] =	ssyncadd.s32 $0xFFFFD800  }
0xb4: {  	_ =	swait.ge [sflag:s2], $0x2800  }
0xb5: {  	[sflag:s2] =	ssyncset.done $0x0  }
0xb6: {  	[sflag:s2] =	ssyncadd.s32 $0xFFFFD800  }
0xb7: {  	_ =	swait.ge [sflag:s29], $0x2800  }
0xb8: {  	[sflag:s29] =	ssyncset.done $0x0  }
0xb9: {  	[sflag:s29] =	ssyncadd.s32 $0xFFFFD800  }
0xba: {  	_ =	swait.ge [sflag:s29], $0x2800  }
0xbb: {  	s5 =	sadd.s32 $0x1, s5;
	[sflag:s29] =	ssyncset.done $0x0  }
0xbc: {  	p0 =	sne.s32 s5, s13;
	[sflag:s29] =	ssyncadd.s32 $0xFFFFD800  }
.Ltmp1:
0xbd: {  	[bflag:$0x0] =	sbarrier.arrive $0xFFFF;
	(pc) =	sbr.rel @p0 .LBB2_1-.Ltmp1, $4  }
0xbe: {  	[hbm:s24], [sflag:s6] =	dma.local [spmem:s16], $0x2780  }
0xbf: {  	_ =	swait.ge [sflag:s17], $0x2780  }
0xc0: {  	[sflag:s17] =	ssyncset.done $0x0  }
0xc1: {  	[sflag:s17] =	ssyncadd.s32 $0xFFFFD880  }
0xc2: {  	_ =	sfence.sel $0x180000  }
0xc3: {  	[bflag:$0x0] =	sbarrier.arrive $0xFFFF  }
0xc4: {  	_ =	strace $0x9000004A  }
0xc5: {  	s0 =	stileid.u32;
	[bflag:$0x2] =	sbarrier.arrive $0xFFFF  }
0xc6: {  	p0 =	sne.s32 s0, $0x0;
	s0 =	rddreg [dreg:$0x3]  }
0xc7: {  	s0 =	sadd.s32 @!p0 $0x100000, s0  }
0xc8: {  	[sflag:s0] =	ssyncadd.tile.s32 @!p0 $0x1;
	_ =	shalt  }
.Lfunc_end2:
_tile_overlayer_lowered:
.L_overlay_start_2:
0xc9: {  	(tag) =	ssettag $0x2  }
0xca: {  	s0 =	rddreg [dreg:$0x0];
	s2 =	stileid.u32  }
0xcb: {  	s1 =	rddreg [dreg:$0x1];
	p0 =	sne.s32 s2, $0x0  }
0xcc: {  	s3 =	rddreg [dreg:$0x2];
	[bflag:$0x3] =	sbarrier.arrive $0xFFFF;
	s2 =	simm.s32 @!p0 $0x1C07  }
0xcd: {  	[timem:s3], [sflag:s2] =	dma.local @!p0 [hbm:s0], s1  }
0xce: {  	s0 =	simm.s32 @!p0 $0x7  }
0xcf: {  	_ =	swait.ge @!p0 [sflag:s0], s1  }
0xd0: {  	s1 =	ssub.s32 @!p0 $0x0, s1;
	[sflag:s0] =	ssyncset.done @!p0 $0x0  }
0xd1: {  	[sflag:s0] =	ssyncadd.s32 @!p0 s1  }
0xd2: {  	[bflag:$0x3] =	sbarrier.arrive $0xFFFF  }
0xd3: {  	_ =	shalt  }

// kernel: kernel.19.cloned.1.call-start
scs
__scs_entry_jumppad:
0x0: {  	(pc) =	sbr.rel $0x88, $3  }
0x1: {  	(tag) =	ssettag $0x0;
	lr =	simm.s32 $0x1  }
0x2: {  	[smem:$0x3F92] =	sst lr;
	_ =	strace $0xD0000000  }
0x3: {  	_ = 	snop  }
0x4: {  	_ = 	snop  }
0x5: {  	_ = 	snop  }
0x6: {  	_ = 	snop  }
0x7: {  	_ = 	snop  }
__scs_overlays_trampoline_lowered:
0x8: {  	[smem:$0x3FA1] =	sst s0  }
0x9: {  	[smem:$0x3FA2] =	sst s1  }
0xa: {  	[smem:$0x3FA3] =	sst s2  }
0xb: {  	[smem:$0x3FA4] =	sst s3  }
0xc: {  	[smem:$0x3FA5] =	sst s4  }
0xd: {  	[smem:$0x3FA6] =	sst s5  }
0xe: {  	[smem:$0x3FA7] =	sst s6  }
0xf: {  	[smem:$0x3FA8] =	sst s7  }
0x10: {  	[smem:$0x3FA9] =	sst s8  }
0x11: {  	[smem:$0x3FAA] =	sst s9;
	s0 =	simm.s32 @!p0 $0x0  }
0x12: {  	s1 =	sld [smem:$0x3F90];
	s0 =	simm.s32 @p0 $0x1  }
0x13: {  	[smem:$0x3FAB] =	sst s0;
	s0 =	simm.s32 @!p1 $0x0  }
0x14: {  	s2 =	sld [smem:$0x3F8F];
	s0 =	simm.s32 @p1 $0x1  }
0x15: {  	[smem:$0x3FAC] =	sst s0;
	s0 =	simm.s32 @!p2 $0x0  }
0x16: {  	s3 =	sld [smem:$0x3FDB];
	s0 =	simm.s32 @p2 $0x1  }
0x17: {  	s4 =	simm.s32 $0x1BF5;
	[smem:$0x3FAE] =	sst s0  }
0x18: {  	s0 =	sld [smem:$0x3F91];
	_ =	swait.ge [sflag:s4], $0x0  }
0x19: {  	s7 =	sld [smem:$0x3F92]  }
0x1a: {  	s8 =	sadd.s32 $0xFFFFE003, lr  }
0x1b: {  	s9 =	sadd.s32 $0xFFFFFEF7, lr;
	s5 =	simm.s32 $0xFFFFFFFF;
	p2 =	slt.u32 s8, $0xFFFFF086  }
0x1c: {  	p1 =	slt.u32 s9, $0xF7A;
	s5 =	simm.s32 @!p2 $0x0  }
0x1d: {  	s5 =	simm.s32 @p1 $0x1;
	p0 =	seq.s32 s7, s2  }
0x1e: {  	s7 =	smul.u32 @!p0 $0xF7A, s2;
	p2 =	seq.s32 @!p0 s5, $0x0  }
0x1f: {  	s9 =	smul.u32 $0xF7A, s1;
	s8 =	simm.s32 @!p0 $0x1BF5;
	p2 =	por !p2, p0  }
0x20: {  	[sflag:s8] =	ssyncset.s32 @!p0 $0xFFFFF086;
	s6 =	sadd.s32 @!p0 s3, s7;
	s7 =	simm.s32 @!p0 $0x108  }
0x21: {  	s3 =	sadd.s32 s3, s9;
	s6 =	sadd.s32 @!p0 $0x88, s6;
	s7 =	simm.s32 @p2 $0x1082  }
0x22: {  	[simem:s7], [sflag:s8] =	dma.local @!p0 [hbm:s6], $0xF7A  }
0x23: {  	s9 =	sor.u32 $0xD0000000, s2;
	s6 =	simm.s32 $0x108;
	_ =	swait.ge @!p0 [sflag:s8], $0x0  }
0x24: {  	s3 =	sadd.s32 $0x88, s3;
	s6 =	simm.s32 @!p1 $0x1082;
	[sflag:s4] =	ssyncset.s32 $0xFFFFF086  }
0x25: {  	[simem:s6], [sflag:s4] =	dma.local [hbm:s3], $0xF7A  }
0x26: {  	[smem:$0x3F92] =	sst s1;
	(tag) =	ssettag s2;
	_ =	strace s9  }
0x27: {  	s1 =	sld [smem:$0x3FA2]  }
0x28: {  	s2 =	sld [smem:$0x3FA3]  }
0x29: {  	s4 =	sld [smem:$0x3FA5]  }
0x2a: {  	p0 =	seq.s32 s5, $0x0;
	s5 =	sld [smem:$0x3FA6]  }
0x2b: {  	s6 =	sld [smem:$0x3FA7]  }
0x2c: {  	s7 =	sld [smem:$0x3FA8]  }
0x2d: {  	s3 =	simm.s32 $0x108;
	s8 =	sld [smem:$0x3FA9]  }
0x2e: {  	s3 =	simm.s32 @!p0 $0x1082;
	s9 =	sld [smem:$0x3FAA]  }
0x2f: {  	lr =	sadd.s32 s0, s3;
	s0 =	sld [smem:$0x3FA1]  }
0x30: {  	s3 =	sld [smem:$0x3FA4]  }
0x31: {  	[smem:$0x3FAD] =	sst s10  }
0x32: {  	s10 =	sld [smem:$0x3FAB];
	_ =	sdelay $0x3  }
0x33: {  	p0 =	seq.s32 s10, $0x1;
	s10 =	sld [smem:$0x3FAD];
	_ =	sdelay $0x3  }
0x34: {  	[smem:$0x3FAD] =	sst s10  }
0x35: {  	s10 =	sld [smem:$0x3FAC];
	_ =	sdelay $0x3  }
0x36: {  	p1 =	seq.s32 s10, $0x1;
	s10 =	sld [smem:$0x3FAD];
	_ =	sdelay $0x3  }
0x37: {  	[smem:$0x3FAD] =	sst s10  }
0x38: {  	s10 =	sld [smem:$0x3FAE]  }
0x39: {  	_ = 	snop;
	(pc) =	sbr.ind lr, $3  }
0x3a: {  	_ = 	snop  }
0x3b: {  	_ = 	snop  }
0x3c: {  	p2 =	seq.s32 s10, $0x1;
	s10 =	sld [smem:$0x3FAD]  }
0x3d: {  	_ =	shalt  }
0x3e: {  	_ =	shalt  }
0x3f: {  	_ =	shalt  }
0x40: {  	_ =	shalt  }
0x41: {  	_ =	shalt  }
0x42: {  	_ =	shalt  }
0x43: {  	_ =	shalt  }
0x44: {  	_ =	shalt  }
0x45: {  	_ =	shalt  }
0x46: {  	_ =	shalt  }
0x47: {  	_ =	shalt  }
0x48: {  	_ =	shalt  }
0x49: {  	_ =	shalt  }
0x4a: {  	_ =	shalt  }
0x4b: {  	_ =	shalt  }
0x4c: {  	_ =	shalt  }
0x4d: {  	_ =	shalt  }
0x4e: {  	_ =	shalt  }
0x4f: {  	_ =	shalt  }
0x50: {  	_ =	shalt  }
0x51: {  	_ =	shalt  }
0x52: {  	_ =	shalt  }
0x53: {  	_ =	shalt  }
0x54: {  	_ =	shalt  }
0x55: {  	_ =	shalt  }
0x56: {  	_ =	shalt  }
0x57: {  	_ =	shalt  }
0x58: {  	_ =	shalt  }
0x59: {  	_ =	shalt  }
0x5a: {  	_ =	shalt  }
0x5b: {  	_ =	shalt  }
0x5c: {  	_ =	shalt  }
0x5d: {  	_ =	shalt  }
0x5e: {  	_ =	shalt  }
0x5f: {  	_ =	shalt  }
0x60: {  	_ =	shalt  }
0x61: {  	_ =	shalt  }
0x62: {  	_ =	shalt  }
0x63: {  	_ =	shalt  }
0x64: {  	_ =	shalt  }
0x65: {  	_ =	shalt  }
0x66: {  	_ =	shalt  }
0x67: {  	_ =	shalt  }
0x68: {  	_ =	shalt  }
0x69: {  	_ =	shalt  }
0x6a: {  	_ =	shalt  }
0x6b: {  	_ =	shalt  }
0x6c: {  	_ =	shalt  }
0x6d: {  	_ =	shalt  }
0x6e: {  	_ =	shalt  }
0x6f: {  	_ =	shalt  }
0x70: {  	_ =	shalt  }
0x71: {  	_ =	shalt  }
0x72: {  	_ =	shalt  }
0x73: {  	_ =	shalt  }
0x74: {  	_ =	shalt  }
0x75: {  	_ =	shalt  }
0x76: {  	_ =	shalt  }
0x77: {  	_ =	shalt  }
0x78: {  	_ =	shalt  }
0x79: {  	_ =	shalt  }
0x7a: {  	_ =	shalt  }
0x7b: {  	_ =	shalt  }
0x7c: {  	_ =	shalt  }
0x7d: {  	_ =	shalt  }
0x7e: {  	_ =	shalt  }
0x7f: {  	_ =	shalt  }
0x80: {  	_ =	shalt  }
0x81: {  	_ =	shalt  }
0x82: {  	_ =	shalt  }
0x83: {  	_ =	shalt  }
0x84: {  	_ =	shalt  }
0x85: {  	_ =	shalt  }
0x86: {  	_ =	shalt  }
0x87: {  	_ =	shalt  }
.Lfunc_end0:
.L_simem_size_0:
called_computation.2_lowered:
.L_overlay_start_0:
0x88: {  	s2 =	sld [smem:$0x3FD9]  }
0x89: {  	s3 =	sld [smem:$0x3FFE];
	_ =	sdelay $0x1  }
0x8a: {  	s1 =	srdreg.scid  }
0x8b: {  	s0 =	sand.u32 $0x1, s1  }
0x8c: {  	s17 =	sshll.u32 s0, $0xA;
	s2 =	sadd.s32 s3, s2  }
0x8d: {  	s2 =	sadd.s32 s2, s17  }
0x8e: {  	[smem:$0x3FB9] =	sst s2  }
0x8f: {  	_ = 	snop  }
0x90: {  	s2 =	sld [smem:$0x3FD0];
	(tm) =	ssettm $0x1  }
0x91: {  	s18 =	sld [smem:$0x3FFB];
	_ =	sdelay $0x3  }
0x92: {  	_ =	strace s18  }
0x93: {  	s3 =	sld [smem:$0x3FFC];
	_ =	sdelay $0x3  }
0x94: {  	_ =	strace s3  }
0x95: {  	s3 =	sld [smem:$0x3FFD];
	_ =	sdelay $0x3  }
0x96: {  	_ =	strace s3  }
0x97: {  	_ =	strace $0x8FFFFFFF  }
0x98: {  	s19 =	sld [smem:$0x3FDB];
	_ =	sdelay $0x1  }
0x99: {  	s4 =	simm.s32 $_scs_section_size  }
0x9a: {  	s5 =	simm.s32 $_size__tile_overlayer_lowered;
	s6 =	simm.s32 $_tile_overlayer_lowered  }
0x9b: {  	s22 =	simm.s32 $0x1BFF;
	s21 =	sshll.u32 s6, $0x1;
	s3 =	sadd.s32 s4, s19  }
0x9c: {  	s7 =	simm.s32 $0x0;
	s20 =	sshll.u32 s5, $0x1;
	s5 =	sadd.s32 s21, s3  }
0x9d: {  	[timem:s7], [sflag:s22] =	dma.local [hbm:s5], s20  }
0x9e: {  	_ =	swait.ge [sflag:s22], s20  }
0x9f: {  	s4 =	ssub.s32 $0x0, s20;
	[sflag:s22] =	ssyncset.done $0x0  }
0xa0: {  	[sflag:s22] =	ssyncadd.s32 s4;
	_ =	sdelay $0x1  }
0xa1: {  	s23 =	simm.s32 $0x1B8B  }
0xa2: {  	_ =	swait.ge [sflag:s23], $0x1  }
0xa3: {  	[sflag:s23] =	ssyncset.done $0x0  }
0xa4: {  	s25 =	simm.s32 $0x1B8E;
	s24 =	sld [smem:$0x3FFE];
	[sflag:s23] =	ssyncadd.s32 $0xFFFFFFFF  }
0xa5: {  	s26 =	simm.s32 $execute0_lowered;
	[smem:$0x3FD2] =	sst s25  }
0xa6: {  	s5 =	sshll.u32 s26, $0x1;
	_ =	strace $0x8000004C;
	[dreg:$0x1] =	wrdreg $0xFFFFFFFF  }
0xa7: {  	s28 =	simm.s32 $_size_execute0_lowered;
	s3 =	sadd.s32 s3, s5;
	[dreg:$0x0] =	wrdreg $0x0  }
0xa8: {  	s5 =	sshll.u32 s28, $0x1;
	[dreg:$0x2] =	wrdreg s3  }
0xa9: {  	[dreg:$0x3] =	wrdreg s5  }
0xaa: {  	[dreg:$0x4] =	wrdreg $0xC0  }
0xab: {  	_ =	task [dreg:s7], $0x5FFFF  }
0xac: {  	[dreg:$0x1] =	wrdreg $0xFFFFFFFF  }
0xad: {  	[dreg:$0x0] =	wrdreg $0x60  }
0xae: {  	[dreg:$0x2] =	wrdreg s2  }
0xaf: {  	[dreg:$0x3] =	wrdreg s24  }
0xb0: {  	[dreg:$0x4] =	wrdreg $0xA2000  }
0xb1: {  	[dreg:$0x5] =	wrdreg $0x9  }
0xb2: {  	_ =	task.clear_ibuf [dreg:s7], $0x6FFFF;
	_ =	strace $0x9000004C  }
0xb3: {  	s29 =	simm.s32 $0x9;
	_ =	strace $0x8000004E  }
0xb4: {  	_ =	swait.ge [sflag:s29], $0x1  }
0xb5: {  	[sflag:s29] =	ssyncadd.s32 $0xFFFFFFFF  }
0xb6: {  	_ =	strace $0x9000004E  }
0xb7: {  	_ =	sfence  }
0xb8: {  	s30 =	sld [smem:$0x0];
	_ =	sdelay $0x2  }
0xb9: {  	s31 =	sshll.u32 s1, $0xD;
	s1 =	sshrl.u32 s1, $0x2  }
0xba: {  	s3 =	sand.u32 $0x4000, s31;
	s1 =	sadd.s32 s1, s30  }
0xbb: {  	s0 =	sor.u32 s3, s0;
	s1 =	sshll.u32 s1, $0x11  }
0xbc: {  	s0 =	sor.u32 s1, s0  }
0xbd: {  	s0 =	sadd.s32 $0x8F2B, s0  }
0xbe: {  	[sflag:s0] =	ssyncadd.remote.s32 $0x1  }
0xbf: {  	_ =	sfence.sel $0xFFFF  }
0xc0: {  	[dreg:$0x0] =	wrdreg $0xFFFFFFFF;
	(pc) =	sbr.abs _section_cstart, $3  }
0xc1: {  	[dreg:$0x1] =	wrdreg $0xFFFFFFFF  }
0xc2: {  	_ =	task.clear_ibuf [dreg:s7], $0x2FFFF;
	_ =	strace $0x9FFFFFFF  }
0xc3: {  	(tm) =	ssettm $0x7FFFFFFF  }
tec
execute0_lowered:
.L_overlay_start_1:
0x0: {  	(tag) =	ssettag $0x1  }
0x1: {  	s1 =	rddreg [dreg:$0x0]  }
0x2: {  	s0 =	rddreg [dreg:$0x1]  }
0x3: {  	s3 =	rddreg [dreg:$0x2];
	s4 =	simm.s32 $0x0;
	s17 =	stileid.u32  }
0x4: {  	s2 =	srdreg.scid;
	s28 =	simm.s32 $0x80;
	s29 =	simm.s32 $0x5  }
0x5: {  	s30 =	simm.s32 $0x2;
	s31 =	simm.s32 $0x4;
	[smem:$0x7FF] =	sst s4  }
0x6: {  	s5 =	smul.u32 $0x2780, s17;
	s2 =	sand.u32 $0x1, s2;
	s7 =	sadd.s32 $0xA7E000, s0  }
0x7: {  	s8 =	sadd.s32 $0x9E8400, s0;
	s10 =	smul.u32 $0x4F000, s17;
	s14 =	sshll.u32 s17, $0x6  }
0x8: {  	_ =	strace $0x8000004D;
	s6 =	smul.u32 $0x27800, s2;
	s9 =	ssub.s32 $0x2, s2  }
0x9: {  	s24 =	sshll.u32 s2, $0x4;
	s11 =	sadd.s32 s5, s0;
	s23 =	sshrl.u32 s9, $0x1  }
0xa: {  	s25 =	sshrl.u32 s10, $0x2;
	s26 =	sor.u32 s17, s24;
	s0 =	sadd.s32 s6, s0  }
0xb: {  	s13 =	ssub.s32 s9, s23;
	s16 =	sadd.s32 s25, s3;
	s15 =	sadd.s32 $0xA07800, s11  }
0xc: {  	s6 =	sor.u32 $0x1C07, s14;
	s18 =	sshll.u32 s26, $0x5;
	s19 =	smul.u32 $0x500, s26  }
0xd: {  	s20 =	sor.u32 $0x20, s26;
	s14 =	sor.u32 $0xF80, s26;
	s25 =	smul.u32 $0x5000, s2  }
0xe: {  	s2 =	sshll.u32 s2, $0x9;
	s26 =	sshll.u32 s17, $0x5;
	s11 =	smul.u32 $0x500, s20  }
0xf: {  	[dreg:$0x4] =	wrdreg s15;
	s9 =	sadd.s32 s8, s18;
	s22 =	smul.u32 $0x500, s14  }
0x10: {  	s12 =	sshll.u32 s20, $0x5;
	s24 =	sshll.u32 s14, $0x5;
	s15 =	smul.u32 $0x500, s17  }
0x11: {  	s0 =	sadd.s32 $0xA2F000, s0;
	s2 =	sadd.s32 s2, s8;
	s13 =	smax.u32 s13, $0x1  }
0x12: {  	s16 =	sshrl.u32 s16, $0x3;
	s17 =	simm.s32 $0x7;
	s18 =	simm.s32 $0x50  }
0x13: {  	s20 =	simm.s32 $0x5200;
	[dreg:$0x5] =	wrdreg s9;
	s9 =	sadd.s32 s7, s19  }
0x14: {  	s21 =	sadd.s32 s8, s12;
	s14 =	sadd.s32 s26, s2;
	s19 =	simm.s32 $0x200  }
0x15: {  	s26 =	simm.s32 $0x3;
	s2 =	simm.s32 $0x6;
	[dreg:$0x6] =	wrdreg s9  }
0x16: {  	[dreg:$0x7] =	wrdreg s21;
	s23 =	sadd.s32 s7, s11;
	s11 =	sadd.s32 s8, s24  }
0x17: {  	s12 =	sadd.s32 s7, s22;
	s7 =	sadd.s32 s25, s7;
	s21 =	simm.s32 $0x100  }
0x18: {  	s22 =	simm.s32 $0x2A00;
	s24 =	sadd.s32 s5, s0;
	s25 =	simm.s32 $0x1  }
0x19: {  	s0 =	simm.s32 $0x180;
	s5 =	simm.s32 $0x0;
	s7 =	sadd.s32 s15, s7  }
0x1a: {  	[dreg:$0x8] =	wrdreg s23;
	s23 =	simm.s32 $0x7A00;
	s15 =	sadd.s32 $0x1E000, s7  }
.LBB2_1:
0x1b: {  	s7 =	rddreg [dreg:$0x4]  }
0x1c: {  	[spmem:s16], [sflag:s6] =	dma.local [hbm:s7], $0x2780  }
0x1d: {  	_ =	swait.ge [sflag:s17], $0x2780  }
0x1e: {  	[sflag:s17] =	ssyncset.done $0x0  }
0x1f: {  	[sflag:s17] =	ssyncadd.s32 $0xFFFFD880  }
0x20: {  	[bflag:$0x0] =	sbarrier.arrive $0xFFFF  }
0x21: {  	s8 =	rddreg [dreg:$0x5]  }
0x22: {  	[tilespmem:s4], [sflag:$0x7] =	stream.linear.gather [hbm4b:s8+s4], $0x100, $0x38;
	[tilespmem:$0x1DE00] =	vst v63  }
0x23: {  	_ =	swait.ge [sflag:s17], $0x100  }
0x24: {  	[sflag:s17] =	ssyncset.done $0x0  }
0x25: {  	[sflag:s17] =	ssyncadd.s32 $0xFFFFFF00  }
0x26: {  	[tilespmem:s19], [sflag:$0x1] =	stream.indirect.gather [hbm4b:s1+s18], $0x80, s4, s18, $0xb8;
	[tilespmem:$0x1DE00] =	vst v63  }
0x27: {  	s9 =	rddreg [dreg:$0x6]  }
0x28: {  	[tilespmem:s20], [sflag:$0x3] =	stream.linear.gather [hbm4b:s9+s4], $0x2800, $0x38;
	[tilespmem:$0x1DE00] =	vst v63  }
0x29: {  	s10 =	rddreg [dreg:$0x7]  }
0x2a: {  	[tilespmem:s21], [sflag:$0x7] =	stream.linear.gather [hbm4b:s10+s4], $0x100, $0x38;
	[tilespmem:$0x1DE00] =	vst v63  }
0x2b: {  	_ =	swait.ge [sflag:s17], $0x100  }
0x2c: {  	[sflag:s17] =	ssyncset.done $0x0  }
0x2d: {  	[sflag:s17] =	ssyncadd.s32 $0xFFFFFF00  }
0x2e: {  	[tilespmem:s22], [sflag:$0x2] =	stream.indirect.gather [hbm4b:s1+s18], $0x80, s21, s18, $0xb8;
	[tilespmem:$0x1DE00] =	vst v63  }
0x2f: {  	s8 =	rddreg [dreg:$0x8]  }
0x30: {  	[tilespmem:s23], [sflag:$0x4] =	stream.linear.gather [hbm4b:s8+s4], $0x2800, $0x38;
	[tilespmem:$0x1DE00] =	vst v63  }
0x31: {  	_ =	swait.ge [sflag:s25], $0x2800  }
0x32: {  	[sflag:s25] =	ssyncset.done $0x0  }
0x33: {  	[sflag:s25] =	ssyncadd.s32 $0xFFFFD800  }
0x34: {  	_ =	swait.ge [sflag:s26], $0x2800  }
0x35: {  	[sflag:s26] =	ssyncset.done $0x0  }
0x36: {  	[sflag:s26] =	ssyncadd.s32 $0xFFFFD800  }
0x37: {  	[spmem:s3] =	stream.indirect.scatter.add.f32 [tilespmem:s19], [sflag:$0x5], $0x80, s28, s18, $0xb8;
	[tilespmem:$0x1DE00] =	vst v63  }
0x38: {  	_ = 	snop  }
0x39: {  	[spmem:s3] =	stream.indirect.scatter.add.f32 [tilespmem:s20], [sflag:$0x5], $0x80, s28, s18, $0xb8;
	[tilespmem:$0x1DE00] =	vst v63  }
0x3a: {  	_ =	swait.ge [sflag:s29], $0x2800  }
0x3b: {  	[sflag:s29] =	ssyncset.done $0x0  }
0x3c: {  	[sflag:s29] =	ssyncadd.s32 $0xFFFFD800  }
0x3d: {  	_ =	swait.ge [sflag:s29], $0x2800  }
0x3e: {  	s9 =	sadd.s32 $0x0, s14;
	[sflag:s29] =	ssyncset.done $0x0  }
0x3f: {  	s8 =	sadd.s32 $0x800, s9;
	[sflag:s29] =	ssyncadd.s32 $0xFFFFD800  }
0x40: {  	[tilespmem:s4], [sflag:$0x7] =	stream.linear.gather [hbm4b:s8+s4], $0x100, $0x38;
	[tilespmem:$0x1DE00] =	vst v63  }
0x41: {  	_ =	swait.ge [sflag:s17], $0x100  }
0x42: {  	[sflag:s17] =	ssyncset.done $0x0  }
0x43: {  	[sflag:s17] =	ssyncadd.s32 $0xFFFFFF00  }
0x44: {  	[tilespmem:s19], [sflag:$0x1] =	stream.indirect.gather [hbm4b:s1+s18], $0x80, s4, s18, $0xb8;
	[tilespmem:$0x1DE00] =	vst v63  }
0x45: {  	s10 =	sadd.s32 $0xFFFF6000, s15  }
0x46: {  	[tilespmem:s20], [sflag:$0x3] =	stream.linear.gather [hbm4b:s10+s4], $0x2800, $0x38;
	[tilespmem:$0x1DE00] =	vst v63  }
0x47: {  	_ =	swait.ge [sflag:s30], $0x2800  }
0x48: {  	[sflag:s30] =	ssyncset.done $0x0  }
0x49: {  	[sflag:s30] =	ssyncadd.s32 $0xFFFFD800  }
0x4a: {  	_ =	swait.ge [sflag:s31], $0x2800  }
0x4b: {  	[sflag:s31] =	ssyncset.done $0x0  }
0x4c: {  	[sflag:s31] =	ssyncadd.s32 $0xFFFFD800  }
0x4d: {  	[spmem:s3] =	stream.indirect.scatter.add.f32 [tilespmem:s22], [sflag:$0x6], $0x80, s0, s18, $0xb8;
	[tilespmem:$0x1DE00] =	vst v63  }
0x4e: {  	_ = 	snop  }
0x4f: {  	[spmem:s3] =	stream.indirect.scatter.add.f32 [tilespmem:s23], [sflag:$0x6], $0x80, s0, s18, $0xb8;
	[tilespmem:$0x1DE00] =	vst v63  }
0x50: {  	_ =	swait.ge [sflag:s2], $0x2800  }
0x51: {  	[sflag:s2] =	ssyncset.done $0x0  }
0x52: {  	[sflag:s2] =	ssyncadd.s32 $0xFFFFD800  }
0x53: {  	_ =	swait.ge [sflag:s2], $0x2800  }
0x54: {  	[sflag:s2] =	ssyncset.done $0x0  }
0x55: {  	s7 =	sadd.s32 $0xC00, s9;
	[sflag:s2] =	ssyncadd.s32 $0xFFFFD800  }
0x56: {  	[tilespmem:s21], [sflag:$0x7] =	stream.linear.gather [hbm4b:s7+s4], $0x100, $0x38;
	[tilespmem:$0x1DE00] =	vst v63  }
0x57: {  	_ =	swait.ge [sflag:s17], $0x100  }
0x58: {  	[sflag:s17] =	ssyncset.done $0x0  }
0x59: {  	[sflag:s17] =	ssyncadd.s32 $0xFFFFFF00  }
0x5a: {  	[tilespmem:s22], [sflag:$0x2] =	stream.indirect.gather [hbm4b:s1+s18], $0x80, s21, s18, $0xb8;
	[tilespmem:$0x1DE00] =	vst v63  }
0x5b: {  	_ = 	snop  }
0x5c: {  	[tilespmem:s23], [sflag:$0x4] =	stream.linear.gather [hbm4b:s15+s4], $0x2800, $0x38;
	[tilespmem:$0x1DE00] =	vst v63  }
0x5d: {  	_ =	swait.ge [sflag:s25], $0x2800  }
0x5e: {  	[sflag:s25] =	ssyncset.done $0x0  }
0x5f: {  	[sflag:s25] =	ssyncadd.s32 $0xFFFFD800  }
0x60: {  	_ =	swait.ge [sflag:s26], $0x2800  }
0x61: {  	[sflag:s26] =	ssyncset.done $0x0  }
0x62: {  	s8 =	sadd.s32 $0x14000, s15;
	s7 =	simm.s32 $0x800;
	[sflag:s26] =	ssyncadd.s32 $0xFFFFD800  }
0x63: {  	[spmem:s3] =	stream.indirect.scatter.add.f32 [tilespmem:s19], [sflag:$0x5], $0x80, s28, s18, $0xb8;
	[tilespmem:$0x1DE00] =	vst v63  }
.LBB2_2:
0x64: {  	[spmem:s3] =	stream.indirect.scatter.add.f32 [tilespmem:s20], [sflag:$0x5], $0x80, s28, s18, $0xb8;
	[tilespmem:$0x1DE00] =	vst v63  }
0x65: {  	s9 =	smov.u32 s7  }
0x66: {  	p0 =	sne.s32 s7, $0x1E000;
	s7 =	sadd.s32 $0x800, s7;
	_ =	swait.ge [sflag:s29], $0x2800  }
0x67: {  	[sflag:s29] =	ssyncset.done $0x0  }
0x68: {  	[sflag:s29] =	ssyncadd.s32 $0xFFFFD800  }
0x69: {  	_ =	swait.ge [sflag:s29], $0x2800  }
0x6a: {  	s9 =	sadd.s32 s9, s14;
	[sflag:s29] =	ssyncset.done $0x0  }
0x6b: {  	s10 =	sadd.s32 $0x800, s9;
	[sflag:s29] =	ssyncadd.s32 $0xFFFFD800  }
0x6c: {  	[tilespmem:s4], [sflag:$0x7] =	stream.linear.gather [hbm4b:s10+s4], $0x100, $0x38;
	[tilespmem:$0x1DE00] =	vst v63  }
0x6d: {  	_ =	swait.ge [sflag:s17], $0x100  }
0x6e: {  	[sflag:s17] =	ssyncset.done $0x0  }
0x6f: {  	[sflag:s17] =	ssyncadd.s32 $0xFFFFFF00  }
0x70: {  	[tilespmem:s19], [sflag:$0x1] =	stream.indirect.gather [hbm4b:s1+s18], $0x80, s4, s18, $0xb8;
	[tilespmem:$0x1DE00] =	vst v63  }
0x71: {  	s10 =	sadd.s32 $0xFFFF6000, s8  }
0x72: {  	[tilespmem:s20], [sflag:$0x3] =	stream.linear.gather [hbm4b:s10+s4], $0x2800, $0x38;
	[tilespmem:$0x1DE00] =	vst v63  }
0x73: {  	_ =	swait.ge [sflag:s30], $0x2800  }
0x74: {  	[sflag:s30] =	ssyncset.done $0x0  }
0x75: {  	[sflag:s30] =	ssyncadd.s32 $0xFFFFD800  }
0x76: {  	_ =	swait.ge [sflag:s31], $0x2800  }
0x77: {  	[sflag:s31] =	ssyncset.done $0x0  }
0x78: {  	[sflag:s31] =	ssyncadd.s32 $0xFFFFD800  }
0x79: {  	[spmem:s3] =	stream.indirect.scatter.add.f32 [tilespmem:s22], [sflag:$0x6], $0x80, s0, s18, $0xb8;
	[tilespmem:$0x1DE00] =	vst v63  }
0x7a: {  	_ = 	snop  }
0x7b: {  	[spmem:s3] =	stream.indirect.scatter.add.f32 [tilespmem:s23], [sflag:$0x6], $0x80, s0, s18, $0xb8;
	[tilespmem:$0x1DE00] =	vst v63  }
0x7c: {  	_ =	swait.ge [sflag:s2], $0x2800  }
0x7d: {  	[sflag:s2] =	ssyncset.done $0x0  }
0x7e: {  	[sflag:s2] =	ssyncadd.s32 $0xFFFFD800  }
0x7f: {  	_ =	swait.ge [sflag:s2], $0x2800  }
0x80: {  	[sflag:s2] =	ssyncset.done $0x0  }
0x81: {  	s9 =	sadd.s32 $0xC00, s9;
	[sflag:s2] =	ssyncadd.s32 $0xFFFFD800  }
0x82: {  	[tilespmem:s21], [sflag:$0x7] =	stream.linear.gather [hbm4b:s9+s4], $0x100, $0x38;
	[tilespmem:$0x1DE00] =	vst v63  }
0x83: {  	_ =	swait.ge [sflag:s17], $0x100  }
0x84: {  	[sflag:s17] =	ssyncset.done $0x0  }
0x85: {  	[sflag:s17] =	ssyncadd.s32 $0xFFFFFF00  }
0x86: {  	[tilespmem:s22], [sflag:$0x2] =	stream.indirect.gather [hbm4b:s1+s18], $0x80, s21, s18, $0xb8;
	[tilespmem:$0x1DE00] =	vst v63  }
0x87: {  	_ = 	snop  }
0x88: {  	[tilespmem:s23], [sflag:$0x4] =	stream.linear.gather [hbm4b:s8+s4], $0x2800, $0x38;
	[tilespmem:$0x1DE00] =	vst v63  }
0x89: {  	_ =	swait.ge [sflag:s25], $0x2800  }
0x8a: {  	[sflag:s25] =	ssyncset.done $0x0  }
0x8b: {  	[sflag:s25] =	ssyncadd.s32 $0xFFFFD800  }
.Ltmp0:
0x8c: {  	_ =	swait.ge [sflag:s26], $0x2800;
	(pc) =	sbr.rel @p0 .LBB2_2-.Ltmp0, $4  }
0x8d: {  	[sflag:s26] =	ssyncset.done $0x0  }
0x8e: {  	[sflag:s26] =	ssyncadd.s32 $0xFFFFD800  }
0x8f: {  	[spmem:s3] =	stream.indirect.scatter.add.f32 [tilespmem:s19], [sflag:$0x5], $0x80, s28, s18, $0xb8;
	[tilespmem:$0x1DE00] =	vst v63  }
0x90: {  	s8 =	sadd.s32 $0x14000, s8  }
0x91: {  	[spmem:s3] =	stream.indirect.scatter.add.f32 [tilespmem:s20], [sflag:$0x5], $0x80, s28, s18, $0xb8;
	[tilespmem:$0x1DE00] =	vst v63  }
0x92: {  	_ =	swait.ge [sflag:s29], $0x2800  }
0x93: {  	[sflag:s29] =	ssyncset.done $0x0  }
0x94: {  	[sflag:s29] =	ssyncadd.s32 $0xFFFFD800  }
0x95: {  	_ =	swait.ge [sflag:s29], $0x2800  }
0x96: {  	[sflag:s29] =	ssyncset.done $0x0  }
0x97: {  	[sflag:s29] =	ssyncadd.s32 $0xFFFFD800  }
0x98: {  	[tilespmem:s4], [sflag:$0x7] =	stream.linear.gather [hbm4b:s11+s4], $0x100, $0x38;
	[tilespmem:$0x1DE00] =	vst v63  }
0x99: {  	_ =	swait.ge [sflag:s17], $0x100  }
0x9a: {  	[sflag:s17] =	ssyncset.done $0x0  }
0x9b: {  	[sflag:s17] =	ssyncadd.s32 $0xFFFFFF00  }
0x9c: {  	[tilespmem:s19], [sflag:$0x1] =	stream.indirect.gather [hbm4b:s1+s18], $0x80, s4, s18, $0xb8;
	[tilespmem:$0x1DE00] =	vst v63  }
0x9d: {  	_ = 	snop  }
0x9e: {  	[tilespmem:s20], [sflag:$0x3] =	stream.linear.gather [hbm4b:s12+s4], $0x2800, $0x38;
	[tilespmem:$0x1DE00] =	vst v63  }
0x9f: {  	_ =	swait.ge [sflag:s30], $0x2800  }
0xa0: {  	[sflag:s30] =	ssyncset.done $0x0  }
0xa1: {  	[sflag:s30] =	ssyncadd.s32 $0xFFFFD800  }
0xa2: {  	_ =	swait.ge [sflag:s31], $0x2800  }
0xa3: {  	[sflag:s31] =	ssyncset.done $0x0  }
0xa4: {  	[sflag:s31] =	ssyncadd.s32 $0xFFFFD800  }
0xa5: {  	[spmem:s3] =	stream.indirect.scatter.add.f32 [tilespmem:s22], [sflag:$0x6], $0x80, s0, s18, $0xb8;
	[tilespmem:$0x1DE00] =	vst v63  }
0xa6: {  	_ = 	snop  }
0xa7: {  	[spmem:s3] =	stream.indirect.scatter.add.f32 [tilespmem:s23], [sflag:$0x6], $0x80, s0, s18, $0xb8;
	[tilespmem:$0x1DE00] =	vst v63  }
0xa8: {  	_ =	swait.ge [sflag:s25], $0x2800  }
0xa9: {  	[sflag:s25] =	ssyncset.done $0x0  }
0xaa: {  	[sflag:s25] =	ssyncadd.s32 $0xFFFFD800  }
0xab: {  	_ =	swait.ge [sflag:s26], $0x2800  }
0xac: {  	[sflag:s26] =	ssyncset.done $0x0  }
0xad: {  	[sflag:s26] =	ssyncadd.s32 $0xFFFFD800  }
0xae: {  	[spmem:s3] =	stream.indirect.scatter.add.f32 [tilespmem:s19], [sflag:$0x5], $0x80, s28, s18, $0xb8;
	[tilespmem:$0x1DE00] =	vst v63  }
0xaf: {  	_ = 	snop  }
0xb0: {  	[spmem:s3] =	stream.indirect.scatter.add.f32 [tilespmem:s20], [sflag:$0x5], $0x80, s28, s18, $0xb8;
	[tilespmem:$0x1DE00] =	vst v63  }
0xb1: {  	_ =	swait.ge [sflag:s2], $0x2800  }
0xb2: {  	[sflag:s2] =	ssyncset.done $0x0  }
0xb3: {  	[sflag:s2] =	ssyncadd.s32 $0xFFFFD800  }
0xb4: {  	_ =	swait.ge [sflag:s2], $0x2800  }
0xb5: {  	[sflag:s2] =	ssyncset.done $0x0  }
0xb6: {  	[sflag:s2] =	ssyncadd.s32 $0xFFFFD800  }
0xb7: {  	_ =	swait.ge [sflag:s29], $0x2800  }
0xb8: {  	[sflag:s29] =	ssyncset.done $0x0  }
0xb9: {  	[sflag:s29] =	ssyncadd.s32 $0xFFFFD800  }
0xba: {  	_ =	swait.ge [sflag:s29], $0x2800  }
0xbb: {  	s5 =	sadd.s32 $0x1, s5;
	[sflag:s29] =	ssyncset.done $0x0  }
0xbc: {  	p0 =	sne.s32 s5, s13;
	[sflag:s29] =	ssyncadd.s32 $0xFFFFD800  }
.Ltmp1:
0xbd: {  	[bflag:$0x0] =	sbarrier.arrive $0xFFFF;
	(pc) =	sbr.rel @p0 .LBB2_1-.Ltmp1, $4  }
0xbe: {  	[hbm:s24], [sflag:s6] =	dma.local [spmem:s16], $0x2780  }
0xbf: {  	_ =	swait.ge [sflag:s17], $0x2780  }
0xc0: {  	[sflag:s17] =	ssyncset.done $0x0  }
0xc1: {  	[sflag:s17] =	ssyncadd.s32 $0xFFFFD880  }
0xc2: {  	_ =	sfence.sel $0x180000  }
0xc3: {  	[bflag:$0x0] =	sbarrier.arrive $0xFFFF  }
0xc4: {  	_ =	strace $0x9000004D  }
0xc5: {  	s0 =	stileid.u32;
	[bflag:$0x2] =	sbarrier.arrive $0xFFFF  }
0xc6: {  	p0 =	sne.s32 s0, $0x0;
	s0 =	rddreg [dreg:$0x3]  }
0xc7: {  	s0 =	sadd.s32 @!p0 $0x100000, s0  }
0xc8: {  	[sflag:s0] =	ssyncadd.tile.s32 @!p0 $0x1;
	_ =	shalt  }
.Lfunc_end2:
_tile_overlayer_lowered:
.L_overlay_start_2:
0xc9: {  	(tag) =	ssettag $0x2  }
0xca: {  	s0 =	rddreg [dreg:$0x0];
	s2 =	stileid.u32  }
0xcb: {  	s1 =	rddreg [dreg:$0x1];
	p0 =	sne.s32 s2, $0x0  }
0xcc: {  	s3 =	rddreg [dreg:$0x2];
	[bflag:$0x3] =	sbarrier.arrive $0xFFFF;
	s2 =	simm.s32 @!p0 $0x1C07  }
0xcd: {  	[timem:s3], [sflag:s2] =	dma.local @!p0 [hbm:s0], s1  }
0xce: {  	s0 =	simm.s32 @!p0 $0x7  }
0xcf: {  	_ =	swait.ge @!p0 [sflag:s0], s1  }
0xd0: {  	s1 =	ssub.s32 @!p0 $0x0, s1;
	[sflag:s0] =	ssyncset.done @!p0 $0x0  }
0xd1: {  	[sflag:s0] =	ssyncadd.s32 @!p0 s1  }
0xd2: {  	[bflag:$0x3] =	sbarrier.arrive $0xFFFF  }
0xd3: {  	_ =	shalt  }

// kernel: kernel.22.cloned.1.call-start
scs
__scs_entry_jumppad:
0x0: {  	(pc) =	sbr.rel $0x88, $3  }
0x1: {  	(tag) =	ssettag $0x0;
	lr =	simm.s32 $0x1  }
0x2: {  	[smem:$0x3F92] =	sst lr;
	_ =	strace $0xD0000000  }
0x3: {  	_ = 	snop  }
0x4: {  	_ = 	snop  }
0x5: {  	_ = 	snop  }
0x6: {  	_ = 	snop  }
0x7: {  	_ = 	snop  }
__scs_overlays_trampoline_lowered:
0x8: {  	[smem:$0x3FA1] =	sst s0  }
0x9: {  	[smem:$0x3FA2] =	sst s1  }
0xa: {  	[smem:$0x3FA3] =	sst s2  }
0xb: {  	[smem:$0x3FA4] =	sst s3  }
0xc: {  	[smem:$0x3FA5] =	sst s4  }
0xd: {  	[smem:$0x3FA6] =	sst s5  }
0xe: {  	[smem:$0x3FA7] =	sst s6  }
0xf: {  	[smem:$0x3FA8] =	sst s7  }
0x10: {  	[smem:$0x3FA9] =	sst s8  }
0x11: {  	[smem:$0x3FAA] =	sst s9;
	s0 =	simm.s32 @!p0 $0x0  }
0x12: {  	s1 =	sld [smem:$0x3F90];
	s0 =	simm.s32 @p0 $0x1  }
0x13: {  	[smem:$0x3FAB] =	sst s0;
	s0 =	simm.s32 @!p1 $0x0  }
0x14: {  	s2 =	sld [smem:$0x3F8F];
	s0 =	simm.s32 @p1 $0x1  }
0x15: {  	[smem:$0x3FAC] =	sst s0;
	s0 =	simm.s32 @!p2 $0x0  }
0x16: {  	s3 =	sld [smem:$0x3FDB];
	s0 =	simm.s32 @p2 $0x1  }
0x17: {  	s4 =	simm.s32 $0x1BF5;
	[smem:$0x3FAE] =	sst s0  }
0x18: {  	s0 =	sld [smem:$0x3F91];
	_ =	swait.ge [sflag:s4], $0x0  }
0x19: {  	s7 =	sld [smem:$0x3F92]  }
0x1a: {  	s8 =	sadd.s32 $0xFFFFE003, lr  }
0x1b: {  	s9 =	sadd.s32 $0xFFFFFEF7, lr;
	s5 =	simm.s32 $0xFFFFFFFF;
	p2 =	slt.u32 s8, $0xFFFFF086  }
0x1c: {  	p1 =	slt.u32 s9, $0xF7A;
	s5 =	simm.s32 @!p2 $0x0  }
0x1d: {  	s5 =	simm.s32 @p1 $0x1;
	p0 =	seq.s32 s7, s2  }
0x1e: {  	s7 =	smul.u32 @!p0 $0xF7A, s2;
	p2 =	seq.s32 @!p0 s5, $0x0  }
0x1f: {  	s9 =	smul.u32 $0xF7A, s1;
	s8 =	simm.s32 @!p0 $0x1BF5;
	p2 =	por !p2, p0  }
0x20: {  	[sflag:s8] =	ssyncset.s32 @!p0 $0xFFFFF086;
	s6 =	sadd.s32 @!p0 s3, s7;
	s7 =	simm.s32 @!p0 $0x108  }
0x21: {  	s3 =	sadd.s32 s3, s9;
	s6 =	sadd.s32 @!p0 $0x88, s6;
	s7 =	simm.s32 @p2 $0x1082  }
0x22: {  	[simem:s7], [sflag:s8] =	dma.local @!p0 [hbm:s6], $0xF7A  }
0x23: {  	s9 =	sor.u32 $0xD0000000, s2;
	s6 =	simm.s32 $0x108;
	_ =	swait.ge @!p0 [sflag:s8], $0x0  }
0x24: {  	s3 =	sadd.s32 $0x88, s3;
	s6 =	simm.s32 @!p1 $0x1082;
	[sflag:s4] =	ssyncset.s32 $0xFFFFF086  }
0x25: {  	[simem:s6], [sflag:s4] =	dma.local [hbm:s3], $0xF7A  }
0x26: {  	[smem:$0x3F92] =	sst s1;
	(tag) =	ssettag s2;
	_ =	strace s9  }
0x27: {  	s1 =	sld [smem:$0x3FA2]  }
0x28: {  	s2 =	sld [smem:$0x3FA3]  }
0x29: {  	s4 =	sld [smem:$0x3FA5]  }
0x2a: {  	p0 =	seq.s32 s5, $0x0;
	s5 =	sld [smem:$0x3FA6]  }
0x2b: {  	s6 =	sld [smem:$0x3FA7]  }
0x2c: {  	s7 =	sld [smem:$0x3FA8]  }
0x2d: {  	s3 =	simm.s32 $0x108;
	s8 =	sld [smem:$0x3FA9]  }
0x2e: {  	s3 =	simm.s32 @!p0 $0x1082;
	s9 =	sld [smem:$0x3FAA]  }
0x2f: {  	lr =	sadd.s32 s0, s3;
	s0 =	sld [smem:$0x3FA1]  }
0x30: {  	s3 =	sld [smem:$0x3FA4]  }
0x31: {  	[smem:$0x3FAD] =	sst s10  }
0x32: {  	s10 =	sld [smem:$0x3FAB];
	_ =	sdelay $0x3  }
0x33: {  	p0 =	seq.s32 s10, $0x1;
	s10 =	sld [smem:$0x3FAD];
	_ =	sdelay $0x3  }
0x34: {  	[smem:$0x3FAD] =	sst s10  }
0x35: {  	s10 =	sld [smem:$0x3FAC];
	_ =	sdelay $0x3  }
0x36: {  	p1 =	seq.s32 s10, $0x1;
	s10 =	sld [smem:$0x3FAD];
	_ =	sdelay $0x3  }
0x37: {  	[smem:$0x3FAD] =	sst s10  }
0x38: {  	s10 =	sld [smem:$0x3FAE]  }
0x39: {  	_ = 	snop;
	(pc) =	sbr.ind lr, $3  }
0x3a: {  	_ = 	snop  }
0x3b: {  	_ = 	snop  }
0x3c: {  	p2 =	seq.s32 s10, $0x1;
	s10 =	sld [smem:$0x3FAD]  }
0x3d: {  	_ =	shalt  }
0x3e: {  	_ =	shalt  }
0x3f: {  	_ =	shalt  }
0x40: {  	_ =	shalt  }
0x41: {  	_ =	shalt  }
0x42: {  	_ =	shalt  }
0x43: {  	_ =	shalt  }
0x44: {  	_ =	shalt  }
0x45: {  	_ =	shalt  }
0x46: {  	_ =	shalt  }
0x47: {  	_ =	shalt  }
0x48: {  	_ =	shalt  }
0x49: {  	_ =	shalt  }
0x4a: {  	_ =	shalt  }
0x4b: {  	_ =	shalt  }
0x4c: {  	_ =	shalt  }
0x4d: {  	_ =	shalt  }
0x4e: {  	_ =	shalt  }
0x4f: {  	_ =	shalt  }
0x50: {  	_ =	shalt  }
0x51: {  	_ =	shalt  }
0x52: {  	_ =	shalt  }
0x53: {  	_ =	shalt  }
0x54: {  	_ =	shalt  }
0x55: {  	_ =	shalt  }
0x56: {  	_ =	shalt  }
0x57: {  	_ =	shalt  }
0x58: {  	_ =	shalt  }
0x59: {  	_ =	shalt  }
0x5a: {  	_ =	shalt  }
0x5b: {  	_ =	shalt  }
0x5c: {  	_ =	shalt  }
0x5d: {  	_ =	shalt  }
0x5e: {  	_ =	shalt  }
0x5f: {  	_ =	shalt  }
0x60: {  	_ =	shalt  }
0x61: {  	_ =	shalt  }
0x62: {  	_ =	shalt  }
0x63: {  	_ =	shalt  }
0x64: {  	_ =	shalt  }
0x65: {  	_ =	shalt  }
0x66: {  	_ =	shalt  }
0x67: {  	_ =	shalt  }
0x68: {  	_ =	shalt  }
0x69: {  	_ =	shalt  }
0x6a: {  	_ =	shalt  }
0x6b: {  	_ =	shalt  }
0x6c: {  	_ =	shalt  }
0x6d: {  	_ =	shalt  }
0x6e: {  	_ =	shalt  }
0x6f: {  	_ =	shalt  }
0x70: {  	_ =	shalt  }
0x71: {  	_ =	shalt  }
0x72: {  	_ =	shalt  }
0x73: {  	_ =	shalt  }
0x74: {  	_ =	shalt  }
0x75: {  	_ =	shalt  }
0x76: {  	_ =	shalt  }
0x77: {  	_ =	shalt  }
0x78: {  	_ =	shalt  }
0x79: {  	_ =	shalt  }
0x7a: {  	_ =	shalt  }
0x7b: {  	_ =	shalt  }
0x7c: {  	_ =	shalt  }
0x7d: {  	_ =	shalt  }
0x7e: {  	_ =	shalt  }
0x7f: {  	_ =	shalt  }
0x80: {  	_ =	shalt  }
0x81: {  	_ =	shalt  }
0x82: {  	_ =	shalt  }
0x83: {  	_ =	shalt  }
0x84: {  	_ =	shalt  }
0x85: {  	_ =	shalt  }
0x86: {  	_ =	shalt  }
0x87: {  	_ =	shalt  }
.Lfunc_end0:
.L_simem_size_0:
called_computation.3_lowered:
.L_overlay_start_0:
0x88: {  	s2 =	sld [smem:$0x3FD9]  }
0x89: {  	s3 =	sld [smem:$0x3FFE];
	_ =	sdelay $0x1  }
0x8a: {  	s1 =	srdreg.scid  }
0x8b: {  	s0 =	sand.u32 $0x1, s1  }
0x8c: {  	s17 =	sshll.u32 s0, $0xA;
	s2 =	sadd.s32 s3, s2  }
0x8d: {  	s2 =	sadd.s32 s2, s17  }
0x8e: {  	[smem:$0x3FB9] =	sst s2  }
0x8f: {  	_ = 	snop  }
0x90: {  	s2 =	sld [smem:$0x3FD0];
	(tm) =	ssettm $0x1  }
0x91: {  	s18 =	sld [smem:$0x3FFB];
	_ =	sdelay $0x3  }
0x92: {  	_ =	strace s18  }
0x93: {  	s3 =	sld [smem:$0x3FFC];
	_ =	sdelay $0x3  }
0x94: {  	_ =	strace s3  }
0x95: {  	s3 =	sld [smem:$0x3FFD];
	_ =	sdelay $0x3  }
0x96: {  	_ =	strace s3  }
0x97: {  	_ =	strace $0x8FFFFFFF  }
0x98: {  	s19 =	sld [smem:$0x3FDB];
	_ =	sdelay $0x1  }
0x99: {  	s4 =	simm.s32 $_scs_section_size  }
0x9a: {  	s5 =	simm.s32 $_size__tile_overlayer_lowered;
	s6 =	simm.s32 $_tile_overlayer_lowered  }
0x9b: {  	s22 =	simm.s32 $0x1BFF;
	s21 =	sshll.u32 s6, $0x1;
	s3 =	sadd.s32 s4, s19  }
0x9c: {  	s7 =	simm.s32 $0x0;
	s20 =	sshll.u32 s5, $0x1;
	s5 =	sadd.s32 s21, s3  }
0x9d: {  	[timem:s7], [sflag:s22] =	dma.local [hbm:s5], s20  }
0x9e: {  	_ =	swait.ge [sflag:s22], s20  }
0x9f: {  	s4 =	ssub.s32 $0x0, s20;
	[sflag:s22] =	ssyncset.done $0x0  }
0xa0: {  	[sflag:s22] =	ssyncadd.s32 s4;
	_ =	sdelay $0x1  }
0xa1: {  	s23 =	simm.s32 $0x1B8B  }
0xa2: {  	_ =	swait.ge [sflag:s23], $0x1  }
0xa3: {  	[sflag:s23] =	ssyncset.done $0x0  }
0xa4: {  	s25 =	simm.s32 $0x1B8E;
	s24 =	sld [smem:$0x3FFE];
	[sflag:s23] =	ssyncadd.s32 $0xFFFFFFFF  }
0xa5: {  	s26 =	simm.s32 $execute0_lowered;
	[smem:$0x3FD2] =	sst s25  }
0xa6: {  	s5 =	sshll.u32 s26, $0x1;
	_ =	strace $0x8000004F;
	[dreg:$0x1] =	wrdreg $0xFFFFFFFF  }
0xa7: {  	s28 =	simm.s32 $_size_execute0_lowered;
	s3 =	sadd.s32 s3, s5;
	[dreg:$0x0] =	wrdreg $0x0  }
0xa8: {  	s5 =	sshll.u32 s28, $0x1;
	[dreg:$0x2] =	wrdreg s3  }
0xa9: {  	[dreg:$0x3] =	wrdreg s5  }
0xaa: {  	[dreg:$0x4] =	wrdreg $0xC0  }
0xab: {  	_ =	task [dreg:s7], $0x5FFFF  }
0xac: {  	[dreg:$0x1] =	wrdreg $0xFFFFFFFF  }
0xad: {  	[dreg:$0x0] =	wrdreg $0x60  }
0xae: {  	[dreg:$0x2] =	wrdreg s2  }
0xaf: {  	[dreg:$0x3] =	wrdreg s24  }
0xb0: {  	[dreg:$0x4] =	wrdreg $0xA2000  }
0xb1: {  	[dreg:$0x5] =	wrdreg $0x9  }
0xb2: {  	_ =	task.clear_ibuf [dreg:s7], $0x6FFFF;
	_ =	strace $0x9000004F  }
0xb3: {  	s29 =	simm.s32 $0x9;
	_ =	strace $0x80000051  }
0xb4: {  	_ =	swait.ge [sflag:s29], $0x1  }
0xb5: {  	[sflag:s29] =	ssyncadd.s32 $0xFFFFFFFF  }
0xb6: {  	_ =	strace $0x90000051  }
0xb7: {  	_ =	sfence  }
0xb8: {  	s30 =	sld [smem:$0x0];
	_ =	sdelay $0x2  }
0xb9: {  	s31 =	sshll.u32 s1, $0xD;
	s1 =	sshrl.u32 s1, $0x2  }
0xba: {  	s3 =	sand.u32 $0x4000, s31;
	s1 =	sadd.s32 s1, s30  }
0xbb: {  	s0 =	sor.u32 s3, s0;
	s1 =	sshll.u32 s1, $0x11  }
0xbc: {  	s0 =	sor.u32 s1, s0  }
0xbd: {  	s0 =	sadd.s32 $0x8F2B, s0  }
0xbe: {  	[sflag:s0] =	ssyncadd.remote.s32 $0x1  }
0xbf: {  	_ =	sfence.sel $0xFFFF  }
0xc0: {  	[dreg:$0x0] =	wrdreg $0xFFFFFFFF;
	(pc) =	sbr.abs _section_cstart, $3  }
0xc1: {  	[dreg:$0x1] =	wrdreg $0xFFFFFFFF  }
0xc2: {  	_ =	task.clear_ibuf [dreg:s7], $0x2FFFF;
	_ =	strace $0x9FFFFFFF  }
0xc3: {  	(tm) =	ssettm $0x7FFFFFFF  }
tec
execute0_lowered:
.L_overlay_start_1:
0x0: {  	(tag) =	ssettag $0x1  }
0x1: {  	s1 =	rddreg [dreg:$0x0]  }
0x2: {  	s0 =	rddreg [dreg:$0x1]  }
0x3: {  	s3 =	rddreg [dreg:$0x2];
	s4 =	simm.s32 $0x0;
	s17 =	stileid.u32  }
0x4: {  	s2 =	srdreg.scid;
	s28 =	simm.s32 $0x80;
	s29 =	simm.s32 $0x5  }
0x5: {  	s30 =	simm.s32 $0x2;
	s31 =	simm.s32 $0x4;
	[smem:$0x7FF] =	sst s4  }
0x6: {  	s5 =	smul.u32 $0x2780, s17;
	s2 =	sand.u32 $0x1, s2;
	s7 =	sadd.s32 $0x506000, s0  }
0x7: {  	s8 =	sadd.s32 $0x9E8400, s0;
	s10 =	smul.u32 $0x4F000, s17;
	s14 =	sshll.u32 s17, $0x6  }
0x8: {  	_ =	strace $0x80000050;
	s6 =	smul.u32 $0x27800, s2;
	s9 =	ssub.s32 $0x2, s2  }
0x9: {  	s24 =	sshll.u32 s2, $0x4;
	s11 =	sadd.s32 s5, s0;
	s23 =	sshrl.u32 s9, $0x1  }
0xa: {  	s25 =	sshrl.u32 s10, $0x2;
	s26 =	sor.u32 s17, s24;
	s0 =	sadd.s32 s6, s0  }
0xb: {  	s13 =	ssub.s32 s9, s23;
	s16 =	sadd.s32 s25, s3;
	s15 =	sadd.s32 $0xA07800, s11  }
0xc: {  	s6 =	sor.u32 $0x1C07, s14;
	s18 =	sshll.u32 s26, $0x5;
	s19 =	smul.u32 $0x500, s26  }
0xd: {  	s20 =	sor.u32 $0x20, s26;
	s14 =	sor.u32 $0xF80, s26;
	s25 =	smul.u32 $0x5000, s2  }
0xe: {  	s2 =	sshll.u32 s2, $0x9;
	s26 =	sshll.u32 s17, $0x5;
	s11 =	smul.u32 $0x500, s20  }
0xf: {  	[dreg:$0x4] =	wrdreg s15;
	s9 =	sadd.s32 s8, s18;
	s22 =	smul.u32 $0x500, s14  }
0x10: {  	s12 =	sshll.u32 s20, $0x5;
	s24 =	sshll.u32 s14, $0x5;
	s15 =	smul.u32 $0x500, s17  }
0x11: {  	s0 =	sadd.s32 $0x23400, s0;
	s2 =	sadd.s32 s2, s8;
	s13 =	smax.u32 s13, $0x1  }
0x12: {  	s16 =	sshrl.u32 s16, $0x3;
	s17 =	simm.s32 $0x7;
	s18 =	simm.s32 $0x50  }
0x13: {  	s20 =	simm.s32 $0x5200;
	[dreg:$0x5] =	wrdreg s9;
	s9 =	sadd.s32 s7, s19  }
0x14: {  	s21 =	sadd.s32 s8, s12;
	s14 =	sadd.s32 s26, s2;
	s19 =	simm.s32 $0x200  }
0x15: {  	s26 =	simm.s32 $0x3;
	s2 =	simm.s32 $0x6;
	[dreg:$0x6] =	wrdreg s9  }
0x16: {  	[dreg:$0x7] =	wrdreg s21;
	s23 =	sadd.s32 s7, s11;
	s11 =	sadd.s32 s8, s24  }
0x17: {  	s12 =	sadd.s32 s7, s22;
	s7 =	sadd.s32 s25, s7;
	s21 =	simm.s32 $0x100  }
0x18: {  	s22 =	simm.s32 $0x2A00;
	s24 =	sadd.s32 s5, s0;
	s25 =	simm.s32 $0x1  }
0x19: {  	s0 =	simm.s32 $0x180;
	s5 =	simm.s32 $0x0;
	s7 =	sadd.s32 s15, s7  }
0x1a: {  	[dreg:$0x8] =	wrdreg s23;
	s23 =	simm.s32 $0x7A00;
	s15 =	sadd.s32 $0x1E000, s7  }
.LBB2_1:
0x1b: {  	s7 =	rddreg [dreg:$0x4]  }
0x1c: {  	[spmem:s16], [sflag:s6] =	dma.local [hbm:s7], $0x2780  }
0x1d: {  	_ =	swait.ge [sflag:s17], $0x2780  }
0x1e: {  	[sflag:s17] =	ssyncset.done $0x0  }
0x1f: {  	[sflag:s17] =	ssyncadd.s32 $0xFFFFD880  }
0x20: {  	[bflag:$0x0] =	sbarrier.arrive $0xFFFF  }
0x21: {  	s8 =	rddreg [dreg:$0x5]  }
0x22: {  	[tilespmem:s4], [sflag:$0x7] =	stream.linear.gather [hbm4b:s8+s4], $0x100, $0x38;
	[tilespmem:$0x1DE00] =	vst v63  }
0x23: {  	_ =	swait.ge [sflag:s17], $0x100  }
0x24: {  	[sflag:s17] =	ssyncset.done $0x0  }
0x25: {  	[sflag:s17] =	ssyncadd.s32 $0xFFFFFF00  }
0x26: {  	[tilespmem:s19], [sflag:$0x1] =	stream.indirect.gather [hbm4b:s1+s18], $0x80, s4, s18, $0xb8;
	[tilespmem:$0x1DE00] =	vst v63  }
0x27: {  	s9 =	rddreg [dreg:$0x6]  }
0x28: {  	[tilespmem:s20], [sflag:$0x3] =	stream.linear.gather [hbm4b:s9+s4], $0x2800, $0x38;
	[tilespmem:$0x1DE00] =	vst v63  }
0x29: {  	s10 =	rddreg [dreg:$0x7]  }
0x2a: {  	[tilespmem:s21], [sflag:$0x7] =	stream.linear.gather [hbm4b:s10+s4], $0x100, $0x38;
	[tilespmem:$0x1DE00] =	vst v63  }
0x2b: {  	_ =	swait.ge [sflag:s17], $0x100  }
0x2c: {  	[sflag:s17] =	ssyncset.done $0x0  }
0x2d: {  	[sflag:s17] =	ssyncadd.s32 $0xFFFFFF00  }
0x2e: {  	[tilespmem:s22], [sflag:$0x2] =	stream.indirect.gather [hbm4b:s1+s18], $0x80, s21, s18, $0xb8;
	[tilespmem:$0x1DE00] =	vst v63  }
0x2f: {  	s8 =	rddreg [dreg:$0x8]  }
0x30: {  	[tilespmem:s23], [sflag:$0x4] =	stream.linear.gather [hbm4b:s8+s4], $0x2800, $0x38;
	[tilespmem:$0x1DE00] =	vst v63  }
0x31: {  	_ =	swait.ge [sflag:s25], $0x2800  }
0x32: {  	[sflag:s25] =	ssyncset.done $0x0  }
0x33: {  	[sflag:s25] =	ssyncadd.s32 $0xFFFFD800  }
0x34: {  	_ =	swait.ge [sflag:s26], $0x2800  }
0x35: {  	[sflag:s26] =	ssyncset.done $0x0  }
0x36: {  	[sflag:s26] =	ssyncadd.s32 $0xFFFFD800  }
0x37: {  	[spmem:s3] =	stream.indirect.scatter.add.f32 [tilespmem:s19], [sflag:$0x5], $0x80, s28, s18, $0xb8;
	[tilespmem:$0x1DE00] =	vst v63  }
0x38: {  	_ = 	snop  }
0x39: {  	[spmem:s3] =	stream.indirect.scatter.add.f32 [tilespmem:s20], [sflag:$0x5], $0x80, s28, s18, $0xb8;
	[tilespmem:$0x1DE00] =	vst v63  }
0x3a: {  	_ =	swait.ge [sflag:s29], $0x2800  }
0x3b: {  	[sflag:s29] =	ssyncset.done $0x0  }
0x3c: {  	[sflag:s29] =	ssyncadd.s32 $0xFFFFD800  }
0x3d: {  	_ =	swait.ge [sflag:s29], $0x2800  }
0x3e: {  	s9 =	sadd.s32 $0x0, s14;
	[sflag:s29] =	ssyncset.done $0x0  }
0x3f: {  	s8 =	sadd.s32 $0x800, s9;
	[sflag:s29] =	ssyncadd.s32 $0xFFFFD800  }
0x40: {  	[tilespmem:s4], [sflag:$0x7] =	stream.linear.gather [hbm4b:s8+s4], $0x100, $0x38;
	[tilespmem:$0x1DE00] =	vst v63  }
0x41: {  	_ =	swait.ge [sflag:s17], $0x100  }
0x42: {  	[sflag:s17] =	ssyncset.done $0x0  }
0x43: {  	[sflag:s17] =	ssyncadd.s32 $0xFFFFFF00  }
0x44: {  	[tilespmem:s19], [sflag:$0x1] =	stream.indirect.gather [hbm4b:s1+s18], $0x80, s4, s18, $0xb8;
	[tilespmem:$0x1DE00] =	vst v63  }
0x45: {  	s10 =	sadd.s32 $0xFFFF6000, s15  }
0x46: {  	[tilespmem:s20], [sflag:$0x3] =	stream.linear.gather [hbm4b:s10+s4], $0x2800, $0x38;
	[tilespmem:$0x1DE00] =	vst v63  }
0x47: {  	_ =	swait.ge [sflag:s30], $0x2800  }
0x48: {  	[sflag:s30] =	ssyncset.done $0x0  }
0x49: {  	[sflag:s30] =	ssyncadd.s32 $0xFFFFD800  }
0x4a: {  	_ =	swait.ge [sflag:s31], $0x2800  }
0x4b: {  	[sflag:s31] =	ssyncset.done $0x0  }
0x4c: {  	[sflag:s31] =	ssyncadd.s32 $0xFFFFD800  }
0x4d: {  	[spmem:s3] =	stream.indirect.scatter.add.f32 [tilespmem:s22], [sflag:$0x6], $0x80, s0, s18, $0xb8;
	[tilespmem:$0x1DE00] =	vst v63  }
0x4e: {  	_ = 	snop  }
0x4f: {  	[spmem:s3] =	stream.indirect.scatter.add.f32 [tilespmem:s23], [sflag:$0x6], $0x80, s0, s18, $0xb8;
	[tilespmem:$0x1DE00] =	vst v63  }
0x50: {  	_ =	swait.ge [sflag:s2], $0x2800  }
0x51: {  	[sflag:s2] =	ssyncset.done $0x0  }
0x52: {  	[sflag:s2] =	ssyncadd.s32 $0xFFFFD800  }
0x53: {  	_ =	swait.ge [sflag:s2], $0x2800  }
0x54: {  	[sflag:s2] =	ssyncset.done $0x0  }
0x55: {  	s7 =	sadd.s32 $0xC00, s9;
	[sflag:s2] =	ssyncadd.s32 $0xFFFFD800  }
0x56: {  	[tilespmem:s21], [sflag:$0x7] =	stream.linear.gather [hbm4b:s7+s4], $0x100, $0x38;
	[tilespmem:$0x1DE00] =	vst v63  }
0x57: {  	_ =	swait.ge [sflag:s17], $0x100  }
0x58: {  	[sflag:s17] =	ssyncset.done $0x0  }
0x59: {  	[sflag:s17] =	ssyncadd.s32 $0xFFFFFF00  }
0x5a: {  	[tilespmem:s22], [sflag:$0x2] =	stream.indirect.gather [hbm4b:s1+s18], $0x80, s21, s18, $0xb8;
	[tilespmem:$0x1DE00] =	vst v63  }
0x5b: {  	_ = 	snop  }
0x5c: {  	[tilespmem:s23], [sflag:$0x4] =	stream.linear.gather [hbm4b:s15+s4], $0x2800, $0x38;
	[tilespmem:$0x1DE00] =	vst v63  }
0x5d: {  	_ =	swait.ge [sflag:s25], $0x2800  }
0x5e: {  	[sflag:s25] =	ssyncset.done $0x0  }
0x5f: {  	[sflag:s25] =	ssyncadd.s32 $0xFFFFD800  }
0x60: {  	_ =	swait.ge [sflag:s26], $0x2800  }
0x61: {  	[sflag:s26] =	ssyncset.done $0x0  }
0x62: {  	s8 =	sadd.s32 $0x14000, s15;
	s7 =	simm.s32 $0x800;
	[sflag:s26] =	ssyncadd.s32 $0xFFFFD800  }
0x63: {  	[spmem:s3] =	stream.indirect.scatter.add.f32 [tilespmem:s19], [sflag:$0x5], $0x80, s28, s18, $0xb8;
	[tilespmem:$0x1DE00] =	vst v63  }
.LBB2_2:
0x64: {  	[spmem:s3] =	stream.indirect.scatter.add.f32 [tilespmem:s20], [sflag:$0x5], $0x80, s28, s18, $0xb8;
	[tilespmem:$0x1DE00] =	vst v63  }
0x65: {  	s9 =	smov.u32 s7  }
0x66: {  	p0 =	sne.s32 s7, $0x1E000;
	s7 =	sadd.s32 $0x800, s7;
	_ =	swait.ge [sflag:s29], $0x2800  }
0x67: {  	[sflag:s29] =	ssyncset.done $0x0  }
0x68: {  	[sflag:s29] =	ssyncadd.s32 $0xFFFFD800  }
0x69: {  	_ =	swait.ge [sflag:s29], $0x2800  }
0x6a: {  	s9 =	sadd.s32 s9, s14;
	[sflag:s29] =	ssyncset.done $0x0  }
0x6b: {  	s10 =	sadd.s32 $0x800, s9;
	[sflag:s29] =	ssyncadd.s32 $0xFFFFD800  }
0x6c: {  	[tilespmem:s4], [sflag:$0x7] =	stream.linear.gather [hbm4b:s10+s4], $0x100, $0x38;
	[tilespmem:$0x1DE00] =	vst v63  }
0x6d: {  	_ =	swait.ge [sflag:s17], $0x100  }
0x6e: {  	[sflag:s17] =	ssyncset.done $0x0  }
0x6f: {  	[sflag:s17] =	ssyncadd.s32 $0xFFFFFF00  }
0x70: {  	[tilespmem:s19], [sflag:$0x1] =	stream.indirect.gather [hbm4b:s1+s18], $0x80, s4, s18, $0xb8;
	[tilespmem:$0x1DE00] =	vst v63  }
0x71: {  	s10 =	sadd.s32 $0xFFFF6000, s8  }
0x72: {  	[tilespmem:s20], [sflag:$0x3] =	stream.linear.gather [hbm4b:s10+s4], $0x2800, $0x38;
	[tilespmem:$0x1DE00] =	vst v63  }
0x73: {  	_ =	swait.ge [sflag:s30], $0x2800  }
0x74: {  	[sflag:s30] =	ssyncset.done $0x0  }
0x75: {  	[sflag:s30] =	ssyncadd.s32 $0xFFFFD800  }
0x76: {  	_ =	swait.ge [sflag:s31], $0x2800  }
0x77: {  	[sflag:s31] =	ssyncset.done $0x0  }
0x78: {  	[sflag:s31] =	ssyncadd.s32 $0xFFFFD800  }
0x79: {  	[spmem:s3] =	stream.indirect.scatter.add.f32 [tilespmem:s22], [sflag:$0x6], $0x80, s0, s18, $0xb8;
	[tilespmem:$0x1DE00] =	vst v63  }
0x7a: {  	_ = 	snop  }
0x7b: {  	[spmem:s3] =	stream.indirect.scatter.add.f32 [tilespmem:s23], [sflag:$0x6], $0x80, s0, s18, $0xb8;
	[tilespmem:$0x1DE00] =	vst v63  }
0x7c: {  	_ =	swait.ge [sflag:s2], $0x2800  }
0x7d: {  	[sflag:s2] =	ssyncset.done $0x0  }
0x7e: {  	[sflag:s2] =	ssyncadd.s32 $0xFFFFD800  }
0x7f: {  	_ =	swait.ge [sflag:s2], $0x2800  }
0x80: {  	[sflag:s2] =	ssyncset.done $0x0  }
0x81: {  	s9 =	sadd.s32 $0xC00, s9;
	[sflag:s2] =	ssyncadd.s32 $0xFFFFD800  }
0x82: {  	[tilespmem:s21], [sflag:$0x7] =	stream.linear.gather [hbm4b:s9+s4], $0x100, $0x38;
	[tilespmem:$0x1DE00] =	vst v63  }
0x83: {  	_ =	swait.ge [sflag:s17], $0x100  }
0x84: {  	[sflag:s17] =	ssyncset.done $0x0  }
0x85: {  	[sflag:s17] =	ssyncadd.s32 $0xFFFFFF00  }
0x86: {  	[tilespmem:s22], [sflag:$0x2] =	stream.indirect.gather [hbm4b:s1+s18], $0x80, s21, s18, $0xb8;
	[tilespmem:$0x1DE00] =	vst v63  }
0x87: {  	_ = 	snop  }
0x88: {  	[tilespmem:s23], [sflag:$0x4] =	stream.linear.gather [hbm4b:s8+s4], $0x2800, $0x38;
	[tilespmem:$0x1DE00] =	vst v63  }
0x89: {  	_ =	swait.ge [sflag:s25], $0x2800  }
0x8a: {  	[sflag:s25] =	ssyncset.done $0x0  }
0x8b: {  	[sflag:s25] =	ssyncadd.s32 $0xFFFFD800  }
.Ltmp0:
0x8c: {  	_ =	swait.ge [sflag:s26], $0x2800;
	(pc) =	sbr.rel @p0 .LBB2_2-.Ltmp0, $4  }
0x8d: {  	[sflag:s26] =	ssyncset.done $0x0  }
0x8e: {  	[sflag:s26] =	ssyncadd.s32 $0xFFFFD800  }
0x8f: {  	[spmem:s3] =	stream.indirect.scatter.add.f32 [tilespmem:s19], [sflag:$0x5], $0x80, s28, s18, $0xb8;
	[tilespmem:$0x1DE00] =	vst v63  }
0x90: {  	s8 =	sadd.s32 $0x14000, s8  }
0x91: {  	[spmem:s3] =	stream.indirect.scatter.add.f32 [tilespmem:s20], [sflag:$0x5], $0x80, s28, s18, $0xb8;
	[tilespmem:$0x1DE00] =	vst v63  }
0x92: {  	_ =	swait.ge [sflag:s29], $0x2800  }
0x93: {  	[sflag:s29] =	ssyncset.done $0x0  }
0x94: {  	[sflag:s29] =	ssyncadd.s32 $0xFFFFD800  }
0x95: {  	_ =	swait.ge [sflag:s29], $0x2800  }
0x96: {  	[sflag:s29] =	ssyncset.done $0x0  }
0x97: {  	[sflag:s29] =	ssyncadd.s32 $0xFFFFD800  }
0x98: {  	[tilespmem:s4], [sflag:$0x7] =	stream.linear.gather [hbm4b:s11+s4], $0x100, $0x38;
	[tilespmem:$0x1DE00] =	vst v63  }
0x99: {  	_ =	swait.ge [sflag:s17], $0x100  }
0x9a: {  	[sflag:s17] =	ssyncset.done $0x0  }
0x9b: {  	[sflag:s17] =	ssyncadd.s32 $0xFFFFFF00  }
0x9c: {  	[tilespmem:s19], [sflag:$0x1] =	stream.indirect.gather [hbm4b:s1+s18], $0x80, s4, s18, $0xb8;
	[tilespmem:$0x1DE00] =	vst v63  }
0x9d: {  	_ = 	snop  }
0x9e: {  	[tilespmem:s20], [sflag:$0x3] =	stream.linear.gather [hbm4b:s12+s4], $0x2800, $0x38;
	[tilespmem:$0x1DE00] =	vst v63  }
0x9f: {  	_ =	swait.ge [sflag:s30], $0x2800  }
0xa0: {  	[sflag:s30] =	ssyncset.done $0x0  }
0xa1: {  	[sflag:s30] =	ssyncadd.s32 $0xFFFFD800  }
0xa2: {  	_ =	swait.ge [sflag:s31], $0x2800  }
0xa3: {  	[sflag:s31] =	ssyncset.done $0x0  }
0xa4: {  	[sflag:s31] =	ssyncadd.s32 $0xFFFFD800  }
0xa5: {  	[spmem:s3] =	stream.indirect.scatter.add.f32 [tilespmem:s22], [sflag:$0x6], $0x80, s0, s18, $0xb8;
	[tilespmem:$0x1DE00] =	vst v63  }
0xa6: {  	_ = 	snop  }
0xa7: {  	[spmem:s3] =	stream.indirect.scatter.add.f32 [tilespmem:s23], [sflag:$0x6], $0x80, s0, s18, $0xb8;
	[tilespmem:$0x1DE00] =	vst v63  }
0xa8: {  	_ =	swait.ge [sflag:s25], $0x2800  }
0xa9: {  	[sflag:s25] =	ssyncset.done $0x0  }
0xaa: {  	[sflag:s25] =	ssyncadd.s32 $0xFFFFD800  }
0xab: {  	_ =	swait.ge [sflag:s26], $0x2800  }
0xac: {  	[sflag:s26] =	ssyncset.done $0x0  }
0xad: {  	[sflag:s26] =	ssyncadd.s32 $0xFFFFD800  }
0xae: {  	[spmem:s3] =	stream.indirect.scatter.add.f32 [tilespmem:s19], [sflag:$0x5], $0x80, s28, s18, $0xb8;
	[tilespmem:$0x1DE00] =	vst v63  }
0xaf: {  	_ = 	snop  }
0xb0: {  	[spmem:s3] =	stream.indirect.scatter.add.f32 [tilespmem:s20], [sflag:$0x5], $0x80, s28, s18, $0xb8;
	[tilespmem:$0x1DE00] =	vst v63  }
0xb1: {  	_ =	swait.ge [sflag:s2], $0x2800  }
0xb2: {  	[sflag:s2] =	ssyncset.done $0x0  }
0xb3: {  	[sflag:s2] =	ssyncadd.s32 $0xFFFFD800  }
0xb4: {  	_ =	swait.ge [sflag:s2], $0x2800  }
0xb5: {  	[sflag:s2] =	ssyncset.done $0x0  }
0xb6: {  	[sflag:s2] =	ssyncadd.s32 $0xFFFFD800  }
0xb7: {  	_ =	swait.ge [sflag:s29], $0x2800  }
0xb8: {  	[sflag:s29] =	ssyncset.done $0x0  }
0xb9: {  	[sflag:s29] =	ssyncadd.s32 $0xFFFFD800  }
0xba: {  	_ =	swait.ge [sflag:s29], $0x2800  }
0xbb: {  	s5 =	sadd.s32 $0x1, s5;
	[sflag:s29] =	ssyncset.done $0x0  }
0xbc: {  	p0 =	sne.s32 s5, s13;
	[sflag:s29] =	ssyncadd.s32 $0xFFFFD800  }
.Ltmp1:
0xbd: {  	[bflag:$0x0] =	sbarrier.arrive $0xFFFF;
	(pc) =	sbr.rel @p0 .LBB2_1-.Ltmp1, $4  }
0xbe: {  	[hbm:s24], [sflag:s6] =	dma.local [spmem:s16], $0x2780  }
0xbf: {  	_ =	swait.ge [sflag:s17], $0x2780  }
0xc0: {  	[sflag:s17] =	ssyncset.done $0x0  }
0xc1: {  	[sflag:s17] =	ssyncadd.s32 $0xFFFFD880  }
0xc2: {  	_ =	sfence.sel $0x180000  }
0xc3: {  	[bflag:$0x0] =	sbarrier.arrive $0xFFFF  }
0xc4: {  	_ =	strace $0x90000050  }
0xc5: {  	s0 =	stileid.u32;
	[bflag:$0x2] =	sbarrier.arrive $0xFFFF  }
0xc6: {  	p0 =	sne.s32 s0, $0x0;
	s0 =	rddreg [dreg:$0x3]  }
0xc7: {  	s0 =	sadd.s32 @!p0 $0x100000, s0  }
0xc8: {  	[sflag:s0] =	ssyncadd.tile.s32 @!p0 $0x1;
	_ =	shalt  }
.Lfunc_end2:
_tile_overlayer_lowered:
.L_overlay_start_2:
0xc9: {  	(tag) =	ssettag $0x2  }
0xca: {  	s0 =	rddreg [dreg:$0x0];
	s2 =	stileid.u32  }
0xcb: {  	s1 =	rddreg [dreg:$0x1];
	p0 =	sne.s32 s2, $0x0  }
0xcc: {  	s3 =	rddreg [dreg:$0x2];
	[bflag:$0x3] =	sbarrier.arrive $0xFFFF;
	s2 =	simm.s32 @!p0 $0x1C07  }
0xcd: {  	[timem:s3], [sflag:s2] =	dma.local @!p0 [hbm:s0], s1  }
0xce: {  	s0 =	simm.s32 @!p0 $0x7  }
0xcf: {  	_ =	swait.ge @!p0 [sflag:s0], s1  }
0xd0: {  	s1 =	ssub.s32 @!p0 $0x0, s1;
	[sflag:s0] =	ssyncset.done @!p0 $0x0  }
0xd1: {  	[sflag:s0] =	ssyncadd.s32 @!p0 s1  }
0xd2: {  	[bflag:$0x3] =	sbarrier.arrive $0xFFFF  }
0xd3: {  	_ =	shalt  }

</sc_bundles>
